<compile_context>
chip_gen: v7x
topology: tpu7x:2x2x1
jax: 0.10.2.dev20260603
libtpu: 0.0.44.dev20260713+nightly
codegen_flags: <defaults>
</compile_context>

<pallas_src>
import functools

import jax
import jax.numpy as jnp
from jax import lax
from jax.experimental import pallas as pl
from jax.experimental.pallas import tpu as pltpu
from jax.experimental.pallas import tpu_sc as plsc

F32 = jnp.float32
I32 = jnp.int32

N = 10000
E = 320000
D = 128
H = 8
HD = 16
NP = 10240
NP8 = NP * H

NC, NS = 2, 16
NW = NC * NS
EPW = E // NW
TW = N * H

C = 2000
CH = EPW // C
VPC = C * H // 16
CD = 40
CHD = EPW // CD
NB = 5
GRP = CHD // NB
ZROWS = NP // NS

_SC_PARAMS = pltpu.CompilerParams(needs_layout_passes=False)



def _node_prep_body(x_ref, wt_ref, ms_ref, md_ref, al_ref,
                    h_ref, ptab_ref, exl_ref):
    xb = x_ref[...]
    h_ref[...] = jnp.dot(xb, wt_ref[...], preferred_element_type=F32)
    s = jnp.dot(xb, ms_ref[...], preferred_element_type=F32)
    t = jnp.dot(xb, md_ref[...], preferred_element_type=F32)
    sb = lax.bitcast_convert_type(s.astype(jnp.bfloat16), jnp.uint16)
    db = lax.bitcast_convert_type(t.astype(jnp.bfloat16), jnp.uint16)
    w = (sb.astype(jnp.uint32) << 16) | db.astype(jnp.uint32)
    ptab_ref[...] = lax.bitcast_convert_type(w, I32)
    a = s + t + al_ref[...]
    a = jnp.where(a >= 0, a, 0.2 * a)
    exl_ref[...] = jnp.exp(a)


def _edge_prep_body(ea_ref, ve_ref, ae_ref, easum_ref):
    i = pl.program_id(0)
    ea = ea_ref[...]
    ae_ref[...] = jnp.dot(ea, ve_ref[...], preferred_element_type=F32)

    @pl.when(i == 0)
    def _():
        easum_ref[...] = jnp.zeros_like(easum_ref)

    easum_ref[...] += jnp.sum(ea, axis=0, keepdims=True)


def _dsum_body(dp_ref, out_ref):
    out_ref[...] = jnp.sum(dp_ref[...], axis=0, keepdims=True)


def _epi1_body(den_ref, p0_ref, p1_ref, exl_ref, h_ref, r_ref, bcv_ref,
               fcwt_ref, fcb_ref, lng_ref, lnb_ref, xl_ref, csum_ref):
    i = pl.program_id(0)
    exl = exl_ref[...]
    rec = 1.0 / (den_ref[...] + exl)
    x0 = ((p0_ref[...][0] + p1_ref[...][0])
          * jnp.dot(rec, r_ref[...], preferred_element_type=F32)
          + h_ref[...] * jnp.dot(exl * rec, r_ref[...],
                                 preferred_element_type=F32)
          + bcv_ref[...])
    sa = jnp.dot(x0, fcwt_ref[...], preferred_element_type=F32) + fcb_ref[...]
    sa = jnp.where(sa >= 0, sa, 0.01 * sa)
    sa = sa - jnp.max(sa, axis=-1, keepdims=True)
    sa = jnp.exp(sa)
    sa = sa / jnp.sum(sa, axis=-1, keepdims=True)
    x1 = x0 * sa
    x1 = jnp.where(x1 >= 0, x1, 0.2 * x1)
    x2 = jnp.dot(x1, fcwt_ref[...], preferred_element_type=F32) + fcb_ref[...]
    mu = jnp.mean(x2, axis=-1, keepdims=True)
    var = jnp.mean((x2 - mu) ** 2, axis=-1, keepdims=True)
    x3 = (x2 - mu) * lax.rsqrt(var + 1e-5) * lng_ref[...] + lnb_ref[...]
    nrm = jnp.sqrt(jnp.sum(x3 * x3, axis=-1, keepdims=True))
    x4 = x3 / jnp.maximum(nrm, 1e-12)
    xl_ref[...] = x4

    @pl.when(i == 0)
    def _():
        csum_ref[...] = jnp.zeros_like(csum_ref)

    csum_ref[...] += jnp.sum(x4, axis=0, keepdims=True)


def _epi2_body(xl_ref, csum_ref, gfcwt_ref, gfcb_ref, out_ref):
    xg = csum_ref[...] * (1.0 / N)
    ga = jnp.dot(xg, gfcwt_ref[...], preferred_element_type=F32) + gfcb_ref[...]
    ga = jnp.maximum(ga, 0.0)
    ga = ga - jnp.max(ga, axis=-1, keepdims=True)
    ga = jnp.exp(ga)
    ga = ga / jnp.sum(ga, axis=-1, keepdims=True)
    out_ref[...] = xl_ref[...] * ga



def _worker_id():
    return lax.axis_index("s") * NC + lax.axis_index("c")


def _mesh():
    return plsc.VectorSubcoreMesh(core_axis_name="c", subcore_axis_name="s",
                                  num_cores=NC, num_subcores=NS)


def _sc_sweep_ab():
    @functools.partial(
        pl.kernel,
        out_type=jax.ShapeDtypeStruct((E * H,), F32),
        mesh=_mesh(),
        compiler_params=_SC_PARAMS,
        scratch_types=[
            pltpu.VMEM((TW,), I32),
            pltpu.VMEM((C,), I32),
            pltpu.VMEM((C,), I32),
            pltpu.VMEM((C * H,), F32),
            pltpu.VMEM((C * H,), F32),
        ],
    )
    def sweep(src_hbm, dst_hbm, ae_hbm, tab_hbm, ex_hbm,
              tab, idxs, idxd, aeb, exb):
        wid = _worker_id()
        iota = lax.iota(I32, 16)
        half = (iota >= 8).astype(I32)
        colv = iota - 8 * half
        mhi = jnp.full((16,), -65536, I32)
        pltpu.sync_copy(tab_hbm, tab)

        def _chunk(i, _):
            eb = wid * EPW + i * C
            pltpu.sync_copy(src_hbm.at[pl.ds(eb, C)], idxs)
            pltpu.sync_copy(dst_hbm.at[pl.ds(eb, C)], idxd)
            pltpu.sync_copy(ae_hbm.at[pl.ds(eb * H, C * H)], aeb)

            def _v(j, _):
                pe = 2 * j + half
                sw = plsc.load_gather(tab, [plsc.load_gather(idxs, [pe]) * H
                                            + colv])
                dw = plsc.load_gather(tab, [plsc.load_gather(idxd, [pe]) * H
                                            + colv])
                av = (plsc.bitcast(sw & mhi, F32)
                      + plsc.bitcast(dw << 16, F32)
                      + aeb[pl.ds(j * 16, 16)])
                av = jnp.where(av >= 0, av, 0.2 * av)
                exb[pl.ds(j * 16, 16)] = jnp.exp(av)
                return 0
            lax.fori_loop(0, VPC, _v, 0)
            pltpu.sync_copy(exb, ex_hbm.at[pl.ds(eb * H, C * H)])
            return 0
        lax.fori_loop(0, CH, _chunk, 0)
    return sweep


def _sc_sweep_c():
    @functools.partial(
        pl.kernel,
        out_type=jax.ShapeDtypeStruct((NW * NP8,), F32),
        mesh=_mesh(),
        compiler_params=_SC_PARAMS,
        scratch_types=[
            pltpu.VMEM((NP8,), F32),
            pltpu.VMEM((C,), I32),
            pltpu.VMEM((C * H,), F32),
        ],
    )
    def sweep(dst_hbm, ex_hbm, dpart_hbm, acc, idxb, exb):
        wid = _worker_id()
        iota = lax.iota(I32, 16)
        half = (iota >= 8).astype(I32)
        colv = iota - 8 * half
        zv = jnp.zeros((16,), F32)

        def _z(j, _):
            acc[pl.ds(j * 16, 16)] = zv
            return 0
        lax.fori_loop(0, NP8 // 16, _z, 0)

        def _chunk(i, _):
            eb = wid * EPW + i * C
            pltpu.sync_copy(dst_hbm.at[pl.ds(eb, C)], idxb)
            pltpu.sync_copy(ex_hbm.at[pl.ds(eb * H, C * H)], exb)

            def _v(j, _):
                dv = plsc.load_gather(idxb, [2 * j + half])
                plsc.addupdate_scatter(acc, [dv * H + colv],
                                       exb[pl.ds(j * 16, 16)])
                return 0
            lax.fori_loop(0, VPC, _v, 0)
            return 0
        lax.fori_loop(0, CH, _chunk, 0)
        pltpu.sync_copy(acc, dpart_hbm.at[pl.ds(wid * NP8, NP8)])
    return sweep


def _sc_sweep_d():
    @functools.partial(
        pl.kernel,
        out_type=jax.ShapeDtypeStruct((NC, NP, D), F32),
        mesh=_mesh(),
        compiler_params=_SC_PARAMS,
        scratch_types=[
            [pltpu.VMEM((CD,), I32) for _ in range(NB)],
            [pltpu.VMEM((CD,), I32) for _ in range(NB)],
            [pltpu.VMEM((CD * H,), F32) for _ in range(NB)],
            [pltpu.VMEM((CD, D), F32) for _ in range(NB)],
            pltpu.VMEM_SHARED((NP, D), F32),
            [pltpu.SemaphoreType.DMA for _ in range(NB)],
            [pltpu.SemaphoreType.DMA for _ in range(NB)],
        ],
    )
    def sweep(src_hbm, dst_hbm, ex_hbm, h_hbm, opart_hbm,
              sidx, didx, exb, hrows, oacc, gsem, ssem):
        cid = lax.axis_index("c")
        sid = lax.axis_index("s")
        wid = sid * NC + cid
        iota = lax.iota(I32, 16)
        half = (iota >= 8).astype(I32)
        colv = iota - 8 * half
        zv = jnp.zeros((16,), F32)
        ebase = wid * EPW

        for b in range(NB):
            def _z(j, _, _b=b):
                plsc.store_scatter(hrows[_b],
                                   [jnp.full((16,), j // H, I32),
                                    (j % H) * 16 + iota], zv)
                return 0
            lax.fori_loop(0, CD * H, _z, 0)
        for k in range(ZROWS // CD):
            pltpu.sync_copy(hrows[k % NB],
                            oacc.at[pl.ds(sid * ZROWS + k * CD, CD)])
        plsc.subcore_barrier()

        def _issue(i, b):
            eb = ebase + i * CD
            pltpu.async_copy(dst_hbm.at[pl.ds(eb, CD)], didx[b], gsem[b])
            pltpu.async_copy(ex_hbm.at[pl.ds(eb * H, CD * H)], exb[b], gsem[b])
            pltpu.sync_copy(src_hbm.at[pl.ds(eb, CD)], sidx[b])
            pltpu.async_copy(h_hbm.at[sidx[b]], hrows[b], gsem[b])

        pltpu.sync_copy(dst_hbm.at[pl.ds(ebase, CD)], didx[NB - 1])
        pltpu.async_copy(hrows[NB - 1], oacc.at[didx[NB - 1]],
                         ssem[NB - 1], add=True)
        for b in range(NB - 1):
            _issue(b, b)

        def _process(i, b, prefetch):
            pltpu.make_async_copy(dst_hbm.at[pl.ds(0, CD)], didx[b],
                                  gsem[b]).wait()
            pltpu.make_async_copy(ex_hbm.at[pl.ds(0, CD * H)], exb[b],
                                  gsem[b]).wait()
            pltpu.make_async_copy(h_hbm.at[pl.ds(0, CD)], hrows[b],
                                  gsem[b]).wait()

            def _m(j, _, _b=b):
                rows2 = 2 * j + half
                sv = exb[_b][pl.ds(j * 16, 16)]
                for d in range(16):
                    cols = colv * 16 + d
                    hv = plsc.load_gather(hrows[_b], [rows2, cols])
                    plsc.store_scatter(hrows[_b], [rows2, cols], hv * sv)
                return 0
            lax.fori_loop(0, CD // 2, _m, 0)

            pltpu.async_copy(hrows[b], oacc.at[didx[b]], ssem[b], add=True)

            if prefetch:
                nb = (b + NB - 1) % NB

                @pl.when(i + NB - 1 < CHD)
                def _():
                    pltpu.make_async_copy(h_hbm.at[pl.ds(0, CD)], hrows[nb],
                                          ssem[nb]).wait()
                    _issue(i + NB - 1, nb)

        def _group(g, _):
            for b in range(NB):
                _process(g * NB + b, b, True)
            return 0
        lax.fori_loop(0, GRP, _group, 0)

        for b in range(NB):
            pltpu.make_async_copy(h_hbm.at[pl.ds(0, CD)], hrows[b],
                                  ssem[b]).wait()

        plsc.subcore_barrier()

        @pl.when(sid == 0)
        def _():
            pltpu.sync_copy(oacc, opart_hbm.at[cid])
    return sweep


def _sc_sweep_b():
    @functools.partial(
        pl.kernel,
        out_type=jax.ShapeDtypeStruct((E * H,), F32),
        mesh=_mesh(),
        compiler_params=_SC_PARAMS,
        scratch_types=[
            pltpu.VMEM((TW,), F32),
            pltpu.VMEM((C,), I32),
            pltpu.VMEM((C * H,), F32),
            pltpu.VMEM((C * H,), F32),
        ],
    )
    def sweep(dst_hbm, tmp_hbm, tab_hbm, ex_hbm, tab, idxb, tmpb, exb):
        wid = _worker_id()
        iota = lax.iota(I32, 16)
        half = (iota >= 8).astype(I32)
        colv = iota - 8 * half
        pltpu.sync_copy(tab_hbm, tab)

        def _chunk(i, _):
            eb = wid * EPW + i * C
            pltpu.sync_copy(dst_hbm.at[pl.ds(eb, C)], idxb)
            pltpu.sync_copy(tmp_hbm.at[pl.ds(eb * H, C * H)], tmpb)

            def _v(j, _):
                dv = plsc.load_gather(idxb, [2 * j + half])
                a = (plsc.load_gather(tab, [dv * H + colv])
                     + tmpb[pl.ds(j * 16, 16)])
                a = jnp.where(a >= 0, a, 0.2 * a)
                exb[pl.ds(j * 16, 16)] = jnp.exp(a)
                return 0
            lax.fori_loop(0, VPC, _v, 0)
            pltpu.sync_copy(exb, ex_hbm.at[pl.ds(eb * H, C * H)])
            return 0
        lax.fori_loop(0, CH, _chunk, 0)
    return sweep


def _sc_sweep_c():
    @functools.partial(
        pl.kernel,
        out_type=jax.ShapeDtypeStruct((NW * NP8,), F32),
        mesh=_mesh(),
        compiler_params=_SC_PARAMS,
        scratch_types=[
            pltpu.VMEM((NP8,), F32),
            pltpu.VMEM((C,), I32),
            pltpu.VMEM((C * H,), F32),
        ],
    )
    def sweep(dst_hbm, ex_hbm, dpart_hbm, acc, idxb, exb):
        wid = _worker_id()
        iota = lax.iota(I32, 16)
        half = (iota >= 8).astype(I32)
        colv = iota - 8 * half
        zv = jnp.zeros((16,), F32)

        def _z(j, _):
            acc[pl.ds(j * 16, 16)] = zv
            return 0
        lax.fori_loop(0, NP8 // 16, _z, 0)

        def _chunk(i, _):
            eb = wid * EPW + i * C
            pltpu.sync_copy(dst_hbm.at[pl.ds(eb, C)], idxb)
            pltpu.sync_copy(ex_hbm.at[pl.ds(eb * H, C * H)], exb)

            def _v(j, _):
                dv = plsc.load_gather(idxb, [2 * j + half])
                plsc.addupdate_scatter(acc, [dv * H + colv],
                                       exb[pl.ds(j * 16, 16)])
                return 0
            lax.fori_loop(0, VPC, _v, 0)
            return 0
        lax.fori_loop(0, CH, _chunk, 0)
        pltpu.sync_copy(acc, dpart_hbm.at[pl.ds(wid * NP8, NP8)])
    return sweep


def _sc_sweep_d():
    @functools.partial(
        pl.kernel,
        out_type=jax.ShapeDtypeStruct((NC, NP, D), F32),
        mesh=_mesh(),
        compiler_params=_SC_PARAMS,
        scratch_types=[
            [pltpu.VMEM((CD,), I32) for _ in range(NB)],
            [pltpu.VMEM((CD,), I32) for _ in range(NB)],
            [pltpu.VMEM((CD * H,), F32) for _ in range(NB)],
            [pltpu.VMEM((CD, D), F32) for _ in range(NB)],
            pltpu.VMEM_SHARED((NP, D), F32),
            [pltpu.SemaphoreType.DMA for _ in range(NB)],
            [pltpu.SemaphoreType.DMA for _ in range(NB)],
        ],
    )
    def sweep(src_hbm, dst_hbm, ex_hbm, h_hbm, opart_hbm,
              sidx, didx, exb, hrows, oacc, gsem, ssem):
        cid = lax.axis_index("c")
        sid = lax.axis_index("s")
        wid = sid * NC + cid
        iota = lax.iota(I32, 16)
        zv = jnp.zeros((16,), F32)
        ebase = wid * EPW

        for b in range(NB):
            def _z(j, _, _b=b):
                plsc.store_scatter(hrows[_b],
                                   [jnp.full((16,), j // H, I32),
                                    (j % H) * 16 + iota], zv)
                return 0
            lax.fori_loop(0, CD * H, _z, 0)
        for k in range(ZROWS // CD):
            pltpu.sync_copy(hrows[k % NB],
                            oacc.at[pl.ds(sid * ZROWS + k * CD, CD)])
        plsc.subcore_barrier()

        def _issue(i, b):
            eb = ebase + i * CD
            pltpu.async_copy(dst_hbm.at[pl.ds(eb, CD)], didx[b], gsem[b])
            pltpu.async_copy(ex_hbm.at[pl.ds(eb * H, CD * H)], exb[b], gsem[b])
            pltpu.sync_copy(src_hbm.at[pl.ds(eb, CD)], sidx[b])
            pltpu.async_copy(h_hbm.at[sidx[b]], hrows[b], gsem[b])

        pltpu.sync_copy(dst_hbm.at[pl.ds(ebase, CD)], didx[NB - 1])
        pltpu.async_copy(hrows[NB - 1], oacc.at[didx[NB - 1]],
                         ssem[NB - 1], add=True)
        for b in range(NB - 1):
            _issue(b, b)

        def _group(g, _):
            for b in range(NB):
                i = g * NB + b
                pltpu.make_async_copy(dst_hbm.at[pl.ds(0, CD)], didx[b],
                                      gsem[b]).wait()
                pltpu.make_async_copy(ex_hbm.at[pl.ds(0, CD * H)], exb[b],
                                      gsem[b]).wait()
                pltpu.make_async_copy(h_hbm.at[pl.ds(0, CD)], hrows[b],
                                      gsem[b]).wait()

                def _m(e, _, _b=b):
                    re = jnp.full((16,), e, I32)
                    for v in range(H):
                        cv = plsc.load_gather(exb[_b],
                                              [jnp.full((16,), e * H + v, I32)])
                        hv = plsc.load_gather(hrows[_b], [re, v * 16 + iota])
                        plsc.store_scatter(hrows[_b], [re, v * 16 + iota],
                                           hv * cv)
                    return 0
                lax.fori_loop(0, CD, _m, 0)

                pltpu.async_copy(hrows[b], oacc.at[didx[b]], ssem[b],
                                 add=True)

                nb = (b + NB - 1) % NB

                @pl.when(i + NB - 1 < CHD)
                def _():
                    pltpu.make_async_copy(h_hbm.at[pl.ds(0, CD)], hrows[nb],
                                          ssem[nb]).wait()
                    _issue(i + NB - 1, nb)
            return 0
        lax.fori_loop(0, CHD // NB, _group, 0)

        for b in range(NB):
            pltpu.make_async_copy(h_hbm.at[pl.ds(0, CD)], hrows[b],
                                  ssem[b]).wait()

        plsc.subcore_barrier()

        @pl.when(sid == 0)
        def _():
            pltpu.sync_copy(oacc, opart_hbm.at[cid])
    return sweep



def kernel(x, edge_index, edge_attr, Wconv, att_src, att_dst, Wedge, att_edge,
           bconv, fc_w, fc_b, ln_g, ln_b, gfc_w, gfc_b):
    Wt = Wconv.reshape(H * HD, D).T
    ams = jnp.zeros((H, HD, H), F32).at[jnp.arange(H), :, jnp.arange(H)].set(att_src)
    amd = jnp.zeros((H, HD, H), F32).at[jnp.arange(H), :, jnp.arange(H)].set(att_dst)
    Ms = Wt @ ams.reshape(H * HD, H)
    Md = Wt @ amd.reshape(H * HD, H)
    Ve = jnp.einsum('hde,hd->eh', Wedge, att_edge)
    Rm = jnp.repeat(jnp.eye(H, dtype=F32), HD, axis=1)
    bcv = bconv.reshape(1, D)
    src1 = edge_index[0].astype(I32)
    dst1 = edge_index[1].astype(I32)

    BE = 8000
    ae, easum = pl.pallas_call(
        _edge_prep_body,
        grid=(E // BE,),
        in_specs=[pl.BlockSpec((BE, 4), lambda i: (i, 0)),
                  pl.BlockSpec((4, H), lambda i: (0, 0))],
        out_specs=[pl.BlockSpec((BE, H), lambda i: (i, 0)),
                   pl.BlockSpec((1, 4), lambda i: (0, 0))],
        out_shape=[jax.ShapeDtypeStruct((E, H), F32),
                   jax.ShapeDtypeStruct((1, 4), F32)],
    )(edge_attr, Ve)
    aeloop = (easum / E) @ Ve

    BN = 2000
    h, ptab, exloop = pl.pallas_call(
        _node_prep_body,
        grid=(N // BN,),
        in_specs=[pl.BlockSpec((BN, D), lambda i: (i, 0)),
                  pl.BlockSpec((D, D), lambda i: (0, 0)),
                  pl.BlockSpec((D, H), lambda i: (0, 0)),
                  pl.BlockSpec((D, H), lambda i: (0, 0)),
                  pl.BlockSpec((1, H), lambda i: (0, 0))],
        out_specs=[pl.BlockSpec((BN, D), lambda i: (i, 0)),
                   pl.BlockSpec((BN, H), lambda i: (i, 0)),
                   pl.BlockSpec((BN, H), lambda i: (i, 0))],
        out_shape=[jax.ShapeDtypeStruct((N, D), F32),
                   jax.ShapeDtypeStruct((N, H), I32),
                   jax.ShapeDtypeStruct((N, H), F32)],
    )(x, Wt, Ms, Md, aeloop)

    aef = ae.reshape(E * H)
    ptabf = ptab.reshape(TW)

    ex = _sc_sweep_ab()(src1, dst1, aef, ptabf)
    dpart = _sc_sweep_c()(dst1, ex)
    opart = _sc_sweep_d()(src1, dst1, ex, h)
    BL = 8192
    dsum = pl.pallas_call(
        _dsum_body,
        grid=(NP8 // BL,),
        in_specs=[pl.BlockSpec((NW, BL), lambda i: (0, i))],
        out_specs=pl.BlockSpec((1, BL), lambda i: (0, i)),
        out_shape=jax.ShapeDtypeStruct((1, NP8), F32),
    )(dpart.reshape(NW, NP8))
    den8 = dsum.reshape(NP, H)

    xl, csum = pl.pallas_call(
        _epi1_body,
        grid=(N // BN,),
        in_specs=[pl.BlockSpec((BN, H), lambda i: (i, 0)),
                  pl.BlockSpec((1, BN, D), lambda i: (0, i, 0)),
                  pl.BlockSpec((1, BN, D), lambda i: (1, i, 0)),
                  pl.BlockSpec((BN, H), lambda i: (i, 0)),
                  pl.BlockSpec((BN, D), lambda i: (i, 0)),
                  pl.BlockSpec((H, D), lambda i: (0, 0)),
                  pl.BlockSpec((1, D), lambda i: (0, 0)),
                  pl.BlockSpec((D, D), lambda i: (0, 0)),
                  pl.BlockSpec((1, D), lambda i: (0, 0)),
                  pl.BlockSpec((1, D), lambda i: (0, 0)),
                  pl.BlockSpec((1, D), lambda i: (0, 0))],
        out_specs=[pl.BlockSpec((BN, D), lambda i: (i, 0)),
                   pl.BlockSpec((1, D), lambda i: (0, 0))],
        out_shape=[jax.ShapeDtypeStruct((N, D), F32),
                   jax.ShapeDtypeStruct((1, D), F32)],
    )(den8, opart, opart, exloop, h, Rm, bcv, fc_w.T, fc_b.reshape(1, D),
      ln_g.reshape(1, D), ln_b.reshape(1, D))

    out = pl.pallas_call(
        _epi2_body,
        grid=(N // BN,),
        in_specs=[pl.BlockSpec((BN, D), lambda i: (i, 0)),
                  pl.BlockSpec((1, D), lambda i: (0, 0)),
                  pl.BlockSpec((D, D), lambda i: (0, 0)),
                  pl.BlockSpec((1, D), lambda i: (0, 0))],
        out_specs=pl.BlockSpec((BN, D), lambda i: (i, 0)),
        out_shape=jax.ShapeDtypeStruct((N, D), F32),
    )(xl, csum, gfc_w.T, gfc_b.reshape(1, D))
    return out

# --- scband reference (transcript-rebuilt; emitter-appended) ---
"""Pipeline reference for scband-gat-17703855194739 (READ-ONLY COPY).

The authoritative reference and input builder live on the scoring server;
editing this copy changes nothing except your own understanding.
"""

import jax, jax.numpy as jnp
import numpy as np

N_NODES = 10000
N_EDGES = 320000
D_FEAT = 128
D_EDGE = 4
NUM_HEADS = 8
HEAD_DIM = 16
OUT = 128


def setup_inputs(seed: int = 0):
    key = jax.random.key(seed)
    ks = jax.random.split(key, 12)
    x = jax.random.normal(ks[0], (N_NODES, D_FEAT), dtype=jnp.float32)
    edge_index = jax.random.randint(ks[1], (2, N_EDGES), 0, N_NODES)
    edge_attr = jax.random.normal(ks[2], (N_EDGES, D_EDGE), dtype=jnp.float32)
    Wconv = jax.random.normal(ks[3], (NUM_HEADS, HEAD_DIM, D_FEAT), dtype=jnp.float32) * (1.0 / np.sqrt(D_FEAT))
    att_src = jax.random.normal(ks[4], (NUM_HEADS, HEAD_DIM), dtype=jnp.float32) * 0.1
    att_dst = jax.random.normal(ks[5], (NUM_HEADS, HEAD_DIM), dtype=jnp.float32) * 0.1
    Wedge = jax.random.normal(ks[6], (NUM_HEADS, HEAD_DIM, D_EDGE), dtype=jnp.float32) * (1.0 / np.sqrt(D_EDGE))
    att_edge = jax.random.normal(ks[7], (NUM_HEADS, HEAD_DIM), dtype=jnp.float32) * 0.1
    bconv = jnp.zeros((NUM_HEADS, HEAD_DIM), dtype=jnp.float32)
    fc_w = jax.random.normal(ks[8], (OUT, OUT), dtype=jnp.float32) * (1.0 / np.sqrt(OUT))
    fc_b = jnp.zeros((OUT,), dtype=jnp.float32)
    ln_g = jnp.ones((OUT,), dtype=jnp.float32)
    ln_b = jnp.zeros((OUT,), dtype=jnp.float32)
    gfc_w = jax.random.normal(ks[9], (OUT, OUT), dtype=jnp.float32) * (1.0 / np.sqrt(OUT))
    gfc_b = jnp.zeros((OUT,), dtype=jnp.float32)
    return {"x": x, "edge_index": edge_index, "edge_attr": edge_attr, "Wconv": Wconv,
            "att_src": att_src, "att_dst": att_dst, "Wedge": Wedge, "att_edge": att_edge,
            "bconv": bconv, "fc_w": fc_w, "fc_b": fc_b, "ln_g": ln_g, "ln_b": ln_b,
            "gfc_w": gfc_w, "gfc_b": gfc_b}


def _gatconv(x, src, dst, ea_full, W, a_src, a_dst, We, a_e, b, n):
    # PyG GATConv, heads=1: linear transform, additive attention, segment softmax over dst
    h = x @ W.T                                   # [N, head_dim]
    alpha_src = (h * a_src).sum(-1)               # [N]
    alpha_dst = (h * a_dst).sum(-1)               # [N]
    eh = ea_full @ We.T                           # [E+N, head_dim]
    alpha_edge = (eh * a_e).sum(-1)               # [E+N]
    alpha = alpha_src[src] + alpha_dst[dst] + alpha_edge
    alpha = jnp.where(alpha >= 0, alpha, 0.2 * alpha)  # leaky_relu(0.2)
    amax = jax.lax.stop_gradient(jax.ops.segment_max(alpha, dst, num_segments=n))
    ex = jnp.exp(alpha - amax[dst])
    denom = jax.ops.segment_sum(ex, dst, num_segments=n)
    coef = ex / (denom[dst] + 1e-16)
    out = jax.ops.segment_sum(h[src] * coef[:, None], dst, num_segments=n)
    return out + b


def reference(x, edge_index, edge_attr, Wconv, att_src, att_dst, Wedge, att_edge, bconv, fc_w, fc_b, ln_g, ln_b, gfc_w, gfc_b):
    n = x.shape[0]
    # dropout p=0.2 is identity in eval mode
    # add self loops (PyG default), self-loop edge_attr filled with mean
    loops = jnp.arange(n)
    src = jnp.concatenate([edge_index[0], loops])
    dst = jnp.concatenate([edge_index[1], loops])
    ea_mean = jnp.mean(edge_attr, axis=0, keepdims=True)
    ea_full = jnp.concatenate([edge_attr, jnp.broadcast_to(ea_mean, (n, edge_attr.shape[1]))], axis=0)
    heads = [_gatconv(x, src, dst, ea_full, Wconv[i], att_src[i], att_dst[i], Wedge[i], att_edge[i], bconv[i], n)
             for i in range(Wconv.shape[0])]
    xl = jnp.concatenate(heads, axis=-1)          # [N, 128]
    sa = xl @ fc_w.T + fc_b
    sa = jnp.where(sa >= 0, sa, 0.01 * sa)        # F.leaky_relu default slope
    sa = jax.nn.softmax(sa, axis=-1)
    xl = xl * sa
    xl = jnp.where(xl >= 0, xl, 0.2 * xl)         # self.leakyrelu(0.2)
    xl = xl @ fc_w.T + fc_b
    mu = jnp.mean(xl, axis=-1, keepdims=True)
    var = jnp.var(xl, axis=-1, keepdims=True)
    xl = (xl - mu) / jnp.sqrt(var + 1e-5) * ln_g + ln_b
    norm = jnp.linalg.norm(xl, ord=2, axis=1, keepdims=True)
    xl = xl / jnp.maximum(norm, 1e-12)            # F.normalize(p=2, dim=1)
    xg = jnp.mean(xl, axis=0)
    ga = jax.nn.relu(xg @ gfc_w.T + gfc_b)
    ga = jax.nn.softmax(ga, axis=-1)
    return xl * ga

if __name__ == "__main__":
    import jax
    _d = setup_inputs()
    print(jax.jit(kernel)(*tuple(_d.values())))

</pallas_src>

<mosaic_0001>
#map = affine_map<(d0, d1) -> (0)>
module attributes {stable_mosaic.version = 14 : i64} {
  func.func @sweep(%arg0: i32, %arg1: i32, %arg2: memref<320000xi32, #tpu.memory_space<hbm>>, %arg3: memref<320000xi32, #tpu.memory_space<hbm>>, %arg4: memref<2560000xf32, #tpu.memory_space<hbm>>, %arg5: memref<80000xi32, #tpu.memory_space<hbm>>, %arg6: memref<2560000xf32, #tpu.memory_space<hbm>>, %arg7: memref<80000xi32, #tpu.memory_space<vmem>>, %arg8: memref<2000xi32, #tpu.memory_space<vmem>>, %arg9: memref<2000xi32, #tpu.memory_space<vmem>>, %arg10: memref<16000xf32, #tpu.memory_space<vmem>>, %arg11: memref<16000xf32, #tpu.memory_space<vmem>>) attributes {dimension_semantics = [#tpu.dimension_semantics<core_parallel>, #tpu.dimension_semantics<subcore_parallel>], iteration_bounds = array<i64: 2, 16>, scalar_prefetch = 0 : i64, scratch_operands = 5 : i64, tpu.core_type = #tpu.core_type<sc_vector_subcore>, window_params = [{transform_indices = #map}, {transform_indices = #map}, {transform_indices = #map}, {transform_indices = #map}, {transform_indices = #map}]} {
    %mul3A = arith.constant 2 : i32
    %mul3A_0 = arith.muli %arg1, %mul3A : i32
    %add3A = arith.addi %mul3A_0, %arg0 : i32
    %iota3A = tpu.iota {dimensions = array<i32: 0>} : vector<16xi32>
    %ge3A = arith.constant 8 : i32
    %ge3A_1 = vector.broadcast %ge3A : i32 to vector<16xi32>
    %ge3A_2 = arith.cmpi sge, %iota3A, %ge3A_1 : vector<16xi32>
    %convert_element_type3A = arith.extui %ge3A_2 : vector<16xi1> to vector<16xi32>
    %mul3A_3 = arith.constant 8 : i32
    %mul3A_4 = vector.broadcast %mul3A_3 : i32 to vector<16xi32>
    %mul3A_5 = arith.muli %mul3A_4, %convert_element_type3A : vector<16xi32>
    %sub3A = arith.subi %iota3A, %mul3A_5 : vector<16xi32>
    %broadcast_in_dim3A = arith.constant -65536 : i32
    %broadcast_in_dim3A_6 = vector.broadcast %broadcast_in_dim3A : i32 to vector<16xi32>
    "tpu.region"() ({
      %run_scoped3A = tpu.sem_alloc : memref<!tpu.dma_semaphore, #tpu.memory_space<semaphore_mem>>
      tpu.enqueue_dma source(%arg5 : memref<80000xi32, #tpu.memory_space<hbm>>) target(%arg7 : memref<80000xi32, #tpu.memory_space<vmem>>) target_semaphore(%run_scoped3A : memref<!tpu.dma_semaphore, #tpu.memory_space<semaphore_mem>>)
      tpu.wait_dma2 semaphore(%run_scoped3A : memref<!tpu.dma_semaphore, #tpu.memory_space<semaphore_mem>>) src(%arg5 : memref<80000xi32, #tpu.memory_space<hbm>>) dst(%arg7 : memref<80000xi32, #tpu.memory_space<vmem>>)
      tpu.yield
    }) : () -> ()
    %scan3A = arith.constant 0 : i32
    %scan3A_7 = arith.constant 0 : i32
    %scan3A_8 = arith.constant 5 : i32
    %scan3A_9 = arith.addi %scan3A_7, %scan3A_8 : i32
    %scan3A_10 = arith.constant 1 : i32
    %scan3A_11 = scf.for %scan3A_13 = %scan3A_7 to %scan3A_9 step %scan3A_10 iter_args(%scan3A_14 = %scan3A) -> (i32)  : i32 {
      %mul3A_15 = arith.constant 10000 : i32
      %mul3A_16 = arith.muli %add3A, %mul3A_15 : i32
      %mul3A_17 = arith.constant 2000 : i32
      %mul3A_18 = arith.muli %scan3A_13, %mul3A_17 : i32
      %add3A_19 = arith.addi %mul3A_16, %mul3A_18 : i32
      "tpu.region"() ({
        %run_scoped3A = tpu.sem_alloc : memref<!tpu.dma_semaphore, #tpu.memory_space<semaphore_mem>>
        %dma_start3A = tpu.memref_slice %arg2[%add3A_19] : memref<320000xi32, #tpu.memory_space<hbm>> -> memref<2000xi32, #tpu.memory_space<hbm>>
        %dma_start3A_32 = tpu.memref_slice %arg2[%add3A_19] : memref<320000xi32, #tpu.memory_space<hbm>> -> memref<2000xi32, #tpu.memory_space<hbm>>
        tpu.enqueue_dma source(%dma_start3A_32 : memref<2000xi32, #tpu.memory_space<hbm>>) target(%arg8 : memref<2000xi32, #tpu.memory_space<vmem>>) target_semaphore(%run_scoped3A : memref<!tpu.dma_semaphore, #tpu.memory_space<semaphore_mem>>)
        %dma_wait3A = tpu.memref_slice %arg2[%add3A_19] : memref<320000xi32, #tpu.memory_space<hbm>> -> memref<2000xi32, #tpu.memory_space<hbm>>
        %dma_wait3A_33 = tpu.memref_slice %arg2[%add3A_19] : memref<320000xi32, #tpu.memory_space<hbm>> -> memref<2000xi32, #tpu.memory_space<hbm>>
        tpu.wait_dma2 semaphore(%run_scoped3A : memref<!tpu.dma_semaphore, #tpu.memory_space<semaphore_mem>>) src(%dma_wait3A_33 : memref<2000xi32, #tpu.memory_space<hbm>>) dst(%arg8 : memref<2000xi32, #tpu.memory_space<vmem>>)
        tpu.yield
      }) : () -> ()
      "tpu.region"() ({
        %run_scoped3A = tpu.sem_alloc : memref<!tpu.dma_semaphore, #tpu.memory_space<semaphore_mem>>
        %dma_start3A = tpu.memref_slice %arg3[%add3A_19] : memref<320000xi32, #tpu.memory_space<hbm>> -> memref<2000xi32, #tpu.memory_space<hbm>>
        %dma_start3A_32 = tpu.memref_slice %arg3[%add3A_19] : memref<320000xi32, #tpu.memory_space<hbm>> -> memref<2000xi32, #tpu.memory_space<hbm>>
        tpu.enqueue_dma source(%dma_start3A_32 : memref<2000xi32, #tpu.memory_space<hbm>>) target(%arg9 : memref<2000xi32, #tpu.memory_space<vmem>>) target_semaphore(%run_scoped3A : memref<!tpu.dma_semaphore, #tpu.memory_space<semaphore_mem>>)
        %dma_wait3A = tpu.memref_slice %arg3[%add3A_19] : memref<320000xi32, #tpu.memory_space<hbm>> -> memref<2000xi32, #tpu.memory_space<hbm>>
        %dma_wait3A_33 = tpu.memref_slice %arg3[%add3A_19] : memref<320000xi32, #tpu.memory_space<hbm>> -> memref<2000xi32, #tpu.memory_space<hbm>>
        tpu.wait_dma2 semaphore(%run_scoped3A : memref<!tpu.dma_semaphore, #tpu.memory_space<semaphore_mem>>) src(%dma_wait3A_33 : memref<2000xi32, #tpu.memory_space<hbm>>) dst(%arg9 : memref<2000xi32, #tpu.memory_space<vmem>>)
        tpu.yield
      }) : () -> ()
      %mul3A_20 = arith.constant 8 : i32
      %mul3A_21 = arith.muli %add3A_19, %mul3A_20 : i32
      "tpu.region"() ({
        %run_scoped3A = tpu.sem_alloc : memref<!tpu.dma_semaphore, #tpu.memory_space<semaphore_mem>>
        %dma_start3A = tpu.memref_slice %arg4[%mul3A_21] : memref<2560000xf32, #tpu.memory_space<hbm>> -> memref<16000xf32, #tpu.memory_space<hbm>>
        %dma_start3A_32 = tpu.memref_slice %arg4[%mul3A_21] : memref<2560000xf32, #tpu.memory_space<hbm>> -> memref<16000xf32, #tpu.memory_space<hbm>>
        tpu.enqueue_dma source(%dma_start3A_32 : memref<16000xf32, #tpu.memory_space<hbm>>) target(%arg10 : memref<16000xf32, #tpu.memory_space<vmem>>) target_semaphore(%run_scoped3A : memref<!tpu.dma_semaphore, #tpu.memory_space<semaphore_mem>>)
        %dma_wait3A = tpu.memref_slice %arg4[%mul3A_21] : memref<2560000xf32, #tpu.memory_space<hbm>> -> memref<16000xf32, #tpu.memory_space<hbm>>
        %dma_wait3A_33 = tpu.memref_slice %arg4[%mul3A_21] : memref<2560000xf32, #tpu.memory_space<hbm>> -> memref<16000xf32, #tpu.memory_space<hbm>>
        tpu.wait_dma2 semaphore(%run_scoped3A : memref<!tpu.dma_semaphore, #tpu.memory_space<semaphore_mem>>) src(%dma_wait3A_33 : memref<16000xf32, #tpu.memory_space<hbm>>) dst(%arg10 : memref<16000xf32, #tpu.memory_space<vmem>>)
        tpu.yield
      }) : () -> ()
      %scan3A_22 = arith.constant 0 : i32
      %scan3A_23 = arith.constant 0 : i32
      %scan3A_24 = arith.constant 1000 : i32
      %scan3A_25 = arith.addi %scan3A_23, %scan3A_24 : i32
      %scan3A_26 = arith.constant 1 : i32
      %scan3A_27 = scf.for %scan3A_32 = %scan3A_23 to %scan3A_25 step %scan3A_26 iter_args(%scan3A_33 = %scan3A_22) -> (i32)  : i32 {
        %mul3A_34 = arith.constant 2 : i32
        %mul3A_35 = arith.muli %mul3A_34, %scan3A_32 : i32
        %add3A_36 = vector.broadcast %mul3A_35 : i32 to vector<16xi32>
        %add3A_37 = arith.addi %add3A_36, %convert_element_type3A : vector<16xi32>
        %gather3A = tpu.vector_load_idx %arg8[%add3A_37] : memref<2000xi32, #tpu.memory_space<vmem>>[vector<16xi32>], vector<16xi32>,
        %mul3A_38 = arith.constant 8 : i32
        %mul3A_39 = vector.broadcast %mul3A_38 : i32 to vector<16xi32>
        %mul3A_40 = arith.muli %gather3A, %mul3A_39 : vector<16xi32>
        %add3A_41 = arith.addi %mul3A_40, %sub3A : vector<16xi32>
        %gather3A_42 = tpu.vector_load_idx %arg7[%add3A_41] : memref<80000xi32, #tpu.memory_space<vmem>>[vector<16xi32>], vector<16xi32>,
        %gather3A_43 = tpu.vector_load_idx %arg9[%add3A_37] : memref<2000xi32, #tpu.memory_space<vmem>>[vector<16xi32>], vector<16xi32>,
        %mul3A_44 = arith.constant 8 : i32
        %mul3A_45 = vector.broadcast %mul3A_44 : i32 to vector<16xi32>
        %mul3A_46 = arith.muli %gather3A_43, %mul3A_45 : vector<16xi32>
        %add3A_47 = arith.addi %mul3A_46, %sub3A : vector<16xi32>
        %gather3A_48 = tpu.vector_load_idx %arg7[%add3A_47] : memref<80000xi32, #tpu.memory_space<vmem>>[vector<16xi32>], vector<16xi32>,
        %and3A = arith.andi %gather3A_42, %broadcast_in_dim3A_6 : vector<16xi32>
        %bitcast3A = vector.bitcast %and3A : vector<16xi32> to vector<16xf32>
        %shift_left3A = arith.constant 16 : i32
        %shift_left3A_49 = vector.broadcast %shift_left3A : i32 to vector<16xi32>
        %shift_left3A_50 = arith.shli %gather3A_48, %shift_left3A_49 : vector<16xi32>
        %bitcast3A_51 = vector.bitcast %shift_left3A_50 : vector<16xi32> to vector<16xf32>
        %add3A_52 = arith.addf %bitcast3A, %bitcast3A_51 : vector<16xf32>
        %mul3A_53 = arith.constant 16 : i32
        %mul3A_54 = arith.muli %scan3A_32, %mul3A_53 : i32
        %get3A = arith.index_cast %mul3A_54 : i32 to index
        %get3A_55 = tpu.vector_load %arg10[%get3A] {strides = array<i32>} : memref<16000xf32, #tpu.memory_space<vmem>>, vector<16xf32>,
        %add3A_56 = arith.addf %add3A_52, %get3A_55 : vector<16xf32>
        %ge3A_57 = arith.constant 0.000000e+00 : f32
        %ge3A_58 = vector.broadcast %ge3A_57 : f32 to vector<16xf32>
        %ge3A_59 = arith.cmpf oge, %add3A_56, %ge3A_58 : vector<16xf32>
        %mul3A_60 = arith.constant 2.000000e-01 : f32
        %mul3A_61 = vector.broadcast %mul3A_60 : f32 to vector<16xf32>
        %mul3A_62 = arith.mulf %mul3A_61, %add3A_56 : vector<16xf32>
        %select_n3A = arith.select %ge3A_59, %add3A_56, %mul3A_62 : vector<16xi1>, vector<16xf32>
        %exp3A = math.exp %select_n3A : vector<16xf32>
        %mul3A_63 = arith.constant 16 : i32
        %mul3A_64 = arith.muli %scan3A_32, %mul3A_63 : i32
        %swap3A = arith.index_cast %mul3A_64 : i32 to index
        %swap3A_65 = tpu.vector_load %arg11[%swap3A] {strides = array<i32>} : memref<16000xf32, #tpu.memory_space<vmem>>, vector<16xf32>,
        tpu.vector_store %arg11[%swap3A], %exp3A {strides = array<i32>} : memref<16000xf32, #tpu.memory_space<vmem>>, vector<16xf32>,
        %scan3A_66 = arith.constant 0 : i32
        scf.yield %scan3A_66 : i32
      }
      %scan3A_28 = arith.constant 1000 : i32
      %mul3A_29 = arith.constant 8 : i32
      %mul3A_30 = arith.muli %add3A_19, %mul3A_29 : i32
      "tpu.region"() ({
        %run_scoped3A = tpu.sem_alloc : memref<!tpu.dma_semaphore, #tpu.memory_space<semaphore_mem>>
        %dma_start3A = tpu.memref_slice %arg6[%mul3A_30] : memref<2560000xf32, #tpu.memory_space<hbm>> -> memref<16000xf32, #tpu.memory_space<hbm>>
        %dma_start3A_32 = tpu.memref_slice %arg6[%mul3A_30] : memref<2560000xf32, #tpu.memory_space<hbm>> -> memref<16000xf32, #tpu.memory_space<hbm>>
        tpu.enqueue_dma source(%arg11 : memref<16000xf32, #tpu.memory_space<vmem>>) target(%dma_start3A_32 : memref<16000xf32, #tpu.memory_space<hbm>>) target_semaphore(%run_scoped3A : memref<!tpu.dma_semaphore, #tpu.memory_space<semaphore_mem>>)
        %dma_wait3A = tpu.memref_slice %arg6[%mul3A_30] : memref<2560000xf32, #tpu.memory_space<hbm>> -> memref<16000xf32, #tpu.memory_space<hbm>>
        %dma_wait3A_33 = tpu.memref_slice %arg6[%mul3A_30] : memref<2560000xf32, #tpu.memory_space<hbm>> -> memref<16000xf32, #tpu.memory_space<hbm>>
        tpu.wait_dma2 semaphore(%run_scoped3A : memref<!tpu.dma_semaphore, #tpu.memory_space<semaphore_mem>>) src(%arg11 : memref<16000xf32, #tpu.memory_space<vmem>>) dst(%dma_wait3A_33 : memref<16000xf32, #tpu.memory_space<hbm>>)
        tpu.yield
      }) : () -> ()
      %scan3A_31 = arith.constant 0 : i32
      scf.yield %scan3A_31 : i32
    }
    %scan3A_12 = arith.constant 5 : i32
    return
  }
}

#map = affine_map<(d0, d1) -> (0)>
module attributes {stable_mosaic.version = 14 : i64} {
  func.func @sweep(%arg0: i32, %arg1: i32, %arg2: memref<320000xi32, #tpu.memory_space<hbm>>, %arg3: memref<2560000xf32, #tpu.memory_space<hbm>>, %arg4: memref<2621440xf32, #tpu.memory_space<hbm>>, %arg5: memref<81920xf32, #tpu.memory_space<vmem>>, %arg6: memref<2000xi32, #tpu.memory_space<vmem>>, %arg7: memref<16000xf32, #tpu.memory_space<vmem>>) attributes {dimension_semantics = [#tpu.dimension_semantics<core_parallel>, #tpu.dimension_semantics<subcore_parallel>], iteration_bounds = array<i64: 2, 16>, scalar_prefetch = 0 : i64, scratch_operands = 3 : i64, tpu.core_type = #tpu.core_type<sc_vector_subcore>, window_params = [{transform_indices = #map}, {transform_indices = #map}, {transform_indices = #map}]} {
    %mul3A = arith.constant 2 : i32
    %mul3A_0 = arith.muli %arg1, %mul3A : i32
    %add3A = arith.addi %mul3A_0, %arg0 : i32
    %iota3A = tpu.iota {dimensions = array<i32: 0>} : vector<16xi32>
    %ge3A = arith.constant 8 : i32
    %ge3A_1 = vector.broadcast %ge3A : i32 to vector<16xi32>
    %ge3A_2 = arith.cmpi sge, %iota3A, %ge3A_1 : vector<16xi32>
    %convert_element_type3A = arith.extui %ge3A_2 : vector<16xi1> to vector<16xi32>
    %mul3A_3 = arith.constant 8 : i32
    %mul3A_4 = vector.broadcast %mul3A_3 : i32 to vector<16xi32>
    %mul3A_5 = arith.muli %mul3A_4, %convert_element_type3A : vector<16xi32>
    %sub3A = arith.subi %iota3A, %mul3A_5 : vector<16xi32>
    %broadcast_in_dim3A = arith.constant 0.000000e+00 : f32
    %broadcast_in_dim3A_6 = vector.broadcast %broadcast_in_dim3A : f32 to vector<16xf32>
    %scan3A = arith.constant 0 : i32
    %scan3A_7 = arith.constant 0 : i32
    %scan3A_8 = arith.constant 5120 : i32
    %scan3A_9 = arith.addi %scan3A_7, %scan3A_8 : i32
    %scan3A_10 = arith.constant 1 : i32
    %scan3A_11 = scf.for %scan3A_22 = %scan3A_7 to %scan3A_9 step %scan3A_10 iter_args(%scan3A_23 = %scan3A) -> (i32)  : i32 {
      %mul3A_24 = arith.constant 16 : i32
      %mul3A_25 = arith.muli %scan3A_22, %mul3A_24 : i32
      %swap3A = arith.index_cast %mul3A_25 : i32 to index
      %swap3A_26 = tpu.vector_load %arg5[%swap3A] {strides = array<i32>} : memref<81920xf32, #tpu.memory_space<vmem>>, vector<16xf32>,
      tpu.vector_store %arg5[%swap3A], %broadcast_in_dim3A_6 {strides = array<i32>} : memref<81920xf32, #tpu.memory_space<vmem>>, vector<16xf32>,
      %scan3A_27 = arith.constant 0 : i32
      scf.yield %scan3A_27 : i32
    }
    %scan3A_12 = arith.constant 5120 : i32
    %scan3A_13 = arith.constant 0 : i32
    %scan3A_14 = arith.constant 0 : i32
    %scan3A_15 = arith.constant 5 : i32
    %scan3A_16 = arith.addi %scan3A_14, %scan3A_15 : i32
    %scan3A_17 = arith.constant 1 : i32
    %scan3A_18 = scf.for %scan3A_22 = %scan3A_14 to %scan3A_16 step %scan3A_17 iter_args(%scan3A_23 = %scan3A_13) -> (i32)  : i32 {
      %mul3A_24 = arith.constant 10000 : i32
      %mul3A_25 = arith.muli %add3A, %mul3A_24 : i32
      %mul3A_26 = arith.constant 2000 : i32
      %mul3A_27 = arith.muli %scan3A_22, %mul3A_26 : i32
      %add3A_28 = arith.addi %mul3A_25, %mul3A_27 : i32
      "tpu.region"() ({
        %run_scoped3A = tpu.sem_alloc : memref<!tpu.dma_semaphore, #tpu.memory_space<semaphore_mem>>
        %dma_start3A = tpu.memref_slice %arg2[%add3A_28] : memref<320000xi32, #tpu.memory_space<hbm>> -> memref<2000xi32, #tpu.memory_space<hbm>>
        %dma_start3A_39 = tpu.memref_slice %arg2[%add3A_28] : memref<320000xi32, #tpu.memory_space<hbm>> -> memref<2000xi32, #tpu.memory_space<hbm>>
        tpu.enqueue_dma source(%dma_start3A_39 : memref<2000xi32, #tpu.memory_space<hbm>>) target(%arg6 : memref<2000xi32, #tpu.memory_space<vmem>>) target_semaphore(%run_scoped3A : memref<!tpu.dma_semaphore, #tpu.memory_space<semaphore_mem>>)
        %dma_wait3A = tpu.memref_slice %arg2[%add3A_28] : memref<320000xi32, #tpu.memory_space<hbm>> -> memref<2000xi32, #tpu.memory_space<hbm>>
        %dma_wait3A_40 = tpu.memref_slice %arg2[%add3A_28] : memref<320000xi32, #tpu.memory_space<hbm>> -> memref<2000xi32, #tpu.memory_space<hbm>>
        tpu.wait_dma2 semaphore(%run_scoped3A : memref<!tpu.dma_semaphore, #tpu.memory_space<semaphore_mem>>) src(%dma_wait3A_40 : memref<2000xi32, #tpu.memory_space<hbm>>) dst(%arg6 : memref<2000xi32, #tpu.memory_space<vmem>>)
        tpu.yield
      }) : () -> ()
      %mul3A_29 = arith.constant 8 : i32
      %mul3A_30 = arith.muli %add3A_28, %mul3A_29 : i32
      "tpu.region"() ({
        %run_scoped3A = tpu.sem_alloc : memref<!tpu.dma_semaphore, #tpu.memory_space<semaphore_mem>>
        %dma_start3A = tpu.memref_slice %arg3[%mul3A_30] : memref<2560000xf32, #tpu.memory_space<hbm>> -> memref<16000xf32, #tpu.memory_space<hbm>>
        %dma_start3A_39 = tpu.memref_slice %arg3[%mul3A_30] : memref<2560000xf32, #tpu.memory_space<hbm>> -> memref<16000xf32, #tpu.memory_space<hbm>>
        tpu.enqueue_dma source(%dma_start3A_39 : memref<16000xf32, #tpu.memory_space<hbm>>) target(%arg7 : memref<16000xf32, #tpu.memory_space<vmem>>) target_semaphore(%run_scoped3A : memref<!tpu.dma_semaphore, #tpu.memory_space<semaphore_mem>>)
        %dma_wait3A = tpu.memref_slice %arg3[%mul3A_30] : memref<2560000xf32, #tpu.memory_space<hbm>> -> memref<16000xf32, #tpu.memory_space<hbm>>
        %dma_wait3A_40 = tpu.memref_slice %arg3[%mul3A_30] : memref<2560000xf32, #tpu.memory_space<hbm>> -> memref<16000xf32, #tpu.memory_space<hbm>>
        tpu.wait_dma2 semaphore(%run_scoped3A : memref<!tpu.dma_semaphore, #tpu.memory_space<semaphore_mem>>) src(%dma_wait3A_40 : memref<16000xf32, #tpu.memory_space<hbm>>) dst(%arg7 : memref<16000xf32, #tpu.memory_space<vmem>>)
        tpu.yield
      }) : () -> ()
      %scan3A_31 = arith.constant 0 : i32
      %scan3A_32 = arith.constant 0 : i32
      %scan3A_33 = arith.constant 1000 : i32
      %scan3A_34 = arith.addi %scan3A_32, %scan3A_33 : i32
      %scan3A_35 = arith.constant 1 : i32
      %scan3A_36 = scf.for %scan3A_39 = %scan3A_32 to %scan3A_34 step %scan3A_35 iter_args(%scan3A_40 = %scan3A_31) -> (i32)  : i32 {
        %mul3A_41 = arith.constant 2 : i32
        %mul3A_42 = arith.muli %mul3A_41, %scan3A_39 : i32
        %add3A_43 = vector.broadcast %mul3A_42 : i32 to vector<16xi32>
        %add3A_44 = arith.addi %add3A_43, %convert_element_type3A : vector<16xi32>
        %gather3A = tpu.vector_load_idx %arg6[%add3A_44] : memref<2000xi32, #tpu.memory_space<vmem>>[vector<16xi32>], vector<16xi32>,
        %mul3A_45 = arith.constant 8 : i32
        %mul3A_46 = vector.broadcast %mul3A_45 : i32 to vector<16xi32>
        %mul3A_47 = arith.muli %gather3A, %mul3A_46 : vector<16xi32>
        %add3A_48 = arith.addi %mul3A_47, %sub3A : vector<16xi32>
        %mul3A_49 = arith.constant 16 : i32
        %mul3A_50 = arith.muli %scan3A_39, %mul3A_49 : i32
        %get3A = arith.index_cast %mul3A_50 : i32 to index
        %get3A_51 = tpu.vector_load %arg7[%get3A] {strides = array<i32>} : memref<16000xf32, #tpu.memory_space<vmem>>, vector<16xf32>,
        tpu.vector_store_idx %arg5[%add3A_48], %get3A_51 {add = true} : memref<81920xf32, #tpu.memory_space<vmem>>[vector<16xi32>], vector<16xf32>,
        %scan3A_52 = arith.constant 0 : i32
        scf.yield %scan3A_52 : i32
      }
      %scan3A_37 = arith.constant 1000 : i32
      %scan3A_38 = arith.constant 0 : i32
      scf.yield %scan3A_38 : i32
    }
    %scan3A_19 = arith.constant 5 : i32
    %mul3A_20 = arith.constant 81920 : i32
    %mul3A_21 = arith.muli %add3A, %mul3A_20 : i32
    "tpu.region"() ({
      %run_scoped3A = tpu.sem_alloc : memref<!tpu.dma_semaphore, #tpu.memory_space<semaphore_mem>>
      %dma_start3A = tpu.memref_slice %arg4[%mul3A_21] : memref<2621440xf32, #tpu.memory_space<hbm>> -> memref<81920xf32, #tpu.memory_space<hbm>>
      %dma_start3A_22 = tpu.memref_slice %arg4[%mul3A_21] : memref<2621440xf32, #tpu.memory_space<hbm>> -> memref<81920xf32, #tpu.memory_space<hbm>>
      tpu.enqueue_dma source(%arg5 : memref<81920xf32, #tpu.memory_space<vmem>>) target(%dma_start3A_22 : memref<81920xf32, #tpu.memory_space<hbm>>) target_semaphore(%run_scoped3A : memref<!tpu.dma_semaphore, #tpu.memory_space<semaphore_mem>>)
      %dma_wait3A = tpu.memref_slice %arg4[%mul3A_21] : memref<2621440xf32, #tpu.memory_space<hbm>> -> memref<81920xf32, #tpu.memory_space<hbm>>
      %dma_wait3A_23 = tpu.memref_slice %arg4[%mul3A_21] : memref<2621440xf32, #tpu.memory_space<hbm>> -> memref<81920xf32, #tpu.memory_space<hbm>>
      tpu.wait_dma2 semaphore(%run_scoped3A : memref<!tpu.dma_semaphore, #tpu.memory_space<semaphore_mem>>) src(%arg5 : memref<81920xf32, #tpu.memory_space<vmem>>) dst(%dma_wait3A_23 : memref<81920xf32, #tpu.memory_space<hbm>>)
      tpu.yield
    }) : () -> ()
    return
  }
}

#map = affine_map<(d0, d1) -> (0)>
#map1 = affine_map<(d0, d1) -> (0, 0)>
#map2 = affine_map<(d0, d1) -> (0, 0, 0)>
module attributes {stable_mosaic.version = 14 : i64} {
  func.func @sweep(%arg0: i32, %arg1: i32, %arg2: memref<320000xi32, #tpu.memory_space<hbm>>, %arg3: memref<320000xi32, #tpu.memory_space<hbm>>, %arg4: memref<2560000xf32, #tpu.memory_space<hbm>>, %arg5: memref<10000x128xf32, #tpu.memory_space<hbm>>, %arg6: memref<2x10240x128xf32, #tpu.memory_space<hbm>>, %arg7: memref<40xi32, #tpu.memory_space<vmem>>, %arg8: memref<40xi32, #tpu.memory_space<vmem>>, %arg9: memref<40xi32, #tpu.memory_space<vmem>>, %arg10: memref<40xi32, #tpu.memory_space<vmem>>, %arg11: memref<40xi32, #tpu.memory_space<vmem>>, %arg12: memref<40xi32, #tpu.memory_space<vmem>>, %arg13: memref<40xi32, #tpu.memory_space<vmem>>, %arg14: memref<40xi32, #tpu.memory_space<vmem>>, %arg15: memref<40xi32, #tpu.memory_space<vmem>>, %arg16: memref<40xi32, #tpu.memory_space<vmem>>, %arg17: memref<320xf32, #tpu.memory_space<vmem>>, %arg18: memref<320xf32, #tpu.memory_space<vmem>>, %arg19: memref<320xf32, #tpu.memory_space<vmem>>, %arg20: memref<320xf32, #tpu.memory_space<vmem>>, %arg21: memref<320xf32, #tpu.memory_space<vmem>>, %arg22: memref<40x128xf32, #tpu.memory_space<vmem>>, %arg23: memref<40x128xf32, #tpu.memory_space<vmem>>, %arg24: memref<40x128xf32, #tpu.memory_space<vmem>>, %arg25: memref<40x128xf32, #tpu.memory_space<vmem>>, %arg26: memref<40x128xf32, #tpu.memory_space<vmem>>, %arg27: memref<10240x128xf32, #tpu.memory_space<vmem_shared>>, %arg28: memref<!tpu.dma_semaphore, #tpu.memory_space<semaphore_mem>>, %arg29: memref<!tpu.dma_semaphore, #tpu.memory_space<semaphore_mem>>, %arg30: memref<!tpu.dma_semaphore, #tpu.memory_space<semaphore_mem>>, %arg31: memref<!tpu.dma_semaphore, #tpu.memory_space<semaphore_mem>>, %arg32: memref<!tpu.dma_semaphore, #tpu.memory_space<semaphore_mem>>, %arg33: memref<!tpu.dma_semaphore, #tpu.memory_space<semaphore_mem>>, %arg34: memref<!tpu.dma_semaphore, #tpu.memory_space<semaphore_mem>>, %arg35: memref<!tpu.dma_semaphore, #tpu.memory_space<semaphore_mem>>, %arg36: memref<!tpu.dma_semaphore, #tpu.memory_space<semaphore_mem>>, %arg37: memref<!tpu.dma_semaphore, #tpu.memory_space<semaphore_mem>>) attributes {dimension_semantics = [#tpu.dimension_semantics<core_parallel>, #tpu.dimension_semantics<subcore_parallel>], iteration_bounds = array<i64: 2, 16>, scalar_prefetch = 0 : i64, scratch_operands = 31 : i64, tpu.core_type = #tpu.core_type<sc_vector_subcore>, window_params = [{transform_indices = #map}, {transform_indices = #map}, {transform_indices = #map}, {transform_indices = #map1}, {transform_indices = #map2}]} {
    %mul3A = arith.constant 2 : i32
    %mul3A_0 = arith.muli %arg1, %mul3A : i32
    %add3A = arith.addi %mul3A_0, %arg0 : i32
    %iota3A = tpu.iota {dimensions = array<i32: 0>} : vector<16xi32>
    %broadcast_in_dim3A = arith.constant 0.000000e+00 : f32
    %broadcast_in_dim3A_1 = vector.broadcast %broadcast_in_dim3A : f32 to vector<16xf32>
    %mul3A_2 = arith.constant 10000 : i32
    %mul3A_3 = arith.muli %add3A, %mul3A_2 : i32
    %scan3A = arith.constant 0 : i32
    %scan3A_4 = arith.constant 0 : i32
    %scan3A_5 = arith.constant 320 : i32
    %scan3A_6 = arith.addi %scan3A_4, %scan3A_5 : i32
    %scan3A_7 = arith.constant 1 : i32
    %scan3A_8 = scf.for %scan3A_187 = %scan3A_4 to %scan3A_6 step %scan3A_7 iter_args(%scan3A_188 = %scan3A) -> (i32)  : i32 {
      %jit3A = arith.constant 8 : i32
      %div3A = arith.divsi %scan3A_187, %jit3A : i32
      %sign3A = arith.constant 0 : i32
      %sign3A_189 = arith.cmpi sgt, %scan3A_187, %sign3A : i32
      %sign3A_190 = arith.extui %sign3A_189 : i1 to i32
      %sign3A_191 = arith.constant 0 : i32
      %sign3A_192 = arith.cmpi slt, %scan3A_187, %sign3A_191 : i32
      %sign3A_193 = arith.extui %sign3A_192 : i1 to i32
      %sign3A_194 = arith.subi %sign3A_190, %sign3A_193 : i32
      %sign3A_195 = arith.constant 0 : i32
      %sign3A_196 = arith.cmpi sgt, %jit3A, %sign3A_195 : i32
      %sign3A_197 = arith.extui %sign3A_196 : i1 to i32
      %sign3A_198 = arith.constant 0 : i32
      %sign3A_199 = arith.cmpi slt, %jit3A, %sign3A_198 : i32
      %sign3A_200 = arith.extui %sign3A_199 : i1 to i32
      %sign3A_201 = arith.subi %sign3A_197, %sign3A_200 : i32
      %ne3A = arith.cmpi ne, %sign3A_194, %sign3A_201 : i32
      %rem3A = arith.remsi %scan3A_187, %jit3A : i32
      %ne3A_202 = arith.constant 0 : i32
      %ne3A_203 = arith.cmpi ne, %rem3A, %ne3A_202 : i32
      %and3A = arith.andi %ne3A, %ne3A_203 : i1
      %sub3A = arith.constant 1 : i32
      %sub3A_204 = arith.subi %div3A, %sub3A : i32
      %select_n3A = arith.select %and3A, %sub3A_204, %div3A : i32
      %broadcast_in_dim3A_205 = vector.broadcast %select_n3A : i32 to vector<16xi32>
      %jit3A_206 = arith.constant 8 : i32
      %eq3A_207 = arith.constant 0 : i32
      %eq3A_208 = arith.cmpi eq, %jit3A_206, %eq3A_207 : i32
      %jit3A_209 = arith.constant 1 : i32
      %select_n3A_210 = arith.select %eq3A_208, %jit3A_209, %jit3A_206 : i32
      %rem3A_211 = arith.remsi %scan3A_187, %select_n3A_210 : i32
      %ne3A_212 = arith.constant 0 : i32
      %ne3A_213 = arith.cmpi ne, %rem3A_211, %ne3A_212 : i32
      %lt3A = arith.constant 0 : i32
      %lt3A_214 = arith.cmpi slt, %rem3A_211, %lt3A : i32
      %lt3A_215 = arith.constant 0 : i32
      %lt3A_216 = arith.cmpi slt, %select_n3A_210, %lt3A_215 : i32
      %ne3A_217 = arith.xori %lt3A_214, %lt3A_216 : i1
      %and3A_218 = arith.andi %ne3A_217, %ne3A_213 : i1
      %add3A_219 = arith.addi %rem3A_211, %select_n3A_210 : i32
      %select_n3A_220 = arith.select %and3A_218, %add3A_219, %rem3A_211 : i32
      %mul3A_221 = arith.constant 16 : i32
      %mul3A_222 = arith.muli %select_n3A_220, %mul3A_221 : i32
      %add3A_223 = vector.broadcast %mul3A_222 : i32 to vector<16xi32>
      %add3A_224 = arith.addi %add3A_223, %iota3A : vector<16xi32>
      tpu.vector_store_idx %arg22[%broadcast_in_dim3A_205, %add3A_224], %broadcast_in_dim3A_1 : memref<40x128xf32, #tpu.memory_space<vmem>>[vector<16xi32>, vector<16xi32>], vector<16xf32>,
      %scan3A_225 = arith.constant 0 : i32
      scf.yield %scan3A_225 : i32
    }
    %scan3A_9 = arith.constant 320 : i32
    %scan3A_10 = arith.constant 0 : i32
    %scan3A_11 = arith.constant 0 : i32
    %scan3A_12 = arith.constant 320 : i32
    %scan3A_13 = arith.addi %scan3A_11, %scan3A_12 : i32
    %scan3A_14 = arith.constant 1 : i32
    %scan3A_15 = scf.for %scan3A_187 = %scan3A_11 to %scan3A_13 step %scan3A_14 iter_args(%scan3A_188 = %scan3A_10) -> (i32)  : i32 {
      %jit3A = arith.constant 8 : i32
      %div3A = arith.divsi %scan3A_187, %jit3A : i32
      %sign3A = arith.constant 0 : i32
      %sign3A_189 = arith.cmpi sgt, %scan3A_187, %sign3A : i32
      %sign3A_190 = arith.extui %sign3A_189 : i1 to i32
      %sign3A_191 = arith.constant 0 : i32
      %sign3A_192 = arith.cmpi slt, %scan3A_187, %sign3A_191 : i32
      %sign3A_193 = arith.extui %sign3A_192 : i1 to i32
      %sign3A_194 = arith.subi %sign3A_190, %sign3A_193 : i32
      %sign3A_195 = arith.constant 0 : i32
      %sign3A_196 = arith.cmpi sgt, %jit3A, %sign3A_195 : i32
      %sign3A_197 = arith.extui %sign3A_196 : i1 to i32
      %sign3A_198 = arith.constant 0 : i32
      %sign3A_199 = arith.cmpi slt, %jit3A, %sign3A_198 : i32
      %sign3A_200 = arith.extui %sign3A_199 : i1 to i32
      %sign3A_201 = arith.subi %sign3A_197, %sign3A_200 : i32
      %ne3A = arith.cmpi ne, %sign3A_194, %sign3A_201 : i32
      %rem3A = arith.remsi %scan3A_187, %jit3A : i32
      %ne3A_202 = arith.constant 0 : i32
      %ne3A_203 = arith.cmpi ne, %rem3A, %ne3A_202 : i32
      %and3A = arith.andi %ne3A, %ne3A_203 : i1
      %sub3A = arith.constant 1 : i32
      %sub3A_204 = arith.subi %div3A, %sub3A : i32
      %select_n3A = arith.select %and3A, %sub3A_204, %div3A : i32
      %broadcast_in_dim3A_205 = vector.broadcast %select_n3A : i32 to vector<16xi32>
      %jit3A_206 = arith.constant 8 : i32
      %eq3A_207 = arith.constant 0 : i32
      %eq3A_208 = arith.cmpi eq, %jit3A_206, %eq3A_207 : i32
      %jit3A_209 = arith.constant 1 : i32
      %select_n3A_210 = arith.select %eq3A_208, %jit3A_209, %jit3A_206 : i32
      %rem3A_211 = arith.remsi %scan3A_187, %select_n3A_210 : i32
      %ne3A_212 = arith.constant 0 : i32
      %ne3A_213 = arith.cmpi ne, %rem3A_211, %ne3A_212 : i32
      %lt3A = arith.constant 0 : i32
      %lt3A_214 = arith.cmpi slt, %rem3A_211, %lt3A : i32
      %lt3A_215 = arith.constant 0 : i32
      %lt3A_216 = arith.cmpi slt, %select_n3A_210, %lt3A_215 : i32
      %ne3A_217 = arith.xori %lt3A_214, %lt3A_216 : i1
      %and3A_218 = arith.andi %ne3A_217, %ne3A_213 : i1
      %add3A_219 = arith.addi %rem3A_211, %select_n3A_210 : i32
      %select_n3A_220 = arith.select %and3A_218, %add3A_219, %rem3A_211 : i32
      %mul3A_221 = arith.constant 16 : i32
      %mul3A_222 = arith.muli %select_n3A_220, %mul3A_221 : i32
      %add3A_223 = vector.broadcast %mul3A_222 : i32 to vector<16xi32>
      %add3A_224 = arith.addi %add3A_223, %iota3A : vector<16xi32>
      tpu.vector_store_idx %arg23[%broadcast_in_dim3A_205, %add3A_224], %broadcast_in_dim3A_1 : memref<40x128xf32, #tpu.memory_space<vmem>>[vector<16xi32>, vector<16xi32>], vector<16xf32>,
      %scan3A_225 = arith.constant 0 : i32
      scf.yield %scan3A_225 : i32
    }
    %scan3A_16 = arith.constant 320 : i32
    %scan3A_17 = arith.constant 0 : i32
    %scan3A_18 = arith.constant 0 : i32
    %scan3A_19 = arith.constant 320 : i32
    %scan3A_20 = arith.addi %scan3A_18, %scan3A_19 : i32
    %scan3A_21 = arith.constant 1 : i32
    %scan3A_22 = scf.for %scan3A_187 = %scan3A_18 to %scan3A_20 step %scan3A_21 iter_args(%scan3A_188 = %scan3A_17) -> (i32)  : i32 {
      %jit3A = arith.constant 8 : i32
      %div3A = arith.divsi %scan3A_187, %jit3A : i32
      %sign3A = arith.constant 0 : i32
      %sign3A_189 = arith.cmpi sgt, %scan3A_187, %sign3A : i32
      %sign3A_190 = arith.extui %sign3A_189 : i1 to i32
      %sign3A_191 = arith.constant 0 : i32
      %sign3A_192 = arith.cmpi slt, %scan3A_187, %sign3A_191 : i32
      %sign3A_193 = arith.extui %sign3A_192 : i1 to i32
      %sign3A_194 = arith.subi %sign3A_190, %sign3A_193 : i32
      %sign3A_195 = arith.constant 0 : i32
      %sign3A_196 = arith.cmpi sgt, %jit3A, %sign3A_195 : i32
      %sign3A_197 = arith.extui %sign3A_196 : i1 to i32
      %sign3A_198 = arith.constant 0 : i32
      %sign3A_199 = arith.cmpi slt, %jit3A, %sign3A_198 : i32
      %sign3A_200 = arith.extui %sign3A_199 : i1 to i32
      %sign3A_201 = arith.subi %sign3A_197, %sign3A_200 : i32
      %ne3A = arith.cmpi ne, %sign3A_194, %sign3A_201 : i32
      %rem3A = arith.remsi %scan3A_187, %jit3A : i32
      %ne3A_202 = arith.constant 0 : i32
      %ne3A_203 = arith.cmpi ne, %rem3A, %ne3A_202 : i32
      %and3A = arith.andi %ne3A, %ne3A_203 : i1
      %sub3A = arith.constant 1 : i32
      %sub3A_204 = arith.subi %div3A, %sub3A : i32
      %select_n3A = arith.select %and3A, %sub3A_204, %div3A : i32
      %broadcast_in_dim3A_205 = vector.broadcast %select_n3A : i32 to vector<16xi32>
      %jit3A_206 = arith.constant 8 : i32
      %eq3A_207 = arith.constant 0 : i32
      %eq3A_208 = arith.cmpi eq, %jit3A_206, %eq3A_207 : i32
      %jit3A_209 = arith.constant 1 : i32
      %select_n3A_210 = arith.select %eq3A_208, %jit3A_209, %jit3A_206 : i32
      %rem3A_211 = arith.remsi %scan3A_187, %select_n3A_210 : i32
      %ne3A_212 = arith.constant 0 : i32
      %ne3A_213 = arith.cmpi ne, %rem3A_211, %ne3A_212 : i32
      %lt3A = arith.constant 0 : i32
      %lt3A_214 = arith.cmpi slt, %rem3A_211, %lt3A : i32
      %lt3A_215 = arith.constant 0 : i32
      %lt3A_216 = arith.cmpi slt, %select_n3A_210, %lt3A_215 : i32
      %ne3A_217 = arith.xori %lt3A_214, %lt3A_216 : i1
      %and3A_218 = arith.andi %ne3A_217, %ne3A_213 : i1
      %add3A_219 = arith.addi %rem3A_211, %select_n3A_210 : i32
      %select_n3A_220 = arith.select %and3A_218, %add3A_219, %rem3A_211 : i32
      %mul3A_221 = arith.constant 16 : i32
      %mul3A_222 = arith.muli %select_n3A_220, %mul3A_221 : i32
      %add3A_223 = vector.broadcast %mul3A_222 : i32 to vector<16xi32>
      %add3A_224 = arith.addi %add3A_223, %iota3A : vector<16xi32>
      tpu.vector_store_idx %arg24[%broadcast_in_dim3A_205, %add3A_224], %broadcast_in_dim3A_1 : memref<40x128xf32, #tpu.memory_space<vmem>>[vector<16xi32>, vector<16xi32>], vector<16xf32>,
      %scan3A_225 = arith.constant 0 : i32
      scf.yield %scan3A_225 : i32
    }
    %scan3A_23 = arith.constant 320 : i32
    %scan3A_24 = arith.constant 0 : i32
    %scan3A_25 = arith.constant 0 : i32
    %scan3A_26 = arith.constant 320 : i32
    %scan3A_27 = arith.addi %scan3A_25, %scan3A_26 : i32
    %scan3A_28 = arith.constant 1 : i32
    %scan3A_29 = scf.for %scan3A_187 = %scan3A_25 to %scan3A_27 step %scan3A_28 iter_args(%scan3A_188 = %scan3A_24) -> (i32)  : i32 {
      %jit3A = arith.constant 8 : i32
      %div3A = arith.divsi %scan3A_187, %jit3A : i32
      %sign3A = arith.constant 0 : i32
      %sign3A_189 = arith.cmpi sgt, %scan3A_187, %sign3A : i32
      %sign3A_190 = arith.extui %sign3A_189 : i1 to i32
      %sign3A_191 = arith.constant 0 : i32
      %sign3A_192 = arith.cmpi slt, %scan3A_187, %sign3A_191 : i32
      %sign3A_193 = arith.extui %sign3A_192 : i1 to i32
      %sign3A_194 = arith.subi %sign3A_190, %sign3A_193 : i32
      %sign3A_195 = arith.constant 0 : i32
      %sign3A_196 = arith.cmpi sgt, %jit3A, %sign3A_195 : i32
      %sign3A_197 = arith.extui %sign3A_196 : i1 to i32
      %sign3A_198 = arith.constant 0 : i32
      %sign3A_199 = arith.cmpi slt, %jit3A, %sign3A_198 : i32
      %sign3A_200 = arith.extui %sign3A_199 : i1 to i32
      %sign3A_201 = arith.subi %sign3A_197, %sign3A_200 : i32
      %ne3A = arith.cmpi ne, %sign3A_194, %sign3A_201 : i32
      %rem3A = arith.remsi %scan3A_187, %jit3A : i32
      %ne3A_202 = arith.constant 0 : i32
      %ne3A_203 = arith.cmpi ne, %rem3A, %ne3A_202 : i32
      %and3A = arith.andi %ne3A, %ne3A_203 : i1
      %sub3A = arith.constant 1 : i32
      %sub3A_204 = arith.subi %div3A, %sub3A : i32
      %select_n3A = arith.select %and3A, %sub3A_204, %div3A : i32
      %broadcast_in_dim3A_205 = vector.broadcast %select_n3A : i32 to vector<16xi32>
      %jit3A_206 = arith.constant 8 : i32
      %eq3A_207 = arith.constant 0 : i32
      %eq3A_208 = arith.cmpi eq, %jit3A_206, %eq3A_207 : i32
      %jit3A_209 = arith.constant 1 : i32
      %select_n3A_210 = arith.select %eq3A_208, %jit3A_209, %jit3A_206 : i32
      %rem3A_211 = arith.remsi %scan3A_187, %select_n3A_210 : i32
      %ne3A_212 = arith.constant 0 : i32
      %ne3A_213 = arith.cmpi ne, %rem3A_211, %ne3A_212 : i32
      %lt3A = arith.constant 0 : i32
      %lt3A_214 = arith.cmpi slt, %rem3A_211, %lt3A : i32
      %lt3A_215 = arith.constant 0 : i32
      %lt3A_216 = arith.cmpi slt, %select_n3A_210, %lt3A_215 : i32
      %ne3A_217 = arith.xori %lt3A_214, %lt3A_216 : i1
      %and3A_218 = arith.andi %ne3A_217, %ne3A_213 : i1
      %add3A_219 = arith.addi %rem3A_211, %select_n3A_210 : i32
      %select_n3A_220 = arith.select %and3A_218, %add3A_219, %rem3A_211 : i32
      %mul3A_221 = arith.constant 16 : i32
      %mul3A_222 = arith.muli %select_n3A_220, %mul3A_221 : i32
      %add3A_223 = vector.broadcast %mul3A_222 : i32 to vector<16xi32>
      %add3A_224 = arith.addi %add3A_223, %iota3A : vector<16xi32>
      tpu.vector_store_idx %arg25[%broadcast_in_dim3A_205, %add3A_224], %broadcast_in_dim3A_1 : memref<40x128xf32, #tpu.memory_space<vmem>>[vector<16xi32>, vector<16xi32>], vector<16xf32>,
      %scan3A_225 = arith.constant 0 : i32
      scf.yield %scan3A_225 : i32
    }
    %scan3A_30 = arith.constant 320 : i32
    %scan3A_31 = arith.constant 0 : i32
    %scan3A_32 = arith.constant 0 : i32
    %scan3A_33 = arith.constant 320 : i32
    %scan3A_34 = arith.addi %scan3A_32, %scan3A_33 : i32
    %scan3A_35 = arith.constant 1 : i32
    %scan3A_36 = scf.for %scan3A_187 = %scan3A_32 to %scan3A_34 step %scan3A_35 iter_args(%scan3A_188 = %scan3A_31) -> (i32)  : i32 {
      %jit3A = arith.constant 8 : i32
      %div3A = arith.divsi %scan3A_187, %jit3A : i32
      %sign3A = arith.constant 0 : i32
      %sign3A_189 = arith.cmpi sgt, %scan3A_187, %sign3A : i32
      %sign3A_190 = arith.extui %sign3A_189 : i1 to i32
      %sign3A_191 = arith.constant 0 : i32
      %sign3A_192 = arith.cmpi slt, %scan3A_187, %sign3A_191 : i32
      %sign3A_193 = arith.extui %sign3A_192 : i1 to i32
      %sign3A_194 = arith.subi %sign3A_190, %sign3A_193 : i32
      %sign3A_195 = arith.constant 0 : i32
      %sign3A_196 = arith.cmpi sgt, %jit3A, %sign3A_195 : i32
      %sign3A_197 = arith.extui %sign3A_196 : i1 to i32
      %sign3A_198 = arith.constant 0 : i32
      %sign3A_199 = arith.cmpi slt, %jit3A, %sign3A_198 : i32
      %sign3A_200 = arith.extui %sign3A_199 : i1 to i32
      %sign3A_201 = arith.subi %sign3A_197, %sign3A_200 : i32
      %ne3A = arith.cmpi ne, %sign3A_194, %sign3A_201 : i32
      %rem3A = arith.remsi %scan3A_187, %jit3A : i32
      %ne3A_202 = arith.constant 0 : i32
      %ne3A_203 = arith.cmpi ne, %rem3A, %ne3A_202 : i32
      %and3A = arith.andi %ne3A, %ne3A_203 : i1
      %sub3A = arith.constant 1 : i32
      %sub3A_204 = arith.subi %div3A, %sub3A : i32
      %select_n3A = arith.select %and3A, %sub3A_204, %div3A : i32
      %broadcast_in_dim3A_205 = vector.broadcast %select_n3A : i32 to vector<16xi32>
      %jit3A_206 = arith.constant 8 : i32
      %eq3A_207 = arith.constant 0 : i32
      %eq3A_208 = arith.cmpi eq, %jit3A_206, %eq3A_207 : i32
      %jit3A_209 = arith.constant 1 : i32
      %select_n3A_210 = arith.select %eq3A_208, %jit3A_209, %jit3A_206 : i32
      %rem3A_211 = arith.remsi %scan3A_187, %select_n3A_210 : i32
      %ne3A_212 = arith.constant 0 : i32
      %ne3A_213 = arith.cmpi ne, %rem3A_211, %ne3A_212 : i32
      %lt3A = arith.constant 0 : i32
      %lt3A_214 = arith.cmpi slt, %rem3A_211, %lt3A : i32
      %lt3A_215 = arith.constant 0 : i32
      %lt3A_216 = arith.cmpi slt, %select_n3A_210, %lt3A_215 : i32
      %ne3A_217 = arith.xori %lt3A_214, %lt3A_216 : i1
      %and3A_218 = arith.andi %ne3A_217, %ne3A_213 : i1
      %add3A_219 = arith.addi %rem3A_211, %select_n3A_210 : i32
      %select_n3A_220 = arith.select %and3A_218, %add3A_219, %rem3A_211 : i32
      %mul3A_221 = arith.constant 16 : i32
      %mul3A_222 = arith.muli %select_n3A_220, %mul3A_221 : i32
      %add3A_223 = vector.broadcast %mul3A_222 : i32 to vector<16xi32>
      %add3A_224 = arith.addi %add3A_223, %iota3A : vector<16xi32>
      tpu.vector_store_idx %arg26[%broadcast_in_dim3A_205, %add3A_224], %broadcast_in_dim3A_1 : memref<40x128xf32, #tpu.memory_space<vmem>>[vector<16xi32>, vector<16xi32>], vector<16xf32>,
      %scan3A_225 = arith.constant 0 : i32
      scf.yield %scan3A_225 : i32
    }
    %scan3A_37 = arith.constant 320 : i32
    %mul3A_38 = arith.constant 640 : i32
    %mul3A_39 = arith.muli %arg1, %mul3A_38 : i32
    %add3A_40 = arith.constant 0 : i32
    %add3A_41 = arith.addi %mul3A_39, %add3A_40 : i32
    "tpu.region"() ({
      %run_scoped3A = tpu.sem_alloc : memref<!tpu.dma_semaphore, #tpu.memory_space<semaphore_mem>>
      %dma_start3A_187 = arith.constant 0 : i32
      %dma_start3A_188 = tpu.memref_slice %arg27[%add3A_41, %dma_start3A_187] : memref<10240x128xf32, #tpu.memory_space<vmem_shared>> -> memref<40x128xf32, #tpu.memory_space<vmem_shared>>
      %dma_start3A_189 = arith.constant 0 : i32
      %dma_start3A_190 = tpu.memref_slice %arg27[%add3A_41, %dma_start3A_189] : memref<10240x128xf32, #tpu.memory_space<vmem_shared>> -> memref<40x128xf32, #tpu.memory_space<vmem_shared>>
      tpu.enqueue_dma source(%arg22 : memref<40x128xf32, #tpu.memory_space<vmem>>) target(%dma_start3A_190 : memref<40x128xf32, #tpu.memory_space<vmem_shared>>) target_semaphore(%run_scoped3A : memref<!tpu.dma_semaphore, #tpu.memory_space<semaphore_mem>>)
      %dma_wait3A_191 = arith.constant 0 : i32
      %dma_wait3A_192 = tpu.memref_slice %arg27[%add3A_41, %dma_wait3A_191] : memref<10240x128xf32, #tpu.memory_space<vmem_shared>> -> memref<40x128xf32, #tpu.memory_space<vmem_shared>>
      %dma_wait3A_193 = arith.constant 0 : i32
      %dma_wait3A_194 = tpu.memref_slice %arg27[%add3A_41, %dma_wait3A_193] : memref<10240x128xf32, #tpu.memory_space<vmem_shared>> -> memref<40x128xf32, #tpu.memory_space<vmem_shared>>
      tpu.wait_dma2 semaphore(%run_scoped3A : memref<!tpu.dma_semaphore, #tpu.memory_space<semaphore_mem>>) src(%arg22 : memref<40x128xf32, #tpu.memory_space<vmem>>) dst(%dma_wait3A_194 : memref<40x128xf32, #tpu.memory_space<vmem_shared>>)
      tpu.yield
    }) : () -> ()
    %mul3A_42 = arith.constant 640 : i32
    %mul3A_43 = arith.muli %arg1, %mul3A_42 : i32
    %add3A_44 = arith.constant 40 : i32
    %add3A_45 = arith.addi %mul3A_43, %add3A_44 : i32
    "tpu.region"() ({
      %run_scoped3A = tpu.sem_alloc : memref<!tpu.dma_semaphore, #tpu.memory_space<semaphore_mem>>
      %dma_start3A_187 = arith.constant 0 : i32
      %dma_start3A_188 = tpu.memref_slice %arg27[%add3A_45, %dma_start3A_187] : memref<10240x128xf32, #tpu.memory_space<vmem_shared>> -> memref<40x128xf32, #tpu.memory_space<vmem_shared>>
      %dma_start3A_189 = arith.constant 0 : i32
      %dma_start3A_190 = tpu.memref_slice %arg27[%add3A_45, %dma_start3A_189] : memref<10240x128xf32, #tpu.memory_space<vmem_shared>> -> memref<40x128xf32, #tpu.memory_space<vmem_shared>>
      tpu.enqueue_dma source(%arg23 : memref<40x128xf32, #tpu.memory_space<vmem>>) target(%dma_start3A_190 : memref<40x128xf32, #tpu.memory_space<vmem_shared>>) target_semaphore(%run_scoped3A : memref<!tpu.dma_semaphore, #tpu.memory_space<semaphore_mem>>)
      %dma_wait3A_191 = arith.constant 0 : i32
      %dma_wait3A_192 = tpu.memref_slice %arg27[%add3A_45, %dma_wait3A_191] : memref<10240x128xf32, #tpu.memory_space<vmem_shared>> -> memref<40x128xf32, #tpu.memory_space<vmem_shared>>
      %dma_wait3A_193 = arith.constant 0 : i32
      %dma_wait3A_194 = tpu.memref_slice %arg27[%add3A_45, %dma_wait3A_193] : memref<10240x128xf32, #tpu.memory_space<vmem_shared>> -> memref<40x128xf32, #tpu.memory_space<vmem_shared>>
      tpu.wait_dma2 semaphore(%run_scoped3A : memref<!tpu.dma_semaphore, #tpu.memory_space<semaphore_mem>>) src(%arg23 : memref<40x128xf32, #tpu.memory_space<vmem>>) dst(%dma_wait3A_194 : memref<40x128xf32, #tpu.memory_space<vmem_shared>>)
      tpu.yield
    }) : () -> ()
    %mul3A_46 = arith.constant 640 : i32
    %mul3A_47 = arith.muli %arg1, %mul3A_46 : i32
    %add3A_48 = arith.constant 80 : i32
    %add3A_49 = arith.addi %mul3A_47, %add3A_48 : i32
    "tpu.region"() ({
      %run_scoped3A = tpu.sem_alloc : memref<!tpu.dma_semaphore, #tpu.memory_space<semaphore_mem>>
      %dma_start3A_187 = arith.constant 0 : i32
      %dma_start3A_188 = tpu.memref_slice %arg27[%add3A_49, %dma_start3A_187] : memref<10240x128xf32, #tpu.memory_space<vmem_shared>> -> memref<40x128xf32, #tpu.memory_space<vmem_shared>>
      %dma_start3A_189 = arith.constant 0 : i32
      %dma_start3A_190 = tpu.memref_slice %arg27[%add3A_49, %dma_start3A_189] : memref<10240x128xf32, #tpu.memory_space<vmem_shared>> -> memref<40x128xf32, #tpu.memory_space<vmem_shared>>
      tpu.enqueue_dma source(%arg24 : memref<40x128xf32, #tpu.memory_space<vmem>>) target(%dma_start3A_190 : memref<40x128xf32, #tpu.memory_space<vmem_shared>>) target_semaphore(%run_scoped3A : memref<!tpu.dma_semaphore, #tpu.memory_space<semaphore_mem>>)
      %dma_wait3A_191 = arith.constant 0 : i32
      %dma_wait3A_192 = tpu.memref_slice %arg27[%add3A_49, %dma_wait3A_191] : memref<10240x128xf32, #tpu.memory_space<vmem_shared>> -> memref<40x128xf32, #tpu.memory_space<vmem_shared>>
      %dma_wait3A_193 = arith.constant 0 : i32
      %dma_wait3A_194 = tpu.memref_slice %arg27[%add3A_49, %dma_wait3A_193] : memref<10240x128xf32, #tpu.memory_space<vmem_shared>> -> memref<40x128xf32, #tpu.memory_space<vmem_shared>>
      tpu.wait_dma2 semaphore(%run_scoped3A : memref<!tpu.dma_semaphore, #tpu.memory_space<semaphore_mem>>) src(%arg24 : memref<40x128xf32, #tpu.memory_space<vmem>>) dst(%dma_wait3A_194 : memref<40x128xf32, #tpu.memory_space<vmem_shared>>)
      tpu.yield
    }) : () -> ()
    %mul3A_50 = arith.constant 640 : i32
    %mul3A_51 = arith.muli %arg1, %mul3A_50 : i32
    %add3A_52 = arith.constant 120 : i32
    %add3A_53 = arith.addi %mul3A_51, %add3A_52 : i32
    "tpu.region"() ({
      %run_scoped3A = tpu.sem_alloc : memref<!tpu.dma_semaphore, #tpu.memory_space<semaphore_mem>>
      %dma_start3A_187 = arith.constant 0 : i32
      %dma_start3A_188 = tpu.memref_slice %arg27[%add3A_53, %dma_start3A_187] : memref<10240x128xf32, #tpu.memory_space<vmem_shared>> -> memref<40x128xf32, #tpu.memory_space<vmem_shared>>
      %dma_start3A_189 = arith.constant 0 : i32
      %dma_start3A_190 = tpu.memref_slice %arg27[%add3A_53, %dma_start3A_189] : memref<10240x128xf32, #tpu.memory_space<vmem_shared>> -> memref<40x128xf32, #tpu.memory_space<vmem_shared>>
      tpu.enqueue_dma source(%arg25 : memref<40x128xf32, #tpu.memory_space<vmem>>) target(%dma_start3A_190 : memref<40x128xf32, #tpu.memory_space<vmem_shared>>) target_semaphore(%run_scoped3A : memref<!tpu.dma_semaphore, #tpu.memory_space<semaphore_mem>>)
      %dma_wait3A_191 = arith.constant 0 : i32
      %dma_wait3A_192 = tpu.memref_slice %arg27[%add3A_53, %dma_wait3A_191] : memref<10240x128xf32, #tpu.memory_space<vmem_shared>> -> memref<40x128xf32, #tpu.memory_space<vmem_shared>>
      %dma_wait3A_193 = arith.constant 0 : i32
      %dma_wait3A_194 = tpu.memref_slice %arg27[%add3A_53, %dma_wait3A_193] : memref<10240x128xf32, #tpu.memory_space<vmem_shared>> -> memref<40x128xf32, #tpu.memory_space<vmem_shared>>
      tpu.wait_dma2 semaphore(%run_scoped3A : memref<!tpu.dma_semaphore, #tpu.memory_space<semaphore_mem>>) src(%arg25 : memref<40x128xf32, #tpu.memory_space<vmem>>) dst(%dma_wait3A_194 : memref<40x128xf32, #tpu.memory_space<vmem_shared>>)
      tpu.yield
    }) : () -> ()
    %mul3A_54 = arith.constant 640 : i32
    %mul3A_55 = arith.muli %arg1, %mul3A_54 : i32
    %add3A_56 = arith.constant 160 : i32
    %add3A_57 = arith.addi %mul3A_55, %add3A_56 : i32
    "tpu.region"() ({
      %run_scoped3A = tpu.sem_alloc : memref<!tpu.dma_semaphore, #tpu.memory_space<semaphore_mem>>
      %dma_start3A_187 = arith.constant 0 : i32
      %dma_start3A_188 = tpu.memref_slice %arg27[%add3A_57, %dma_start3A_187] : memref<10240x128xf32, #tpu.memory_space<vmem_shared>> -> memref<40x128xf32, #tpu.memory_space<vmem_shared>>
      %dma_start3A_189 = arith.constant 0 : i32
      %dma_start3A_190 = tpu.memref_slice %arg27[%add3A_57, %dma_start3A_189] : memref<10240x128xf32, #tpu.memory_space<vmem_shared>> -> memref<40x128xf32, #tpu.memory_space<vmem_shared>>
      tpu.enqueue_dma source(%arg26 : memref<40x128xf32, #tpu.memory_space<vmem>>) target(%dma_start3A_190 : memref<40x128xf32, #tpu.memory_space<vmem_shared>>) target_semaphore(%run_scoped3A : memref<!tpu.dma_semaphore, #tpu.memory_space<semaphore_mem>>)
      %dma_wait3A_191 = arith.constant 0 : i32
      %dma_wait3A_192 = tpu.memref_slice %arg27[%add3A_57, %dma_wait3A_191] : memref<10240x128xf32, #tpu.memory_space<vmem_shared>> -> memref<40x128xf32, #tpu.memory_space<vmem_shared>>
      %dma_wait3A_193 = arith.constant 0 : i32
      %dma_wait3A_194 = tpu.memref_slice %arg27[%add3A_57, %dma_wait3A_193] : memref<10240x128xf32, #tpu.memory_space<vmem_shared>> -> memref<40x128xf32, #tpu.memory_space<vmem_shared>>
      tpu.wait_dma2 semaphore(%run_scoped3A : memref<!tpu.dma_semaphore, #tpu.memory_space<semaphore_mem>>) src(%arg26 : memref<40x128xf32, #tpu.memory_space<vmem>>) dst(%dma_wait3A_194 : memref<40x128xf32, #tpu.memory_space<vmem_shared>>)
      tpu.yield
    }) : () -> ()
    %mul3A_58 = arith.constant 640 : i32
    %mul3A_59 = arith.muli %arg1, %mul3A_58 : i32
    %add3A_60 = arith.constant 200 : i32
    %add3A_61 = arith.addi %mul3A_59, %add3A_60 : i32
    "tpu.region"() ({
      %run_scoped3A = tpu.sem_alloc : memref<!tpu.dma_semaphore, #tpu.memory_space<semaphore_mem>>
      %dma_start3A_187 = arith.constant 0 : i32
      %dma_start3A_188 = tpu.memref_slice %arg27[%add3A_61, %dma_start3A_187] : memref<10240x128xf32, #tpu.memory_space<vmem_shared>> -> memref<40x128xf32, #tpu.memory_space<vmem_shared>>
      %dma_start3A_189 = arith.constant 0 : i32
      %dma_start3A_190 = tpu.memref_slice %arg27[%add3A_61, %dma_start3A_189] : memref<10240x128xf32, #tpu.memory_space<vmem_shared>> -> memref<40x128xf32, #tpu.memory_space<vmem_shared>>
      tpu.enqueue_dma source(%arg22 : memref<40x128xf32, #tpu.memory_space<vmem>>) target(%dma_start3A_190 : memref<40x128xf32, #tpu.memory_space<vmem_shared>>) target_semaphore(%run_scoped3A : memref<!tpu.dma_semaphore, #tpu.memory_space<semaphore_mem>>)
      %dma_wait3A_191 = arith.constant 0 : i32
      %dma_wait3A_192 = tpu.memref_slice %arg27[%add3A_61, %dma_wait3A_191] : memref<10240x128xf32, #tpu.memory_space<vmem_shared>> -> memref<40x128xf32, #tpu.memory_space<vmem_shared>>
      %dma_wait3A_193 = arith.constant 0 : i32
      %dma_wait3A_194 = tpu.memref_slice %arg27[%add3A_61, %dma_wait3A_193] : memref<10240x128xf32, #tpu.memory_space<vmem_shared>> -> memref<40x128xf32, #tpu.memory_space<vmem_shared>>
      tpu.wait_dma2 semaphore(%run_scoped3A : memref<!tpu.dma_semaphore, #tpu.memory_space<semaphore_mem>>) src(%arg22 : memref<40x128xf32, #tpu.memory_space<vmem>>) dst(%dma_wait3A_194 : memref<40x128xf32, #tpu.memory_space<vmem_shared>>)
      tpu.yield
    }) : () -> ()
    %mul3A_62 = arith.constant 640 : i32
    %mul3A_63 = arith.muli %arg1, %mul3A_62 : i32
    %add3A_64 = arith.constant 240 : i32
    %add3A_65 = arith.addi %mul3A_63, %add3A_64 : i32
    "tpu.region"() ({
      %run_scoped3A = tpu.sem_alloc : memref<!tpu.dma_semaphore, #tpu.memory_space<semaphore_mem>>
      %dma_start3A_187 = arith.constant 0 : i32
      %dma_start3A_188 = tpu.memref_slice %arg27[%add3A_65, %dma_start3A_187] : memref<10240x128xf32, #tpu.memory_space<vmem_shared>> -> memref<40x128xf32, #tpu.memory_space<vmem_shared>>
      %dma_start3A_189 = arith.constant 0 : i32
      %dma_start3A_190 = tpu.memref_slice %arg27[%add3A_65, %dma_start3A_189] : memref<10240x128xf32, #tpu.memory_space<vmem_shared>> -> memref<40x128xf32, #tpu.memory_space<vmem_shared>>
      tpu.enqueue_dma source(%arg23 : memref<40x128xf32, #tpu.memory_space<vmem>>) target(%dma_start3A_190 : memref<40x128xf32, #tpu.memory_space<vmem_shared>>) target_semaphore(%run_scoped3A : memref<!tpu.dma_semaphore, #tpu.memory_space<semaphore_mem>>)
      %dma_wait3A_191 = arith.constant 0 : i32
      %dma_wait3A_192 = tpu.memref_slice %arg27[%add3A_65, %dma_wait3A_191] : memref<10240x128xf32, #tpu.memory_space<vmem_shared>> -> memref<40x128xf32, #tpu.memory_space<vmem_shared>>
      %dma_wait3A_193 = arith.constant 0 : i32
      %dma_wait3A_194 = tpu.memref_slice %arg27[%add3A_65, %dma_wait3A_193] : memref<10240x128xf32, #tpu.memory_space<vmem_shared>> -> memref<40x128xf32, #tpu.memory_space<vmem_shared>>
      tpu.wait_dma2 semaphore(%run_scoped3A : memref<!tpu.dma_semaphore, #tpu.memory_space<semaphore_mem>>) src(%arg23 : memref<40x128xf32, #tpu.memory_space<vmem>>) dst(%dma_wait3A_194 : memref<40x128xf32, #tpu.memory_space<vmem_shared>>)
      tpu.yield
    }) : () -> ()
    %mul3A_66 = arith.constant 640 : i32
    %mul3A_67 = arith.muli %arg1, %mul3A_66 : i32
    %add3A_68 = arith.constant 280 : i32
    %add3A_69 = arith.addi %mul3A_67, %add3A_68 : i32
    "tpu.region"() ({
      %run_scoped3A = tpu.sem_alloc : memref<!tpu.dma_semaphore, #tpu.memory_space<semaphore_mem>>
      %dma_start3A_187 = arith.constant 0 : i32
      %dma_start3A_188 = tpu.memref_slice %arg27[%add3A_69, %dma_start3A_187] : memref<10240x128xf32, #tpu.memory_space<vmem_shared>> -> memref<40x128xf32, #tpu.memory_space<vmem_shared>>
      %dma_start3A_189 = arith.constant 0 : i32
      %dma_start3A_190 = tpu.memref_slice %arg27[%add3A_69, %dma_start3A_189] : memref<10240x128xf32, #tpu.memory_space<vmem_shared>> -> memref<40x128xf32, #tpu.memory_space<vmem_shared>>
      tpu.enqueue_dma source(%arg24 : memref<40x128xf32, #tpu.memory_space<vmem>>) target(%dma_start3A_190 : memref<40x128xf32, #tpu.memory_space<vmem_shared>>) target_semaphore(%run_scoped3A : memref<!tpu.dma_semaphore, #tpu.memory_space<semaphore_mem>>)
      %dma_wait3A_191 = arith.constant 0 : i32
      %dma_wait3A_192 = tpu.memref_slice %arg27[%add3A_69, %dma_wait3A_191] : memref<10240x128xf32, #tpu.memory_space<vmem_shared>> -> memref<40x128xf32, #tpu.memory_space<vmem_shared>>
      %dma_wait3A_193 = arith.constant 0 : i32
      %dma_wait3A_194 = tpu.memref_slice %arg27[%add3A_69, %dma_wait3A_193] : memref<10240x128xf32, #tpu.memory_space<vmem_shared>> -> memref<40x128xf32, #tpu.memory_space<vmem_shared>>
      tpu.wait_dma2 semaphore(%run_scoped3A : memref<!tpu.dma_semaphore, #tpu.memory_space<semaphore_mem>>) src(%arg24 : memref<40x128xf32, #tpu.memory_space<vmem>>) dst(%dma_wait3A_194 : memref<40x128xf32, #tpu.memory_space<vmem_shared>>)
      tpu.yield
    }) : () -> ()
    %mul3A_70 = arith.constant 640 : i32
    %mul3A_71 = arith.muli %arg1, %mul3A_70 : i32
    %add3A_72 = arith.constant 320 : i32
    %add3A_73 = arith.addi %mul3A_71, %add3A_72 : i32
    "tpu.region"() ({
      %run_scoped3A = tpu.sem_alloc : memref<!tpu.dma_semaphore, #tpu.memory_space<semaphore_mem>>
      %dma_start3A_187 = arith.constant 0 : i32
      %dma_start3A_188 = tpu.memref_slice %arg27[%add3A_73, %dma_start3A_187] : memref<10240x128xf32, #tpu.memory_space<vmem_shared>> -> memref<40x128xf32, #tpu.memory_space<vmem_shared>>
      %dma_start3A_189 = arith.constant 0 : i32
      %dma_start3A_190 = tpu.memref_slice %arg27[%add3A_73, %dma_start3A_189] : memref<10240x128xf32, #tpu.memory_space<vmem_shared>> -> memref<40x128xf32, #tpu.memory_space<vmem_shared>>
      tpu.enqueue_dma source(%arg25 : memref<40x128xf32, #tpu.memory_space<vmem>>) target(%dma_start3A_190 : memref<40x128xf32, #tpu.memory_space<vmem_shared>>) target_semaphore(%run_scoped3A : memref<!tpu.dma_semaphore, #tpu.memory_space<semaphore_mem>>)
      %dma_wait3A_191 = arith.constant 0 : i32
      %dma_wait3A_192 = tpu.memref_slice %arg27[%add3A_73, %dma_wait3A_191] : memref<10240x128xf32, #tpu.memory_space<vmem_shared>> -> memref<40x128xf32, #tpu.memory_space<vmem_shared>>
      %dma_wait3A_193 = arith.constant 0 : i32
      %dma_wait3A_194 = tpu.memref_slice %arg27[%add3A_73, %dma_wait3A_193] : memref<10240x128xf32, #tpu.memory_space<vmem_shared>> -> memref<40x128xf32, #tpu.memory_space<vmem_shared>>
      tpu.wait_dma2 semaphore(%run_scoped3A : memref<!tpu.dma_semaphore, #tpu.memory_space<semaphore_mem>>) src(%arg25 : memref<40x128xf32, #tpu.memory_space<vmem>>) dst(%dma_wait3A_194 : memref<40x128xf32, #tpu.memory_space<vmem_shared>>)
      tpu.yield
    }) : () -> ()
    %mul3A_74 = arith.constant 640 : i32
    %mul3A_75 = arith.muli %arg1, %mul3A_74 : i32
    %add3A_76 = arith.constant 360 : i32
    %add3A_77 = arith.addi %mul3A_75, %add3A_76 : i32
    "tpu.region"() ({
      %run_scoped3A = tpu.sem_alloc : memref<!tpu.dma_semaphore, #tpu.memory_space<semaphore_mem>>
      %dma_start3A_187 = arith.constant 0 : i32
      %dma_start3A_188 = tpu.memref_slice %arg27[%add3A_77, %dma_start3A_187] : memref<10240x128xf32, #tpu.memory_space<vmem_shared>> -> memref<40x128xf32, #tpu.memory_space<vmem_shared>>
      %dma_start3A_189 = arith.constant 0 : i32
      %dma_start3A_190 = tpu.memref_slice %arg27[%add3A_77, %dma_start3A_189] : memref<10240x128xf32, #tpu.memory_space<vmem_shared>> -> memref<40x128xf32, #tpu.memory_space<vmem_shared>>
      tpu.enqueue_dma source(%arg26 : memref<40x128xf32, #tpu.memory_space<vmem>>) target(%dma_start3A_190 : memref<40x128xf32, #tpu.memory_space<vmem_shared>>) target_semaphore(%run_scoped3A : memref<!tpu.dma_semaphore, #tpu.memory_space<semaphore_mem>>)
      %dma_wait3A_191 = arith.constant 0 : i32
      %dma_wait3A_192 = tpu.memref_slice %arg27[%add3A_77, %dma_wait3A_191] : memref<10240x128xf32, #tpu.memory_space<vmem_shared>> -> memref<40x128xf32, #tpu.memory_space<vmem_shared>>
      %dma_wait3A_193 = arith.constant 0 : i32
      %dma_wait3A_194 = tpu.memref_slice %arg27[%add3A_77, %dma_wait3A_193] : memref<10240x128xf32, #tpu.memory_space<vmem_shared>> -> memref<40x128xf32, #tpu.memory_space<vmem_shared>>
      tpu.wait_dma2 semaphore(%run_scoped3A : memref<!tpu.dma_semaphore, #tpu.memory_space<semaphore_mem>>) src(%arg26 : memref<40x128xf32, #tpu.memory_space<vmem>>) dst(%dma_wait3A_194 : memref<40x128xf32, #tpu.memory_space<vmem_shared>>)
      tpu.yield
    }) : () -> ()
    %mul3A_78 = arith.constant 640 : i32
    %mul3A_79 = arith.muli %arg1, %mul3A_78 : i32
    %add3A_80 = arith.constant 400 : i32
    %add3A_81 = arith.addi %mul3A_79, %add3A_80 : i32
    "tpu.region"() ({
      %run_scoped3A = tpu.sem_alloc : memref<!tpu.dma_semaphore, #tpu.memory_space<semaphore_mem>>
      %dma_start3A_187 = arith.constant 0 : i32
      %dma_start3A_188 = tpu.memref_slice %arg27[%add3A_81, %dma_start3A_187] : memref<10240x128xf32, #tpu.memory_space<vmem_shared>> -> memref<40x128xf32, #tpu.memory_space<vmem_shared>>
      %dma_start3A_189 = arith.constant 0 : i32
      %dma_start3A_190 = tpu.memref_slice %arg27[%add3A_81, %dma_start3A_189] : memref<10240x128xf32, #tpu.memory_space<vmem_shared>> -> memref<40x128xf32, #tpu.memory_space<vmem_shared>>
      tpu.enqueue_dma source(%arg22 : memref<40x128xf32, #tpu.memory_space<vmem>>) target(%dma_start3A_190 : memref<40x128xf32, #tpu.memory_space<vmem_shared>>) target_semaphore(%run_scoped3A : memref<!tpu.dma_semaphore, #tpu.memory_space<semaphore_mem>>)
      %dma_wait3A_191 = arith.constant 0 : i32
      %dma_wait3A_192 = tpu.memref_slice %arg27[%add3A_81, %dma_wait3A_191] : memref<10240x128xf32, #tpu.memory_space<vmem_shared>> -> memref<40x128xf32, #tpu.memory_space<vmem_shared>>
      %dma_wait3A_193 = arith.constant 0 : i32
      %dma_wait3A_194 = tpu.memref_slice %arg27[%add3A_81, %dma_wait3A_193] : memref<10240x128xf32, #tpu.memory_space<vmem_shared>> -> memref<40x128xf32, #tpu.memory_space<vmem_shared>>
      tpu.wait_dma2 semaphore(%run_scoped3A : memref<!tpu.dma_semaphore, #tpu.memory_space<semaphore_mem>>) src(%arg22 : memref<40x128xf32, #tpu.memory_space<vmem>>) dst(%dma_wait3A_194 : memref<40x128xf32, #tpu.memory_space<vmem_shared>>)
      tpu.yield
    }) : () -> ()
    %mul3A_82 = arith.constant 640 : i32
    %mul3A_83 = arith.muli %arg1, %mul3A_82 : i32
    %add3A_84 = arith.constant 440 : i32
    %add3A_85 = arith.addi %mul3A_83, %add3A_84 : i32
    "tpu.region"() ({
      %run_scoped3A = tpu.sem_alloc : memref<!tpu.dma_semaphore, #tpu.memory_space<semaphore_mem>>
      %dma_start3A_187 = arith.constant 0 : i32
      %dma_start3A_188 = tpu.memref_slice %arg27[%add3A_85, %dma_start3A_187] : memref<10240x128xf32, #tpu.memory_space<vmem_shared>> -> memref<40x128xf32, #tpu.memory_space<vmem_shared>>
      %dma_start3A_189 = arith.constant 0 : i32
      %dma_start3A_190 = tpu.memref_slice %arg27[%add3A_85, %dma_start3A_189] : memref<10240x128xf32, #tpu.memory_space<vmem_shared>> -> memref<40x128xf32, #tpu.memory_space<vmem_shared>>
      tpu.enqueue_dma source(%arg23 : memref<40x128xf32, #tpu.memory_space<vmem>>) target(%dma_start3A_190 : memref<40x128xf32, #tpu.memory_space<vmem_shared>>) target_semaphore(%run_scoped3A : memref<!tpu.dma_semaphore, #tpu.memory_space<semaphore_mem>>)
      %dma_wait3A_191 = arith.constant 0 : i32
      %dma_wait3A_192 = tpu.memref_slice %arg27[%add3A_85, %dma_wait3A_191] : memref<10240x128xf32, #tpu.memory_space<vmem_shared>> -> memref<40x128xf32, #tpu.memory_space<vmem_shared>>
      %dma_wait3A_193 = arith.constant 0 : i32
      %dma_wait3A_194 = tpu.memref_slice %arg27[%add3A_85, %dma_wait3A_193] : memref<10240x128xf32, #tpu.memory_space<vmem_shared>> -> memref<40x128xf32, #tpu.memory_space<vmem_shared>>
      tpu.wait_dma2 semaphore(%run_scoped3A : memref<!tpu.dma_semaphore, #tpu.memory_space<semaphore_mem>>) src(%arg23 : memref<40x128xf32, #tpu.memory_space<vmem>>) dst(%dma_wait3A_194 : memref<40x128xf32, #tpu.memory_space<vmem_shared>>)
      tpu.yield
    }) : () -> ()
    %mul3A_86 = arith.constant 640 : i32
    %mul3A_87 = arith.muli %arg1, %mul3A_86 : i32
    %add3A_88 = arith.constant 480 : i32
    %add3A_89 = arith.addi %mul3A_87, %add3A_88 : i32
    "tpu.region"() ({
      %run_scoped3A = tpu.sem_alloc : memref<!tpu.dma_semaphore, #tpu.memory_space<semaphore_mem>>
      %dma_start3A_187 = arith.constant 0 : i32
      %dma_start3A_188 = tpu.memref_slice %arg27[%add3A_89, %dma_start3A_187] : memref<10240x128xf32, #tpu.memory_space<vmem_shared>> -> memref<40x128xf32, #tpu.memory_space<vmem_shared>>
      %dma_start3A_189 = arith.constant 0 : i32
      %dma_start3A_190 = tpu.memref_slice %arg27[%add3A_89, %dma_start3A_189] : memref<10240x128xf32, #tpu.memory_space<vmem_shared>> -> memref<40x128xf32, #tpu.memory_space<vmem_shared>>
      tpu.enqueue_dma source(%arg24 : memref<40x128xf32, #tpu.memory_space<vmem>>) target(%dma_start3A_190 : memref<40x128xf32, #tpu.memory_space<vmem_shared>>) target_semaphore(%run_scoped3A : memref<!tpu.dma_semaphore, #tpu.memory_space<semaphore_mem>>)
      %dma_wait3A_191 = arith.constant 0 : i32
      %dma_wait3A_192 = tpu.memref_slice %arg27[%add3A_89, %dma_wait3A_191] : memref<10240x128xf32, #tpu.memory_space<vmem_shared>> -> memref<40x128xf32, #tpu.memory_space<vmem_shared>>
      %dma_wait3A_193 = arith.constant 0 : i32
      %dma_wait3A_194 = tpu.memref_slice %arg27[%add3A_89, %dma_wait3A_193] : memref<10240x128xf32, #tpu.memory_space<vmem_shared>> -> memref<40x128xf32, #tpu.memory_space<vmem_shared>>
      tpu.wait_dma2 semaphore(%run_scoped3A : memref<!tpu.dma_semaphore, #tpu.memory_space<semaphore_mem>>) src(%arg24 : memref<40x128xf32, #tpu.memory_space<vmem>>) dst(%dma_wait3A_194 : memref<40x128xf32, #tpu.memory_space<vmem_shared>>)
      tpu.yield
    }) : () -> ()
    %mul3A_90 = arith.constant 640 : i32
    %mul3A_91 = arith.muli %arg1, %mul3A_90 : i32
    %add3A_92 = arith.constant 520 : i32
    %add3A_93 = arith.addi %mul3A_91, %add3A_92 : i32
    "tpu.region"() ({
      %run_scoped3A = tpu.sem_alloc : memref<!tpu.dma_semaphore, #tpu.memory_space<semaphore_mem>>
      %dma_start3A_187 = arith.constant 0 : i32
      %dma_start3A_188 = tpu.memref_slice %arg27[%add3A_93, %dma_start3A_187] : memref<10240x128xf32, #tpu.memory_space<vmem_shared>> -> memref<40x128xf32, #tpu.memory_space<vmem_shared>>
      %dma_start3A_189 = arith.constant 0 : i32
      %dma_start3A_190 = tpu.memref_slice %arg27[%add3A_93, %dma_start3A_189] : memref<10240x128xf32, #tpu.memory_space<vmem_shared>> -> memref<40x128xf32, #tpu.memory_space<vmem_shared>>
      tpu.enqueue_dma source(%arg25 : memref<40x128xf32, #tpu.memory_space<vmem>>) target(%dma_start3A_190 : memref<40x128xf32, #tpu.memory_space<vmem_shared>>) target_semaphore(%run_scoped3A : memref<!tpu.dma_semaphore, #tpu.memory_space<semaphore_mem>>)
      %dma_wait3A_191 = arith.constant 0 : i32
      %dma_wait3A_192 = tpu.memref_slice %arg27[%add3A_93, %dma_wait3A_191] : memref<10240x128xf32, #tpu.memory_space<vmem_shared>> -> memref<40x128xf32, #tpu.memory_space<vmem_shared>>
      %dma_wait3A_193 = arith.constant 0 : i32
      %dma_wait3A_194 = tpu.memref_slice %arg27[%add3A_93, %dma_wait3A_193] : memref<10240x128xf32, #tpu.memory_space<vmem_shared>> -> memref<40x128xf32, #tpu.memory_space<vmem_shared>>
      tpu.wait_dma2 semaphore(%run_scoped3A : memref<!tpu.dma_semaphore, #tpu.memory_space<semaphore_mem>>) src(%arg25 : memref<40x128xf32, #tpu.memory_space<vmem>>) dst(%dma_wait3A_194 : memref<40x128xf32, #tpu.memory_space<vmem_shared>>)
      tpu.yield
    }) : () -> ()
    %mul3A_94 = arith.constant 640 : i32
    %mul3A_95 = arith.muli %arg1, %mul3A_94 : i32
    %add3A_96 = arith.constant 560 : i32
    %add3A_97 = arith.addi %mul3A_95, %add3A_96 : i32
    "tpu.region"() ({
      %run_scoped3A = tpu.sem_alloc : memref<!tpu.dma_semaphore, #tpu.memory_space<semaphore_mem>>
      %dma_start3A_187 = arith.constant 0 : i32
      %dma_start3A_188 = tpu.memref_slice %arg27[%add3A_97, %dma_start3A_187] : memref<10240x128xf32, #tpu.memory_space<vmem_shared>> -> memref<40x128xf32, #tpu.memory_space<vmem_shared>>
      %dma_start3A_189 = arith.constant 0 : i32
      %dma_start3A_190 = tpu.memref_slice %arg27[%add3A_97, %dma_start3A_189] : memref<10240x128xf32, #tpu.memory_space<vmem_shared>> -> memref<40x128xf32, #tpu.memory_space<vmem_shared>>
      tpu.enqueue_dma source(%arg26 : memref<40x128xf32, #tpu.memory_space<vmem>>) target(%dma_start3A_190 : memref<40x128xf32, #tpu.memory_space<vmem_shared>>) target_semaphore(%run_scoped3A : memref<!tpu.dma_semaphore, #tpu.memory_space<semaphore_mem>>)
      %dma_wait3A_191 = arith.constant 0 : i32
      %dma_wait3A_192 = tpu.memref_slice %arg27[%add3A_97, %dma_wait3A_191] : memref<10240x128xf32, #tpu.memory_space<vmem_shared>> -> memref<40x128xf32, #tpu.memory_space<vmem_shared>>
      %dma_wait3A_193 = arith.constant 0 : i32
      %dma_wait3A_194 = tpu.memref_slice %arg27[%add3A_97, %dma_wait3A_193] : memref<10240x128xf32, #tpu.memory_space<vmem_shared>> -> memref<40x128xf32, #tpu.memory_space<vmem_shared>>
      tpu.wait_dma2 semaphore(%run_scoped3A : memref<!tpu.dma_semaphore, #tpu.memory_space<semaphore_mem>>) src(%arg26 : memref<40x128xf32, #tpu.memory_space<vmem>>) dst(%dma_wait3A_194 : memref<40x128xf32, #tpu.memory_space<vmem_shared>>)
      tpu.yield
    }) : () -> ()
    %mul3A_98 = arith.constant 640 : i32
    %mul3A_99 = arith.muli %arg1, %mul3A_98 : i32
    %add3A_100 = arith.constant 600 : i32
    %add3A_101 = arith.addi %mul3A_99, %add3A_100 : i32
    "tpu.region"() ({
      %run_scoped3A = tpu.sem_alloc : memref<!tpu.dma_semaphore, #tpu.memory_space<semaphore_mem>>
      %dma_start3A_187 = arith.constant 0 : i32
      %dma_start3A_188 = tpu.memref_slice %arg27[%add3A_101, %dma_start3A_187] : memref<10240x128xf32, #tpu.memory_space<vmem_shared>> -> memref<40x128xf32, #tpu.memory_space<vmem_shared>>
      %dma_start3A_189 = arith.constant 0 : i32
      %dma_start3A_190 = tpu.memref_slice %arg27[%add3A_101, %dma_start3A_189] : memref<10240x128xf32, #tpu.memory_space<vmem_shared>> -> memref<40x128xf32, #tpu.memory_space<vmem_shared>>
      tpu.enqueue_dma source(%arg22 : memref<40x128xf32, #tpu.memory_space<vmem>>) target(%dma_start3A_190 : memref<40x128xf32, #tpu.memory_space<vmem_shared>>) target_semaphore(%run_scoped3A : memref<!tpu.dma_semaphore, #tpu.memory_space<semaphore_mem>>)
      %dma_wait3A_191 = arith.constant 0 : i32
      %dma_wait3A_192 = tpu.memref_slice %arg27[%add3A_101, %dma_wait3A_191] : memref<10240x128xf32, #tpu.memory_space<vmem_shared>> -> memref<40x128xf32, #tpu.memory_space<vmem_shared>>
      %dma_wait3A_193 = arith.constant 0 : i32
      %dma_wait3A_194 = tpu.memref_slice %arg27[%add3A_101, %dma_wait3A_193] : memref<10240x128xf32, #tpu.memory_space<vmem_shared>> -> memref<40x128xf32, #tpu.memory_space<vmem_shared>>
      tpu.wait_dma2 semaphore(%run_scoped3A : memref<!tpu.dma_semaphore, #tpu.memory_space<semaphore_mem>>) src(%arg22 : memref<40x128xf32, #tpu.memory_space<vmem>>) dst(%dma_wait3A_194 : memref<40x128xf32, #tpu.memory_space<vmem_shared>>)
      tpu.yield
    }) : () -> ()
    %barrier3A = arith.constant 0 : index
    tpu.barrier barrier_id(%barrier3A)
    "tpu.region"() ({
      %run_scoped3A = tpu.sem_alloc : memref<!tpu.dma_semaphore, #tpu.memory_space<semaphore_mem>>
      %dma_start3A_187 = tpu.memref_slice %arg3[%mul3A_3] : memref<320000xi32, #tpu.memory_space<hbm>> -> memref<40xi32, #tpu.memory_space<hbm>>
      %dma_start3A_188 = tpu.memref_slice %arg3[%mul3A_3] : memref<320000xi32, #tpu.memory_space<hbm>> -> memref<40xi32, #tpu.memory_space<hbm>>
      tpu.enqueue_dma source(%dma_start3A_188 : memref<40xi32, #tpu.memory_space<hbm>>) target(%arg16 : memref<40xi32, #tpu.memory_space<vmem>>) target_semaphore(%run_scoped3A : memref<!tpu.dma_semaphore, #tpu.memory_space<semaphore_mem>>)
      %dma_wait3A_189 = tpu.memref_slice %arg3[%mul3A_3] : memref<320000xi32, #tpu.memory_space<hbm>> -> memref<40xi32, #tpu.memory_space<hbm>>
      %dma_wait3A_190 = tpu.memref_slice %arg3[%mul3A_3] : memref<320000xi32, #tpu.memory_space<hbm>> -> memref<40xi32, #tpu.memory_space<hbm>>
      tpu.wait_dma2 semaphore(%run_scoped3A : memref<!tpu.dma_semaphore, #tpu.memory_space<semaphore_mem>>) src(%dma_wait3A_190 : memref<40xi32, #tpu.memory_space<hbm>>) dst(%arg16 : memref<40xi32, #tpu.memory_space<vmem>>)
      tpu.yield
    }) : () -> ()
    %dma_start3A = arith.constant 0 : i32
    %dma_start3A_102 = arith.constant 0 : i32
    %dma_start3A_103 = tpu.memref_slice %arg27[%dma_start3A, %dma_start3A_102] : memref<10240x128xf32, #tpu.memory_space<vmem_shared>> -> memref<10240x128xf32, #tpu.memory_space<vmem_shared>>
    tpu.enqueue_indirect_dma source(%arg26 : memref<40x128xf32, #tpu.memory_space<vmem>>) target(%dma_start3A_103 : memref<10240x128xf32, #tpu.memory_space<vmem_shared>>) offsets(%arg16 : memref<40xi32, #tpu.memory_space<vmem>>) semaphore(%arg37 : memref<!tpu.dma_semaphore, #tpu.memory_space<semaphore_mem>>) {add = true}
    %add3A_104 = arith.constant 0 : i32
    %add3A_105 = arith.addi %mul3A_3, %add3A_104 : i32
    %dma_start3A_106 = tpu.memref_slice %arg3[%add3A_105] : memref<320000xi32, #tpu.memory_space<hbm>> -> memref<40xi32, #tpu.memory_space<hbm>>
    %dma_start3A_107 = tpu.memref_slice %arg3[%add3A_105] : memref<320000xi32, #tpu.memory_space<hbm>> -> memref<40xi32, #tpu.memory_space<hbm>>
    tpu.enqueue_dma source(%dma_start3A_107 : memref<40xi32, #tpu.memory_space<hbm>>) target(%arg12 : memref<40xi32, #tpu.memory_space<vmem>>) target_semaphore(%arg28 : memref<!tpu.dma_semaphore, #tpu.memory_space<semaphore_mem>>)
    %mul3A_108 = arith.constant 8 : i32
    %mul3A_109 = arith.muli %add3A_105, %mul3A_108 : i32
    %dma_start3A_110 = tpu.memref_slice %arg4[%mul3A_109] : memref<2560000xf32, #tpu.memory_space<hbm>> -> memref<320xf32, #tpu.memory_space<hbm>>
    %dma_start3A_111 = tpu.memref_slice %arg4[%mul3A_109] : memref<2560000xf32, #tpu.memory_space<hbm>> -> memref<320xf32, #tpu.memory_space<hbm>>
    tpu.enqueue_dma source(%dma_start3A_111 : memref<320xf32, #tpu.memory_space<hbm>>) target(%arg17 : memref<320xf32, #tpu.memory_space<vmem>>) target_semaphore(%arg28 : memref<!tpu.dma_semaphore, #tpu.memory_space<semaphore_mem>>)
    "tpu.region"() ({
      %run_scoped3A = tpu.sem_alloc : memref<!tpu.dma_semaphore, #tpu.memory_space<semaphore_mem>>
      %dma_start3A_187 = tpu.memref_slice %arg2[%add3A_105] : memref<320000xi32, #tpu.memory_space<hbm>> -> memref<40xi32, #tpu.memory_space<hbm>>
      %dma_start3A_188 = tpu.memref_slice %arg2[%add3A_105] : memref<320000xi32, #tpu.memory_space<hbm>> -> memref<40xi32, #tpu.memory_space<hbm>>
      tpu.enqueue_dma source(%dma_start3A_188 : memref<40xi32, #tpu.memory_space<hbm>>) target(%arg7 : memref<40xi32, #tpu.memory_space<vmem>>) target_semaphore(%run_scoped3A : memref<!tpu.dma_semaphore, #tpu.memory_space<semaphore_mem>>)
      %dma_wait3A_189 = tpu.memref_slice %arg2[%add3A_105] : memref<320000xi32, #tpu.memory_space<hbm>> -> memref<40xi32, #tpu.memory_space<hbm>>
      %dma_wait3A_190 = tpu.memref_slice %arg2[%add3A_105] : memref<320000xi32, #tpu.memory_space<hbm>> -> memref<40xi32, #tpu.memory_space<hbm>>
      tpu.wait_dma2 semaphore(%run_scoped3A : memref<!tpu.dma_semaphore, #tpu.memory_space<semaphore_mem>>) src(%dma_wait3A_190 : memref<40xi32, #tpu.memory_space<hbm>>) dst(%arg7 : memref<40xi32, #tpu.memory_space<vmem>>)
      tpu.yield
    }) : () -> ()
    %dma_start3A_112 = arith.constant 0 : i32
    %dma_start3A_113 = arith.constant 0 : i32
    %dma_start3A_114 = tpu.memref_slice %arg5[%dma_start3A_112, %dma_start3A_113] : memref<10000x128xf32, #tpu.memory_space<hbm>> -> memref<10000x128xf32, #tpu.memory_space<hbm>>
    tpu.enqueue_indirect_dma source(%dma_start3A_114 : memref<10000x128xf32, #tpu.memory_space<hbm>>) target(%arg22 : memref<40x128xf32, #tpu.memory_space<vmem>>) offsets(%arg7 : memref<40xi32, #tpu.memory_space<vmem>>) semaphore(%arg28 : memref<!tpu.dma_semaphore, #tpu.memory_space<semaphore_mem>>)
    %add3A_115 = arith.constant 40 : i32
    %add3A_116 = arith.addi %mul3A_3, %add3A_115 : i32
    %dma_start3A_117 = tpu.memref_slice %arg3[%add3A_116] : memref<320000xi32, #tpu.memory_space<hbm>> -> memref<40xi32, #tpu.memory_space<hbm>>
    %dma_start3A_118 = tpu.memref_slice %arg3[%add3A_116] : memref<320000xi32, #tpu.memory_space<hbm>> -> memref<40xi32, #tpu.memory_space<hbm>>
    tpu.enqueue_dma source(%dma_start3A_118 : memref<40xi32, #tpu.memory_space<hbm>>) target(%arg13 : memref<40xi32, #tpu.memory_space<vmem>>) target_semaphore(%arg29 : memref<!tpu.dma_semaphore, #tpu.memory_space<semaphore_mem>>)
    %mul3A_119 = arith.constant 8 : i32
    %mul3A_120 = arith.muli %add3A_116, %mul3A_119 : i32
    %dma_start3A_121 = tpu.memref_slice %arg4[%mul3A_120] : memref<2560000xf32, #tpu.memory_space<hbm>> -> memref<320xf32, #tpu.memory_space<hbm>>
    %dma_start3A_122 = tpu.memref_slice %arg4[%mul3A_120] : memref<2560000xf32, #tpu.memory_space<hbm>> -> memref<320xf32, #tpu.memory_space<hbm>>
    tpu.enqueue_dma source(%dma_start3A_122 : memref<320xf32, #tpu.memory_space<hbm>>) target(%arg18 : memref<320xf32, #tpu.memory_space<vmem>>) target_semaphore(%arg29 : memref<!tpu.dma_semaphore, #tpu.memory_space<semaphore_mem>>)
    "tpu.region"() ({
      %run_scoped3A = tpu.sem_alloc : memref<!tpu.dma_semaphore, #tpu.memory_space<semaphore_mem>>
      %dma_start3A_187 = tpu.memref_slice %arg2[%add3A_116] : memref<320000xi32, #tpu.memory_space<hbm>> -> memref<40xi32, #tpu.memory_space<hbm>>
      %dma_start3A_188 = tpu.memref_slice %arg2[%add3A_116] : memref<320000xi32, #tpu.memory_space<hbm>> -> memref<40xi32, #tpu.memory_space<hbm>>
      tpu.enqueue_dma source(%dma_start3A_188 : memref<40xi32, #tpu.memory_space<hbm>>) target(%arg8 : memref<40xi32, #tpu.memory_space<vmem>>) target_semaphore(%run_scoped3A : memref<!tpu.dma_semaphore, #tpu.memory_space<semaphore_mem>>)
      %dma_wait3A_189 = tpu.memref_slice %arg2[%add3A_116] : memref<320000xi32, #tpu.memory_space<hbm>> -> memref<40xi32, #tpu.memory_space<hbm>>
      %dma_wait3A_190 = tpu.memref_slice %arg2[%add3A_116] : memref<320000xi32, #tpu.memory_space<hbm>> -> memref<40xi32, #tpu.memory_space<hbm>>
      tpu.wait_dma2 semaphore(%run_scoped3A : memref<!tpu.dma_semaphore, #tpu.memory_space<semaphore_mem>>) src(%dma_wait3A_190 : memref<40xi32, #tpu.memory_space<hbm>>) dst(%arg8 : memref<40xi32, #tpu.memory_space<vmem>>)
      tpu.yield
    }) : () -> ()
    %dma_start3A_123 = arith.constant 0 : i32
    %dma_start3A_124 = arith.constant 0 : i32
    %dma_start3A_125 = tpu.memref_slice %arg5[%dma_start3A_123, %dma_start3A_124] : memref<10000x128xf32, #tpu.memory_space<hbm>> -> memref<10000x128xf32, #tpu.memory_space<hbm>>
    tpu.enqueue_indirect_dma source(%dma_start3A_125 : memref<10000x128xf32, #tpu.memory_space<hbm>>) target(%arg23 : memref<40x128xf32, #tpu.memory_space<vmem>>) offsets(%arg8 : memref<40xi32, #tpu.memory_space<vmem>>) semaphore(%arg29 : memref<!tpu.dma_semaphore, #tpu.memory_space<semaphore_mem>>)
    %add3A_126 = arith.constant 80 : i32
    %add3A_127 = arith.addi %mul3A_3, %add3A_126 : i32
    %dma_start3A_128 = tpu.memref_slice %arg3[%add3A_127] : memref<320000xi32, #tpu.memory_space<hbm>> -> memref<40xi32, #tpu.memory_space<hbm>>
    %dma_start3A_129 = tpu.memref_slice %arg3[%add3A_127] : memref<320000xi32, #tpu.memory_space<hbm>> -> memref<40xi32, #tpu.memory_space<hbm>>
    tpu.enqueue_dma source(%dma_start3A_129 : memref<40xi32, #tpu.memory_space<hbm>>) target(%arg14 : memref<40xi32, #tpu.memory_space<vmem>>) target_semaphore(%arg30 : memref<!tpu.dma_semaphore, #tpu.memory_space<semaphore_mem>>)
    %mul3A_130 = arith.constant 8 : i32
    %mul3A_131 = arith.muli %add3A_127, %mul3A_130 : i32
    %dma_start3A_132 = tpu.memref_slice %arg4[%mul3A_131] : memref<2560000xf32, #tpu.memory_space<hbm>> -> memref<320xf32, #tpu.memory_space<hbm>>
    %dma_start3A_133 = tpu.memref_slice %arg4[%mul3A_131] : memref<2560000xf32, #tpu.memory_space<hbm>> -> memref<320xf32, #tpu.memory_space<hbm>>
    tpu.enqueue_dma source(%dma_start3A_133 : memref<320xf32, #tpu.memory_space<hbm>>) target(%arg19 : memref<320xf32, #tpu.memory_space<vmem>>) target_semaphore(%arg30 : memref<!tpu.dma_semaphore, #tpu.memory_space<semaphore_mem>>)
    "tpu.region"() ({
      %run_scoped3A = tpu.sem_alloc : memref<!tpu.dma_semaphore, #tpu.memory_space<semaphore_mem>>
      %dma_start3A_187 = tpu.memref_slice %arg2[%add3A_127] : memref<320000xi32, #tpu.memory_space<hbm>> -> memref<40xi32, #tpu.memory_space<hbm>>
      %dma_start3A_188 = tpu.memref_slice %arg2[%add3A_127] : memref<320000xi32, #tpu.memory_space<hbm>> -> memref<40xi32, #tpu.memory_space<hbm>>
      tpu.enqueue_dma source(%dma_start3A_188 : memref<40xi32, #tpu.memory_space<hbm>>) target(%arg9 : memref<40xi32, #tpu.memory_space<vmem>>) target_semaphore(%run_scoped3A : memref<!tpu.dma_semaphore, #tpu.memory_space<semaphore_mem>>)
      %dma_wait3A_189 = tpu.memref_slice %arg2[%add3A_127] : memref<320000xi32, #tpu.memory_space<hbm>> -> memref<40xi32, #tpu.memory_space<hbm>>
      %dma_wait3A_190 = tpu.memref_slice %arg2[%add3A_127] : memref<320000xi32, #tpu.memory_space<hbm>> -> memref<40xi32, #tpu.memory_space<hbm>>
      tpu.wait_dma2 semaphore(%run_scoped3A : memref<!tpu.dma_semaphore, #tpu.memory_space<semaphore_mem>>) src(%dma_wait3A_190 : memref<40xi32, #tpu.memory_space<hbm>>) dst(%arg9 : memref<40xi32, #tpu.memory_space<vmem>>)
      tpu.yield
    }) : () -> ()
    %dma_start3A_134 = arith.constant 0 : i32
    %dma_start3A_135 = arith.constant 0 : i32
    %dma_start3A_136 = tpu.memref_slice %arg5[%dma_start3A_134, %dma_start3A_135] : memref<10000x128xf32, #tpu.memory_space<hbm>> -> memref<10000x128xf32, #tpu.memory_space<hbm>>
    tpu.enqueue_indirect_dma source(%dma_start3A_136 : memref<10000x128xf32, #tpu.memory_space<hbm>>) target(%arg24 : memref<40x128xf32, #tpu.memory_space<vmem>>) offsets(%arg9 : memref<40xi32, #tpu.memory_space<vmem>>) semaphore(%arg30 : memref<!tpu.dma_semaphore, #tpu.memory_space<semaphore_mem>>)
    %add3A_137 = arith.constant 120 : i32
    %add3A_138 = arith.addi %mul3A_3, %add3A_137 : i32
    %dma_start3A_139 = tpu.memref_slice %arg3[%add3A_138] : memref<320000xi32, #tpu.memory_space<hbm>> -> memref<40xi32, #tpu.memory_space<hbm>>
    %dma_start3A_140 = tpu.memref_slice %arg3[%add3A_138] : memref<320000xi32, #tpu.memory_space<hbm>> -> memref<40xi32, #tpu.memory_space<hbm>>
    tpu.enqueue_dma source(%dma_start3A_140 : memref<40xi32, #tpu.memory_space<hbm>>) target(%arg15 : memref<40xi32, #tpu.memory_space<vmem>>) target_semaphore(%arg31 : memref<!tpu.dma_semaphore, #tpu.memory_space<semaphore_mem>>)
    %mul3A_141 = arith.constant 8 : i32
    %mul3A_142 = arith.muli %add3A_138, %mul3A_141 : i32
    %dma_start3A_143 = tpu.memref_slice %arg4[%mul3A_142] : memref<2560000xf32, #tpu.memory_space<hbm>> -> memref<320xf32, #tpu.memory_space<hbm>>
    %dma_start3A_144 = tpu.memref_slice %arg4[%mul3A_142] : memref<2560000xf32, #tpu.memory_space<hbm>> -> memref<320xf32, #tpu.memory_space<hbm>>
    tpu.enqueue_dma source(%dma_start3A_144 : memref<320xf32, #tpu.memory_space<hbm>>) target(%arg20 : memref<320xf32, #tpu.memory_space<vmem>>) target_semaphore(%arg31 : memref<!tpu.dma_semaphore, #tpu.memory_space<semaphore_mem>>)
    "tpu.region"() ({
      %run_scoped3A = tpu.sem_alloc : memref<!tpu.dma_semaphore, #tpu.memory_space<semaphore_mem>>
      %dma_start3A_187 = tpu.memref_slice %arg2[%add3A_138] : memref<320000xi32, #tpu.memory_space<hbm>> -> memref<40xi32, #tpu.memory_space<hbm>>
      %dma_start3A_188 = tpu.memref_slice %arg2[%add3A_138] : memref<320000xi32, #tpu.memory_space<hbm>> -> memref<40xi32, #tpu.memory_space<hbm>>
      tpu.enqueue_dma source(%dma_start3A_188 : memref<40xi32, #tpu.memory_space<hbm>>) target(%arg10 : memref<40xi32, #tpu.memory_space<vmem>>) target_semaphore(%run_scoped3A : memref<!tpu.dma_semaphore, #tpu.memory_space<semaphore_mem>>)
      %dma_wait3A_189 = tpu.memref_slice %arg2[%add3A_138] : memref<320000xi32, #tpu.memory_space<hbm>> -> memref<40xi32, #tpu.memory_space<hbm>>
      %dma_wait3A_190 = tpu.memref_slice %arg2[%add3A_138] : memref<320000xi32, #tpu.memory_space<hbm>> -> memref<40xi32, #tpu.memory_space<hbm>>
      tpu.wait_dma2 semaphore(%run_scoped3A : memref<!tpu.dma_semaphore, #tpu.memory_space<semaphore_mem>>) src(%dma_wait3A_190 : memref<40xi32, #tpu.memory_space<hbm>>) dst(%arg10 : memref<40xi32, #tpu.memory_space<vmem>>)
      tpu.yield
    }) : () -> ()
    %dma_start3A_145 = arith.constant 0 : i32
    %dma_start3A_146 = arith.constant 0 : i32
    %dma_start3A_147 = tpu.memref_slice %arg5[%dma_start3A_145, %dma_start3A_146] : memref<10000x128xf32, #tpu.memory_space<hbm>> -> memref<10000x128xf32, #tpu.memory_space<hbm>>
    tpu.enqueue_indirect_dma source(%dma_start3A_147 : memref<10000x128xf32, #tpu.memory_space<hbm>>) target(%arg25 : memref<40x128xf32, #tpu.memory_space<vmem>>) offsets(%arg10 : memref<40xi32, #tpu.memory_space<vmem>>) semaphore(%arg31 : memref<!tpu.dma_semaphore, #tpu.memory_space<semaphore_mem>>)
    %scan3A_148 = arith.constant 0 : i32
    %scan3A_149 = arith.constant 0 : i32
    %scan3A_150 = arith.constant 50 : i32
    %scan3A_151 = arith.addi %scan3A_149, %scan3A_150 : i32
    %scan3A_152 = arith.constant 1 : i32
    %scan3A_153 = scf.for %scan3A_187 = %scan3A_149 to %scan3A_151 step %scan3A_152 iter_args(%scan3A_188 = %scan3A_148) -> (i32)  : i32 {
      %mul3A_189 = arith.constant 5 : i32
      %mul3A_190 = arith.muli %scan3A_187, %mul3A_189 : i32
      %add3A_191 = arith.constant 0 : i32
      %add3A_192 = arith.addi %mul3A_190, %add3A_191 : i32
      %dma_wait3A_193 = arith.constant 0 : i32
      %dma_wait3A_194 = tpu.memref_slice %arg3[%dma_wait3A_193] : memref<320000xi32, #tpu.memory_space<hbm>> -> memref<40xi32, #tpu.memory_space<hbm>>
      %dma_wait3A_195 = arith.constant 0 : i32
      %dma_wait3A_196 = tpu.memref_slice %arg3[%dma_wait3A_195] : memref<320000xi32, #tpu.memory_space<hbm>> -> memref<40xi32, #tpu.memory_space<hbm>>
      tpu.wait_dma2 semaphore(%arg28 : memref<!tpu.dma_semaphore, #tpu.memory_space<semaphore_mem>>) src(%dma_wait3A_196 : memref<40xi32, #tpu.memory_space<hbm>>) dst(%arg12 : memref<40xi32, #tpu.memory_space<vmem>>)
      %dma_wait3A_197 = arith.constant 0 : i32
      %dma_wait3A_198 = tpu.memref_slice %arg4[%dma_wait3A_197] : memref<2560000xf32, #tpu.memory_space<hbm>> -> memref<320xf32, #tpu.memory_space<hbm>>
      %dma_wait3A_199 = arith.constant 0 : i32
      %dma_wait3A_200 = tpu.memref_slice %arg4[%dma_wait3A_199] : memref<2560000xf32, #tpu.memory_space<hbm>> -> memref<320xf32, #tpu.memory_space<hbm>>
      tpu.wait_dma2 semaphore(%arg28 : memref<!tpu.dma_semaphore, #tpu.memory_space<semaphore_mem>>) src(%dma_wait3A_200 : memref<320xf32, #tpu.memory_space<hbm>>) dst(%arg17 : memref<320xf32, #tpu.memory_space<vmem>>)
      %dma_wait3A_201 = arith.constant 0 : i32
      %dma_wait3A_202 = arith.constant 0 : i32
      %dma_wait3A_203 = tpu.memref_slice %arg5[%dma_wait3A_201, %dma_wait3A_202] : memref<10000x128xf32, #tpu.memory_space<hbm>> -> memref<40x128xf32, #tpu.memory_space<hbm>>
      %dma_wait3A_204 = arith.constant 0 : i32
      %dma_wait3A_205 = arith.constant 0 : i32
      %dma_wait3A_206 = tpu.memref_slice %arg5[%dma_wait3A_204, %dma_wait3A_205] : memref<10000x128xf32, #tpu.memory_space<hbm>> -> memref<40x128xf32, #tpu.memory_space<hbm>>
      tpu.wait_dma2 semaphore(%arg28 : memref<!tpu.dma_semaphore, #tpu.memory_space<semaphore_mem>>) src(%dma_wait3A_206 : memref<40x128xf32, #tpu.memory_space<hbm>>) dst(%arg22 : memref<40x128xf32, #tpu.memory_space<vmem>>)
      %scan3A_207 = arith.constant 0 : i32
      %scan3A_208 = arith.constant 0 : i32
      %scan3A_209 = arith.constant 40 : i32
      %scan3A_210 = arith.addi %scan3A_208, %scan3A_209 : i32
      %scan3A_211 = arith.constant 1 : i32
      %scan3A_212 = scf.for %scan3A_373 = %scan3A_208 to %scan3A_210 step %scan3A_211 iter_args(%scan3A_374 = %scan3A_207) -> (i32)  : i32 {
        %broadcast_in_dim3A_375 = vector.broadcast %scan3A_373 : i32 to vector<16xi32>
        %mul3A_376 = arith.constant 8 : i32
        %mul3A_377 = arith.muli %scan3A_373, %mul3A_376 : i32
        %add3A_378 = arith.constant 0 : i32
        %add3A_379 = arith.addi %mul3A_377, %add3A_378 : i32
        %broadcast_in_dim3A_380 = vector.broadcast %add3A_379 : i32 to vector<16xi32>
        %gather3A = tpu.vector_load_idx %arg17[%broadcast_in_dim3A_380] : memref<320xf32, #tpu.memory_space<vmem>>[vector<16xi32>], vector<16xf32>,
        %add3A_381 = arith.constant 0 : i32
        %add3A_382 = vector.broadcast %add3A_381 : i32 to vector<16xi32>
        %add3A_383 = arith.addi %add3A_382, %iota3A : vector<16xi32>
        %gather3A_384 = tpu.vector_load_idx %arg22[%broadcast_in_dim3A_375, %add3A_383] : memref<40x128xf32, #tpu.memory_space<vmem>>[vector<16xi32>, vector<16xi32>], vector<16xf32>,
        %add3A_385 = arith.constant 0 : i32
        %add3A_386 = vector.broadcast %add3A_385 : i32 to vector<16xi32>
        %add3A_387 = arith.addi %add3A_386, %iota3A : vector<16xi32>
        %mul3A_388 = arith.mulf %gather3A_384, %gather3A : vector<16xf32>
        tpu.vector_store_idx %arg22[%broadcast_in_dim3A_375, %add3A_387], %mul3A_388 : memref<40x128xf32, #tpu.memory_space<vmem>>[vector<16xi32>, vector<16xi32>], vector<16xf32>,
        %mul3A_389 = arith.constant 8 : i32
        %mul3A_390 = arith.muli %scan3A_373, %mul3A_389 : i32
        %add3A_391 = arith.constant 1 : i32
        %add3A_392 = arith.addi %mul3A_390, %add3A_391 : i32
        %broadcast_in_dim3A_393 = vector.broadcast %add3A_392 : i32 to vector<16xi32>
        %gather3A_394 = tpu.vector_load_idx %arg17[%broadcast_in_dim3A_393] : memref<320xf32, #tpu.memory_space<vmem>>[vector<16xi32>], vector<16xf32>,
        %add3A_395 = arith.constant 16 : i32
        %add3A_396 = vector.broadcast %add3A_395 : i32 to vector<16xi32>
        %add3A_397 = arith.addi %add3A_396, %iota3A : vector<16xi32>
        %gather3A_398 = tpu.vector_load_idx %arg22[%broadcast_in_dim3A_375, %add3A_397] : memref<40x128xf32, #tpu.memory_space<vmem>>[vector<16xi32>, vector<16xi32>], vector<16xf32>,
        %add3A_399 = arith.constant 16 : i32
        %add3A_400 = vector.broadcast %add3A_399 : i32 to vector<16xi32>
        %add3A_401 = arith.addi %add3A_400, %iota3A : vector<16xi32>
        %mul3A_402 = arith.mulf %gather3A_398, %gather3A_394 : vector<16xf32>
        tpu.vector_store_idx %arg22[%broadcast_in_dim3A_375, %add3A_401], %mul3A_402 : memref<40x128xf32, #tpu.memory_space<vmem>>[vector<16xi32>, vector<16xi32>], vector<16xf32>,
        %mul3A_403 = arith.constant 8 : i32
        %mul3A_404 = arith.muli %scan3A_373, %mul3A_403 : i32
        %add3A_405 = arith.constant 2 : i32
        %add3A_406 = arith.addi %mul3A_404, %add3A_405 : i32
        %broadcast_in_dim3A_407 = vector.broadcast %add3A_406 : i32 to vector<16xi32>
        %gather3A_408 = tpu.vector_load_idx %arg17[%broadcast_in_dim3A_407] : memref<320xf32, #tpu.memory_space<vmem>>[vector<16xi32>], vector<16xf32>,
        %add3A_409 = arith.constant 32 : i32
        %add3A_410 = vector.broadcast %add3A_409 : i32 to vector<16xi32>
        %add3A_411 = arith.addi %add3A_410, %iota3A : vector<16xi32>
        %gather3A_412 = tpu.vector_load_idx %arg22[%broadcast_in_dim3A_375, %add3A_411] : memref<40x128xf32, #tpu.memory_space<vmem>>[vector<16xi32>, vector<16xi32>], vector<16xf32>,
        %add3A_413 = arith.constant 32 : i32
        %add3A_414 = vector.broadcast %add3A_413 : i32 to vector<16xi32>
        %add3A_415 = arith.addi %add3A_414, %iota3A : vector<16xi32>
        %mul3A_416 = arith.mulf %gather3A_412, %gather3A_408 : vector<16xf32>
        tpu.vector_store_idx %arg22[%broadcast_in_dim3A_375, %add3A_415], %mul3A_416 : memref<40x128xf32, #tpu.memory_space<vmem>>[vector<16xi32>, vector<16xi32>], vector<16xf32>,
        %mul3A_417 = arith.constant 8 : i32
        %mul3A_418 = arith.muli %scan3A_373, %mul3A_417 : i32
        %add3A_419 = arith.constant 3 : i32
        %add3A_420 = arith.addi %mul3A_418, %add3A_419 : i32
        %broadcast_in_dim3A_421 = vector.broadcast %add3A_420 : i32 to vector<16xi32>
        %gather3A_422 = tpu.vector_load_idx %arg17[%broadcast_in_dim3A_421] : memref<320xf32, #tpu.memory_space<vmem>>[vector<16xi32>], vector<16xf32>,
        %add3A_423 = arith.constant 48 : i32
        %add3A_424 = vector.broadcast %add3A_423 : i32 to vector<16xi32>
        %add3A_425 = arith.addi %add3A_424, %iota3A : vector<16xi32>
        %gather3A_426 = tpu.vector_load_idx %arg22[%broadcast_in_dim3A_375, %add3A_425] : memref<40x128xf32, #tpu.memory_space<vmem>>[vector<16xi32>, vector<16xi32>], vector<16xf32>,
        %add3A_427 = arith.constant 48 : i32
        %add3A_428 = vector.broadcast %add3A_427 : i32 to vector<16xi32>
        %add3A_429 = arith.addi %add3A_428, %iota3A : vector<16xi32>
        %mul3A_430 = arith.mulf %gather3A_426, %gather3A_422 : vector<16xf32>
        tpu.vector_store_idx %arg22[%broadcast_in_dim3A_375, %add3A_429], %mul3A_430 : memref<40x128xf32, #tpu.memory_space<vmem>>[vector<16xi32>, vector<16xi32>], vector<16xf32>,
        %mul3A_431 = arith.constant 8 : i32
        %mul3A_432 = arith.muli %scan3A_373, %mul3A_431 : i32
        %add3A_433 = arith.constant 4 : i32
        %add3A_434 = arith.addi %mul3A_432, %add3A_433 : i32
        %broadcast_in_dim3A_435 = vector.broadcast %add3A_434 : i32 to vector<16xi32>
        %gather3A_436 = tpu.vector_load_idx %arg17[%broadcast_in_dim3A_435] : memref<320xf32, #tpu.memory_space<vmem>>[vector<16xi32>], vector<16xf32>,
        %add3A_437 = arith.constant 64 : i32
        %add3A_438 = vector.broadcast %add3A_437 : i32 to vector<16xi32>
        %add3A_439 = arith.addi %add3A_438, %iota3A : vector<16xi32>
        %gather3A_440 = tpu.vector_load_idx %arg22[%broadcast_in_dim3A_375, %add3A_439] : memref<40x128xf32, #tpu.memory_space<vmem>>[vector<16xi32>, vector<16xi32>], vector<16xf32>,
        %add3A_441 = arith.constant 64 : i32
        %add3A_442 = vector.broadcast %add3A_441 : i32 to vector<16xi32>
        %add3A_443 = arith.addi %add3A_442, %iota3A : vector<16xi32>
        %mul3A_444 = arith.mulf %gather3A_440, %gather3A_436 : vector<16xf32>
        tpu.vector_store_idx %arg22[%broadcast_in_dim3A_375, %add3A_443], %mul3A_444 : memref<40x128xf32, #tpu.memory_space<vmem>>[vector<16xi32>, vector<16xi32>], vector<16xf32>,
        %mul3A_445 = arith.constant 8 : i32
        %mul3A_446 = arith.muli %scan3A_373, %mul3A_445 : i32
        %add3A_447 = arith.constant 5 : i32
        %add3A_448 = arith.addi %mul3A_446, %add3A_447 : i32
        %broadcast_in_dim3A_449 = vector.broadcast %add3A_448 : i32 to vector<16xi32>
        %gather3A_450 = tpu.vector_load_idx %arg17[%broadcast_in_dim3A_449] : memref<320xf32, #tpu.memory_space<vmem>>[vector<16xi32>], vector<16xf32>,
        %add3A_451 = arith.constant 80 : i32
        %add3A_452 = vector.broadcast %add3A_451 : i32 to vector<16xi32>
        %add3A_453 = arith.addi %add3A_452, %iota3A : vector<16xi32>
        %gather3A_454 = tpu.vector_load_idx %arg22[%broadcast_in_dim3A_375, %add3A_453] : memref<40x128xf32, #tpu.memory_space<vmem>>[vector<16xi32>, vector<16xi32>], vector<16xf32>,
        %add3A_455 = arith.constant 80 : i32
        %add3A_456 = vector.broadcast %add3A_455 : i32 to vector<16xi32>
        %add3A_457 = arith.addi %add3A_456, %iota3A : vector<16xi32>
        %mul3A_458 = arith.mulf %gather3A_454, %gather3A_450 : vector<16xf32>
        tpu.vector_store_idx %arg22[%broadcast_in_dim3A_375, %add3A_457], %mul3A_458 : memref<40x128xf32, #tpu.memory_space<vmem>>[vector<16xi32>, vector<16xi32>], vector<16xf32>,
        %mul3A_459 = arith.constant 8 : i32
        %mul3A_460 = arith.muli %scan3A_373, %mul3A_459 : i32
        %add3A_461 = arith.constant 6 : i32
        %add3A_462 = arith.addi %mul3A_460, %add3A_461 : i32
        %broadcast_in_dim3A_463 = vector.broadcast %add3A_462 : i32 to vector<16xi32>
        %gather3A_464 = tpu.vector_load_idx %arg17[%broadcast_in_dim3A_463] : memref<320xf32, #tpu.memory_space<vmem>>[vector<16xi32>], vector<16xf32>,
        %add3A_465 = arith.constant 96 : i32
        %add3A_466 = vector.broadcast %add3A_465 : i32 to vector<16xi32>
        %add3A_467 = arith.addi %add3A_466, %iota3A : vector<16xi32>
        %gather3A_468 = tpu.vector_load_idx %arg22[%broadcast_in_dim3A_375, %add3A_467] : memref<40x128xf32, #tpu.memory_space<vmem>>[vector<16xi32>, vector<16xi32>], vector<16xf32>,
        %add3A_469 = arith.constant 96 : i32
        %add3A_470 = vector.broadcast %add3A_469 : i32 to vector<16xi32>
        %add3A_471 = arith.addi %add3A_470, %iota3A : vector<16xi32>
        %mul3A_472 = arith.mulf %gather3A_468, %gather3A_464 : vector<16xf32>
        tpu.vector_store_idx %arg22[%broadcast_in_dim3A_375, %add3A_471], %mul3A_472 : memref<40x128xf32, #tpu.memory_space<vmem>>[vector<16xi32>, vector<16xi32>], vector<16xf32>,
        %mul3A_473 = arith.constant 8 : i32
        %mul3A_474 = arith.muli %scan3A_373, %mul3A_473 : i32
        %add3A_475 = arith.constant 7 : i32
        %add3A_476 = arith.addi %mul3A_474, %add3A_475 : i32
        %broadcast_in_dim3A_477 = vector.broadcast %add3A_476 : i32 to vector<16xi32>
        %gather3A_478 = tpu.vector_load_idx %arg17[%broadcast_in_dim3A_477] : memref<320xf32, #tpu.memory_space<vmem>>[vector<16xi32>], vector<16xf32>,
        %add3A_479 = arith.constant 112 : i32
        %add3A_480 = vector.broadcast %add3A_479 : i32 to vector<16xi32>
        %add3A_481 = arith.addi %add3A_480, %iota3A : vector<16xi32>
        %gather3A_482 = tpu.vector_load_idx %arg22[%broadcast_in_dim3A_375, %add3A_481] : memref<40x128xf32, #tpu.memory_space<vmem>>[vector<16xi32>, vector<16xi32>], vector<16xf32>,
        %add3A_483 = arith.constant 112 : i32
        %add3A_484 = vector.broadcast %add3A_483 : i32 to vector<16xi32>
        %add3A_485 = arith.addi %add3A_484, %iota3A : vector<16xi32>
        %mul3A_486 = arith.mulf %gather3A_482, %gather3A_478 : vector<16xf32>
        tpu.vector_store_idx %arg22[%broadcast_in_dim3A_375, %add3A_485], %mul3A_486 : memref<40x128xf32, #tpu.memory_space<vmem>>[vector<16xi32>, vector<16xi32>], vector<16xf32>,
        %scan3A_487 = arith.constant 0 : i32
        scf.yield %scan3A_487 : i32
      }
      %scan3A_213 = arith.constant 40 : i32
      %dma_start3A_214 = arith.constant 0 : i32
      %dma_start3A_215 = arith.constant 0 : i32
      %dma_start3A_216 = tpu.memref_slice %arg27[%dma_start3A_214, %dma_start3A_215] : memref<10240x128xf32, #tpu.memory_space<vmem_shared>> -> memref<10240x128xf32, #tpu.memory_space<vmem_shared>>
      tpu.enqueue_indirect_dma source(%arg22 : memref<40x128xf32, #tpu.memory_space<vmem>>) target(%dma_start3A_216 : memref<10240x128xf32, #tpu.memory_space<vmem_shared>>) offsets(%arg12 : memref<40xi32, #tpu.memory_space<vmem>>) semaphore(%arg33 : memref<!tpu.dma_semaphore, #tpu.memory_space<semaphore_mem>>) {add = true}
      %add3A_217 = arith.constant 5 : i32
      %add3A_218 = arith.addi %add3A_192, %add3A_217 : i32
      %sub3A = arith.constant 1 : i32
      %sub3A_219 = arith.subi %add3A_218, %sub3A : i32
      %lt3A = arith.constant 250 : i32
      %lt3A_220 = arith.cmpi slt, %sub3A_219, %lt3A : i32
      %convert_element_type3A_221 = arith.extui %lt3A_220 : i1 to i32
      %cond3A_222 = arith.constant 0 : i32
      %cond3A_223 = arith.cmpi ne, %convert_element_type3A_221, %cond3A_222 : i32
      scf.if %cond3A_223 {
        %dma_wait3A_373 = arith.constant 0 : i32
        %dma_wait3A_374 = arith.constant 0 : i32
        %dma_wait3A_375 = tpu.memref_slice %arg5[%dma_wait3A_373, %dma_wait3A_374] : memref<10000x128xf32, #tpu.memory_space<hbm>> -> memref<40x128xf32, #tpu.memory_space<hbm>>
        %dma_wait3A_376 = arith.constant 0 : i32
        %dma_wait3A_377 = arith.constant 0 : i32
        %dma_wait3A_378 = tpu.memref_slice %arg5[%dma_wait3A_376, %dma_wait3A_377] : memref<10000x128xf32, #tpu.memory_space<hbm>> -> memref<40x128xf32, #tpu.memory_space<hbm>>
        tpu.wait_dma2 semaphore(%arg37 : memref<!tpu.dma_semaphore, #tpu.memory_space<semaphore_mem>>) src(%dma_wait3A_378 : memref<40x128xf32, #tpu.memory_space<hbm>>) dst(%arg26 : memref<40x128xf32, #tpu.memory_space<vmem>>)
        %add3A_379 = arith.constant 5 : i32
        %add3A_380 = arith.addi %add3A_192, %add3A_379 : i32
        %sub3A_381 = arith.constant 1 : i32
        %sub3A_382 = arith.subi %add3A_380, %sub3A_381 : i32
        %mul3A_383 = arith.constant 40 : i32
        %mul3A_384 = arith.muli %sub3A_382, %mul3A_383 : i32
        %add3A_385 = arith.addi %mul3A_3, %mul3A_384 : i32
        %dma_start3A_386 = tpu.memref_slice %arg3[%add3A_385] : memref<320000xi32, #tpu.memory_space<hbm>> -> memref<40xi32, #tpu.memory_space<hbm>>
        %dma_start3A_387 = tpu.memref_slice %arg3[%add3A_385] : memref<320000xi32, #tpu.memory_space<hbm>> -> memref<40xi32, #tpu.memory_space<hbm>>
        tpu.enqueue_dma source(%dma_start3A_387 : memref<40xi32, #tpu.memory_space<hbm>>) target(%arg16 : memref<40xi32, #tpu.memory_space<vmem>>) target_semaphore(%arg32 : memref<!tpu.dma_semaphore, #tpu.memory_space<semaphore_mem>>)
        %mul3A_388 = arith.constant 8 : i32
        %mul3A_389 = arith.muli %add3A_385, %mul3A_388 : i32
        %dma_start3A_390 = tpu.memref_slice %arg4[%mul3A_389] : memref<2560000xf32, #tpu.memory_space<hbm>> -> memref<320xf32, #tpu.memory_space<hbm>>
        %dma_start3A_391 = tpu.memref_slice %arg4[%mul3A_389] : memref<2560000xf32, #tpu.memory_space<hbm>> -> memref<320xf32, #tpu.memory_space<hbm>>
        tpu.enqueue_dma source(%dma_start3A_391 : memref<320xf32, #tpu.memory_space<hbm>>) target(%arg21 : memref<320xf32, #tpu.memory_space<vmem>>) target_semaphore(%arg32 : memref<!tpu.dma_semaphore, #tpu.memory_space<semaphore_mem>>)
        "tpu.region"() ({
          %run_scoped3A = tpu.sem_alloc : memref<!tpu.dma_semaphore, #tpu.memory_space<semaphore_mem>>
          %dma_start3A_395 = tpu.memref_slice %arg2[%add3A_385] : memref<320000xi32, #tpu.memory_space<hbm>> -> memref<40xi32, #tpu.memory_space<hbm>>
          %dma_start3A_396 = tpu.memref_slice %arg2[%add3A_385] : memref<320000xi32, #tpu.memory_space<hbm>> -> memref<40xi32, #tpu.memory_space<hbm>>
          tpu.enqueue_dma source(%dma_start3A_396 : memref<40xi32, #tpu.memory_space<hbm>>) target(%arg11 : memref<40xi32, #tpu.memory_space<vmem>>) target_semaphore(%run_scoped3A : memref<!tpu.dma_semaphore, #tpu.memory_space<semaphore_mem>>)
          %dma_wait3A_397 = tpu.memref_slice %arg2[%add3A_385] : memref<320000xi32, #tpu.memory_space<hbm>> -> memref<40xi32, #tpu.memory_space<hbm>>
          %dma_wait3A_398 = tpu.memref_slice %arg2[%add3A_385] : memref<320000xi32, #tpu.memory_space<hbm>> -> memref<40xi32, #tpu.memory_space<hbm>>
          tpu.wait_dma2 semaphore(%run_scoped3A : memref<!tpu.dma_semaphore, #tpu.memory_space<semaphore_mem>>) src(%dma_wait3A_398 : memref<40xi32, #tpu.memory_space<hbm>>) dst(%arg11 : memref<40xi32, #tpu.memory_space<vmem>>)
          tpu.yield
        }) : () -> ()
        %dma_start3A_392 = arith.constant 0 : i32
        %dma_start3A_393 = arith.constant 0 : i32
        %dma_start3A_394 = tpu.memref_slice %arg5[%dma_start3A_392, %dma_start3A_393] : memref<10000x128xf32, #tpu.memory_space<hbm>> -> memref<10000x128xf32, #tpu.memory_space<hbm>>
        tpu.enqueue_indirect_dma source(%dma_start3A_394 : memref<10000x128xf32, #tpu.memory_space<hbm>>) target(%arg26 : memref<40x128xf32, #tpu.memory_space<vmem>>) offsets(%arg11 : memref<40xi32, #tpu.memory_space<vmem>>) semaphore(%arg32 : memref<!tpu.dma_semaphore, #tpu.memory_space<semaphore_mem>>)
      } else {
      }
      %mul3A_224 = arith.constant 5 : i32
      %mul3A_225 = arith.muli %scan3A_187, %mul3A_224 : i32
      %add3A_226 = arith.constant 1 : i32
      %add3A_227 = arith.addi %mul3A_225, %add3A_226 : i32
      %dma_wait3A_228 = arith.constant 0 : i32
      %dma_wait3A_229 = tpu.memref_slice %arg3[%dma_wait3A_228] : memref<320000xi32, #tpu.memory_space<hbm>> -> memref<40xi32, #tpu.memory_space<hbm>>
      %dma_wait3A_230 = arith.constant 0 : i32
      %dma_wait3A_231 = tpu.memref_slice %arg3[%dma_wait3A_230] : memref<320000xi32, #tpu.memory_space<hbm>> -> memref<40xi32, #tpu.memory_space<hbm>>
      tpu.wait_dma2 semaphore(%arg29 : memref<!tpu.dma_semaphore, #tpu.memory_space<semaphore_mem>>) src(%dma_wait3A_231 : memref<40xi32, #tpu.memory_space<hbm>>) dst(%arg13 : memref<40xi32, #tpu.memory_space<vmem>>)
      %dma_wait3A_232 = arith.constant 0 : i32
      %dma_wait3A_233 = tpu.memref_slice %arg4[%dma_wait3A_232] : memref<2560000xf32, #tpu.memory_space<hbm>> -> memref<320xf32, #tpu.memory_space<hbm>>
      %dma_wait3A_234 = arith.constant 0 : i32
      %dma_wait3A_235 = tpu.memref_slice %arg4[%dma_wait3A_234] : memref<2560000xf32, #tpu.memory_space<hbm>> -> memref<320xf32, #tpu.memory_space<hbm>>
      tpu.wait_dma2 semaphore(%arg29 : memref<!tpu.dma_semaphore, #tpu.memory_space<semaphore_mem>>) src(%dma_wait3A_235 : memref<320xf32, #tpu.memory_space<hbm>>) dst(%arg18 : memref<320xf32, #tpu.memory_space<vmem>>)
      %dma_wait3A_236 = arith.constant 0 : i32
      %dma_wait3A_237 = arith.constant 0 : i32
      %dma_wait3A_238 = tpu.memref_slice %arg5[%dma_wait3A_236, %dma_wait3A_237] : memref<10000x128xf32, #tpu.memory_space<hbm>> -> memref<40x128xf32, #tpu.memory_space<hbm>>
      %dma_wait3A_239 = arith.constant 0 : i32
      %dma_wait3A_240 = arith.constant 0 : i32
      %dma_wait3A_241 = tpu.memref_slice %arg5[%dma_wait3A_239, %dma_wait3A_240] : memref<10000x128xf32, #tpu.memory_space<hbm>> -> memref<40x128xf32, #tpu.memory_space<hbm>>
      tpu.wait_dma2 semaphore(%arg29 : memref<!tpu.dma_semaphore, #tpu.memory_space<semaphore_mem>>) src(%dma_wait3A_241 : memref<40x128xf32, #tpu.memory_space<hbm>>) dst(%arg23 : memref<40x128xf32, #tpu.memory_space<vmem>>)
      %scan3A_242 = arith.constant 0 : i32
      %scan3A_243 = arith.constant 0 : i32
      %scan3A_244 = arith.constant 40 : i32
      %scan3A_245 = arith.addi %scan3A_243, %scan3A_244 : i32
      %scan3A_246 = arith.constant 1 : i32
      %scan3A_247 = scf.for %scan3A_373 = %scan3A_243 to %scan3A_245 step %scan3A_246 iter_args(%scan3A_374 = %scan3A_242) -> (i32)  : i32 {
        %broadcast_in_dim3A_375 = vector.broadcast %scan3A_373 : i32 to vector<16xi32>
        %mul3A_376 = arith.constant 8 : i32
        %mul3A_377 = arith.muli %scan3A_373, %mul3A_376 : i32
        %add3A_378 = arith.constant 0 : i32
        %add3A_379 = arith.addi %mul3A_377, %add3A_378 : i32
        %broadcast_in_dim3A_380 = vector.broadcast %add3A_379 : i32 to vector<16xi32>
        %gather3A = tpu.vector_load_idx %arg18[%broadcast_in_dim3A_380] : memref<320xf32, #tpu.memory_space<vmem>>[vector<16xi32>], vector<16xf32>,
        %add3A_381 = arith.constant 0 : i32
        %add3A_382 = vector.broadcast %add3A_381 : i32 to vector<16xi32>
        %add3A_383 = arith.addi %add3A_382, %iota3A : vector<16xi32>
        %gather3A_384 = tpu.vector_load_idx %arg23[%broadcast_in_dim3A_375, %add3A_383] : memref<40x128xf32, #tpu.memory_space<vmem>>[vector<16xi32>, vector<16xi32>], vector<16xf32>,
        %add3A_385 = arith.constant 0 : i32
        %add3A_386 = vector.broadcast %add3A_385 : i32 to vector<16xi32>
        %add3A_387 = arith.addi %add3A_386, %iota3A : vector<16xi32>
        %mul3A_388 = arith.mulf %gather3A_384, %gather3A : vector<16xf32>
        tpu.vector_store_idx %arg23[%broadcast_in_dim3A_375, %add3A_387], %mul3A_388 : memref<40x128xf32, #tpu.memory_space<vmem>>[vector<16xi32>, vector<16xi32>], vector<16xf32>,
        %mul3A_389 = arith.constant 8 : i32
        %mul3A_390 = arith.muli %scan3A_373, %mul3A_389 : i32
        %add3A_391 = arith.constant 1 : i32
        %add3A_392 = arith.addi %mul3A_390, %add3A_391 : i32
        %broadcast_in_dim3A_393 = vector.broadcast %add3A_392 : i32 to vector<16xi32>
        %gather3A_394 = tpu.vector_load_idx %arg18[%broadcast_in_dim3A_393] : memref<320xf32, #tpu.memory_space<vmem>>[vector<16xi32>], vector<16xf32>,
        %add3A_395 = arith.constant 16 : i32
        %add3A_396 = vector.broadcast %add3A_395 : i32 to vector<16xi32>
        %add3A_397 = arith.addi %add3A_396, %iota3A : vector<16xi32>
        %gather3A_398 = tpu.vector_load_idx %arg23[%broadcast_in_dim3A_375, %add3A_397] : memref<40x128xf32, #tpu.memory_space<vmem>>[vector<16xi32>, vector<16xi32>], vector<16xf32>,
        %add3A_399 = arith.constant 16 : i32
        %add3A_400 = vector.broadcast %add3A_399 : i32 to vector<16xi32>
        %add3A_401 = arith.addi %add3A_400, %iota3A : vector<16xi32>
        %mul3A_402 = arith.mulf %gather3A_398, %gather3A_394 : vector<16xf32>
        tpu.vector_store_idx %arg23[%broadcast_in_dim3A_375, %add3A_401], %mul3A_402 : memref<40x128xf32, #tpu.memory_space<vmem>>[vector<16xi32>, vector<16xi32>], vector<16xf32>,
        %mul3A_403 = arith.constant 8 : i32
        %mul3A_404 = arith.muli %scan3A_373, %mul3A_403 : i32
        %add3A_405 = arith.constant 2 : i32
        %add3A_406 = arith.addi %mul3A_404, %add3A_405 : i32
        %broadcast_in_dim3A_407 = vector.broadcast %add3A_406 : i32 to vector<16xi32>
        %gather3A_408 = tpu.vector_load_idx %arg18[%broadcast_in_dim3A_407] : memref<320xf32, #tpu.memory_space<vmem>>[vector<16xi32>], vector<16xf32>,
        %add3A_409 = arith.constant 32 : i32
        %add3A_410 = vector.broadcast %add3A_409 : i32 to vector<16xi32>
        %add3A_411 = arith.addi %add3A_410, %iota3A : vector<16xi32>
        %gather3A_412 = tpu.vector_load_idx %arg23[%broadcast_in_dim3A_375, %add3A_411] : memref<40x128xf32, #tpu.memory_space<vmem>>[vector<16xi32>, vector<16xi32>], vector<16xf32>,
        %add3A_413 = arith.constant 32 : i32
        %add3A_414 = vector.broadcast %add3A_413 : i32 to vector<16xi32>
        %add3A_415 = arith.addi %add3A_414, %iota3A : vector<16xi32>
        %mul3A_416 = arith.mulf %gather3A_412, %gather3A_408 : vector<16xf32>
        tpu.vector_store_idx %arg23[%broadcast_in_dim3A_375, %add3A_415], %mul3A_416 : memref<40x128xf32, #tpu.memory_space<vmem>>[vector<16xi32>, vector<16xi32>], vector<16xf32>,
        %mul3A_417 = arith.constant 8 : i32
        %mul3A_418 = arith.muli %scan3A_373, %mul3A_417 : i32
        %add3A_419 = arith.constant 3 : i32
        %add3A_420 = arith.addi %mul3A_418, %add3A_419 : i32
        %broadcast_in_dim3A_421 = vector.broadcast %add3A_420 : i32 to vector<16xi32>
        %gather3A_422 = tpu.vector_load_idx %arg18[%broadcast_in_dim3A_421] : memref<320xf32, #tpu.memory_space<vmem>>[vector<16xi32>], vector<16xf32>,
        %add3A_423 = arith.constant 48 : i32
        %add3A_424 = vector.broadcast %add3A_423 : i32 to vector<16xi32>
        %add3A_425 = arith.addi %add3A_424, %iota3A : vector<16xi32>
        %gather3A_426 = tpu.vector_load_idx %arg23[%broadcast_in_dim3A_375, %add3A_425] : memref<40x128xf32, #tpu.memory_space<vmem>>[vector<16xi32>, vector<16xi32>], vector<16xf32>,
        %add3A_427 = arith.constant 48 : i32
        %add3A_428 = vector.broadcast %add3A_427 : i32 to vector<16xi32>
        %add3A_429 = arith.addi %add3A_428, %iota3A : vector<16xi32>
        %mul3A_430 = arith.mulf %gather3A_426, %gather3A_422 : vector<16xf32>
        tpu.vector_store_idx %arg23[%broadcast_in_dim3A_375, %add3A_429], %mul3A_430 : memref<40x128xf32, #tpu.memory_space<vmem>>[vector<16xi32>, vector<16xi32>], vector<16xf32>,
        %mul3A_431 = arith.constant 8 : i32
        %mul3A_432 = arith.muli %scan3A_373, %mul3A_431 : i32
        %add3A_433 = arith.constant 4 : i32
        %add3A_434 = arith.addi %mul3A_432, %add3A_433 : i32
        %broadcast_in_dim3A_435 = vector.broadcast %add3A_434 : i32 to vector<16xi32>
        %gather3A_436 = tpu.vector_load_idx %arg18[%broadcast_in_dim3A_435] : memref<320xf32, #tpu.memory_space<vmem>>[vector<16xi32>], vector<16xf32>,
        %add3A_437 = arith.constant 64 : i32
        %add3A_438 = vector.broadcast %add3A_437 : i32 to vector<16xi32>
        %add3A_439 = arith.addi %add3A_438, %iota3A : vector<16xi32>
        %gather3A_440 = tpu.vector_load_idx %arg23[%broadcast_in_dim3A_375, %add3A_439] : memref<40x128xf32, #tpu.memory_space<vmem>>[vector<16xi32>, vector<16xi32>], vector<16xf32>,
        %add3A_441 = arith.constant 64 : i32
        %add3A_442 = vector.broadcast %add3A_441 : i32 to vector<16xi32>
        %add3A_443 = arith.addi %add3A_442, %iota3A : vector<16xi32>
        %mul3A_444 = arith.mulf %gather3A_440, %gather3A_436 : vector<16xf32>
        tpu.vector_store_idx %arg23[%broadcast_in_dim3A_375, %add3A_443], %mul3A_444 : memref<40x128xf32, #tpu.memory_space<vmem>>[vector<16xi32>, vector<16xi32>], vector<16xf32>,
        %mul3A_445 = arith.constant 8 : i32
        %mul3A_446 = arith.muli %scan3A_373, %mul3A_445 : i32
        %add3A_447 = arith.constant 5 : i32
        %add3A_448 = arith.addi %mul3A_446, %add3A_447 : i32
        %broadcast_in_dim3A_449 = vector.broadcast %add3A_448 : i32 to vector<16xi32>
        %gather3A_450 = tpu.vector_load_idx %arg18[%broadcast_in_dim3A_449] : memref<320xf32, #tpu.memory_space<vmem>>[vector<16xi32>], vector<16xf32>,
        %add3A_451 = arith.constant 80 : i32
        %add3A_452 = vector.broadcast %add3A_451 : i32 to vector<16xi32>
        %add3A_453 = arith.addi %add3A_452, %iota3A : vector<16xi32>
        %gather3A_454 = tpu.vector_load_idx %arg23[%broadcast_in_dim3A_375, %add3A_453] : memref<40x128xf32, #tpu.memory_space<vmem>>[vector<16xi32>, vector<16xi32>], vector<16xf32>,
        %add3A_455 = arith.constant 80 : i32
        %add3A_456 = vector.broadcast %add3A_455 : i32 to vector<16xi32>
        %add3A_457 = arith.addi %add3A_456, %iota3A : vector<16xi32>
        %mul3A_458 = arith.mulf %gather3A_454, %gather3A_450 : vector<16xf32>
        tpu.vector_store_idx %arg23[%broadcast_in_dim3A_375, %add3A_457], %mul3A_458 : memref<40x128xf32, #tpu.memory_space<vmem>>[vector<16xi32>, vector<16xi32>], vector<16xf32>,
        %mul3A_459 = arith.constant 8 : i32
        %mul3A_460 = arith.muli %scan3A_373, %mul3A_459 : i32
        %add3A_461 = arith.constant 6 : i32
        %add3A_462 = arith.addi %mul3A_460, %add3A_461 : i32
        %broadcast_in_dim3A_463 = vector.broadcast %add3A_462 : i32 to vector<16xi32>
        %gather3A_464 = tpu.vector_load_idx %arg18[%broadcast_in_dim3A_463] : memref<320xf32, #tpu.memory_space<vmem>>[vector<16xi32>], vector<16xf32>,
        %add3A_465 = arith.constant 96 : i32
        %add3A_466 = vector.broadcast %add3A_465 : i32 to vector<16xi32>
        %add3A_467 = arith.addi %add3A_466, %iota3A : vector<16xi32>
        %gather3A_468 = tpu.vector_load_idx %arg23[%broadcast_in_dim3A_375, %add3A_467] : memref<40x128xf32, #tpu.memory_space<vmem>>[vector<16xi32>, vector<16xi32>], vector<16xf32>,
        %add3A_469 = arith.constant 96 : i32
        %add3A_470 = vector.broadcast %add3A_469 : i32 to vector<16xi32>
        %add3A_471 = arith.addi %add3A_470, %iota3A : vector<16xi32>
        %mul3A_472 = arith.mulf %gather3A_468, %gather3A_464 : vector<16xf32>
        tpu.vector_store_idx %arg23[%broadcast_in_dim3A_375, %add3A_471], %mul3A_472 : memref<40x128xf32, #tpu.memory_space<vmem>>[vector<16xi32>, vector<16xi32>], vector<16xf32>,
        %mul3A_473 = arith.constant 8 : i32
        %mul3A_474 = arith.muli %scan3A_373, %mul3A_473 : i32
        %add3A_475 = arith.constant 7 : i32
        %add3A_476 = arith.addi %mul3A_474, %add3A_475 : i32
        %broadcast_in_dim3A_477 = vector.broadcast %add3A_476 : i32 to vector<16xi32>
        %gather3A_478 = tpu.vector_load_idx %arg18[%broadcast_in_dim3A_477] : memref<320xf32, #tpu.memory_space<vmem>>[vector<16xi32>], vector<16xf32>,
        %add3A_479 = arith.constant 112 : i32
        %add3A_480 = vector.broadcast %add3A_479 : i32 to vector<16xi32>
        %add3A_481 = arith.addi %add3A_480, %iota3A : vector<16xi32>
        %gather3A_482 = tpu.vector_load_idx %arg23[%broadcast_in_dim3A_375, %add3A_481] : memref<40x128xf32, #tpu.memory_space<vmem>>[vector<16xi32>, vector<16xi32>], vector<16xf32>,
        %add3A_483 = arith.constant 112 : i32
        %add3A_484 = vector.broadcast %add3A_483 : i32 to vector<16xi32>
        %add3A_485 = arith.addi %add3A_484, %iota3A : vector<16xi32>
        %mul3A_486 = arith.mulf %gather3A_482, %gather3A_478 : vector<16xf32>
        tpu.vector_store_idx %arg23[%broadcast_in_dim3A_375, %add3A_485], %mul3A_486 : memref<40x128xf32, #tpu.memory_space<vmem>>[vector<16xi32>, vector<16xi32>], vector<16xf32>,
        %scan3A_487 = arith.constant 0 : i32
        scf.yield %scan3A_487 : i32
      }
      %scan3A_248 = arith.constant 40 : i32
      %dma_start3A_249 = arith.constant 0 : i32
      %dma_start3A_250 = arith.constant 0 : i32
      %dma_start3A_251 = tpu.memref_slice %arg27[%dma_start3A_249, %dma_start3A_250] : memref<10240x128xf32, #tpu.memory_space<vmem_shared>> -> memref<10240x128xf32, #tpu.memory_space<vmem_shared>>
      tpu.enqueue_indirect_dma source(%arg23 : memref<40x128xf32, #tpu.memory_space<vmem>>) target(%dma_start3A_251 : memref<10240x128xf32, #tpu.memory_space<vmem_shared>>) offsets(%arg13 : memref<40xi32, #tpu.memory_space<vmem>>) semaphore(%arg34 : memref<!tpu.dma_semaphore, #tpu.memory_space<semaphore_mem>>) {add = true}
      %add3A_252 = arith.constant 5 : i32
      %add3A_253 = arith.addi %add3A_227, %add3A_252 : i32
      %sub3A_254 = arith.constant 1 : i32
      %sub3A_255 = arith.subi %add3A_253, %sub3A_254 : i32
      %lt3A_256 = arith.constant 250 : i32
      %lt3A_257 = arith.cmpi slt, %sub3A_255, %lt3A_256 : i32
      %convert_element_type3A_258 = arith.extui %lt3A_257 : i1 to i32
      %cond3A_259 = arith.constant 0 : i32
      %cond3A_260 = arith.cmpi ne, %convert_element_type3A_258, %cond3A_259 : i32
      scf.if %cond3A_260 {
        %dma_wait3A_373 = arith.constant 0 : i32
        %dma_wait3A_374 = arith.constant 0 : i32
        %dma_wait3A_375 = tpu.memref_slice %arg5[%dma_wait3A_373, %dma_wait3A_374] : memref<10000x128xf32, #tpu.memory_space<hbm>> -> memref<40x128xf32, #tpu.memory_space<hbm>>
        %dma_wait3A_376 = arith.constant 0 : i32
        %dma_wait3A_377 = arith.constant 0 : i32
        %dma_wait3A_378 = tpu.memref_slice %arg5[%dma_wait3A_376, %dma_wait3A_377] : memref<10000x128xf32, #tpu.memory_space<hbm>> -> memref<40x128xf32, #tpu.memory_space<hbm>>
        tpu.wait_dma2 semaphore(%arg33 : memref<!tpu.dma_semaphore, #tpu.memory_space<semaphore_mem>>) src(%dma_wait3A_378 : memref<40x128xf32, #tpu.memory_space<hbm>>) dst(%arg22 : memref<40x128xf32, #tpu.memory_space<vmem>>)
        %add3A_379 = arith.constant 5 : i32
        %add3A_380 = arith.addi %add3A_227, %add3A_379 : i32
        %sub3A_381 = arith.constant 1 : i32
        %sub3A_382 = arith.subi %add3A_380, %sub3A_381 : i32
        %mul3A_383 = arith.constant 40 : i32
        %mul3A_384 = arith.muli %sub3A_382, %mul3A_383 : i32
        %add3A_385 = arith.addi %mul3A_3, %mul3A_384 : i32
        %dma_start3A_386 = tpu.memref_slice %arg3[%add3A_385] : memref<320000xi32, #tpu.memory_space<hbm>> -> memref<40xi32, #tpu.memory_space<hbm>>
        %dma_start3A_387 = tpu.memref_slice %arg3[%add3A_385] : memref<320000xi32, #tpu.memory_space<hbm>> -> memref<40xi32, #tpu.memory_space<hbm>>
        tpu.enqueue_dma source(%dma_start3A_387 : memref<40xi32, #tpu.memory_space<hbm>>) target(%arg12 : memref<40xi32, #tpu.memory_space<vmem>>) target_semaphore(%arg28 : memref<!tpu.dma_semaphore, #tpu.memory_space<semaphore_mem>>)
        %mul3A_388 = arith.constant 8 : i32
        %mul3A_389 = arith.muli %add3A_385, %mul3A_388 : i32
        %dma_start3A_390 = tpu.memref_slice %arg4[%mul3A_389] : memref<2560000xf32, #tpu.memory_space<hbm>> -> memref<320xf32, #tpu.memory_space<hbm>>
        %dma_start3A_391 = tpu.memref_slice %arg4[%mul3A_389] : memref<2560000xf32, #tpu.memory_space<hbm>> -> memref<320xf32, #tpu.memory_space<hbm>>
        tpu.enqueue_dma source(%dma_start3A_391 : memref<320xf32, #tpu.memory_space<hbm>>) target(%arg17 : memref<320xf32, #tpu.memory_space<vmem>>) target_semaphore(%arg28 : memref<!tpu.dma_semaphore, #tpu.memory_space<semaphore_mem>>)
        "tpu.region"() ({
          %run_scoped3A = tpu.sem_alloc : memref<!tpu.dma_semaphore, #tpu.memory_space<semaphore_mem>>
          %dma_start3A_395 = tpu.memref_slice %arg2[%add3A_385] : memref<320000xi32, #tpu.memory_space<hbm>> -> memref<40xi32, #tpu.memory_space<hbm>>
          %dma_start3A_396 = tpu.memref_slice %arg2[%add3A_385] : memref<320000xi32, #tpu.memory_space<hbm>> -> memref<40xi32, #tpu.memory_space<hbm>>
          tpu.enqueue_dma source(%dma_start3A_396 : memref<40xi32, #tpu.memory_space<hbm>>) target(%arg7 : memref<40xi32, #tpu.memory_space<vmem>>) target_semaphore(%run_scoped3A : memref<!tpu.dma_semaphore, #tpu.memory_space<semaphore_mem>>)
          %dma_wait3A_397 = tpu.memref_slice %arg2[%add3A_385] : memref<320000xi32, #tpu.memory_space<hbm>> -> memref<40xi32, #tpu.memory_space<hbm>>
          %dma_wait3A_398 = tpu.memref_slice %arg2[%add3A_385] : memref<320000xi32, #tpu.memory_space<hbm>> -> memref<40xi32, #tpu.memory_space<hbm>>
          tpu.wait_dma2 semaphore(%run_scoped3A : memref<!tpu.dma_semaphore, #tpu.memory_space<semaphore_mem>>) src(%dma_wait3A_398 : memref<40xi32, #tpu.memory_space<hbm>>) dst(%arg7 : memref<40xi32, #tpu.memory_space<vmem>>)
          tpu.yield
        }) : () -> ()
        %dma_start3A_392 = arith.constant 0 : i32
        %dma_start3A_393 = arith.constant 0 : i32
        %dma_start3A_394 = tpu.memref_slice %arg5[%dma_start3A_392, %dma_start3A_393] : memref<10000x128xf32, #tpu.memory_space<hbm>> -> memref<10000x128xf32, #tpu.memory_space<hbm>>
        tpu.enqueue_indirect_dma source(%dma_start3A_394 : memref<10000x128xf32, #tpu.memory_space<hbm>>) target(%arg22 : memref<40x128xf32, #tpu.memory_space<vmem>>) offsets(%arg7 : memref<40xi32, #tpu.memory_space<vmem>>) semaphore(%arg28 : memref<!tpu.dma_semaphore, #tpu.memory_space<semaphore_mem>>)
      } else {
      }
      %mul3A_261 = arith.constant 5 : i32
      %mul3A_262 = arith.muli %scan3A_187, %mul3A_261 : i32
      %add3A_263 = arith.constant 2 : i32
      %add3A_264 = arith.addi %mul3A_262, %add3A_263 : i32
      %dma_wait3A_265 = arith.constant 0 : i32
      %dma_wait3A_266 = tpu.memref_slice %arg3[%dma_wait3A_265] : memref<320000xi32, #tpu.memory_space<hbm>> -> memref<40xi32, #tpu.memory_space<hbm>>
      %dma_wait3A_267 = arith.constant 0 : i32
      %dma_wait3A_268 = tpu.memref_slice %arg3[%dma_wait3A_267] : memref<320000xi32, #tpu.memory_space<hbm>> -> memref<40xi32, #tpu.memory_space<hbm>>
      tpu.wait_dma2 semaphore(%arg30 : memref<!tpu.dma_semaphore, #tpu.memory_space<semaphore_mem>>) src(%dma_wait3A_268 : memref<40xi32, #tpu.memory_space<hbm>>) dst(%arg14 : memref<40xi32, #tpu.memory_space<vmem>>)
      %dma_wait3A_269 = arith.constant 0 : i32
      %dma_wait3A_270 = tpu.memref_slice %arg4[%dma_wait3A_269] : memref<2560000xf32, #tpu.memory_space<hbm>> -> memref<320xf32, #tpu.memory_space<hbm>>
      %dma_wait3A_271 = arith.constant 0 : i32
      %dma_wait3A_272 = tpu.memref_slice %arg4[%dma_wait3A_271] : memref<2560000xf32, #tpu.memory_space<hbm>> -> memref<320xf32, #tpu.memory_space<hbm>>
      tpu.wait_dma2 semaphore(%arg30 : memref<!tpu.dma_semaphore, #tpu.memory_space<semaphore_mem>>) src(%dma_wait3A_272 : memref<320xf32, #tpu.memory_space<hbm>>) dst(%arg19 : memref<320xf32, #tpu.memory_space<vmem>>)
      %dma_wait3A_273 = arith.constant 0 : i32
      %dma_wait3A_274 = arith.constant 0 : i32
      %dma_wait3A_275 = tpu.memref_slice %arg5[%dma_wait3A_273, %dma_wait3A_274] : memref<10000x128xf32, #tpu.memory_space<hbm>> -> memref<40x128xf32, #tpu.memory_space<hbm>>
      %dma_wait3A_276 = arith.constant 0 : i32
      %dma_wait3A_277 = arith.constant 0 : i32
      %dma_wait3A_278 = tpu.memref_slice %arg5[%dma_wait3A_276, %dma_wait3A_277] : memref<10000x128xf32, #tpu.memory_space<hbm>> -> memref<40x128xf32, #tpu.memory_space<hbm>>
      tpu.wait_dma2 semaphore(%arg30 : memref<!tpu.dma_semaphore, #tpu.memory_space<semaphore_mem>>) src(%dma_wait3A_278 : memref<40x128xf32, #tpu.memory_space<hbm>>) dst(%arg24 : memref<40x128xf32, #tpu.memory_space<vmem>>)
      %scan3A_279 = arith.constant 0 : i32
      %scan3A_280 = arith.constant 0 : i32
      %scan3A_281 = arith.constant 40 : i32
      %scan3A_282 = arith.addi %scan3A_280, %scan3A_281 : i32
      %scan3A_283 = arith.constant 1 : i32
      %scan3A_284 = scf.for %scan3A_373 = %scan3A_280 to %scan3A_282 step %scan3A_283 iter_args(%scan3A_374 = %scan3A_279) -> (i32)  : i32 {
        %broadcast_in_dim3A_375 = vector.broadcast %scan3A_373 : i32 to vector<16xi32>
        %mul3A_376 = arith.constant 8 : i32
        %mul3A_377 = arith.muli %scan3A_373, %mul3A_376 : i32
        %add3A_378 = arith.constant 0 : i32
        %add3A_379 = arith.addi %mul3A_377, %add3A_378 : i32
        %broadcast_in_dim3A_380 = vector.broadcast %add3A_379 : i32 to vector<16xi32>
        %gather3A = tpu.vector_load_idx %arg19[%broadcast_in_dim3A_380] : memref<320xf32, #tpu.memory_space<vmem>>[vector<16xi32>], vector<16xf32>,
        %add3A_381 = arith.constant 0 : i32
        %add3A_382 = vector.broadcast %add3A_381 : i32 to vector<16xi32>
        %add3A_383 = arith.addi %add3A_382, %iota3A : vector<16xi32>
        %gather3A_384 = tpu.vector_load_idx %arg24[%broadcast_in_dim3A_375, %add3A_383] : memref<40x128xf32, #tpu.memory_space<vmem>>[vector<16xi32>, vector<16xi32>], vector<16xf32>,
        %add3A_385 = arith.constant 0 : i32
        %add3A_386 = vector.broadcast %add3A_385 : i32 to vector<16xi32>
        %add3A_387 = arith.addi %add3A_386, %iota3A : vector<16xi32>
        %mul3A_388 = arith.mulf %gather3A_384, %gather3A : vector<16xf32>
        tpu.vector_store_idx %arg24[%broadcast_in_dim3A_375, %add3A_387], %mul3A_388 : memref<40x128xf32, #tpu.memory_space<vmem>>[vector<16xi32>, vector<16xi32>], vector<16xf32>,
        %mul3A_389 = arith.constant 8 : i32
        %mul3A_390 = arith.muli %scan3A_373, %mul3A_389 : i32
        %add3A_391 = arith.constant 1 : i32
        %add3A_392 = arith.addi %mul3A_390, %add3A_391 : i32
        %broadcast_in_dim3A_393 = vector.broadcast %add3A_392 : i32 to vector<16xi32>
        %gather3A_394 = tpu.vector_load_idx %arg19[%broadcast_in_dim3A_393] : memref<320xf32, #tpu.memory_space<vmem>>[vector<16xi32>], vector<16xf32>,
        %add3A_395 = arith.constant 16 : i32
        %add3A_396 = vector.broadcast %add3A_395 : i32 to vector<16xi32>
        %add3A_397 = arith.addi %add3A_396, %iota3A : vector<16xi32>
        %gather3A_398 = tpu.vector_load_idx %arg24[%broadcast_in_dim3A_375, %add3A_397] : memref<40x128xf32, #tpu.memory_space<vmem>>[vector<16xi32>, vector<16xi32>], vector<16xf32>,
        %add3A_399 = arith.constant 16 : i32
        %add3A_400 = vector.broadcast %add3A_399 : i32 to vector<16xi32>
        %add3A_401 = arith.addi %add3A_400, %iota3A : vector<16xi32>
        %mul3A_402 = arith.mulf %gather3A_398, %gather3A_394 : vector<16xf32>
        tpu.vector_store_idx %arg24[%broadcast_in_dim3A_375, %add3A_401], %mul3A_402 : memref<40x128xf32, #tpu.memory_space<vmem>>[vector<16xi32>, vector<16xi32>], vector<16xf32>,
        %mul3A_403 = arith.constant 8 : i32
        %mul3A_404 = arith.muli %scan3A_373, %mul3A_403 : i32
        %add3A_405 = arith.constant 2 : i32
        %add3A_406 = arith.addi %mul3A_404, %add3A_405 : i32
        %broadcast_in_dim3A_407 = vector.broadcast %add3A_406 : i32 to vector<16xi32>
        %gather3A_408 = tpu.vector_load_idx %arg19[%broadcast_in_dim3A_407] : memref<320xf32, #tpu.memory_space<vmem>>[vector<16xi32>], vector<16xf32>,
        %add3A_409 = arith.constant 32 : i32
        %add3A_410 = vector.broadcast %add3A_409 : i32 to vector<16xi32>
        %add3A_411 = arith.addi %add3A_410, %iota3A : vector<16xi32>
        %gather3A_412 = tpu.vector_load_idx %arg24[%broadcast_in_dim3A_375, %add3A_411] : memref<40x128xf32, #tpu.memory_space<vmem>>[vector<16xi32>, vector<16xi32>], vector<16xf32>,
        %add3A_413 = arith.constant 32 : i32
        %add3A_414 = vector.broadcast %add3A_413 : i32 to vector<16xi32>
        %add3A_415 = arith.addi %add3A_414, %iota3A : vector<16xi32>
        %mul3A_416 = arith.mulf %gather3A_412, %gather3A_408 : vector<16xf32>
        tpu.vector_store_idx %arg24[%broadcast_in_dim3A_375, %add3A_415], %mul3A_416 : memref<40x128xf32, #tpu.memory_space<vmem>>[vector<16xi32>, vector<16xi32>], vector<16xf32>,
        %mul3A_417 = arith.constant 8 : i32
        %mul3A_418 = arith.muli %scan3A_373, %mul3A_417 : i32
        %add3A_419 = arith.constant 3 : i32
        %add3A_420 = arith.addi %mul3A_418, %add3A_419 : i32
        %broadcast_in_dim3A_421 = vector.broadcast %add3A_420 : i32 to vector<16xi32>
        %gather3A_422 = tpu.vector_load_idx %arg19[%broadcast_in_dim3A_421] : memref<320xf32, #tpu.memory_space<vmem>>[vector<16xi32>], vector<16xf32>,
        %add3A_423 = arith.constant 48 : i32
        %add3A_424 = vector.broadcast %add3A_423 : i32 to vector<16xi32>
        %add3A_425 = arith.addi %add3A_424, %iota3A : vector<16xi32>
        %gather3A_426 = tpu.vector_load_idx %arg24[%broadcast_in_dim3A_375, %add3A_425] : memref<40x128xf32, #tpu.memory_space<vmem>>[vector<16xi32>, vector<16xi32>], vector<16xf32>,
        %add3A_427 = arith.constant 48 : i32
        %add3A_428 = vector.broadcast %add3A_427 : i32 to vector<16xi32>
        %add3A_429 = arith.addi %add3A_428, %iota3A : vector<16xi32>
        %mul3A_430 = arith.mulf %gather3A_426, %gather3A_422 : vector<16xf32>
        tpu.vector_store_idx %arg24[%broadcast_in_dim3A_375, %add3A_429], %mul3A_430 : memref<40x128xf32, #tpu.memory_space<vmem>>[vector<16xi32>, vector<16xi32>], vector<16xf32>,
        %mul3A_431 = arith.constant 8 : i32
        %mul3A_432 = arith.muli %scan3A_373, %mul3A_431 : i32
        %add3A_433 = arith.constant 4 : i32
        %add3A_434 = arith.addi %mul3A_432, %add3A_433 : i32
        %broadcast_in_dim3A_435 = vector.broadcast %add3A_434 : i32 to vector<16xi32>
        %gather3A_436 = tpu.vector_load_idx %arg19[%broadcast_in_dim3A_435] : memref<320xf32, #tpu.memory_space<vmem>>[vector<16xi32>], vector<16xf32>,
        %add3A_437 = arith.constant 64 : i32
        %add3A_438 = vector.broadcast %add3A_437 : i32 to vector<16xi32>
        %add3A_439 = arith.addi %add3A_438, %iota3A : vector<16xi32>
        %gather3A_440 = tpu.vector_load_idx %arg24[%broadcast_in_dim3A_375, %add3A_439] : memref<40x128xf32, #tpu.memory_space<vmem>>[vector<16xi32>, vector<16xi32>], vector<16xf32>,
        %add3A_441 = arith.constant 64 : i32
        %add3A_442 = vector.broadcast %add3A_441 : i32 to vector<16xi32>
        %add3A_443 = arith.addi %add3A_442, %iota3A : vector<16xi32>
        %mul3A_444 = arith.mulf %gather3A_440, %gather3A_436 : vector<16xf32>
        tpu.vector_store_idx %arg24[%broadcast_in_dim3A_375, %add3A_443], %mul3A_444 : memref<40x128xf32, #tpu.memory_space<vmem>>[vector<16xi32>, vector<16xi32>], vector<16xf32>,
        %mul3A_445 = arith.constant 8 : i32
        %mul3A_446 = arith.muli %scan3A_373, %mul3A_445 : i32
        %add3A_447 = arith.constant 5 : i32
        %add3A_448 = arith.addi %mul3A_446, %add3A_447 : i32
        %broadcast_in_dim3A_449 = vector.broadcast %add3A_448 : i32 to vector<16xi32>
        %gather3A_450 = tpu.vector_load_idx %arg19[%broadcast_in_dim3A_449] : memref<320xf32, #tpu.memory_space<vmem>>[vector<16xi32>], vector<16xf32>,
        %add3A_451 = arith.constant 80 : i32
        %add3A_452 = vector.broadcast %add3A_451 : i32 to vector<16xi32>
        %add3A_453 = arith.addi %add3A_452, %iota3A : vector<16xi32>
        %gather3A_454 = tpu.vector_load_idx %arg24[%broadcast_in_dim3A_375, %add3A_453] : memref<40x128xf32, #tpu.memory_space<vmem>>[vector<16xi32>, vector<16xi32>], vector<16xf32>,
        %add3A_455 = arith.constant 80 : i32
        %add3A_456 = vector.broadcast %add3A_455 : i32 to vector<16xi32>
        %add3A_457 = arith.addi %add3A_456, %iota3A : vector<16xi32>
        %mul3A_458 = arith.mulf %gather3A_454, %gather3A_450 : vector<16xf32>
        tpu.vector_store_idx %arg24[%broadcast_in_dim3A_375, %add3A_457], %mul3A_458 : memref<40x128xf32, #tpu.memory_space<vmem>>[vector<16xi32>, vector<16xi32>], vector<16xf32>,
        %mul3A_459 = arith.constant 8 : i32
        %mul3A_460 = arith.muli %scan3A_373, %mul3A_459 : i32
        %add3A_461 = arith.constant 6 : i32
        %add3A_462 = arith.addi %mul3A_460, %add3A_461 : i32
        %broadcast_in_dim3A_463 = vector.broadcast %add3A_462 : i32 to vector<16xi32>
        %gather3A_464 = tpu.vector_load_idx %arg19[%broadcast_in_dim3A_463] : memref<320xf32, #tpu.memory_space<vmem>>[vector<16xi32>], vector<16xf32>,
        %add3A_465 = arith.constant 96 : i32
        %add3A_466 = vector.broadcast %add3A_465 : i32 to vector<16xi32>
        %add3A_467 = arith.addi %add3A_466, %iota3A : vector<16xi32>
        %gather3A_468 = tpu.vector_load_idx %arg24[%broadcast_in_dim3A_375, %add3A_467] : memref<40x128xf32, #tpu.memory_space<vmem>>[vector<16xi32>, vector<16xi32>], vector<16xf32>,
        %add3A_469 = arith.constant 96 : i32
        %add3A_470 = vector.broadcast %add3A_469 : i32 to vector<16xi32>
        %add3A_471 = arith.addi %add3A_470, %iota3A : vector<16xi32>
        %mul3A_472 = arith.mulf %gather3A_468, %gather3A_464 : vector<16xf32>
        tpu.vector_store_idx %arg24[%broadcast_in_dim3A_375, %add3A_471], %mul3A_472 : memref<40x128xf32, #tpu.memory_space<vmem>>[vector<16xi32>, vector<16xi32>], vector<16xf32>,
        %mul3A_473 = arith.constant 8 : i32
        %mul3A_474 = arith.muli %scan3A_373, %mul3A_473 : i32
        %add3A_475 = arith.constant 7 : i32
        %add3A_476 = arith.addi %mul3A_474, %add3A_475 : i32
        %broadcast_in_dim3A_477 = vector.broadcast %add3A_476 : i32 to vector<16xi32>
        %gather3A_478 = tpu.vector_load_idx %arg19[%broadcast_in_dim3A_477] : memref<320xf32, #tpu.memory_space<vmem>>[vector<16xi32>], vector<16xf32>,
        %add3A_479 = arith.constant 112 : i32
        %add3A_480 = vector.broadcast %add3A_479 : i32 to vector<16xi32>
        %add3A_481 = arith.addi %add3A_480, %iota3A : vector<16xi32>
        %gather3A_482 = tpu.vector_load_idx %arg24[%broadcast_in_dim3A_375, %add3A_481] : memref<40x128xf32, #tpu.memory_space<vmem>>[vector<16xi32>, vector<16xi32>], vector<16xf32>,
        %add3A_483 = arith.constant 112 : i32
        %add3A_484 = vector.broadcast %add3A_483 : i32 to vector<16xi32>
        %add3A_485 = arith.addi %add3A_484, %iota3A : vector<16xi32>
        %mul3A_486 = arith.mulf %gather3A_482, %gather3A_478 : vector<16xf32>
        tpu.vector_store_idx %arg24[%broadcast_in_dim3A_375, %add3A_485], %mul3A_486 : memref<40x128xf32, #tpu.memory_space<vmem>>[vector<16xi32>, vector<16xi32>], vector<16xf32>,
        %scan3A_487 = arith.constant 0 : i32
        scf.yield %scan3A_487 : i32
      }
      %scan3A_285 = arith.constant 40 : i32
      %dma_start3A_286 = arith.constant 0 : i32
      %dma_start3A_287 = arith.constant 0 : i32
      %dma_start3A_288 = tpu.memref_slice %arg27[%dma_start3A_286, %dma_start3A_287] : memref<10240x128xf32, #tpu.memory_space<vmem_shared>> -> memref<10240x128xf32, #tpu.memory_space<vmem_shared>>
      tpu.enqueue_indirect_dma source(%arg24 : memref<40x128xf32, #tpu.memory_space<vmem>>) target(%dma_start3A_288 : memref<10240x128xf32, #tpu.memory_space<vmem_shared>>) offsets(%arg14 : memref<40xi32, #tpu.memory_space<vmem>>) semaphore(%arg35 : memref<!tpu.dma_semaphore, #tpu.memory_space<semaphore_mem>>) {add = true}
      %add3A_289 = arith.constant 5 : i32
      %add3A_290 = arith.addi %add3A_264, %add3A_289 : i32
      %sub3A_291 = arith.constant 1 : i32
      %sub3A_292 = arith.subi %add3A_290, %sub3A_291 : i32
      %lt3A_293 = arith.constant 250 : i32
      %lt3A_294 = arith.cmpi slt, %sub3A_292, %lt3A_293 : i32
      %convert_element_type3A_295 = arith.extui %lt3A_294 : i1 to i32
      %cond3A_296 = arith.constant 0 : i32
      %cond3A_297 = arith.cmpi ne, %convert_element_type3A_295, %cond3A_296 : i32
      scf.if %cond3A_297 {
        %dma_wait3A_373 = arith.constant 0 : i32
        %dma_wait3A_374 = arith.constant 0 : i32
        %dma_wait3A_375 = tpu.memref_slice %arg5[%dma_wait3A_373, %dma_wait3A_374] : memref<10000x128xf32, #tpu.memory_space<hbm>> -> memref<40x128xf32, #tpu.memory_space<hbm>>
        %dma_wait3A_376 = arith.constant 0 : i32
        %dma_wait3A_377 = arith.constant 0 : i32
        %dma_wait3A_378 = tpu.memref_slice %arg5[%dma_wait3A_376, %dma_wait3A_377] : memref<10000x128xf32, #tpu.memory_space<hbm>> -> memref<40x128xf32, #tpu.memory_space<hbm>>
        tpu.wait_dma2 semaphore(%arg34 : memref<!tpu.dma_semaphore, #tpu.memory_space<semaphore_mem>>) src(%dma_wait3A_378 : memref<40x128xf32, #tpu.memory_space<hbm>>) dst(%arg23 : memref<40x128xf32, #tpu.memory_space<vmem>>)
        %add3A_379 = arith.constant 5 : i32
        %add3A_380 = arith.addi %add3A_264, %add3A_379 : i32
        %sub3A_381 = arith.constant 1 : i32
        %sub3A_382 = arith.subi %add3A_380, %sub3A_381 : i32
        %mul3A_383 = arith.constant 40 : i32
        %mul3A_384 = arith.muli %sub3A_382, %mul3A_383 : i32
        %add3A_385 = arith.addi %mul3A_3, %mul3A_384 : i32
        %dma_start3A_386 = tpu.memref_slice %arg3[%add3A_385] : memref<320000xi32, #tpu.memory_space<hbm>> -> memref<40xi32, #tpu.memory_space<hbm>>
        %dma_start3A_387 = tpu.memref_slice %arg3[%add3A_385] : memref<320000xi32, #tpu.memory_space<hbm>> -> memref<40xi32, #tpu.memory_space<hbm>>
        tpu.enqueue_dma source(%dma_start3A_387 : memref<40xi32, #tpu.memory_space<hbm>>) target(%arg13 : memref<40xi32, #tpu.memory_space<vmem>>) target_semaphore(%arg29 : memref<!tpu.dma_semaphore, #tpu.memory_space<semaphore_mem>>)
        %mul3A_388 = arith.constant 8 : i32
        %mul3A_389 = arith.muli %add3A_385, %mul3A_388 : i32
        %dma_start3A_390 = tpu.memref_slice %arg4[%mul3A_389] : memref<2560000xf32, #tpu.memory_space<hbm>> -> memref<320xf32, #tpu.memory_space<hbm>>
        %dma_start3A_391 = tpu.memref_slice %arg4[%mul3A_389] : memref<2560000xf32, #tpu.memory_space<hbm>> -> memref<320xf32, #tpu.memory_space<hbm>>
        tpu.enqueue_dma source(%dma_start3A_391 : memref<320xf32, #tpu.memory_space<hbm>>) target(%arg18 : memref<320xf32, #tpu.memory_space<vmem>>) target_semaphore(%arg29 : memref<!tpu.dma_semaphore, #tpu.memory_space<semaphore_mem>>)
        "tpu.region"() ({
          %run_scoped3A = tpu.sem_alloc : memref<!tpu.dma_semaphore, #tpu.memory_space<semaphore_mem>>
          %dma_start3A_395 = tpu.memref_slice %arg2[%add3A_385] : memref<320000xi32, #tpu.memory_space<hbm>> -> memref<40xi32, #tpu.memory_space<hbm>>
          %dma_start3A_396 = tpu.memref_slice %arg2[%add3A_385] : memref<320000xi32, #tpu.memory_space<hbm>> -> memref<40xi32, #tpu.memory_space<hbm>>
          tpu.enqueue_dma source(%dma_start3A_396 : memref<40xi32, #tpu.memory_space<hbm>>) target(%arg8 : memref<40xi32, #tpu.memory_space<vmem>>) target_semaphore(%run_scoped3A : memref<!tpu.dma_semaphore, #tpu.memory_space<semaphore_mem>>)
          %dma_wait3A_397 = tpu.memref_slice %arg2[%add3A_385] : memref<320000xi32, #tpu.memory_space<hbm>> -> memref<40xi32, #tpu.memory_space<hbm>>
          %dma_wait3A_398 = tpu.memref_slice %arg2[%add3A_385] : memref<320000xi32, #tpu.memory_space<hbm>> -> memref<40xi32, #tpu.memory_space<hbm>>
          tpu.wait_dma2 semaphore(%run_scoped3A : memref<!tpu.dma_semaphore, #tpu.memory_space<semaphore_mem>>) src(%dma_wait3A_398 : memref<40xi32, #tpu.memory_space<hbm>>) dst(%arg8 : memref<40xi32, #tpu.memory_space<vmem>>)
          tpu.yield
        }) : () -> ()
        %dma_start3A_392 = arith.constant 0 : i32
        %dma_start3A_393 = arith.constant 0 : i32
        %dma_start3A_394 = tpu.memref_slice %arg5[%dma_start3A_392, %dma_start3A_393] : memref<10000x128xf32, #tpu.memory_space<hbm>> -> memref<10000x128xf32, #tpu.memory_space<hbm>>
        tpu.enqueue_indirect_dma source(%dma_start3A_394 : memref<10000x128xf32, #tpu.memory_space<hbm>>) target(%arg23 : memref<40x128xf32, #tpu.memory_space<vmem>>) offsets(%arg8 : memref<40xi32, #tpu.memory_space<vmem>>) semaphore(%arg29 : memref<!tpu.dma_semaphore, #tpu.memory_space<semaphore_mem>>)
      } else {
      }
      %mul3A_298 = arith.constant 5 : i32
      %mul3A_299 = arith.muli %scan3A_187, %mul3A_298 : i32
      %add3A_300 = arith.constant 3 : i32
      %add3A_301 = arith.addi %mul3A_299, %add3A_300 : i32
      %dma_wait3A_302 = arith.constant 0 : i32
      %dma_wait3A_303 = tpu.memref_slice %arg3[%dma_wait3A_302] : memref<320000xi32, #tpu.memory_space<hbm>> -> memref<40xi32, #tpu.memory_space<hbm>>
      %dma_wait3A_304 = arith.constant 0 : i32
      %dma_wait3A_305 = tpu.memref_slice %arg3[%dma_wait3A_304] : memref<320000xi32, #tpu.memory_space<hbm>> -> memref<40xi32, #tpu.memory_space<hbm>>
      tpu.wait_dma2 semaphore(%arg31 : memref<!tpu.dma_semaphore, #tpu.memory_space<semaphore_mem>>) src(%dma_wait3A_305 : memref<40xi32, #tpu.memory_space<hbm>>) dst(%arg15 : memref<40xi32, #tpu.memory_space<vmem>>)
      %dma_wait3A_306 = arith.constant 0 : i32
      %dma_wait3A_307 = tpu.memref_slice %arg4[%dma_wait3A_306] : memref<2560000xf32, #tpu.memory_space<hbm>> -> memref<320xf32, #tpu.memory_space<hbm>>
      %dma_wait3A_308 = arith.constant 0 : i32
      %dma_wait3A_309 = tpu.memref_slice %arg4[%dma_wait3A_308] : memref<2560000xf32, #tpu.memory_space<hbm>> -> memref<320xf32, #tpu.memory_space<hbm>>
      tpu.wait_dma2 semaphore(%arg31 : memref<!tpu.dma_semaphore, #tpu.memory_space<semaphore_mem>>) src(%dma_wait3A_309 : memref<320xf32, #tpu.memory_space<hbm>>) dst(%arg20 : memref<320xf32, #tpu.memory_space<vmem>>)
      %dma_wait3A_310 = arith.constant 0 : i32
      %dma_wait3A_311 = arith.constant 0 : i32
      %dma_wait3A_312 = tpu.memref_slice %arg5[%dma_wait3A_310, %dma_wait3A_311] : memref<10000x128xf32, #tpu.memory_space<hbm>> -> memref<40x128xf32, #tpu.memory_space<hbm>>
      %dma_wait3A_313 = arith.constant 0 : i32
      %dma_wait3A_314 = arith.constant 0 : i32
      %dma_wait3A_315 = tpu.memref_slice %arg5[%dma_wait3A_313, %dma_wait3A_314] : memref<10000x128xf32, #tpu.memory_space<hbm>> -> memref<40x128xf32, #tpu.memory_space<hbm>>
      tpu.wait_dma2 semaphore(%arg31 : memref<!tpu.dma_semaphore, #tpu.memory_space<semaphore_mem>>) src(%dma_wait3A_315 : memref<40x128xf32, #tpu.memory_space<hbm>>) dst(%arg25 : memref<40x128xf32, #tpu.memory_space<vmem>>)
      %scan3A_316 = arith.constant 0 : i32
      %scan3A_317 = arith.constant 0 : i32
      %scan3A_318 = arith.constant 40 : i32
      %scan3A_319 = arith.addi %scan3A_317, %scan3A_318 : i32
      %scan3A_320 = arith.constant 1 : i32
      %scan3A_321 = scf.for %scan3A_373 = %scan3A_317 to %scan3A_319 step %scan3A_320 iter_args(%scan3A_374 = %scan3A_316) -> (i32)  : i32 {
        %broadcast_in_dim3A_375 = vector.broadcast %scan3A_373 : i32 to vector<16xi32>
        %mul3A_376 = arith.constant 8 : i32
        %mul3A_377 = arith.muli %scan3A_373, %mul3A_376 : i32
        %add3A_378 = arith.constant 0 : i32
        %add3A_379 = arith.addi %mul3A_377, %add3A_378 : i32
        %broadcast_in_dim3A_380 = vector.broadcast %add3A_379 : i32 to vector<16xi32>
        %gather3A = tpu.vector_load_idx %arg20[%broadcast_in_dim3A_380] : memref<320xf32, #tpu.memory_space<vmem>>[vector<16xi32>], vector<16xf32>,
        %add3A_381 = arith.constant 0 : i32
        %add3A_382 = vector.broadcast %add3A_381 : i32 to vector<16xi32>
        %add3A_383 = arith.addi %add3A_382, %iota3A : vector<16xi32>
        %gather3A_384 = tpu.vector_load_idx %arg25[%broadcast_in_dim3A_375, %add3A_383] : memref<40x128xf32, #tpu.memory_space<vmem>>[vector<16xi32>, vector<16xi32>], vector<16xf32>,
        %add3A_385 = arith.constant 0 : i32
        %add3A_386 = vector.broadcast %add3A_385 : i32 to vector<16xi32>
        %add3A_387 = arith.addi %add3A_386, %iota3A : vector<16xi32>
        %mul3A_388 = arith.mulf %gather3A_384, %gather3A : vector<16xf32>
        tpu.vector_store_idx %arg25[%broadcast_in_dim3A_375, %add3A_387], %mul3A_388 : memref<40x128xf32, #tpu.memory_space<vmem>>[vector<16xi32>, vector<16xi32>], vector<16xf32>,
        %mul3A_389 = arith.constant 8 : i32
        %mul3A_390 = arith.muli %scan3A_373, %mul3A_389 : i32
        %add3A_391 = arith.constant 1 : i32
        %add3A_392 = arith.addi %mul3A_390, %add3A_391 : i32
        %broadcast_in_dim3A_393 = vector.broadcast %add3A_392 : i32 to vector<16xi32>
        %gather3A_394 = tpu.vector_load_idx %arg20[%broadcast_in_dim3A_393] : memref<320xf32, #tpu.memory_space<vmem>>[vector<16xi32>], vector<16xf32>,
        %add3A_395 = arith.constant 16 : i32
        %add3A_396 = vector.broadcast %add3A_395 : i32 to vector<16xi32>
        %add3A_397 = arith.addi %add3A_396, %iota3A : vector<16xi32>
        %gather3A_398 = tpu.vector_load_idx %arg25[%broadcast_in_dim3A_375, %add3A_397] : memref<40x128xf32, #tpu.memory_space<vmem>>[vector<16xi32>, vector<16xi32>], vector<16xf32>,
        %add3A_399 = arith.constant 16 : i32
        %add3A_400 = vector.broadcast %add3A_399 : i32 to vector<16xi32>
        %add3A_401 = arith.addi %add3A_400, %iota3A : vector<16xi32>
        %mul3A_402 = arith.mulf %gather3A_398, %gather3A_394 : vector<16xf32>
        tpu.vector_store_idx %arg25[%broadcast_in_dim3A_375, %add3A_401], %mul3A_402 : memref<40x128xf32, #tpu.memory_space<vmem>>[vector<16xi32>, vector<16xi32>], vector<16xf32>,
        %mul3A_403 = arith.constant 8 : i32
        %mul3A_404 = arith.muli %scan3A_373, %mul3A_403 : i32
        %add3A_405 = arith.constant 2 : i32
        %add3A_406 = arith.addi %mul3A_404, %add3A_405 : i32
        %broadcast_in_dim3A_407 = vector.broadcast %add3A_406 : i32 to vector<16xi32>
        %gather3A_408 = tpu.vector_load_idx %arg20[%broadcast_in_dim3A_407] : memref<320xf32, #tpu.memory_space<vmem>>[vector<16xi32>], vector<16xf32>,
        %add3A_409 = arith.constant 32 : i32
        %add3A_410 = vector.broadcast %add3A_409 : i32 to vector<16xi32>
        %add3A_411 = arith.addi %add3A_410, %iota3A : vector<16xi32>
        %gather3A_412 = tpu.vector_load_idx %arg25[%broadcast_in_dim3A_375, %add3A_411] : memref<40x128xf32, #tpu.memory_space<vmem>>[vector<16xi32>, vector<16xi32>], vector<16xf32>,
        %add3A_413 = arith.constant 32 : i32
        %add3A_414 = vector.broadcast %add3A_413 : i32 to vector<16xi32>
        %add3A_415 = arith.addi %add3A_414, %iota3A : vector<16xi32>
        %mul3A_416 = arith.mulf %gather3A_412, %gather3A_408 : vector<16xf32>
        tpu.vector_store_idx %arg25[%broadcast_in_dim3A_375, %add3A_415], %mul3A_416 : memref<40x128xf32, #tpu.memory_space<vmem>>[vector<16xi32>, vector<16xi32>], vector<16xf32>,
        %mul3A_417 = arith.constant 8 : i32
        %mul3A_418 = arith.muli %scan3A_373, %mul3A_417 : i32
        %add3A_419 = arith.constant 3 : i32
        %add3A_420 = arith.addi %mul3A_418, %add3A_419 : i32
        %broadcast_in_dim3A_421 = vector.broadcast %add3A_420 : i32 to vector<16xi32>
        %gather3A_422 = tpu.vector_load_idx %arg20[%broadcast_in_dim3A_421] : memref<320xf32, #tpu.memory_space<vmem>>[vector<16xi32>], vector<16xf32>,
        %add3A_423 = arith.constant 48 : i32
        %add3A_424 = vector.broadcast %add3A_423 : i32 to vector<16xi32>
        %add3A_425 = arith.addi %add3A_424, %iota3A : vector<16xi32>
        %gather3A_426 = tpu.vector_load_idx %arg25[%broadcast_in_dim3A_375, %add3A_425] : memref<40x128xf32, #tpu.memory_space<vmem>>[vector<16xi32>, vector<16xi32>], vector<16xf32>,
        %add3A_427 = arith.constant 48 : i32
        %add3A_428 = vector.broadcast %add3A_427 : i32 to vector<16xi32>
        %add3A_429 = arith.addi %add3A_428, %iota3A : vector<16xi32>
        %mul3A_430 = arith.mulf %gather3A_426, %gather3A_422 : vector<16xf32>
        tpu.vector_store_idx %arg25[%broadcast_in_dim3A_375, %add3A_429], %mul3A_430 : memref<40x128xf32, #tpu.memory_space<vmem>>[vector<16xi32>, vector<16xi32>], vector<16xf32>,
        %mul3A_431 = arith.constant 8 : i32
        %mul3A_432 = arith.muli %scan3A_373, %mul3A_431 : i32
        %add3A_433 = arith.constant 4 : i32
        %add3A_434 = arith.addi %mul3A_432, %add3A_433 : i32
        %broadcast_in_dim3A_435 = vector.broadcast %add3A_434 : i32 to vector<16xi32>
        %gather3A_436 = tpu.vector_load_idx %arg20[%broadcast_in_dim3A_435] : memref<320xf32, #tpu.memory_space<vmem>>[vector<16xi32>], vector<16xf32>,
        %add3A_437 = arith.constant 64 : i32
        %add3A_438 = vector.broadcast %add3A_437 : i32 to vector<16xi32>
        %add3A_439 = arith.addi %add3A_438, %iota3A : vector<16xi32>
        %gather3A_440 = tpu.vector_load_idx %arg25[%broadcast_in_dim3A_375, %add3A_439] : memref<40x128xf32, #tpu.memory_space<vmem>>[vector<16xi32>, vector<16xi32>], vector<16xf32>,
        %add3A_441 = arith.constant 64 : i32
        %add3A_442 = vector.broadcast %add3A_441 : i32 to vector<16xi32>
        %add3A_443 = arith.addi %add3A_442, %iota3A : vector<16xi32>
        %mul3A_444 = arith.mulf %gather3A_440, %gather3A_436 : vector<16xf32>
        tpu.vector_store_idx %arg25[%broadcast_in_dim3A_375, %add3A_443], %mul3A_444 : memref<40x128xf32, #tpu.memory_space<vmem>>[vector<16xi32>, vector<16xi32>], vector<16xf32>,
        %mul3A_445 = arith.constant 8 : i32
        %mul3A_446 = arith.muli %scan3A_373, %mul3A_445 : i32
        %add3A_447 = arith.constant 5 : i32
        %add3A_448 = arith.addi %mul3A_446, %add3A_447 : i32
        %broadcast_in_dim3A_449 = vector.broadcast %add3A_448 : i32 to vector<16xi32>
        %gather3A_450 = tpu.vector_load_idx %arg20[%broadcast_in_dim3A_449] : memref<320xf32, #tpu.memory_space<vmem>>[vector<16xi32>], vector<16xf32>,
        %add3A_451 = arith.constant 80 : i32
        %add3A_452 = vector.broadcast %add3A_451 : i32 to vector<16xi32>
        %add3A_453 = arith.addi %add3A_452, %iota3A : vector<16xi32>
        %gather3A_454 = tpu.vector_load_idx %arg25[%broadcast_in_dim3A_375, %add3A_453] : memref<40x128xf32, #tpu.memory_space<vmem>>[vector<16xi32>, vector<16xi32>], vector<16xf32>,
        %add3A_455 = arith.constant 80 : i32
        %add3A_456 = vector.broadcast %add3A_455 : i32 to vector<16xi32>
        %add3A_457 = arith.addi %add3A_456, %iota3A : vector<16xi32>
        %mul3A_458 = arith.mulf %gather3A_454, %gather3A_450 : vector<16xf32>
        tpu.vector_store_idx %arg25[%broadcast_in_dim3A_375, %add3A_457], %mul3A_458 : memref<40x128xf32, #tpu.memory_space<vmem>>[vector<16xi32>, vector<16xi32>], vector<16xf32>,
        %mul3A_459 = arith.constant 8 : i32
        %mul3A_460 = arith.muli %scan3A_373, %mul3A_459 : i32
        %add3A_461 = arith.constant 6 : i32
        %add3A_462 = arith.addi %mul3A_460, %add3A_461 : i32
        %broadcast_in_dim3A_463 = vector.broadcast %add3A_462 : i32 to vector<16xi32>
        %gather3A_464 = tpu.vector_load_idx %arg20[%broadcast_in_dim3A_463] : memref<320xf32, #tpu.memory_space<vmem>>[vector<16xi32>], vector<16xf32>,
        %add3A_465 = arith.constant 96 : i32
        %add3A_466 = vector.broadcast %add3A_465 : i32 to vector<16xi32>
        %add3A_467 = arith.addi %add3A_466, %iota3A : vector<16xi32>
        %gather3A_468 = tpu.vector_load_idx %arg25[%broadcast_in_dim3A_375, %add3A_467] : memref<40x128xf32, #tpu.memory_space<vmem>>[vector<16xi32>, vector<16xi32>], vector<16xf32>,
        %add3A_469 = arith.constant 96 : i32
        %add3A_470 = vector.broadcast %add3A_469 : i32 to vector<16xi32>
        %add3A_471 = arith.addi %add3A_470, %iota3A : vector<16xi32>
        %mul3A_472 = arith.mulf %gather3A_468, %gather3A_464 : vector<16xf32>
        tpu.vector_store_idx %arg25[%broadcast_in_dim3A_375, %add3A_471], %mul3A_472 : memref<40x128xf32, #tpu.memory_space<vmem>>[vector<16xi32>, vector<16xi32>], vector<16xf32>,
        %mul3A_473 = arith.constant 8 : i32
        %mul3A_474 = arith.muli %scan3A_373, %mul3A_473 : i32
        %add3A_475 = arith.constant 7 : i32
        %add3A_476 = arith.addi %mul3A_474, %add3A_475 : i32
        %broadcast_in_dim3A_477 = vector.broadcast %add3A_476 : i32 to vector<16xi32>
        %gather3A_478 = tpu.vector_load_idx %arg20[%broadcast_in_dim3A_477] : memref<320xf32, #tpu.memory_space<vmem>>[vector<16xi32>], vector<16xf32>,
        %add3A_479 = arith.constant 112 : i32
        %add3A_480 = vector.broadcast %add3A_479 : i32 to vector<16xi32>
        %add3A_481 = arith.addi %add3A_480, %iota3A : vector<16xi32>
        %gather3A_482 = tpu.vector_load_idx %arg25[%broadcast_in_dim3A_375, %add3A_481] : memref<40x128xf32, #tpu.memory_space<vmem>>[vector<16xi32>, vector<16xi32>], vector<16xf32>,
        %add3A_483 = arith.constant 112 : i32
        %add3A_484 = vector.broadcast %add3A_483 : i32 to vector<16xi32>
        %add3A_485 = arith.addi %add3A_484, %iota3A : vector<16xi32>
        %mul3A_486 = arith.mulf %gather3A_482, %gather3A_478 : vector<16xf32>
        tpu.vector_store_idx %arg25[%broadcast_in_dim3A_375, %add3A_485], %mul3A_486 : memref<40x128xf32, #tpu.memory_space<vmem>>[vector<16xi32>, vector<16xi32>], vector<16xf32>,
        %scan3A_487 = arith.constant 0 : i32
        scf.yield %scan3A_487 : i32
      }
      %scan3A_322 = arith.constant 40 : i32
      %dma_start3A_323 = arith.constant 0 : i32
      %dma_start3A_324 = arith.constant 0 : i32
      %dma_start3A_325 = tpu.memref_slice %arg27[%dma_start3A_323, %dma_start3A_324] : memref<10240x128xf32, #tpu.memory_space<vmem_shared>> -> memref<10240x128xf32, #tpu.memory_space<vmem_shared>>
      tpu.enqueue_indirect_dma source(%arg25 : memref<40x128xf32, #tpu.memory_space<vmem>>) target(%dma_start3A_325 : memref<10240x128xf32, #tpu.memory_space<vmem_shared>>) offsets(%arg15 : memref<40xi32, #tpu.memory_space<vmem>>) semaphore(%arg36 : memref<!tpu.dma_semaphore, #tpu.memory_space<semaphore_mem>>) {add = true}
      %add3A_326 = arith.constant 5 : i32
      %add3A_327 = arith.addi %add3A_301, %add3A_326 : i32
      %sub3A_328 = arith.constant 1 : i32
      %sub3A_329 = arith.subi %add3A_327, %sub3A_328 : i32
      %lt3A_330 = arith.constant 250 : i32
      %lt3A_331 = arith.cmpi slt, %sub3A_329, %lt3A_330 : i32
      %convert_element_type3A_332 = arith.extui %lt3A_331 : i1 to i32
      %cond3A_333 = arith.constant 0 : i32
      %cond3A_334 = arith.cmpi ne, %convert_element_type3A_332, %cond3A_333 : i32
      scf.if %cond3A_334 {
        %dma_wait3A_373 = arith.constant 0 : i32
        %dma_wait3A_374 = arith.constant 0 : i32
        %dma_wait3A_375 = tpu.memref_slice %arg5[%dma_wait3A_373, %dma_wait3A_374] : memref<10000x128xf32, #tpu.memory_space<hbm>> -> memref<40x128xf32, #tpu.memory_space<hbm>>
        %dma_wait3A_376 = arith.constant 0 : i32
        %dma_wait3A_377 = arith.constant 0 : i32
        %dma_wait3A_378 = tpu.memref_slice %arg5[%dma_wait3A_376, %dma_wait3A_377] : memref<10000x128xf32, #tpu.memory_space<hbm>> -> memref<40x128xf32, #tpu.memory_space<hbm>>
        tpu.wait_dma2 semaphore(%arg35 : memref<!tpu.dma_semaphore, #tpu.memory_space<semaphore_mem>>) src(%dma_wait3A_378 : memref<40x128xf32, #tpu.memory_space<hbm>>) dst(%arg24 : memref<40x128xf32, #tpu.memory_space<vmem>>)
        %add3A_379 = arith.constant 5 : i32
        %add3A_380 = arith.addi %add3A_301, %add3A_379 : i32
        %sub3A_381 = arith.constant 1 : i32
        %sub3A_382 = arith.subi %add3A_380, %sub3A_381 : i32
        %mul3A_383 = arith.constant 40 : i32
        %mul3A_384 = arith.muli %sub3A_382, %mul3A_383 : i32
        %add3A_385 = arith.addi %mul3A_3, %mul3A_384 : i32
        %dma_start3A_386 = tpu.memref_slice %arg3[%add3A_385] : memref<320000xi32, #tpu.memory_space<hbm>> -> memref<40xi32, #tpu.memory_space<hbm>>
        %dma_start3A_387 = tpu.memref_slice %arg3[%add3A_385] : memref<320000xi32, #tpu.memory_space<hbm>> -> memref<40xi32, #tpu.memory_space<hbm>>
        tpu.enqueue_dma source(%dma_start3A_387 : memref<40xi32, #tpu.memory_space<hbm>>) target(%arg14 : memref<40xi32, #tpu.memory_space<vmem>>) target_semaphore(%arg30 : memref<!tpu.dma_semaphore, #tpu.memory_space<semaphore_mem>>)
        %mul3A_388 = arith.constant 8 : i32
        %mul3A_389 = arith.muli %add3A_385, %mul3A_388 : i32
        %dma_start3A_390 = tpu.memref_slice %arg4[%mul3A_389] : memref<2560000xf32, #tpu.memory_space<hbm>> -> memref<320xf32, #tpu.memory_space<hbm>>
        %dma_start3A_391 = tpu.memref_slice %arg4[%mul3A_389] : memref<2560000xf32, #tpu.memory_space<hbm>> -> memref<320xf32, #tpu.memory_space<hbm>>
        tpu.enqueue_dma source(%dma_start3A_391 : memref<320xf32, #tpu.memory_space<hbm>>) target(%arg19 : memref<320xf32, #tpu.memory_space<vmem>>) target_semaphore(%arg30 : memref<!tpu.dma_semaphore, #tpu.memory_space<semaphore_mem>>)
        "tpu.region"() ({
          %run_scoped3A = tpu.sem_alloc : memref<!tpu.dma_semaphore, #tpu.memory_space<semaphore_mem>>
          %dma_start3A_395 = tpu.memref_slice %arg2[%add3A_385] : memref<320000xi32, #tpu.memory_space<hbm>> -> memref<40xi32, #tpu.memory_space<hbm>>
          %dma_start3A_396 = tpu.memref_slice %arg2[%add3A_385] : memref<320000xi32, #tpu.memory_space<hbm>> -> memref<40xi32, #tpu.memory_space<hbm>>
          tpu.enqueue_dma source(%dma_start3A_396 : memref<40xi32, #tpu.memory_space<hbm>>) target(%arg9 : memref<40xi32, #tpu.memory_space<vmem>>) target_semaphore(%run_scoped3A : memref<!tpu.dma_semaphore, #tpu.memory_space<semaphore_mem>>)
          %dma_wait3A_397 = tpu.memref_slice %arg2[%add3A_385] : memref<320000xi32, #tpu.memory_space<hbm>> -> memref<40xi32, #tpu.memory_space<hbm>>
          %dma_wait3A_398 = tpu.memref_slice %arg2[%add3A_385] : memref<320000xi32, #tpu.memory_space<hbm>> -> memref<40xi32, #tpu.memory_space<hbm>>
          tpu.wait_dma2 semaphore(%run_scoped3A : memref<!tpu.dma_semaphore, #tpu.memory_space<semaphore_mem>>) src(%dma_wait3A_398 : memref<40xi32, #tpu.memory_space<hbm>>) dst(%arg9 : memref<40xi32, #tpu.memory_space<vmem>>)
          tpu.yield
        }) : () -> ()
        %dma_start3A_392 = arith.constant 0 : i32
        %dma_start3A_393 = arith.constant 0 : i32
        %dma_start3A_394 = tpu.memref_slice %arg5[%dma_start3A_392, %dma_start3A_393] : memref<10000x128xf32, #tpu.memory_space<hbm>> -> memref<10000x128xf32, #tpu.memory_space<hbm>>
        tpu.enqueue_indirect_dma source(%dma_start3A_394 : memref<10000x128xf32, #tpu.memory_space<hbm>>) target(%arg24 : memref<40x128xf32, #tpu.memory_space<vmem>>) offsets(%arg9 : memref<40xi32, #tpu.memory_space<vmem>>) semaphore(%arg30 : memref<!tpu.dma_semaphore, #tpu.memory_space<semaphore_mem>>)
      } else {
      }
      %mul3A_335 = arith.constant 5 : i32
      %mul3A_336 = arith.muli %scan3A_187, %mul3A_335 : i32
      %add3A_337 = arith.constant 4 : i32
      %add3A_338 = arith.addi %mul3A_336, %add3A_337 : i32
      %dma_wait3A_339 = arith.constant 0 : i32
      %dma_wait3A_340 = tpu.memref_slice %arg3[%dma_wait3A_339] : memref<320000xi32, #tpu.memory_space<hbm>> -> memref<40xi32, #tpu.memory_space<hbm>>
      %dma_wait3A_341 = arith.constant 0 : i32
      %dma_wait3A_342 = tpu.memref_slice %arg3[%dma_wait3A_341] : memref<320000xi32, #tpu.memory_space<hbm>> -> memref<40xi32, #tpu.memory_space<hbm>>
      tpu.wait_dma2 semaphore(%arg32 : memref<!tpu.dma_semaphore, #tpu.memory_space<semaphore_mem>>) src(%dma_wait3A_342 : memref<40xi32, #tpu.memory_space<hbm>>) dst(%arg16 : memref<40xi32, #tpu.memory_space<vmem>>)
      %dma_wait3A_343 = arith.constant 0 : i32
      %dma_wait3A_344 = tpu.memref_slice %arg4[%dma_wait3A_343] : memref<2560000xf32, #tpu.memory_space<hbm>> -> memref<320xf32, #tpu.memory_space<hbm>>
      %dma_wait3A_345 = arith.constant 0 : i32
      %dma_wait3A_346 = tpu.memref_slice %arg4[%dma_wait3A_345] : memref<2560000xf32, #tpu.memory_space<hbm>> -> memref<320xf32, #tpu.memory_space<hbm>>
      tpu.wait_dma2 semaphore(%arg32 : memref<!tpu.dma_semaphore, #tpu.memory_space<semaphore_mem>>) src(%dma_wait3A_346 : memref<320xf32, #tpu.memory_space<hbm>>) dst(%arg21 : memref<320xf32, #tpu.memory_space<vmem>>)
      %dma_wait3A_347 = arith.constant 0 : i32
      %dma_wait3A_348 = arith.constant 0 : i32
      %dma_wait3A_349 = tpu.memref_slice %arg5[%dma_wait3A_347, %dma_wait3A_348] : memref<10000x128xf32, #tpu.memory_space<hbm>> -> memref<40x128xf32, #tpu.memory_space<hbm>>
      %dma_wait3A_350 = arith.constant 0 : i32
      %dma_wait3A_351 = arith.constant 0 : i32
      %dma_wait3A_352 = tpu.memref_slice %arg5[%dma_wait3A_350, %dma_wait3A_351] : memref<10000x128xf32, #tpu.memory_space<hbm>> -> memref<40x128xf32, #tpu.memory_space<hbm>>
      tpu.wait_dma2 semaphore(%arg32 : memref<!tpu.dma_semaphore, #tpu.memory_space<semaphore_mem>>) src(%dma_wait3A_352 : memref<40x128xf32, #tpu.memory_space<hbm>>) dst(%arg26 : memref<40x128xf32, #tpu.memory_space<vmem>>)
      %scan3A_353 = arith.constant 0 : i32
      %scan3A_354 = arith.constant 0 : i32
      %scan3A_355 = arith.constant 40 : i32
      %scan3A_356 = arith.addi %scan3A_354, %scan3A_355 : i32
      %scan3A_357 = arith.constant 1 : i32
      %scan3A_358 = scf.for %scan3A_373 = %scan3A_354 to %scan3A_356 step %scan3A_357 iter_args(%scan3A_374 = %scan3A_353) -> (i32)  : i32 {
        %broadcast_in_dim3A_375 = vector.broadcast %scan3A_373 : i32 to vector<16xi32>
        %mul3A_376 = arith.constant 8 : i32
        %mul3A_377 = arith.muli %scan3A_373, %mul3A_376 : i32
        %add3A_378 = arith.constant 0 : i32
        %add3A_379 = arith.addi %mul3A_377, %add3A_378 : i32
        %broadcast_in_dim3A_380 = vector.broadcast %add3A_379 : i32 to vector<16xi32>
        %gather3A = tpu.vector_load_idx %arg21[%broadcast_in_dim3A_380] : memref<320xf32, #tpu.memory_space<vmem>>[vector<16xi32>], vector<16xf32>,
        %add3A_381 = arith.constant 0 : i32
        %add3A_382 = vector.broadcast %add3A_381 : i32 to vector<16xi32>
        %add3A_383 = arith.addi %add3A_382, %iota3A : vector<16xi32>
        %gather3A_384 = tpu.vector_load_idx %arg26[%broadcast_in_dim3A_375, %add3A_383] : memref<40x128xf32, #tpu.memory_space<vmem>>[vector<16xi32>, vector<16xi32>], vector<16xf32>,
        %add3A_385 = arith.constant 0 : i32
        %add3A_386 = vector.broadcast %add3A_385 : i32 to vector<16xi32>
        %add3A_387 = arith.addi %add3A_386, %iota3A : vector<16xi32>
        %mul3A_388 = arith.mulf %gather3A_384, %gather3A : vector<16xf32>
        tpu.vector_store_idx %arg26[%broadcast_in_dim3A_375, %add3A_387], %mul3A_388 : memref<40x128xf32, #tpu.memory_space<vmem>>[vector<16xi32>, vector<16xi32>], vector<16xf32>,
        %mul3A_389 = arith.constant 8 : i32
        %mul3A_390 = arith.muli %scan3A_373, %mul3A_389 : i32
        %add3A_391 = arith.constant 1 : i32
        %add3A_392 = arith.addi %mul3A_390, %add3A_391 : i32
        %broadcast_in_dim3A_393 = vector.broadcast %add3A_392 : i32 to vector<16xi32>
        %gather3A_394 = tpu.vector_load_idx %arg21[%broadcast_in_dim3A_393] : memref<320xf32, #tpu.memory_space<vmem>>[vector<16xi32>], vector<16xf32>,
        %add3A_395 = arith.constant 16 : i32
        %add3A_396 = vector.broadcast %add3A_395 : i32 to vector<16xi32>
        %add3A_397 = arith.addi %add3A_396, %iota3A : vector<16xi32>
        %gather3A_398 = tpu.vector_load_idx %arg26[%broadcast_in_dim3A_375, %add3A_397] : memref<40x128xf32, #tpu.memory_space<vmem>>[vector<16xi32>, vector<16xi32>], vector<16xf32>,
        %add3A_399 = arith.constant 16 : i32
        %add3A_400 = vector.broadcast %add3A_399 : i32 to vector<16xi32>
        %add3A_401 = arith.addi %add3A_400, %iota3A : vector<16xi32>
        %mul3A_402 = arith.mulf %gather3A_398, %gather3A_394 : vector<16xf32>
        tpu.vector_store_idx %arg26[%broadcast_in_dim3A_375, %add3A_401], %mul3A_402 : memref<40x128xf32, #tpu.memory_space<vmem>>[vector<16xi32>, vector<16xi32>], vector<16xf32>,
        %mul3A_403 = arith.constant 8 : i32
        %mul3A_404 = arith.muli %scan3A_373, %mul3A_403 : i32
        %add3A_405 = arith.constant 2 : i32
        %add3A_406 = arith.addi %mul3A_404, %add3A_405 : i32
        %broadcast_in_dim3A_407 = vector.broadcast %add3A_406 : i32 to vector<16xi32>
        %gather3A_408 = tpu.vector_load_idx %arg21[%broadcast_in_dim3A_407] : memref<320xf32, #tpu.memory_space<vmem>>[vector<16xi32>], vector<16xf32>,
        %add3A_409 = arith.constant 32 : i32
        %add3A_410 = vector.broadcast %add3A_409 : i32 to vector<16xi32>
        %add3A_411 = arith.addi %add3A_410, %iota3A : vector<16xi32>
        %gather3A_412 = tpu.vector_load_idx %arg26[%broadcast_in_dim3A_375, %add3A_411] : memref<40x128xf32, #tpu.memory_space<vmem>>[vector<16xi32>, vector<16xi32>], vector<16xf32>,
        %add3A_413 = arith.constant 32 : i32
        %add3A_414 = vector.broadcast %add3A_413 : i32 to vector<16xi32>
        %add3A_415 = arith.addi %add3A_414, %iota3A : vector<16xi32>
        %mul3A_416 = arith.mulf %gather3A_412, %gather3A_408 : vector<16xf32>
        tpu.vector_store_idx %arg26[%broadcast_in_dim3A_375, %add3A_415], %mul3A_416 : memref<40x128xf32, #tpu.memory_space<vmem>>[vector<16xi32>, vector<16xi32>], vector<16xf32>,
        %mul3A_417 = arith.constant 8 : i32
        %mul3A_418 = arith.muli %scan3A_373, %mul3A_417 : i32
        %add3A_419 = arith.constant 3 : i32
        %add3A_420 = arith.addi %mul3A_418, %add3A_419 : i32
        %broadcast_in_dim3A_421 = vector.broadcast %add3A_420 : i32 to vector<16xi32>
        %gather3A_422 = tpu.vector_load_idx %arg21[%broadcast_in_dim3A_421] : memref<320xf32, #tpu.memory_space<vmem>>[vector<16xi32>], vector<16xf32>,
        %add3A_423 = arith.constant 48 : i32
        %add3A_424 = vector.broadcast %add3A_423 : i32 to vector<16xi32>
        %add3A_425 = arith.addi %add3A_424, %iota3A : vector<16xi32>
        %gather3A_426 = tpu.vector_load_idx %arg26[%broadcast_in_dim3A_375, %add3A_425] : memref<40x128xf32, #tpu.memory_space<vmem>>[vector<16xi32>, vector<16xi32>], vector<16xf32>,
        %add3A_427 = arith.constant 48 : i32
        %add3A_428 = vector.broadcast %add3A_427 : i32 to vector<16xi32>
        %add3A_429 = arith.addi %add3A_428, %iota3A : vector<16xi32>
        %mul3A_430 = arith.mulf %gather3A_426, %gather3A_422 : vector<16xf32>
        tpu.vector_store_idx %arg26[%broadcast_in_dim3A_375, %add3A_429], %mul3A_430 : memref<40x128xf32, #tpu.memory_space<vmem>>[vector<16xi32>, vector<16xi32>], vector<16xf32>,
        %mul3A_431 = arith.constant 8 : i32
        %mul3A_432 = arith.muli %scan3A_373, %mul3A_431 : i32
        %add3A_433 = arith.constant 4 : i32
        %add3A_434 = arith.addi %mul3A_432, %add3A_433 : i32
        %broadcast_in_dim3A_435 = vector.broadcast %add3A_434 : i32 to vector<16xi32>
        %gather3A_436 = tpu.vector_load_idx %arg21[%broadcast_in_dim3A_435] : memref<320xf32, #tpu.memory_space<vmem>>[vector<16xi32>], vector<16xf32>,
        %add3A_437 = arith.constant 64 : i32
        %add3A_438 = vector.broadcast %add3A_437 : i32 to vector<16xi32>
        %add3A_439 = arith.addi %add3A_438, %iota3A : vector<16xi32>
        %gather3A_440 = tpu.vector_load_idx %arg26[%broadcast_in_dim3A_375, %add3A_439] : memref<40x128xf32, #tpu.memory_space<vmem>>[vector<16xi32>, vector<16xi32>], vector<16xf32>,
        %add3A_441 = arith.constant 64 : i32
        %add3A_442 = vector.broadcast %add3A_441 : i32 to vector<16xi32>
        %add3A_443 = arith.addi %add3A_442, %iota3A : vector<16xi32>
        %mul3A_444 = arith.mulf %gather3A_440, %gather3A_436 : vector<16xf32>
        tpu.vector_store_idx %arg26[%broadcast_in_dim3A_375, %add3A_443], %mul3A_444 : memref<40x128xf32, #tpu.memory_space<vmem>>[vector<16xi32>, vector<16xi32>], vector<16xf32>,
        %mul3A_445 = arith.constant 8 : i32
        %mul3A_446 = arith.muli %scan3A_373, %mul3A_445 : i32
        %add3A_447 = arith.constant 5 : i32
        %add3A_448 = arith.addi %mul3A_446, %add3A_447 : i32
        %broadcast_in_dim3A_449 = vector.broadcast %add3A_448 : i32 to vector<16xi32>
        %gather3A_450 = tpu.vector_load_idx %arg21[%broadcast_in_dim3A_449] : memref<320xf32, #tpu.memory_space<vmem>>[vector<16xi32>], vector<16xf32>,
        %add3A_451 = arith.constant 80 : i32
        %add3A_452 = vector.broadcast %add3A_451 : i32 to vector<16xi32>
        %add3A_453 = arith.addi %add3A_452, %iota3A : vector<16xi32>
        %gather3A_454 = tpu.vector_load_idx %arg26[%broadcast_in_dim3A_375, %add3A_453] : memref<40x128xf32, #tpu.memory_space<vmem>>[vector<16xi32>, vector<16xi32>], vector<16xf32>,
        %add3A_455 = arith.constant 80 : i32
        %add3A_456 = vector.broadcast %add3A_455 : i32 to vector<16xi32>
        %add3A_457 = arith.addi %add3A_456, %iota3A : vector<16xi32>
        %mul3A_458 = arith.mulf %gather3A_454, %gather3A_450 : vector<16xf32>
        tpu.vector_store_idx %arg26[%broadcast_in_dim3A_375, %add3A_457], %mul3A_458 : memref<40x128xf32, #tpu.memory_space<vmem>>[vector<16xi32>, vector<16xi32>], vector<16xf32>,
        %mul3A_459 = arith.constant 8 : i32
        %mul3A_460 = arith.muli %scan3A_373, %mul3A_459 : i32
        %add3A_461 = arith.constant 6 : i32
        %add3A_462 = arith.addi %mul3A_460, %add3A_461 : i32
        %broadcast_in_dim3A_463 = vector.broadcast %add3A_462 : i32 to vector<16xi32>
        %gather3A_464 = tpu.vector_load_idx %arg21[%broadcast_in_dim3A_463] : memref<320xf32, #tpu.memory_space<vmem>>[vector<16xi32>], vector<16xf32>,
        %add3A_465 = arith.constant 96 : i32
        %add3A_466 = vector.broadcast %add3A_465 : i32 to vector<16xi32>
        %add3A_467 = arith.addi %add3A_466, %iota3A : vector<16xi32>
        %gather3A_468 = tpu.vector_load_idx %arg26[%broadcast_in_dim3A_375, %add3A_467] : memref<40x128xf32, #tpu.memory_space<vmem>>[vector<16xi32>, vector<16xi32>], vector<16xf32>,
        %add3A_469 = arith.constant 96 : i32
        %add3A_470 = vector.broadcast %add3A_469 : i32 to vector<16xi32>
        %add3A_471 = arith.addi %add3A_470, %iota3A : vector<16xi32>
        %mul3A_472 = arith.mulf %gather3A_468, %gather3A_464 : vector<16xf32>
        tpu.vector_store_idx %arg26[%broadcast_in_dim3A_375, %add3A_471], %mul3A_472 : memref<40x128xf32, #tpu.memory_space<vmem>>[vector<16xi32>, vector<16xi32>], vector<16xf32>,
        %mul3A_473 = arith.constant 8 : i32
        %mul3A_474 = arith.muli %scan3A_373, %mul3A_473 : i32
        %add3A_475 = arith.constant 7 : i32
        %add3A_476 = arith.addi %mul3A_474, %add3A_475 : i32
        %broadcast_in_dim3A_477 = vector.broadcast %add3A_476 : i32 to vector<16xi32>
        %gather3A_478 = tpu.vector_load_idx %arg21[%broadcast_in_dim3A_477] : memref<320xf32, #tpu.memory_space<vmem>>[vector<16xi32>], vector<16xf32>,
        %add3A_479 = arith.constant 112 : i32
        %add3A_480 = vector.broadcast %add3A_479 : i32 to vector<16xi32>
        %add3A_481 = arith.addi %add3A_480, %iota3A : vector<16xi32>
        %gather3A_482 = tpu.vector_load_idx %arg26[%broadcast_in_dim3A_375, %add3A_481] : memref<40x128xf32, #tpu.memory_space<vmem>>[vector<16xi32>, vector<16xi32>], vector<16xf32>,
        %add3A_483 = arith.constant 112 : i32
        %add3A_484 = vector.broadcast %add3A_483 : i32 to vector<16xi32>
        %add3A_485 = arith.addi %add3A_484, %iota3A : vector<16xi32>
        %mul3A_486 = arith.mulf %gather3A_482, %gather3A_478 : vector<16xf32>
        tpu.vector_store_idx %arg26[%broadcast_in_dim3A_375, %add3A_485], %mul3A_486 : memref<40x128xf32, #tpu.memory_space<vmem>>[vector<16xi32>, vector<16xi32>], vector<16xf32>,
        %scan3A_487 = arith.constant 0 : i32
        scf.yield %scan3A_487 : i32
      }
      %scan3A_359 = arith.constant 40 : i32
      %dma_start3A_360 = arith.constant 0 : i32
      %dma_start3A_361 = arith.constant 0 : i32
      %dma_start3A_362 = tpu.memref_slice %arg27[%dma_start3A_360, %dma_start3A_361] : memref<10240x128xf32, #tpu.memory_space<vmem_shared>> -> memref<10240x128xf32, #tpu.memory_space<vmem_shared>>
      tpu.enqueue_indirect_dma source(%arg26 : memref<40x128xf32, #tpu.memory_space<vmem>>) target(%dma_start3A_362 : memref<10240x128xf32, #tpu.memory_space<vmem_shared>>) offsets(%arg16 : memref<40xi32, #tpu.memory_space<vmem>>) semaphore(%arg37 : memref<!tpu.dma_semaphore, #tpu.memory_space<semaphore_mem>>) {add = true}
      %add3A_363 = arith.constant 5 : i32
      %add3A_364 = arith.addi %add3A_338, %add3A_363 : i32
      %sub3A_365 = arith.constant 1 : i32
      %sub3A_366 = arith.subi %add3A_364, %sub3A_365 : i32
      %lt3A_367 = arith.constant 250 : i32
      %lt3A_368 = arith.cmpi slt, %sub3A_366, %lt3A_367 : i32
      %convert_element_type3A_369 = arith.extui %lt3A_368 : i1 to i32
      %cond3A_370 = arith.constant 0 : i32
      %cond3A_371 = arith.cmpi ne, %convert_element_type3A_369, %cond3A_370 : i32
      scf.if %cond3A_371 {
        %dma_wait3A_373 = arith.constant 0 : i32
        %dma_wait3A_374 = arith.constant 0 : i32
        %dma_wait3A_375 = tpu.memref_slice %arg5[%dma_wait3A_373, %dma_wait3A_374] : memref<10000x128xf32, #tpu.memory_space<hbm>> -> memref<40x128xf32, #tpu.memory_space<hbm>>
        %dma_wait3A_376 = arith.constant 0 : i32
        %dma_wait3A_377 = arith.constant 0 : i32
        %dma_wait3A_378 = tpu.memref_slice %arg5[%dma_wait3A_376, %dma_wait3A_377] : memref<10000x128xf32, #tpu.memory_space<hbm>> -> memref<40x128xf32, #tpu.memory_space<hbm>>
        tpu.wait_dma2 semaphore(%arg36 : memref<!tpu.dma_semaphore, #tpu.memory_space<semaphore_mem>>) src(%dma_wait3A_378 : memref<40x128xf32, #tpu.memory_space<hbm>>) dst(%arg25 : memref<40x128xf32, #tpu.memory_space<vmem>>)
        %add3A_379 = arith.constant 5 : i32
        %add3A_380 = arith.addi %add3A_338, %add3A_379 : i32
        %sub3A_381 = arith.constant 1 : i32
        %sub3A_382 = arith.subi %add3A_380, %sub3A_381 : i32
        %mul3A_383 = arith.constant 40 : i32
        %mul3A_384 = arith.muli %sub3A_382, %mul3A_383 : i32
        %add3A_385 = arith.addi %mul3A_3, %mul3A_384 : i32
        %dma_start3A_386 = tpu.memref_slice %arg3[%add3A_385] : memref<320000xi32, #tpu.memory_space<hbm>> -> memref<40xi32, #tpu.memory_space<hbm>>
        %dma_start3A_387 = tpu.memref_slice %arg3[%add3A_385] : memref<320000xi32, #tpu.memory_space<hbm>> -> memref<40xi32, #tpu.memory_space<hbm>>
        tpu.enqueue_dma source(%dma_start3A_387 : memref<40xi32, #tpu.memory_space<hbm>>) target(%arg15 : memref<40xi32, #tpu.memory_space<vmem>>) target_semaphore(%arg31 : memref<!tpu.dma_semaphore, #tpu.memory_space<semaphore_mem>>)
        %mul3A_388 = arith.constant 8 : i32
        %mul3A_389 = arith.muli %add3A_385, %mul3A_388 : i32
        %dma_start3A_390 = tpu.memref_slice %arg4[%mul3A_389] : memref<2560000xf32, #tpu.memory_space<hbm>> -> memref<320xf32, #tpu.memory_space<hbm>>
        %dma_start3A_391 = tpu.memref_slice %arg4[%mul3A_389] : memref<2560000xf32, #tpu.memory_space<hbm>> -> memref<320xf32, #tpu.memory_space<hbm>>
        tpu.enqueue_dma source(%dma_start3A_391 : memref<320xf32, #tpu.memory_space<hbm>>) target(%arg20 : memref<320xf32, #tpu.memory_space<vmem>>) target_semaphore(%arg31 : memref<!tpu.dma_semaphore, #tpu.memory_space<semaphore_mem>>)
        "tpu.region"() ({
          %run_scoped3A = tpu.sem_alloc : memref<!tpu.dma_semaphore, #tpu.memory_space<semaphore_mem>>
          %dma_start3A_395 = tpu.memref_slice %arg2[%add3A_385] : memref<320000xi32, #tpu.memory_space<hbm>> -> memref<40xi32, #tpu.memory_space<hbm>>
          %dma_start3A_396 = tpu.memref_slice %arg2[%add3A_385] : memref<320000xi32, #tpu.memory_space<hbm>> -> memref<40xi32, #tpu.memory_space<hbm>>
          tpu.enqueue_dma source(%dma_start3A_396 : memref<40xi32, #tpu.memory_space<hbm>>) target(%arg10 : memref<40xi32, #tpu.memory_space<vmem>>) target_semaphore(%run_scoped3A : memref<!tpu.dma_semaphore, #tpu.memory_space<semaphore_mem>>)
          %dma_wait3A_397 = tpu.memref_slice %arg2[%add3A_385] : memref<320000xi32, #tpu.memory_space<hbm>> -> memref<40xi32, #tpu.memory_space<hbm>>
          %dma_wait3A_398 = tpu.memref_slice %arg2[%add3A_385] : memref<320000xi32, #tpu.memory_space<hbm>> -> memref<40xi32, #tpu.memory_space<hbm>>
          tpu.wait_dma2 semaphore(%run_scoped3A : memref<!tpu.dma_semaphore, #tpu.memory_space<semaphore_mem>>) src(%dma_wait3A_398 : memref<40xi32, #tpu.memory_space<hbm>>) dst(%arg10 : memref<40xi32, #tpu.memory_space<vmem>>)
          tpu.yield
        }) : () -> ()
        %dma_start3A_392 = arith.constant 0 : i32
        %dma_start3A_393 = arith.constant 0 : i32
        %dma_start3A_394 = tpu.memref_slice %arg5[%dma_start3A_392, %dma_start3A_393] : memref<10000x128xf32, #tpu.memory_space<hbm>> -> memref<10000x128xf32, #tpu.memory_space<hbm>>
        tpu.enqueue_indirect_dma source(%dma_start3A_394 : memref<10000x128xf32, #tpu.memory_space<hbm>>) target(%arg25 : memref<40x128xf32, #tpu.memory_space<vmem>>) offsets(%arg10 : memref<40xi32, #tpu.memory_space<vmem>>) semaphore(%arg31 : memref<!tpu.dma_semaphore, #tpu.memory_space<semaphore_mem>>)
      } else {
      }
      %scan3A_372 = arith.constant 0 : i32
      scf.yield %scan3A_372 : i32
    }
    %scan3A_154 = arith.constant 50 : i32
    %dma_wait3A = arith.constant 0 : i32
    %dma_wait3A_155 = arith.constant 0 : i32
    %dma_wait3A_156 = tpu.memref_slice %arg5[%dma_wait3A, %dma_wait3A_155] : memref<10000x128xf32, #tpu.memory_space<hbm>> -> memref<40x128xf32, #tpu.memory_space<hbm>>
    %dma_wait3A_157 = arith.constant 0 : i32
    %dma_wait3A_158 = arith.constant 0 : i32
    %dma_wait3A_159 = tpu.memref_slice %arg5[%dma_wait3A_157, %dma_wait3A_158] : memref<10000x128xf32, #tpu.memory_space<hbm>> -> memref<40x128xf32, #tpu.memory_space<hbm>>
    tpu.wait_dma2 semaphore(%arg33 : memref<!tpu.dma_semaphore, #tpu.memory_space<semaphore_mem>>) src(%dma_wait3A_159 : memref<40x128xf32, #tpu.memory_space<hbm>>) dst(%arg22 : memref<40x128xf32, #tpu.memory_space<vmem>>)
    %dma_wait3A_160 = arith.constant 0 : i32
    %dma_wait3A_161 = arith.constant 0 : i32
    %dma_wait3A_162 = tpu.memref_slice %arg5[%dma_wait3A_160, %dma_wait3A_161] : memref<10000x128xf32, #tpu.memory_space<hbm>> -> memref<40x128xf32, #tpu.memory_space<hbm>>
    %dma_wait3A_163 = arith.constant 0 : i32
    %dma_wait3A_164 = arith.constant 0 : i32
    %dma_wait3A_165 = tpu.memref_slice %arg5[%dma_wait3A_163, %dma_wait3A_164] : memref<10000x128xf32, #tpu.memory_space<hbm>> -> memref<40x128xf32, #tpu.memory_space<hbm>>
    tpu.wait_dma2 semaphore(%arg34 : memref<!tpu.dma_semaphore, #tpu.memory_space<semaphore_mem>>) src(%dma_wait3A_165 : memref<40x128xf32, #tpu.memory_space<hbm>>) dst(%arg23 : memref<40x128xf32, #tpu.memory_space<vmem>>)
    %dma_wait3A_166 = arith.constant 0 : i32
    %dma_wait3A_167 = arith.constant 0 : i32
    %dma_wait3A_168 = tpu.memref_slice %arg5[%dma_wait3A_166, %dma_wait3A_167] : memref<10000x128xf32, #tpu.memory_space<hbm>> -> memref<40x128xf32, #tpu.memory_space<hbm>>
    %dma_wait3A_169 = arith.constant 0 : i32
    %dma_wait3A_170 = arith.constant 0 : i32
    %dma_wait3A_171 = tpu.memref_slice %arg5[%dma_wait3A_169, %dma_wait3A_170] : memref<10000x128xf32, #tpu.memory_space<hbm>> -> memref<40x128xf32, #tpu.memory_space<hbm>>
    tpu.wait_dma2 semaphore(%arg35 : memref<!tpu.dma_semaphore, #tpu.memory_space<semaphore_mem>>) src(%dma_wait3A_171 : memref<40x128xf32, #tpu.memory_space<hbm>>) dst(%arg24 : memref<40x128xf32, #tpu.memory_space<vmem>>)
    %dma_wait3A_172 = arith.constant 0 : i32
    %dma_wait3A_173 = arith.constant 0 : i32
    %dma_wait3A_174 = tpu.memref_slice %arg5[%dma_wait3A_172, %dma_wait3A_173] : memref<10000x128xf32, #tpu.memory_space<hbm>> -> memref<40x128xf32, #tpu.memory_space<hbm>>
    %dma_wait3A_175 = arith.constant 0 : i32
    %dma_wait3A_176 = arith.constant 0 : i32
    %dma_wait3A_177 = tpu.memref_slice %arg5[%dma_wait3A_175, %dma_wait3A_176] : memref<10000x128xf32, #tpu.memory_space<hbm>> -> memref<40x128xf32, #tpu.memory_space<hbm>>
    tpu.wait_dma2 semaphore(%arg36 : memref<!tpu.dma_semaphore, #tpu.memory_space<semaphore_mem>>) src(%dma_wait3A_177 : memref<40x128xf32, #tpu.memory_space<hbm>>) dst(%arg25 : memref<40x128xf32, #tpu.memory_space<vmem>>)
    %dma_wait3A_178 = arith.constant 0 : i32
    %dma_wait3A_179 = arith.constant 0 : i32
    %dma_wait3A_180 = tpu.memref_slice %arg5[%dma_wait3A_178, %dma_wait3A_179] : memref<10000x128xf32, #tpu.memory_space<hbm>> -> memref<40x128xf32, #tpu.memory_space<hbm>>
    %dma_wait3A_181 = arith.constant 0 : i32
    %dma_wait3A_182 = arith.constant 0 : i32
    %dma_wait3A_183 = tpu.memref_slice %arg5[%dma_wait3A_181, %dma_wait3A_182] : memref<10000x128xf32, #tpu.memory_space<hbm>> -> memref<40x128xf32, #tpu.memory_space<hbm>>
    tpu.wait_dma2 semaphore(%arg37 : memref<!tpu.dma_semaphore, #tpu.memory_space<semaphore_mem>>) src(%dma_wait3A_183 : memref<40x128xf32, #tpu.memory_space<hbm>>) dst(%arg26 : memref<40x128xf32, #tpu.memory_space<vmem>>)
    %barrier3A_184 = arith.constant 0 : index
    tpu.barrier barrier_id(%barrier3A_184)
    %eq3A = arith.constant 0 : i32
    %eq3A_185 = arith.cmpi eq, %arg1, %eq3A : i32
    %convert_element_type3A = arith.extui %eq3A_185 : i1 to i32
    %cond3A = arith.constant 0 : i32
    %cond3A_186 = arith.cmpi ne, %convert_element_type3A, %cond3A : i32
    scf.if %cond3A_186 {
      "tpu.region"() ({
        %run_scoped3A = tpu.sem_alloc : memref<!tpu.dma_semaphore, #tpu.memory_space<semaphore_mem>>
        %dma_start3A_187 = arith.constant 0 : i32
        %dma_start3A_188 = arith.constant 0 : i32
        %dma_start3A_189 = tpu.memref_slice %arg6[%arg0, %dma_start3A_187, %dma_start3A_188] : memref<2x10240x128xf32, #tpu.memory_space<hbm>> -> memref<1x10240x128xf32, #tpu.memory_space<hbm>>
        %dma_start3A_190 = tpu.memref_squeeze %dma_start3A_189 : memref<1x10240x128xf32, #tpu.memory_space<hbm>> -> memref<10240x128xf32, #tpu.memory_space<hbm>>
        tpu.enqueue_dma source(%arg27 : memref<10240x128xf32, #tpu.memory_space<vmem_shared>>) target(%dma_start3A_190 : memref<10240x128xf32, #tpu.memory_space<hbm>>) target_semaphore(%run_scoped3A : memref<!tpu.dma_semaphore, #tpu.memory_space<semaphore_mem>>)
        %dma_wait3A_191 = arith.constant 0 : i32
        %dma_wait3A_192 = arith.constant 0 : i32
        %dma_wait3A_193 = tpu.memref_slice %arg6[%arg0, %dma_wait3A_191, %dma_wait3A_192] : memref<2x10240x128xf32, #tpu.memory_space<hbm>> -> memref<1x10240x128xf32, #tpu.memory_space<hbm>>
        %dma_wait3A_194 = tpu.memref_squeeze %dma_wait3A_193 : memref<1x10240x128xf32, #tpu.memory_space<hbm>> -> memref<10240x128xf32, #tpu.memory_space<hbm>>
        tpu.wait_dma2 semaphore(%run_scoped3A : memref<!tpu.dma_semaphore, #tpu.memory_space<semaphore_mem>>) src(%arg27 : memref<10240x128xf32, #tpu.memory_space<vmem_shared>>) dst(%dma_wait3A_194 : memref<10240x128xf32, #tpu.memory_space<hbm>>)
        tpu.yield
      }) : () -> ()
    } else {
    }
    return
  }
}

module attributes {stable_mosaic.version = 14 : i64} {
  func.func @_edge_prep_body(%arg0: i32, %arg1: memref<8000x4xf32, #tpu.memory_space<vmem>>, %arg2: memref<4x8xf32, #tpu.memory_space<vmem>>, %arg3: memref<8000x8xf32, #tpu.memory_space<vmem>>, %arg4: memref<1x4xf32, #tpu.memory_space<vmem>>) attributes {dimension_semantics = [#tpu.dimension_semantics<arbitrary>], iteration_bounds = array<i64: 40>, scalar_prefetch = 0 : i64, scratch_operands = 0 : i64, tpu.core_type = #tpu.core_type<tc>, window_params = [{transform_indices = @transform_0, window_bounds = array<i64: 8000, 4>}, {pipeline_mode = #tpu.pipeline_mode<synchronous>, transform_indices = @transform_1, window_bounds = array<i64: 4, 8>}, {transform_indices = @transform_2, window_bounds = array<i64: 8000, 8>}, {pipeline_mode = #tpu.pipeline_mode<synchronous>, transform_indices = @transform_3, window_bounds = array<i64: 1, 4>}]} {
    %get3A = arith.constant 0 : index
    %get3A_0 = arith.constant 0 : index
    %get3A_1 = vector.load %arg1[%get3A, %get3A_0] : memref<8000x4xf32, #tpu.memory_space<vmem>>, vector<8000x4xf32>
    %get3A_2 = arith.constant 0 : index
    %get3A_3 = arith.constant 0 : index
    %get3A_4 = vector.load %arg2[%get3A_2, %get3A_3] : memref<4x8xf32, #tpu.memory_space<vmem>>, vector<4x8xf32>
    %dot_general3A = arith.constant dense<0.000000e+00> : vector<8000x8xf32>
    %dot_general3A_5 = tpu.matmul %get3A_1, %get3A_4, %dot_general3A {dimension_numbers = #tpu.dot_dimension_numbers<[1], [0], [0], [1], [0, 0, 1, 1], [], []>, transpose_lhs_hint = false} : vector<8000x4xf32>, vector<4x8xf32>, vector<8000x8xf32> -> vector<8000x8xf32>
    %swap3A = arith.constant 0 : index
    %swap3A_6 = arith.constant 0 : index
    %swap3A_7 = vector.load %arg3[%swap3A, %swap3A_6] : memref<8000x8xf32, #tpu.memory_space<vmem>>, vector<8000x8xf32>
    tpu.vector_store %arg3[%swap3A, %swap3A_6], %dot_general3A_5 {strides = array<i32>} : memref<8000x8xf32, #tpu.memory_space<vmem>>, vector<8000x8xf32>,
    %eq3A = arith.constant 0 : i32
    %eq3A_8 = arith.cmpi eq, %arg0, %eq3A : i32
    %convert_element_type3A = arith.extui %eq3A_8 : i1 to i32
    %cond3A = arith.constant 0 : i32
    %cond3A_9 = arith.cmpi ne, %convert_element_type3A, %cond3A : i32
    scf.if %cond3A_9 {
      %broadcast_in_dim3A_17 = arith.constant 0.000000e+00 : f32
      %broadcast_in_dim3A_18 = vector.broadcast %broadcast_in_dim3A_17 : f32 to vector<1x4xf32>
      %swap3A_19 = arith.constant 0 : index
      %swap3A_20 = arith.constant 0 : index
      %swap3A_21 = vector.load %arg4[%swap3A_19, %swap3A_20] : memref<1x4xf32, #tpu.memory_space<vmem>>, vector<1x4xf32>
      tpu.vector_store %arg4[%swap3A_19, %swap3A_20], %broadcast_in_dim3A_18 {strides = array<i32>} : memref<1x4xf32, #tpu.memory_space<vmem>>, vector<1x4xf32>,
    } else {
    }
    %get3A_10 = arith.constant 0 : index
    %get3A_11 = arith.constant 0 : index
    %get3A_12 = vector.load %arg4[%get3A_10, %get3A_11] : memref<1x4xf32, #tpu.memory_space<vmem>>, vector<1x4xf32>
    %reduce_sum3A = arith.constant dense<0.000000e+00> : vector<4xf32>
    %reduce_sum3A_13 = vector.multi_reduction <add>, %get3A_1, %reduce_sum3A [0] : vector<8000x4xf32> to vector<4xf32>
    %broadcast_in_dim3A = vector.shape_cast %reduce_sum3A_13 : vector<4xf32> to vector<1x4xf32>
    %add3A = arith.addf %get3A_12, %broadcast_in_dim3A : vector<1x4xf32>
    %swap3A_14 = arith.constant 0 : index
    %swap3A_15 = arith.constant 0 : index
    %swap3A_16 = vector.load %arg4[%swap3A_14, %swap3A_15] : memref<1x4xf32, #tpu.memory_space<vmem>>, vector<1x4xf32>
    tpu.vector_store %arg4[%swap3A_14, %swap3A_15], %add3A {strides = array<i32>} : memref<1x4xf32, #tpu.memory_space<vmem>>, vector<1x4xf32>,
    return
  }
  func.func @transform_0(%arg0: i32) -> (i32, i32) {
    %c0_i32 = arith.constant 0 : i32
    %c0_i32_0 = arith.constant 0 : i32
    return %arg0, %c0_i32 : i32, i32
  }
  func.func @transform_1(%arg0: i32) -> (i32, i32) {
    %c0_i32 = arith.constant 0 : i32
    %c0_i32_0 = arith.constant 0 : i32
    %c0_i32_1 = arith.constant 0 : i32
    return %c0_i32, %c0_i32_0 : i32, i32
  }
  func.func @transform_2(%arg0: i32) -> (i32, i32) {
    %c0_i32 = arith.constant 0 : i32
    %c0_i32_0 = arith.constant 0 : i32
    return %arg0, %c0_i32 : i32, i32
  }
  func.func @transform_3(%arg0: i32) -> (i32, i32) {
    %c0_i32 = arith.constant 0 : i32
    %c0_i32_0 = arith.constant 0 : i32
    %c0_i32_1 = arith.constant 0 : i32
    return %c0_i32, %c0_i32_0 : i32, i32
  }
}

module attributes {stable_mosaic.version = 14 : i64} {
  func.func @_node_prep_body(%arg0: i32, %arg1: memref<2000x128xf32, #tpu.memory_space<vmem>>, %arg2: memref<128x128xf32, #tpu.memory_space<vmem>>, %arg3: memref<128x8xf32, #tpu.memory_space<vmem>>, %arg4: memref<128x8xf32, #tpu.memory_space<vmem>>, %arg5: memref<1x8xf32, #tpu.memory_space<vmem>>, %arg6: memref<2000x128xf32, #tpu.memory_space<vmem>>, %arg7: memref<2000x8xi32, #tpu.memory_space<vmem>>, %arg8: memref<2000x8xf32, #tpu.memory_space<vmem>>) attributes {dimension_semantics = [#tpu.dimension_semantics<arbitrary>], iteration_bounds = array<i64: 5>, scalar_prefetch = 0 : i64, scratch_operands = 0 : i64, tpu.core_type = #tpu.core_type<tc>, window_params = [{transform_indices = @transform_0, window_bounds = array<i64: 2000, 128>}, {pipeline_mode = #tpu.pipeline_mode<synchronous>, transform_indices = @transform_1, window_bounds = array<i64: 128, 128>}, {pipeline_mode = #tpu.pipeline_mode<synchronous>, transform_indices = @transform_2, window_bounds = array<i64: 128, 8>}, {pipeline_mode = #tpu.pipeline_mode<synchronous>, transform_indices = @transform_3, window_bounds = array<i64: 128, 8>}, {pipeline_mode = #tpu.pipeline_mode<synchronous>, transform_indices = @transform_4, window_bounds = array<i64: 1, 8>}, {transform_indices = @transform_5, window_bounds = array<i64: 2000, 128>}, {transform_indices = @transform_6, window_bounds = array<i64: 2000, 8>}, {transform_indices = @transform_7, window_bounds = array<i64: 2000, 8>}]} {
    %get3A = arith.constant 0 : index
    %get3A_0 = arith.constant 0 : index
    %get3A_1 = vector.load %arg1[%get3A, %get3A_0] : memref<2000x128xf32, #tpu.memory_space<vmem>>, vector<2000x128xf32>
    %get3A_2 = arith.constant 0 : index
    %get3A_3 = arith.constant 0 : index
    %get3A_4 = vector.load %arg2[%get3A_2, %get3A_3] : memref<128x128xf32, #tpu.memory_space<vmem>>, vector<128x128xf32>
    %dot_general3A = arith.constant dense<0.000000e+00> : vector<2000x128xf32>
    %dot_general3A_5 = tpu.matmul %get3A_1, %get3A_4, %dot_general3A {dimension_numbers = #tpu.dot_dimension_numbers<[1], [0], [0], [1], [0, 0, 1, 1], [], []>, transpose_lhs_hint = false} : vector<2000x128xf32>, vector<128x128xf32>, vector<2000x128xf32> -> vector<2000x128xf32>
    %swap3A = arith.constant 0 : index
    %swap3A_6 = arith.constant 0 : index
    %swap3A_7 = vector.load %arg6[%swap3A, %swap3A_6] : memref<2000x128xf32, #tpu.memory_space<vmem>>, vector<2000x128xf32>
    tpu.vector_store %arg6[%swap3A, %swap3A_6], %dot_general3A_5 {strides = array<i32>} : memref<2000x128xf32, #tpu.memory_space<vmem>>, vector<2000x128xf32>,
    %get3A_8 = arith.constant 0 : index
    %get3A_9 = arith.constant 0 : index
    %get3A_10 = vector.load %arg3[%get3A_8, %get3A_9] : memref<128x8xf32, #tpu.memory_space<vmem>>, vector<128x8xf32>
    %dot_general3A_11 = arith.constant dense<0.000000e+00> : vector<2000x8xf32>
    %dot_general3A_12 = tpu.matmul %get3A_1, %get3A_10, %dot_general3A_11 {dimension_numbers = #tpu.dot_dimension_numbers<[1], [0], [0], [1], [0, 0, 1, 1], [], []>, transpose_lhs_hint = false} : vector<2000x128xf32>, vector<128x8xf32>, vector<2000x8xf32> -> vector<2000x8xf32>
    %get3A_13 = arith.constant 0 : index
    %get3A_14 = arith.constant 0 : index
    %get3A_15 = vector.load %arg4[%get3A_13, %get3A_14] : memref<128x8xf32, #tpu.memory_space<vmem>>, vector<128x8xf32>
    %dot_general3A_16 = arith.constant dense<0.000000e+00> : vector<2000x8xf32>
    %dot_general3A_17 = tpu.matmul %get3A_1, %get3A_15, %dot_general3A_16 {dimension_numbers = #tpu.dot_dimension_numbers<[1], [0], [0], [1], [0, 0, 1, 1], [], []>, transpose_lhs_hint = false} : vector<2000x128xf32>, vector<128x8xf32>, vector<2000x8xf32> -> vector<2000x8xf32>
    %convert_element_type3A = arith.truncf %dot_general3A_12 : vector<2000x8xf32> to vector<2000x8xbf16>
    %bitcast_convert_type3A = tpu.bitcast %convert_element_type3A : vector<2000x8xbf16> -> vector<2000x8xi16>
    %convert_element_type3A_18 = arith.truncf %dot_general3A_17 : vector<2000x8xf32> to vector<2000x8xbf16>
    %bitcast_convert_type3A_19 = tpu.bitcast %convert_element_type3A_18 : vector<2000x8xbf16> -> vector<2000x8xi16>
    %convert_element_type3A_20 = arith.extui %bitcast_convert_type3A : vector<2000x8xi16> to vector<2000x8xi32>
    %shift_left3A = arith.constant 16 : i32
    %shift_left3A_21 = vector.broadcast %shift_left3A : i32 to vector<2000x8xi32>
    %shift_left3A_22 = arith.shli %convert_element_type3A_20, %shift_left3A_21 : vector<2000x8xi32>
    %convert_element_type3A_23 = arith.extui %bitcast_convert_type3A_19 : vector<2000x8xi16> to vector<2000x8xi32>
    %or3A = arith.ori %shift_left3A_22, %convert_element_type3A_23 : vector<2000x8xi32>
    %bitcast_convert_type3A_24 = tpu.bitcast %or3A : vector<2000x8xi32> -> vector<2000x8xi32>
    %swap3A_25 = arith.constant 0 : index
    %swap3A_26 = arith.constant 0 : index
    %swap3A_27 = vector.load %arg7[%swap3A_25, %swap3A_26] : memref<2000x8xi32, #tpu.memory_space<vmem>>, vector<2000x8xi32>
    tpu.vector_store %arg7[%swap3A_25, %swap3A_26], %bitcast_convert_type3A_24 {strides = array<i32>} : memref<2000x8xi32, #tpu.memory_space<vmem>>, vector<2000x8xi32>,
    %add3A = arith.addf %dot_general3A_12, %dot_general3A_17 : vector<2000x8xf32>
    %get3A_28 = arith.constant 0 : index
    %get3A_29 = arith.constant 0 : index
    %get3A_30 = vector.load %arg5[%get3A_28, %get3A_29] : memref<1x8xf32, #tpu.memory_space<vmem>>, vector<1x8xf32>
    %add3A_31 = vector.broadcast %get3A_30 : vector<1x8xf32> to vector<2000x8xf32>
    %add3A_32 = arith.addf %add3A, %add3A_31 : vector<2000x8xf32>
    %ge3A = arith.constant 0.000000e+00 : f32
    %ge3A_33 = vector.broadcast %ge3A : f32 to vector<2000x8xf32>
    %ge3A_34 = arith.cmpf oge, %add3A_32, %ge3A_33 : vector<2000x8xf32>
    %mul3A = arith.constant 2.000000e-01 : f32
    %mul3A_35 = vector.broadcast %mul3A : f32 to vector<2000x8xf32>
    %mul3A_36 = arith.mulf %mul3A_35, %add3A_32 : vector<2000x8xf32>
    %select_n3A = arith.select %ge3A_34, %add3A_32, %mul3A_36 : vector<2000x8xi1>, vector<2000x8xf32>
    %exp3A = math.exp %select_n3A : vector<2000x8xf32>
    %swap3A_37 = arith.constant 0 : index
    %swap3A_38 = arith.constant 0 : index
    %swap3A_39 = vector.load %arg8[%swap3A_37, %swap3A_38] : memref<2000x8xf32, #tpu.memory_space<vmem>>, vector<2000x8xf32>
    tpu.vector_store %arg8[%swap3A_37, %swap3A_38], %exp3A {strides = array<i32>} : memref<2000x8xf32, #tpu.memory_space<vmem>>, vector<2000x8xf32>,
    return
  }
  func.func @transform_0(%arg0: i32) -> (i32, i32) {
    %c0_i32 = arith.constant 0 : i32
    %c0_i32_0 = arith.constant 0 : i32
    return %arg0, %c0_i32 : i32, i32
  }
  func.func @transform_1(%arg0: i32) -> (i32, i32) {
    %c0_i32 = arith.constant 0 : i32
    %c0_i32_0 = arith.constant 0 : i32
    %c0_i32_1 = arith.constant 0 : i32
    return %c0_i32, %c0_i32_0 : i32, i32
  }
  func.func @transform_2(%arg0: i32) -> (i32, i32) {
    %c0_i32 = arith.constant 0 : i32
    %c0_i32_0 = arith.constant 0 : i32
    %c0_i32_1 = arith.constant 0 : i32
    return %c0_i32, %c0_i32_0 : i32, i32
  }
  func.func @transform_3(%arg0: i32) -> (i32, i32) {
    %c0_i32 = arith.constant 0 : i32
    %c0_i32_0 = arith.constant 0 : i32
    %c0_i32_1 = arith.constant 0 : i32
    return %c0_i32, %c0_i32_0 : i32, i32
  }
  func.func @transform_4(%arg0: i32) -> (i32, i32) {
    %c0_i32 = arith.constant 0 : i32
    %c0_i32_0 = arith.constant 0 : i32
    %c0_i32_1 = arith.constant 0 : i32
    return %c0_i32, %c0_i32_0 : i32, i32
  }
  func.func @transform_5(%arg0: i32) -> (i32, i32) {
    %c0_i32 = arith.constant 0 : i32
    %c0_i32_0 = arith.constant 0 : i32
    return %arg0, %c0_i32 : i32, i32
  }
  func.func @transform_6(%arg0: i32) -> (i32, i32) {
    %c0_i32 = arith.constant 0 : i32
    %c0_i32_0 = arith.constant 0 : i32
    return %arg0, %c0_i32 : i32, i32
  }
  func.func @transform_7(%arg0: i32) -> (i32, i32) {
    %c0_i32 = arith.constant 0 : i32
    %c0_i32_0 = arith.constant 0 : i32
    return %arg0, %c0_i32 : i32, i32
  }
}

module attributes {stable_mosaic.version = 14 : i64} {
  func.func @_dsum_body(%arg0: i32, %arg1: memref<32x8192xf32, #tpu.memory_space<vmem>>, %arg2: memref<1x8192xf32, #tpu.memory_space<vmem>>) attributes {dimension_semantics = [#tpu.dimension_semantics<arbitrary>], iteration_bounds = array<i64: 10>, scalar_prefetch = 0 : i64, scratch_operands = 0 : i64, tpu.core_type = #tpu.core_type<tc>, window_params = [{transform_indices = @transform_0, window_bounds = array<i64: 32, 8192>}, {transform_indices = @transform_1, window_bounds = array<i64: 1, 8192>}]} {
    %get3A = arith.constant 0 : index
    %get3A_0 = arith.constant 0 : index
    %get3A_1 = vector.load %arg1[%get3A, %get3A_0] : memref<32x8192xf32, #tpu.memory_space<vmem>>, vector<32x8192xf32>
    %reduce_sum3A = arith.constant dense<0.000000e+00> : vector<8192xf32>
    %reduce_sum3A_2 = vector.multi_reduction <add>, %get3A_1, %reduce_sum3A [0] : vector<32x8192xf32> to vector<8192xf32>
    %broadcast_in_dim3A = vector.shape_cast %reduce_sum3A_2 : vector<8192xf32> to vector<1x8192xf32>
    %swap3A = arith.constant 0 : index
    %swap3A_3 = arith.constant 0 : index
    %swap3A_4 = vector.load %arg2[%swap3A, %swap3A_3] : memref<1x8192xf32, #tpu.memory_space<vmem>>, vector<1x8192xf32>
    tpu.vector_store %arg2[%swap3A, %swap3A_3], %broadcast_in_dim3A {strides = array<i32>} : memref<1x8192xf32, #tpu.memory_space<vmem>>, vector<1x8192xf32>,
    return
  }
  func.func @transform_0(%arg0: i32) -> (i32, i32) {
    %c0_i32 = arith.constant 0 : i32
    %c0_i32_0 = arith.constant 0 : i32
    return %c0_i32, %arg0 : i32, i32
  }
  func.func @transform_1(%arg0: i32) -> (i32, i32) {
    %c0_i32 = arith.constant 0 : i32
    %c0_i32_0 = arith.constant 0 : i32
    return %c0_i32, %arg0 : i32, i32
  }
}

module attributes {stable_mosaic.version = 14 : i64} {
  func.func @_epi1_body(%arg0: i32, %arg1: memref<2000x8xf32, #tpu.memory_space<vmem>>, %arg2: memref<1x2000x128xf32, #tpu.memory_space<vmem>>, %arg3: memref<1x2000x128xf32, #tpu.memory_space<vmem>>, %arg4: memref<2000x8xf32, #tpu.memory_space<vmem>>, %arg5: memref<2000x128xf32, #tpu.memory_space<vmem>>, %arg6: memref<8x128xf32, #tpu.memory_space<vmem>>, %arg7: memref<1x128xf32, #tpu.memory_space<vmem>>, %arg8: memref<128x128xf32, #tpu.memory_space<vmem>>, %arg9: memref<1x128xf32, #tpu.memory_space<vmem>>, %arg10: memref<1x128xf32, #tpu.memory_space<vmem>>, %arg11: memref<1x128xf32, #tpu.memory_space<vmem>>, %arg12: memref<2000x128xf32, #tpu.memory_space<vmem>>, %arg13: memref<1x128xf32, #tpu.memory_space<vmem>>) attributes {dimension_semantics = [#tpu.dimension_semantics<arbitrary>], iteration_bounds = array<i64: 5>, scalar_prefetch = 0 : i64, scratch_operands = 0 : i64, tpu.core_type = #tpu.core_type<tc>, window_params = [{transform_indices = @transform_0, window_bounds = array<i64: 2000, 8>}, {transform_indices = @transform_1, window_bounds = array<i64: 1, 2000, 128>}, {transform_indices = @transform_2, window_bounds = array<i64: 1, 2000, 128>}, {transform_indices = @transform_3, window_bounds = array<i64: 2000, 8>}, {transform_indices = @transform_4, window_bounds = array<i64: 2000, 128>}, {pipeline_mode = #tpu.pipeline_mode<synchronous>, transform_indices = @transform_5, window_bounds = array<i64: 8, 128>}, {pipeline_mode = #tpu.pipeline_mode<synchronous>, transform_indices = @transform_6, window_bounds = array<i64: 1, 128>}, {pipeline_mode = #tpu.pipeline_mode<synchronous>, transform_indices = @transform_7, window_bounds = array<i64: 128, 128>}, {pipeline_mode = #tpu.pipeline_mode<synchronous>, transform_indices = @transform_8, window_bounds = array<i64: 1, 128>}, {pipeline_mode = #tpu.pipeline_mode<synchronous>, transform_indices = @transform_9, window_bounds = array<i64: 1, 128>}, {pipeline_mode = #tpu.pipeline_mode<synchronous>, transform_indices = @transform_10, window_bounds = array<i64: 1, 128>}, {transform_indices = @transform_11, window_bounds = array<i64: 2000, 128>}, {pipeline_mode = #tpu.pipeline_mode<synchronous>, transform_indices = @transform_12, window_bounds = array<i64: 1, 128>}]} {
    %get3A = arith.constant 0 : index
    %get3A_0 = arith.constant 0 : index
    %get3A_1 = vector.load %arg4[%get3A, %get3A_0] : memref<2000x8xf32, #tpu.memory_space<vmem>>, vector<2000x8xf32>
    %get3A_2 = arith.constant 0 : index
    %get3A_3 = arith.constant 0 : index
    %get3A_4 = vector.load %arg1[%get3A_2, %get3A_3] : memref<2000x8xf32, #tpu.memory_space<vmem>>, vector<2000x8xf32>
    %add3A = arith.addf %get3A_4, %get3A_1 : vector<2000x8xf32>
    %div3A = arith.constant 1.000000e+00 : f32
    %div3A_5 = vector.broadcast %div3A : f32 to vector<2000x8xf32>
    %div3A_6 = arith.divf %div3A_5, %add3A : vector<2000x8xf32>
    %get3A_7 = arith.constant 0 : index
    %get3A_8 = arith.constant 0 : index
    %get3A_9 = arith.constant 0 : index
    %get3A_10 = vector.load %arg2[%get3A_7, %get3A_8, %get3A_9] : memref<1x2000x128xf32, #tpu.memory_space<vmem>>, vector<1x2000x128xf32>
    %squeeze3A = vector.shape_cast %get3A_10 : vector<1x2000x128xf32> to vector<2000x128xf32>
    %get3A_11 = arith.constant 0 : index
    %get3A_12 = arith.constant 0 : index
    %get3A_13 = arith.constant 0 : index
    %get3A_14 = vector.load %arg3[%get3A_11, %get3A_12, %get3A_13] : memref<1x2000x128xf32, #tpu.memory_space<vmem>>, vector<1x2000x128xf32>
    %squeeze3A_15 = vector.shape_cast %get3A_14 : vector<1x2000x128xf32> to vector<2000x128xf32>
    %add3A_16 = arith.addf %squeeze3A, %squeeze3A_15 : vector<2000x128xf32>
    %get3A_17 = arith.constant 0 : index
    %get3A_18 = arith.constant 0 : index
    %get3A_19 = vector.load %arg6[%get3A_17, %get3A_18] : memref<8x128xf32, #tpu.memory_space<vmem>>, vector<8x128xf32>
    %dot_general3A = arith.constant dense<0.000000e+00> : vector<2000x128xf32>
    %dot_general3A_20 = tpu.matmul %div3A_6, %get3A_19, %dot_general3A {dimension_numbers = #tpu.dot_dimension_numbers<[1], [0], [0], [1], [0, 0, 1, 1], [], []>, transpose_lhs_hint = false} : vector<2000x8xf32>, vector<8x128xf32>, vector<2000x128xf32> -> vector<2000x128xf32>
    %mul3A = arith.mulf %add3A_16, %dot_general3A_20 : vector<2000x128xf32>
    %get3A_21 = arith.constant 0 : index
    %get3A_22 = arith.constant 0 : index
    %get3A_23 = vector.load %arg5[%get3A_21, %get3A_22] : memref<2000x128xf32, #tpu.memory_space<vmem>>, vector<2000x128xf32>
    %mul3A_24 = arith.mulf %get3A_1, %div3A_6 : vector<2000x8xf32>
    %get3A_25 = arith.constant 0 : index
    %get3A_26 = arith.constant 0 : index
    %get3A_27 = vector.load %arg6[%get3A_25, %get3A_26] : memref<8x128xf32, #tpu.memory_space<vmem>>, vector<8x128xf32>
    %dot_general3A_28 = arith.constant dense<0.000000e+00> : vector<2000x128xf32>
    %dot_general3A_29 = tpu.matmul %mul3A_24, %get3A_27, %dot_general3A_28 {dimension_numbers = #tpu.dot_dimension_numbers<[1], [0], [0], [1], [0, 0, 1, 1], [], []>, transpose_lhs_hint = false} : vector<2000x8xf32>, vector<8x128xf32>, vector<2000x128xf32> -> vector<2000x128xf32>
    %mul3A_30 = arith.mulf %get3A_23, %dot_general3A_29 : vector<2000x128xf32>
    %add3A_31 = arith.addf %mul3A, %mul3A_30 : vector<2000x128xf32>
    %get3A_32 = arith.constant 0 : index
    %get3A_33 = arith.constant 0 : index
    %get3A_34 = vector.load %arg7[%get3A_32, %get3A_33] : memref<1x128xf32, #tpu.memory_space<vmem>>, vector<1x128xf32>
    %add3A_35 = vector.broadcast %get3A_34 : vector<1x128xf32> to vector<2000x128xf32>
    %add3A_36 = arith.addf %add3A_31, %add3A_35 : vector<2000x128xf32>
    %get3A_37 = arith.constant 0 : index
    %get3A_38 = arith.constant 0 : index
    %get3A_39 = vector.load %arg8[%get3A_37, %get3A_38] : memref<128x128xf32, #tpu.memory_space<vmem>>, vector<128x128xf32>
    %dot_general3A_40 = arith.constant dense<0.000000e+00> : vector<2000x128xf32>
    %dot_general3A_41 = tpu.matmul %add3A_36, %get3A_39, %dot_general3A_40 {dimension_numbers = #tpu.dot_dimension_numbers<[1], [0], [0], [1], [0, 0, 1, 1], [], []>, transpose_lhs_hint = false} : vector<2000x128xf32>, vector<128x128xf32>, vector<2000x128xf32> -> vector<2000x128xf32>
    %get3A_42 = arith.constant 0 : index
    %get3A_43 = arith.constant 0 : index
    %get3A_44 = vector.load %arg9[%get3A_42, %get3A_43] : memref<1x128xf32, #tpu.memory_space<vmem>>, vector<1x128xf32>
    %add3A_45 = vector.broadcast %get3A_44 : vector<1x128xf32> to vector<2000x128xf32>
    %add3A_46 = arith.addf %dot_general3A_41, %add3A_45 : vector<2000x128xf32>
    %ge3A = arith.constant 0.000000e+00 : f32
    %ge3A_47 = vector.broadcast %ge3A : f32 to vector<2000x128xf32>
    %ge3A_48 = arith.cmpf oge, %add3A_46, %ge3A_47 : vector<2000x128xf32>
    %mul3A_49 = arith.constant 0.00999999977 : f32
    %mul3A_50 = vector.broadcast %mul3A_49 : f32 to vector<2000x128xf32>
    %mul3A_51 = arith.mulf %mul3A_50, %add3A_46 : vector<2000x128xf32>
    %select_n3A = arith.select %ge3A_48, %add3A_46, %mul3A_51 : vector<2000x128xi1>, vector<2000x128xf32>
    %reduce_max3A = arith.constant dense<0xFF800000> : vector<2000xf32>
    %reduce_max3A_52 = vector.multi_reduction <maximumf>, %select_n3A, %reduce_max3A [1] : vector<2000x128xf32> to vector<2000xf32>
    %broadcast_in_dim3A = vector.shape_cast %reduce_max3A_52 : vector<2000xf32> to vector<2000x1xf32>
    %sub3A = vector.broadcast %broadcast_in_dim3A : vector<2000x1xf32> to vector<2000x128xf32>
    %sub3A_53 = arith.subf %select_n3A, %sub3A : vector<2000x128xf32>
    %exp3A = math.exp %sub3A_53 : vector<2000x128xf32>
    %reduce_sum3A = arith.constant dense<0.000000e+00> : vector<2000xf32>
    %reduce_sum3A_54 = vector.multi_reduction <add>, %exp3A, %reduce_sum3A [1] : vector<2000x128xf32> to vector<2000xf32>
    %broadcast_in_dim3A_55 = vector.shape_cast %reduce_sum3A_54 : vector<2000xf32> to vector<2000x1xf32>
    %div3A_56 = vector.broadcast %broadcast_in_dim3A_55 : vector<2000x1xf32> to vector<2000x128xf32>
    %div3A_57 = arith.divf %exp3A, %div3A_56 : vector<2000x128xf32>
    %mul3A_58 = arith.mulf %add3A_36, %div3A_57 : vector<2000x128xf32>
    %ge3A_59 = arith.constant 0.000000e+00 : f32
    %ge3A_60 = vector.broadcast %ge3A_59 : f32 to vector<2000x128xf32>
    %ge3A_61 = arith.cmpf oge, %mul3A_58, %ge3A_60 : vector<2000x128xf32>
    %mul3A_62 = arith.constant 2.000000e-01 : f32
    %mul3A_63 = vector.broadcast %mul3A_62 : f32 to vector<2000x128xf32>
    %mul3A_64 = arith.mulf %mul3A_63, %mul3A_58 : vector<2000x128xf32>
    %select_n3A_65 = arith.select %ge3A_61, %mul3A_58, %mul3A_64 : vector<2000x128xi1>, vector<2000x128xf32>
    %get3A_66 = arith.constant 0 : index
    %get3A_67 = arith.constant 0 : index
    %get3A_68 = vector.load %arg8[%get3A_66, %get3A_67] : memref<128x128xf32, #tpu.memory_space<vmem>>, vector<128x128xf32>
    %dot_general3A_69 = arith.constant dense<0.000000e+00> : vector<2000x128xf32>
    %dot_general3A_70 = tpu.matmul %select_n3A_65, %get3A_68, %dot_general3A_69 {dimension_numbers = #tpu.dot_dimension_numbers<[1], [0], [0], [1], [0, 0, 1, 1], [], []>, transpose_lhs_hint = false} : vector<2000x128xf32>, vector<128x128xf32>, vector<2000x128xf32> -> vector<2000x128xf32>
    %get3A_71 = arith.constant 0 : index
    %get3A_72 = arith.constant 0 : index
    %get3A_73 = vector.load %arg9[%get3A_71, %get3A_72] : memref<1x128xf32, #tpu.memory_space<vmem>>, vector<1x128xf32>
    %add3A_74 = vector.broadcast %get3A_73 : vector<1x128xf32> to vector<2000x128xf32>
    %add3A_75 = arith.addf %dot_general3A_70, %add3A_74 : vector<2000x128xf32>
    %reduce_sum3A_76 = arith.constant dense<0.000000e+00> : vector<2000xf32>
    %reduce_sum3A_77 = vector.multi_reduction <add>, %add3A_75, %reduce_sum3A_76 [1] : vector<2000x128xf32> to vector<2000xf32>
    %broadcast_in_dim3A_78 = vector.shape_cast %reduce_sum3A_77 : vector<2000xf32> to vector<2000x1xf32>
    %div3A_79 = arith.constant 1.280000e+02 : f32
    %div3A_80 = vector.broadcast %div3A_79 : f32 to vector<2000x1xf32>
    %div3A_81 = arith.divf %broadcast_in_dim3A_78, %div3A_80 : vector<2000x1xf32>
    %sub3A_82 = vector.broadcast %div3A_81 : vector<2000x1xf32> to vector<2000x128xf32>
    %sub3A_83 = arith.subf %add3A_75, %sub3A_82 : vector<2000x128xf32>
    %integer_pow3A = arith.mulf %sub3A_83, %sub3A_83 : vector<2000x128xf32>
    %reduce_sum3A_84 = arith.constant dense<0.000000e+00> : vector<2000xf32>
    %reduce_sum3A_85 = vector.multi_reduction <add>, %integer_pow3A, %reduce_sum3A_84 [1] : vector<2000x128xf32> to vector<2000xf32>
    %broadcast_in_dim3A_86 = vector.shape_cast %reduce_sum3A_85 : vector<2000xf32> to vector<2000x1xf32>
    %div3A_87 = arith.constant 1.280000e+02 : f32
    %div3A_88 = vector.broadcast %div3A_87 : f32 to vector<2000x1xf32>
    %div3A_89 = arith.divf %broadcast_in_dim3A_86, %div3A_88 : vector<2000x1xf32>
    %sub3A_90 = vector.broadcast %div3A_81 : vector<2000x1xf32> to vector<2000x128xf32>
    %sub3A_91 = arith.subf %add3A_75, %sub3A_90 : vector<2000x128xf32>
    %add3A_92 = arith.constant 9.99999974E-6 : f32
    %add3A_93 = vector.broadcast %add3A_92 : f32 to vector<2000x1xf32>
    %add3A_94 = arith.addf %div3A_89, %add3A_93 : vector<2000x1xf32>
    %rsqrt3A = math.rsqrt %add3A_94 : vector<2000x1xf32>
    %mul3A_95 = vector.broadcast %rsqrt3A : vector<2000x1xf32> to vector<2000x128xf32>
    %mul3A_96 = arith.mulf %sub3A_91, %mul3A_95 : vector<2000x128xf32>
    %get3A_97 = arith.constant 0 : index
    %get3A_98 = arith.constant 0 : index
    %get3A_99 = vector.load %arg10[%get3A_97, %get3A_98] : memref<1x128xf32, #tpu.memory_space<vmem>>, vector<1x128xf32>
    %mul3A_100 = vector.broadcast %get3A_99 : vector<1x128xf32> to vector<2000x128xf32>
    %mul3A_101 = arith.mulf %mul3A_96, %mul3A_100 : vector<2000x128xf32>
    %get3A_102 = arith.constant 0 : index
    %get3A_103 = arith.constant 0 : index
    %get3A_104 = vector.load %arg11[%get3A_102, %get3A_103] : memref<1x128xf32, #tpu.memory_space<vmem>>, vector<1x128xf32>
    %add3A_105 = vector.broadcast %get3A_104 : vector<1x128xf32> to vector<2000x128xf32>
    %add3A_106 = arith.addf %mul3A_101, %add3A_105 : vector<2000x128xf32>
    %mul3A_107 = arith.mulf %add3A_106, %add3A_106 : vector<2000x128xf32>
    %reduce_sum3A_108 = arith.constant dense<0.000000e+00> : vector<2000xf32>
    %reduce_sum3A_109 = vector.multi_reduction <add>, %mul3A_107, %reduce_sum3A_108 [1] : vector<2000x128xf32> to vector<2000xf32>
    %broadcast_in_dim3A_110 = vector.shape_cast %reduce_sum3A_109 : vector<2000xf32> to vector<2000x1xf32>
    %sqrt3A = math.sqrt %broadcast_in_dim3A_110 : vector<2000x1xf32>
    %max3A = arith.constant 9.99999996E-13 : f32
    %max3A_111 = vector.broadcast %max3A : f32 to vector<2000x1xf32>
    %max3A_112 = arith.maximumf %sqrt3A, %max3A_111 : vector<2000x1xf32>
    %div3A_113 = vector.broadcast %max3A_112 : vector<2000x1xf32> to vector<2000x128xf32>
    %div3A_114 = arith.divf %add3A_106, %div3A_113 : vector<2000x128xf32>
    %swap3A = arith.constant 0 : index
    %swap3A_115 = arith.constant 0 : index
    %swap3A_116 = vector.load %arg12[%swap3A, %swap3A_115] : memref<2000x128xf32, #tpu.memory_space<vmem>>, vector<2000x128xf32>
    tpu.vector_store %arg12[%swap3A, %swap3A_115], %div3A_114 {strides = array<i32>} : memref<2000x128xf32, #tpu.memory_space<vmem>>, vector<2000x128xf32>,
    %eq3A = arith.constant 0 : i32
    %eq3A_117 = arith.cmpi eq, %arg0, %eq3A : i32
    %convert_element_type3A = arith.extui %eq3A_117 : i1 to i32
    %cond3A = arith.constant 0 : i32
    %cond3A_118 = arith.cmpi ne, %convert_element_type3A, %cond3A : i32
    scf.if %cond3A_118 {
      %broadcast_in_dim3A_129 = arith.constant 0.000000e+00 : f32
      %broadcast_in_dim3A_130 = vector.broadcast %broadcast_in_dim3A_129 : f32 to vector<1x128xf32>
      %swap3A_131 = arith.constant 0 : index
      %swap3A_132 = arith.constant 0 : index
      %swap3A_133 = vector.load %arg13[%swap3A_131, %swap3A_132] : memref<1x128xf32, #tpu.memory_space<vmem>>, vector<1x128xf32>
      tpu.vector_store %arg13[%swap3A_131, %swap3A_132], %broadcast_in_dim3A_130 {strides = array<i32>} : memref<1x128xf32, #tpu.memory_space<vmem>>, vector<1x128xf32>,
    } else {
    }
    %get3A_119 = arith.constant 0 : index
    %get3A_120 = arith.constant 0 : index
    %get3A_121 = vector.load %arg13[%get3A_119, %get3A_120] : memref<1x128xf32, #tpu.memory_space<vmem>>, vector<1x128xf32>
    %reduce_sum3A_122 = arith.constant dense<0.000000e+00> : vector<128xf32>
    %reduce_sum3A_123 = vector.multi_reduction <add>, %div3A_114, %reduce_sum3A_122 [0] : vector<2000x128xf32> to vector<128xf32>
    %broadcast_in_dim3A_124 = vector.shape_cast %reduce_sum3A_123 : vector<128xf32> to vector<1x128xf32>
    %add3A_125 = arith.addf %get3A_121, %broadcast_in_dim3A_124 : vector<1x128xf32>
    %swap3A_126 = arith.constant 0 : index
    %swap3A_127 = arith.constant 0 : index
    %swap3A_128 = vector.load %arg13[%swap3A_126, %swap3A_127] : memref<1x128xf32, #tpu.memory_space<vmem>>, vector<1x128xf32>
    tpu.vector_store %arg13[%swap3A_126, %swap3A_127], %add3A_125 {strides = array<i32>} : memref<1x128xf32, #tpu.memory_space<vmem>>, vector<1x128xf32>,
    return
  }
  func.func @transform_0(%arg0: i32) -> (i32, i32) {
    %c0_i32 = arith.constant 0 : i32
    %c0_i32_0 = arith.constant 0 : i32
    return %arg0, %c0_i32 : i32, i32
  }
  func.func @transform_1(%arg0: i32) -> (i32, i32, i32) {
    %c0_i32 = arith.constant 0 : i32
    %c0_i32_0 = arith.constant 0 : i32
    %c0_i32_1 = arith.constant 0 : i32
    return %c0_i32, %arg0, %c0_i32_0 : i32, i32, i32
  }
  func.func @transform_2(%arg0: i32) -> (i32, i32, i32) {
    %c1_i32 = arith.constant 1 : i32
    %c0_i32 = arith.constant 0 : i32
    %c0_i32_0 = arith.constant 0 : i32
    return %c1_i32, %arg0, %c0_i32 : i32, i32, i32
  }
  func.func @transform_3(%arg0: i32) -> (i32, i32) {
    %c0_i32 = arith.constant 0 : i32
    %c0_i32_0 = arith.constant 0 : i32
    return %arg0, %c0_i32 : i32, i32
  }
  func.func @transform_4(%arg0: i32) -> (i32, i32) {
    %c0_i32 = arith.constant 0 : i32
    %c0_i32_0 = arith.constant 0 : i32
    return %arg0, %c0_i32 : i32, i32
  }
  func.func @transform_5(%arg0: i32) -> (i32, i32) {
    %c0_i32 = arith.constant 0 : i32
    %c0_i32_0 = arith.constant 0 : i32
    %c0_i32_1 = arith.constant 0 : i32
    return %c0_i32, %c0_i32_0 : i32, i32
  }
  func.func @transform_6(%arg0: i32) -> (i32, i32) {
    %c0_i32 = arith.constant 0 : i32
    %c0_i32_0 = arith.constant 0 : i32
    %c0_i32_1 = arith.constant 0 : i32
    return %c0_i32, %c0_i32_0 : i32, i32
  }
  func.func @transform_7(%arg0: i32) -> (i32, i32) {
    %c0_i32 = arith.constant 0 : i32
    %c0_i32_0 = arith.constant 0 : i32
    %c0_i32_1 = arith.constant 0 : i32
    return %c0_i32, %c0_i32_0 : i32, i32
  }
  func.func @transform_8(%arg0: i32) -> (i32, i32) {
    %c0_i32 = arith.constant 0 : i32
    %c0_i32_0 = arith.constant 0 : i32
    %c0_i32_1 = arith.constant 0 : i32
    return %c0_i32, %c0_i32_0 : i32, i32
  }
  func.func @transform_9(%arg0: i32) -> (i32, i32) {
    %c0_i32 = arith.constant 0 : i32
    %c0_i32_0 = arith.constant 0 : i32
    %c0_i32_1 = arith.constant 0 : i32
    return %c0_i32, %c0_i32_0 : i32, i32
  }
  func.func @transform_10(%arg0: i32) -> (i32, i32) {
    %c0_i32 = arith.constant 0 : i32
    %c0_i32_0 = arith.constant 0 : i32
    %c0_i32_1 = arith.constant 0 : i32
    return %c0_i32, %c0_i32_0 : i32, i32
  }
  func.func @transform_11(%arg0: i32) -> (i32, i32) {
    %c0_i32 = arith.constant 0 : i32
    %c0_i32_0 = arith.constant 0 : i32
    return %arg0, %c0_i32 : i32, i32
  }
  func.func @transform_12(%arg0: i32) -> (i32, i32) {
    %c0_i32 = arith.constant 0 : i32
    %c0_i32_0 = arith.constant 0 : i32
    %c0_i32_1 = arith.constant 0 : i32
    return %c0_i32, %c0_i32_0 : i32, i32
  }
}

module attributes {stable_mosaic.version = 14 : i64} {
  func.func @_epi2_body(%arg0: i32, %arg1: memref<2000x128xf32, #tpu.memory_space<vmem>>, %arg2: memref<1x128xf32, #tpu.memory_space<vmem>>, %arg3: memref<128x128xf32, #tpu.memory_space<vmem>>, %arg4: memref<1x128xf32, #tpu.memory_space<vmem>>, %arg5: memref<2000x128xf32, #tpu.memory_space<vmem>>) attributes {dimension_semantics = [#tpu.dimension_semantics<arbitrary>], iteration_bounds = array<i64: 5>, scalar_prefetch = 0 : i64, scratch_operands = 0 : i64, tpu.core_type = #tpu.core_type<tc>, window_params = [{transform_indices = @transform_0, window_bounds = array<i64: 2000, 128>}, {pipeline_mode = #tpu.pipeline_mode<synchronous>, transform_indices = @transform_1, window_bounds = array<i64: 1, 128>}, {pipeline_mode = #tpu.pipeline_mode<synchronous>, transform_indices = @transform_2, window_bounds = array<i64: 128, 128>}, {pipeline_mode = #tpu.pipeline_mode<synchronous>, transform_indices = @transform_3, window_bounds = array<i64: 1, 128>}, {transform_indices = @transform_4, window_bounds = array<i64: 2000, 128>}]} {
    %get3A = arith.constant 0 : index
    %get3A_0 = arith.constant 0 : index
    %get3A_1 = vector.load %arg2[%get3A, %get3A_0] : memref<1x128xf32, #tpu.memory_space<vmem>>, vector<1x128xf32>
    %mul3A = arith.constant 9.99999974E-5 : f32
    %mul3A_2 = vector.broadcast %mul3A : f32 to vector<1x128xf32>
    %mul3A_3 = arith.mulf %get3A_1, %mul3A_2 : vector<1x128xf32>
    %get3A_4 = arith.constant 0 : index
    %get3A_5 = arith.constant 0 : index
    %get3A_6 = vector.load %arg3[%get3A_4, %get3A_5] : memref<128x128xf32, #tpu.memory_space<vmem>>, vector<128x128xf32>
    %dot_general3A = arith.constant dense<0.000000e+00> : vector<1x128xf32>
    %dot_general3A_7 = tpu.matmul %mul3A_3, %get3A_6, %dot_general3A {dimension_numbers = #tpu.dot_dimension_numbers<[1], [0], [0], [1], [0, 0, 1, 1], [], []>, transpose_lhs_hint = false} : vector<1x128xf32>, vector<128x128xf32>, vector<1x128xf32> -> vector<1x128xf32>
    %get3A_8 = arith.constant 0 : index
    %get3A_9 = arith.constant 0 : index
    %get3A_10 = vector.load %arg4[%get3A_8, %get3A_9] : memref<1x128xf32, #tpu.memory_space<vmem>>, vector<1x128xf32>
    %add3A = arith.addf %dot_general3A_7, %get3A_10 : vector<1x128xf32>
    %max3A = arith.constant 0.000000e+00 : f32
    %max3A_11 = vector.broadcast %max3A : f32 to vector<1x128xf32>
    %max3A_12 = arith.maximumf %add3A, %max3A_11 : vector<1x128xf32>
    %reduce_max3A = arith.constant dense<0xFF800000> : vector<1xf32>
    %reduce_max3A_13 = vector.multi_reduction <maximumf>, %max3A_12, %reduce_max3A [1] : vector<1x128xf32> to vector<1xf32>
    %broadcast_in_dim3A = vector.shape_cast %reduce_max3A_13 : vector<1xf32> to vector<1x1xf32>
    %sub3A = vector.broadcast %broadcast_in_dim3A : vector<1x1xf32> to vector<1x128xf32>
    %sub3A_14 = arith.subf %max3A_12, %sub3A : vector<1x128xf32>
    %exp3A = math.exp %sub3A_14 : vector<1x128xf32>
    %reduce_sum3A = arith.constant dense<0.000000e+00> : vector<1xf32>
    %reduce_sum3A_15 = vector.multi_reduction <add>, %exp3A, %reduce_sum3A [1] : vector<1x128xf32> to vector<1xf32>
    %broadcast_in_dim3A_16 = vector.shape_cast %reduce_sum3A_15 : vector<1xf32> to vector<1x1xf32>
    %div3A = vector.broadcast %broadcast_in_dim3A_16 : vector<1x1xf32> to vector<1x128xf32>
    %div3A_17 = arith.divf %exp3A, %div3A : vector<1x128xf32>
    %get3A_18 = arith.constant 0 : index
    %get3A_19 = arith.constant 0 : index
    %get3A_20 = vector.load %arg1[%get3A_18, %get3A_19] : memref<2000x128xf32, #tpu.memory_space<vmem>>, vector<2000x128xf32>
    %mul3A_21 = vector.broadcast %div3A_17 : vector<1x128xf32> to vector<2000x128xf32>
    %mul3A_22 = arith.mulf %get3A_20, %mul3A_21 : vector<2000x128xf32>
    %swap3A = arith.constant 0 : index
    %swap3A_23 = arith.constant 0 : index
    %swap3A_24 = vector.load %arg5[%swap3A, %swap3A_23] : memref<2000x128xf32, #tpu.memory_space<vmem>>, vector<2000x128xf32>
    tpu.vector_store %arg5[%swap3A, %swap3A_23], %mul3A_22 {strides = array<i32>} : memref<2000x128xf32, #tpu.memory_space<vmem>>, vector<2000x128xf32>,
    return
  }
  func.func @transform_0(%arg0: i32) -> (i32, i32) {
    %c0_i32 = arith.constant 0 : i32
    %c0_i32_0 = arith.constant 0 : i32
    return %arg0, %c0_i32 : i32, i32
  }
  func.func @transform_1(%arg0: i32) -> (i32, i32) {
    %c0_i32 = arith.constant 0 : i32
    %c0_i32_0 = arith.constant 0 : i32
    %c0_i32_1 = arith.constant 0 : i32
    return %c0_i32, %c0_i32_0 : i32, i32
  }
  func.func @transform_2(%arg0: i32) -> (i32, i32) {
    %c0_i32 = arith.constant 0 : i32
    %c0_i32_0 = arith.constant 0 : i32
    %c0_i32_1 = arith.constant 0 : i32
    return %c0_i32, %c0_i32_0 : i32, i32
  }
  func.func @transform_3(%arg0: i32) -> (i32, i32) {
    %c0_i32 = arith.constant 0 : i32
    %c0_i32_0 = arith.constant 0 : i32
    %c0_i32_1 = arith.constant 0 : i32
    return %c0_i32, %c0_i32_0 : i32, i32
  }
  func.func @transform_4(%arg0: i32) -> (i32, i32) {
    %c0_i32 = arith.constant 0 : i32
    %c0_i32_0 = arith.constant 0 : i32
    return %arg0, %c0_i32 : i32, i32
  }
}

</mosaic_0001>

<sc_bundles>
// kernel: kernel.10.cloned.1.call-start
scs
__scs_entry_jumppad:
0x0: {  	(pc) =	sbr.rel $0x88, $3  }
0x1: {  	(tag) =	ssettag $0x0;
	lr =	simm.s32 $0x1  }
0x2: {  	[smem:$0x3F92] =	sst lr;
	_ =	strace $0xD0000000  }
0x3: {  	_ = 	snop  }
0x4: {  	_ = 	snop  }
0x5: {  	_ = 	snop  }
0x6: {  	_ = 	snop  }
0x7: {  	_ = 	snop  }
__scs_overlays_trampoline_lowered:
0x8: {  	[smem:$0x3FA1] =	sst s0  }
0x9: {  	[smem:$0x3FA2] =	sst s1  }
0xa: {  	[smem:$0x3FA3] =	sst s2  }
0xb: {  	[smem:$0x3FA4] =	sst s3  }
0xc: {  	[smem:$0x3FA5] =	sst s4  }
0xd: {  	[smem:$0x3FA6] =	sst s5  }
0xe: {  	[smem:$0x3FA7] =	sst s6  }
0xf: {  	[smem:$0x3FA8] =	sst s7  }
0x10: {  	[smem:$0x3FA9] =	sst s8  }
0x11: {  	[smem:$0x3FAA] =	sst s9;
	s0 =	simm.s32 @!p0 $0x0  }
0x12: {  	s1 =	sld [smem:$0x3F90];
	s0 =	simm.s32 @p0 $0x1  }
0x13: {  	[smem:$0x3FAB] =	sst s0;
	s0 =	simm.s32 @!p1 $0x0  }
0x14: {  	s2 =	sld [smem:$0x3F8F];
	s0 =	simm.s32 @p1 $0x1  }
0x15: {  	[smem:$0x3FAC] =	sst s0;
	s0 =	simm.s32 @!p2 $0x0  }
0x16: {  	s3 =	sld [smem:$0x3FDB];
	s0 =	simm.s32 @p2 $0x1  }
0x17: {  	s4 =	simm.s32 $0x1BF5;
	[smem:$0x3FAE] =	sst s0  }
0x18: {  	s0 =	sld [smem:$0x3F91];
	_ =	swait.ge [sflag:s4], $0x0  }
0x19: {  	s7 =	sld [smem:$0x3F92]  }
0x1a: {  	s8 =	sadd.s32 $0xFFFFE003, lr  }
0x1b: {  	s9 =	sadd.s32 $0xFFFFFEF7, lr;
	s5 =	simm.s32 $0xFFFFFFFF;
	p2 =	slt.u32 s8, $0xFFFFF086  }
0x1c: {  	p1 =	slt.u32 s9, $0xF7A;
	s5 =	simm.s32 @!p2 $0x0  }
0x1d: {  	s5 =	simm.s32 @p1 $0x1;
	p0 =	seq.s32 s7, s2  }
0x1e: {  	s7 =	smul.u32 @!p0 $0xF7A, s2;
	p2 =	seq.s32 @!p0 s5, $0x0  }
0x1f: {  	s9 =	smul.u32 $0xF7A, s1;
	s8 =	simm.s32 @!p0 $0x1BF5;
	p2 =	por !p2, p0  }
0x20: {  	[sflag:s8] =	ssyncset.s32 @!p0 $0xFFFFF086;
	s6 =	sadd.s32 @!p0 s3, s7;
	s7 =	simm.s32 @!p0 $0x108  }
0x21: {  	s3 =	sadd.s32 s3, s9;
	s6 =	sadd.s32 @!p0 $0x88, s6;
	s7 =	simm.s32 @p2 $0x1082  }
0x22: {  	[simem:s7], [sflag:s8] =	dma.local @!p0 [hbm:s6], $0xF7A  }
0x23: {  	s9 =	sor.u32 $0xD0000000, s2;
	s6 =	simm.s32 $0x108;
	_ =	swait.ge @!p0 [sflag:s8], $0x0  }
0x24: {  	s3 =	sadd.s32 $0x88, s3;
	s6 =	simm.s32 @!p1 $0x1082;
	[sflag:s4] =	ssyncset.s32 $0xFFFFF086  }
0x25: {  	[simem:s6], [sflag:s4] =	dma.local [hbm:s3], $0xF7A  }
0x26: {  	[smem:$0x3F92] =	sst s1;
	(tag) =	ssettag s2;
	_ =	strace s9  }
0x27: {  	s1 =	sld [smem:$0x3FA2]  }
0x28: {  	s2 =	sld [smem:$0x3FA3]  }
0x29: {  	s4 =	sld [smem:$0x3FA5]  }
0x2a: {  	p0 =	seq.s32 s5, $0x0;
	s5 =	sld [smem:$0x3FA6]  }
0x2b: {  	s6 =	sld [smem:$0x3FA7]  }
0x2c: {  	s7 =	sld [smem:$0x3FA8]  }
0x2d: {  	s3 =	simm.s32 $0x108;
	s8 =	sld [smem:$0x3FA9]  }
0x2e: {  	s3 =	simm.s32 @!p0 $0x1082;
	s9 =	sld [smem:$0x3FAA]  }
0x2f: {  	lr =	sadd.s32 s0, s3;
	s0 =	sld [smem:$0x3FA1]  }
0x30: {  	s3 =	sld [smem:$0x3FA4]  }
0x31: {  	[smem:$0x3FAD] =	sst s10  }
0x32: {  	s10 =	sld [smem:$0x3FAB];
	_ =	sdelay $0x3  }
0x33: {  	p0 =	seq.s32 s10, $0x1;
	s10 =	sld [smem:$0x3FAD];
	_ =	sdelay $0x3  }
0x34: {  	[smem:$0x3FAD] =	sst s10  }
0x35: {  	s10 =	sld [smem:$0x3FAC];
	_ =	sdelay $0x3  }
0x36: {  	p1 =	seq.s32 s10, $0x1;
	s10 =	sld [smem:$0x3FAD];
	_ =	sdelay $0x3  }
0x37: {  	[smem:$0x3FAD] =	sst s10  }
0x38: {  	s10 =	sld [smem:$0x3FAE]  }
0x39: {  	_ = 	snop;
	(pc) =	sbr.ind lr, $3  }
0x3a: {  	_ = 	snop  }
0x3b: {  	_ = 	snop  }
0x3c: {  	p2 =	seq.s32 s10, $0x1;
	s10 =	sld [smem:$0x3FAD]  }
0x3d: {  	_ =	shalt  }
0x3e: {  	_ =	shalt  }
0x3f: {  	_ =	shalt  }
0x40: {  	_ =	shalt  }
0x41: {  	_ =	shalt  }
0x42: {  	_ =	shalt  }
0x43: {  	_ =	shalt  }
0x44: {  	_ =	shalt  }
0x45: {  	_ =	shalt  }
0x46: {  	_ =	shalt  }
0x47: {  	_ =	shalt  }
0x48: {  	_ =	shalt  }
0x49: {  	_ =	shalt  }
0x4a: {  	_ =	shalt  }
0x4b: {  	_ =	shalt  }
0x4c: {  	_ =	shalt  }
0x4d: {  	_ =	shalt  }
0x4e: {  	_ =	shalt  }
0x4f: {  	_ =	shalt  }
0x50: {  	_ =	shalt  }
0x51: {  	_ =	shalt  }
0x52: {  	_ =	shalt  }
0x53: {  	_ =	shalt  }
0x54: {  	_ =	shalt  }
0x55: {  	_ =	shalt  }
0x56: {  	_ =	shalt  }
0x57: {  	_ =	shalt  }
0x58: {  	_ =	shalt  }
0x59: {  	_ =	shalt  }
0x5a: {  	_ =	shalt  }
0x5b: {  	_ =	shalt  }
0x5c: {  	_ =	shalt  }
0x5d: {  	_ =	shalt  }
0x5e: {  	_ =	shalt  }
0x5f: {  	_ =	shalt  }
0x60: {  	_ =	shalt  }
0x61: {  	_ =	shalt  }
0x62: {  	_ =	shalt  }
0x63: {  	_ =	shalt  }
0x64: {  	_ =	shalt  }
0x65: {  	_ =	shalt  }
0x66: {  	_ =	shalt  }
0x67: {  	_ =	shalt  }
0x68: {  	_ =	shalt  }
0x69: {  	_ =	shalt  }
0x6a: {  	_ =	shalt  }
0x6b: {  	_ =	shalt  }
0x6c: {  	_ =	shalt  }
0x6d: {  	_ =	shalt  }
0x6e: {  	_ =	shalt  }
0x6f: {  	_ =	shalt  }
0x70: {  	_ =	shalt  }
0x71: {  	_ =	shalt  }
0x72: {  	_ =	shalt  }
0x73: {  	_ =	shalt  }
0x74: {  	_ =	shalt  }
0x75: {  	_ =	shalt  }
0x76: {  	_ =	shalt  }
0x77: {  	_ =	shalt  }
0x78: {  	_ =	shalt  }
0x79: {  	_ =	shalt  }
0x7a: {  	_ =	shalt  }
0x7b: {  	_ =	shalt  }
0x7c: {  	_ =	shalt  }
0x7d: {  	_ =	shalt  }
0x7e: {  	_ =	shalt  }
0x7f: {  	_ =	shalt  }
0x80: {  	_ =	shalt  }
0x81: {  	_ =	shalt  }
0x82: {  	_ =	shalt  }
0x83: {  	_ =	shalt  }
0x84: {  	_ =	shalt  }
0x85: {  	_ =	shalt  }
0x86: {  	_ =	shalt  }
0x87: {  	_ =	shalt  }
.Lfunc_end0:
.L_simem_size_0:
called_computation_lowered:
.L_overlay_start_0:
0x88: {  	s2 =	sld [smem:$0x3FD9]  }
0x89: {  	s3 =	sld [smem:$0x3FFE];
	_ =	sdelay $0x1  }
0x8a: {  	s1 =	srdreg.scid  }
0x8b: {  	s0 =	sand.u32 $0x1, s1  }
0x8c: {  	s16 =	sshll.u32 s0, $0xA;
	s2 =	sadd.s32 s3, s2  }
0x8d: {  	s2 =	sadd.s32 s2, s16  }
0x8e: {  	[smem:$0x3FB9] =	sst s2  }
0x8f: {  	_ = 	snop  }
0x90: {  	(tm) =	ssettm $0x1  }
0x91: {  	s17 =	sld [smem:$0x3FFB];
	_ =	sdelay $0x3  }
0x92: {  	_ =	strace s17  }
0x93: {  	s2 =	sld [smem:$0x3FFC];
	_ =	sdelay $0x3  }
0x94: {  	_ =	strace s2  }
0x95: {  	s2 =	sld [smem:$0x3FFD];
	_ =	sdelay $0x3  }
0x96: {  	_ =	strace s2  }
0x97: {  	_ =	strace $0x8FFFFFFF  }
0x98: {  	s18 =	sld [smem:$0x3FDB];
	_ =	sdelay $0x1  }
0x99: {  	s19 =	simm.s32 $_scs_section_size  }
0x9a: {  	s4 =	simm.s32 $_size__tile_overlayer_lowered;
	s5 =	simm.s32 $_tile_overlayer_lowered  }
0x9b: {  	s22 =	simm.s32 $0x1BFF;
	s21 =	sshll.u32 s5, $0x1;
	s2 =	sadd.s32 s19, s18  }
0x9c: {  	s6 =	simm.s32 $0x0;
	s20 =	sshll.u32 s4, $0x1;
	s4 =	sadd.s32 s21, s2  }
0x9d: {  	[timem:s6], [sflag:s22] =	dma.local [hbm:s4], s20  }
0x9e: {  	_ =	swait.ge [sflag:s22], s20  }
0x9f: {  	s3 =	ssub.s32 $0x0, s20;
	[sflag:s22] =	ssyncset.done $0x0  }
0xa0: {  	[sflag:s22] =	ssyncadd.s32 s3;
	_ =	sdelay $0x1  }
0xa1: {  	s23 =	simm.s32 $0x1B8B  }
0xa2: {  	_ =	swait.ge [sflag:s23], $0x1  }
0xa3: {  	[sflag:s23] =	ssyncset.done $0x0  }
0xa4: {  	s25 =	simm.s32 $0x1B8E;
	s24 =	sld [smem:$0x3FFE];
	[sflag:s23] =	ssyncadd.s32 $0xFFFFFFFF  }
0xa5: {  	s26 =	simm.s32 $execute0_lowered;
	[smem:$0x3FD2] =	sst s25  }
0xa6: {  	s4 =	sshll.u32 s26, $0x1;
	_ =	strace $0x80000046;
	[dreg:$0x1] =	wrdreg $0xFFFFFFFF  }
0xa7: {  	s28 =	simm.s32 $_size_execute0_lowered;
	s2 =	sadd.s32 s2, s4;
	[dreg:$0x0] =	wrdreg $0x0  }
0xa8: {  	s4 =	sshll.u32 s28, $0x1;
	[dreg:$0x2] =	wrdreg s2  }
0xa9: {  	[dreg:$0x3] =	wrdreg s4  }
0xaa: {  	[dreg:$0x4] =	wrdreg $0xC0  }
0xab: {  	_ =	task [dreg:s6], $0x5FFFF  }
0xac: {  	[dreg:$0x1] =	wrdreg $0xFFFFFFFF  }
0xad: {  	[dreg:$0x0] =	wrdreg $0x60  }
0xae: {  	[dreg:$0x2] =	wrdreg s24  }
0xaf: {  	[dreg:$0x3] =	wrdreg $0x9  }
0xb0: {  	_ =	task.clear_ibuf [dreg:s6], $0x4FFFF;
	_ =	strace $0x90000046  }
0xb1: {  	s29 =	simm.s32 $0x9;
	_ =	strace $0x80000048  }
0xb2: {  	_ =	swait.ge [sflag:s29], $0x1  }
0xb3: {  	[sflag:s29] =	ssyncadd.s32 $0xFFFFFFFF  }
0xb4: {  	_ =	strace $0x90000048  }
0xb5: {  	_ =	sfence  }
0xb6: {  	s30 =	sld [smem:$0x0];
	_ =	sdelay $0x2  }
0xb7: {  	s31 =	sshll.u32 s1, $0xD;
	s1 =	sshrl.u32 s1, $0x2  }
0xb8: {  	s3 =	sand.u32 $0x4000, s31;
	s1 =	sadd.s32 s1, s30  }
0xb9: {  	s0 =	sor.u32 s3, s0;
	s1 =	sshll.u32 s1, $0x11  }
0xba: {  	s0 =	sor.u32 s1, s0  }
0xbb: {  	s0 =	sadd.s32 $0x8F2B, s0  }
0xbc: {  	[sflag:s0] =	ssyncadd.remote.s32 $0x1  }
0xbd: {  	_ =	sfence.sel $0xFFFF  }
0xbe: {  	[dreg:$0x0] =	wrdreg $0xFFFFFFFF;
	(pc) =	sbr.abs _section_cstart, $3  }
0xbf: {  	[dreg:$0x1] =	wrdreg $0xFFFFFFFF  }
0xc0: {  	_ =	task.clear_ibuf [dreg:s6], $0x2FFFF;
	_ =	strace $0x9FFFFFFF  }
0xc1: {  	(tm) =	ssettm $0x7FFFFFFF  }
tec
execute0_lowered:
.L_overlay_start_1:
0x0: {  	(tag) =	ssettag $0x1  }
0x1: {  	s7 =	rddreg [dreg:$0x0]  }
0x2: {  	s0 =	rddreg [dreg:$0x1];
	s1 =	simm.s32 $0x0;
	s5 =	srdreg.scid  }
0x3: {  	s2 =	stileid.u32;
	s12 =	simm.s32 $0x14080;
	s13 =	simm.s32 $0x18700  }
0x4: {  	s14 =	simm.s32 $0x0;
	[smem:$0x7FF] =	sst s1;
	s3 =	sadd.s32 $0x4A00, s7  }
0x5: {  	s4 =	sadd.s32 $0xE800, s7;
	s8 =	sand.u32 $0x1, s5;
	s5 =	sadd.s32 $0x18600, s7  }
0x6: {  	s10 =	sshll.u32 s2, $0x1;
	s6 =	sadd.s32 $0x2200, s7;
	s9 =	ssub.s32 $0x2, s8  }
0x7: {  	s7 =	sadd.s32 $0x66800, s7;
	_ =	strace $0x80000047;
	s11 =	sshrl.u32 s9, $0x1  }
0x8: {  	v1 =	vlaneseq.u32;
	s8 =	sor.u32 s8, s10;
	s10 =	simm.s32 $0x1;
	s9 =	ssub.s32 s9, s11  }
0x9: {  	v0 =	vshrl.u32 v1, $0x3;
	v1 =	vand.u32 $0x7, v1;
	s8 =	smul.u32 $0x2710, s8;
	s11 =	simm.s32 $0x13880;
	s9 =	smax.u32 s9, $0x1  }
.LBB2_1:
0xa: {  	[tilespmem:s1], [sflag:$0x1] =	stream.linear.gather [hbm4b:s6+s1], $0x13880, $0x38;
	[tilespmem:$0x1C580] =	vst v63  }
0xb: {  	_ =	swait.ge [sflag:s10], $0x13880  }
0xc: {  	[sflag:s10] =	ssyncset.done $0x0  }
0xd: {  	s15 =	simm.s32 $0x0;
	[sflag:s10] =	ssyncadd.s32 $0xFFFEC780  }
.LBB2_2:
0xe: {  	s16 =	smul.u32 $0x7D0, s15;
	_ =	sdelay $0x1  }
0xf: {  	s16 =	sadd.s32 s8, s16  }
0x10: {  	s17 =	sshrl.u32 s16, $0x3  }
0x11: {  	s19 =	simm.s32 $0x0;
	s18 =	sadd.s32 s3, s17  }
0x12: {  	[tilespmem:s11], [sflag:$0x1] =	stream.linear.gather [hbm4b:s18+s19], $0x7D0, $0x38;
	[tilespmem:$0x1C580] =	vst v63  }
0x13: {  	_ =	swait.ge [sflag:s10], $0x7D0  }
0x14: {  	[sflag:s10] =	ssyncset.done $0x0  }
0x15: {  	s17 =	sadd.s32 s4, s17;
	[sflag:s10] =	ssyncadd.s32 $0xFFFFF830  }
0x16: {  	[tilespmem:s12], [sflag:$0x1] =	stream.linear.gather [hbm4b:s17+s19], $0x7D0, $0x38;
	[tilespmem:$0x1C580] =	vst v63  }
0x17: {  	_ =	swait.ge [sflag:s10], $0x7D0  }
0x18: {  	[sflag:s10] =	ssyncset.done $0x0  }
0x19: {  	s29 =	simm.s32 $0x14880;
	v2 =	vor.u32 s19, v0;
	s28 =	sadd.s32 s5, s16;
	[sflag:s10] =	ssyncadd.s32 $0xFFFFF830  }
0x1a: {  	[tilespmem:s29], [sflag:$0x1] =	stream.linear.gather [hbm4b:s28+s19], $0x3E80, $0x38;
	[tilespmem:$0x1C580] =	vst v63  }
0x1b: {  	_ =	swait.ge [sflag:s10], $0x3E80  }
0x1c: {  	[sflag:s10] =	ssyncset.done $0x0  }
0x1d: {  	[sflag:s10] =	ssyncadd.s32 $0xFFFFC180  }
0x1e: {  	v3 =	vld.idx.msk [tilespmem:v2+s12+$0x0], $0xffff  }
0x1f: {  	v2 =	vld.idx.msk [tilespmem:v2+s11+$0x0], $0xffff;
	_ =	sdelay $0x3  }
0x20: {  	v3 =	vshll.u32 v3, $0x3  }
0x21: {  	v2 =	vshll.u32 v2, $0x3;
	v3 =	vor.u32 v1, v3  }
0x22: {  	v2 =	vor.u32 v1, v2;
	_ =	sdelay $0x3  }
0x23: {  	v3 =	vld.idx.msk [tilespmem:v3+s1+$0x0], $0xffff  }
0x24: {  	v2 =	vld.idx.msk [tilespmem:v2+s1+$0x0], $0xffff;
	_ =	sdelay $0x2  }
0x25: {  	v4 =	vld [tilespmem:s29+$0x0];
	_ =	sdelay $0x1  }
0x26: {  	v2 =	vand.u32 $0xFFFF0000, v2;
	v3 =	vshll.u32 v3, $0x10  }
0x27: {  	v2 =	vadd.f32 v3, v2;
	_ =	sdelay $0x1  }
0x28: {  	v2 =	vadd.f32 v2, v4;
	_ =	sdelay $0x1  }
0x29: {  	v3 =	vmul.f32 $2.000000030e-01, v2  }
0x2a: {  	vm0 =	vge.f32 v2, $0.0e+00  }
0x2b: {  	v2 =	vsel vm0, v2, v3  }
0x2c: {  	v2 =	vmul.f32 $1.442695020e+00, v2;
	_ =	sdelay $0x1  }
0x2d: {  	(erf) = vpow2.f32 v2;
	_ =	sdelay $0x4  }
0x2e: {  	s30 =	simm.s32 $0x2  }
0x2f: {  	v2 =	vor.u32 s30, v0;
	_ =	sdelay $0x2  }
0x30: {  	s17 =	simm.s32 $0x18700;
	v3 =	vpop (erf)  }
0x31: {  	[tilespmem:s17+$0x0] =	vst v3  }
0x32: {  	v3 =	vld.idx.msk [tilespmem:v2+s12+$0x0], $0xffff  }
0x33: {  	v2 =	vld.idx.msk [tilespmem:v2+s11+$0x0], $0xffff;
	_ =	sdelay $0x3  }
0x34: {  	v3 =	vshll.u32 v3, $0x3  }
0x35: {  	v2 =	vshll.u32 v2, $0x3;
	v3 =	vor.u32 v1, v3  }
0x36: {  	v2 =	vor.u32 v1, v2;
	_ =	sdelay $0x3  }
0x37: {  	v3 =	vld.idx.msk [tilespmem:v3+s1+$0x0], $0xffff  }
0x38: {  	v2 =	vld.idx.msk [tilespmem:v2+s1+$0x0], $0xffff;
	_ =	sdelay $0x1  }
0x39: {  	s18 =	simm.s32 $0x14890  }
0x3a: {  	v63 =	vld [tilespmem:s18+$0x0];
	_ =	sdelay $0x1  }
0x3b: {  	v2 =	vand.u32 $0xFFFF0000, v2;
	v3 =	vshll.u32 v3, $0x10  }
0x3c: {  	v2 =	vadd.f32 v3, v2;
	_ =	sdelay $0x1  }
0x3d: {  	v2 =	vadd.f32 v2, v63;
	_ =	sdelay $0x1  }
0x3e: {  	v3 =	vmul.f32 $2.000000030e-01, v2  }
0x3f: {  	vm15 =	vge.f32 v2, $0.0e+00  }
0x40: {  	v2 =	vsel vm15, v2, v3  }
0x41: {  	v2 =	vmul.f32 $1.442695020e+00, v2;
	_ =	sdelay $0x1  }
0x42: {  	(erf) = vpow2.f32 v2;
	_ =	sdelay $0x4  }
0x43: {  	s31 =	simm.s32 $0x4  }
0x44: {  	v2 =	vor.u32 s31, v0  }
0x45: {  	s19 =	simm.s32 $0x6  }
.LBB2_3:
0x46: {  	p0 =	sne.s32 s19, $0x7CE  }
0x47: {  	s17 =	sadd.s32 $0x10, s17;
	v3 =	vpop (erf)  }
0x48: {  	[tilespmem:s17+$0x0] =	vst v3  }
0x49: {  	v3 =	vld.idx.msk [tilespmem:v2+s12+$0x0], $0xffff  }
0x4a: {  	v2 =	vld.idx.msk [tilespmem:v2+s11+$0x0], $0xffff;
	_ =	sdelay $0x4  }
0x4b: {  	v3 =	vshll.u32 v3, $0x3  }
0x4c: {  	v2 =	vshll.u32 v2, $0x3;
	v3 =	vor.u32 v1, v3  }
0x4d: {  	v2 =	vor.u32 v1, v2;
	_ =	sdelay $0x3  }
0x4e: {  	v3 =	vld.idx.msk [tilespmem:v3+s1+$0x0], $0xffff  }
0x4f: {  	v2 =	vld.idx.msk [tilespmem:v2+s1+$0x0], $0xffff;
	_ =	sdelay $0x2  }
0x50: {  	s18 =	sadd.s32 $0x10, s18  }
0x51: {  	v4 =	vld [tilespmem:s18+$0x0];
	_ =	sdelay $0x1  }
0x52: {  	v3 =	vshll.u32 v3, $0x10;
	v2 =	vand.u32 $0xFFFF0000, v2  }
0x53: {  	v2 =	vadd.f32 v3, v2;
	_ =	sdelay $0x1  }
0x54: {  	v2 =	vadd.f32 v2, v4;
	_ =	sdelay $0x1  }
0x55: {  	v3 =	vmul.f32 $2.000000030e-01, v2  }
0x56: {  	vm0 =	vge.f32 v2, $0.0e+00  }
0x57: {  	v2 =	vsel vm0, v2, v3  }
0x58: {  	v2 =	vmul.f32 $1.442695020e+00, v2;
	_ =	sdelay $0x1  }
0x59: {  	(erf) = vpow2.f32 v2;
	_ =	sdelay $0x2  }
.Ltmp0:
0x5a: {  	(pc) =	sbr.rel @p0 .LBB2_3-.Ltmp0, $3  }
0x5b: {  	_ =	sdelay $0x1  }
0x5c: {  	v2 =	vor.u32 s19, v0  }
0x5d: {  	s19 =	sadd.s32 $0x2, s19  }
0x5e: {  	_ =	sdelay $0x1  }
0x5f: {  	s17 =	sadd.s32 $0x10, s17;
	v3 =	vpop (erf)  }
0x60: {  	[tilespmem:s17+$0x0] =	vst v3  }
0x61: {  	v3 =	vld.idx.msk [tilespmem:v2+s12+$0x0], $0xffff  }
0x62: {  	v2 =	vld.idx.msk [tilespmem:v2+s11+$0x0], $0xffff;
	_ =	sdelay $0x3  }
0x63: {  	v3 =	vshll.u32 v3, $0x3  }
0x64: {  	v2 =	vshll.u32 v2, $0x3;
	v3 =	vor.u32 v1, v3  }
0x65: {  	v2 =	vor.u32 v1, v2;
	_ =	sdelay $0x3  }
0x66: {  	v3 =	vld.idx.msk [tilespmem:v3+s1+$0x0], $0xffff  }
0x67: {  	v2 =	vld.idx.msk [tilespmem:v2+s1+$0x0], $0xffff;
	_ =	sdelay $0x1  }
0x68: {  	s18 =	sadd.s32 $0x10, s18  }
0x69: {  	v4 =	vld [tilespmem:s18+$0x0];
	_ =	sdelay $0x1  }
0x6a: {  	v2 =	vand.u32 $0xFFFF0000, v2;
	v3 =	vshll.u32 v3, $0x10  }
0x6b: {  	v2 =	vadd.f32 v3, v2;
	_ =	sdelay $0x1  }
0x6c: {  	v2 =	vadd.f32 v2, v4;
	_ =	sdelay $0x1  }
0x6d: {  	v3 =	vmul.f32 $2.000000030e-01, v2  }
0x6e: {  	vm0 =	vge.f32 v2, $0.0e+00  }
0x6f: {  	v2 =	vsel vm0, v2, v3  }
0x70: {  	v2 =	vmul.f32 $1.442695020e+00, v2;
	_ =	sdelay $0x1  }
0x71: {  	(erf) = vpow2.f32 v2;
	_ =	sdelay $0x7  }
0x72: {  	s15 =	sadd.s32 $0x1, s15  }
0x73: {  	p0 =	sne.s32 s15, $0x5;
	s17 =	sadd.s32 $0x10, s17;
	v2 =	vpop (erf)  }
.Ltmp1:
0x74: {  	s16 =	sadd.s32 s7, s16;
	[tilespmem:s17+$0x0] =	vst v2;
	(pc) =	sbr.rel @p0 .LBB2_2-.Ltmp1, $4  }
0x75: {  	[hbm4b:s16+s1] =	stream.linear.scatter [tilespmem:s13], [sflag:$0x1], $0x3E80, $0x38;
	[tilespmem:$0x1C580] =	vst v63  }
0x76: {  	_ =	swait.ge [sflag:s10], $0x3E80  }
0x77: {  	[sflag:s10] =	ssyncset.done $0x0  }
0x78: {  	[sflag:s10] =	ssyncadd.s32 $0xFFFFC180  }
0x79: {  	s14 =	sadd.s32 $0x1, s14  }
0x7a: {  	p0 =	sne.s32 s14, s9  }
.Ltmp2:
0x7b: {  	_ = 	snop;
	(pc) =	sbr.rel @p0 .LBB2_1-.Ltmp2, $1  }
0x7c: {  	_ =	sdelay $0x3  }
0x7d: {  	_ =	sfence.sel $0x180000  }
0x7e: {  	[bflag:$0x0] =	sbarrier.arrive $0xFFFF  }
0x7f: {  	p0 =	sne.s32 s2, $0x0;
	_ =	strace $0x90000047  }
0x80: {  	s0 =	sadd.s32 @!p0 $0x100000, s0;
	[bflag:$0x2] =	sbarrier.arrive $0xFFFF  }
0x81: {  	[sflag:s0] =	ssyncadd.tile.s32 @!p0 $0x1;
	_ =	shalt  }
.Lfunc_end2:
_tile_overlayer_lowered:
.L_overlay_start_2:
0x82: {  	(tag) =	ssettag $0x2  }
0x83: {  	s0 =	rddreg [dreg:$0x0];
	s2 =	stileid.u32  }
0x84: {  	s1 =	rddreg [dreg:$0x1];
	p0 =	sne.s32 s2, $0x0  }
0x85: {  	s3 =	rddreg [dreg:$0x2];
	[bflag:$0x3] =	sbarrier.arrive $0xFFFF;
	s2 =	simm.s32 @!p0 $0x1C01  }
0x86: {  	[timem:s3], [sflag:s2] =	dma.local @!p0 [hbm:s0], s1  }
0x87: {  	s0 =	simm.s32 @!p0 $0x1  }
0x88: {  	_ =	swait.ge @!p0 [sflag:s0], s1  }
0x89: {  	s1 =	ssub.s32 @!p0 $0x0, s1;
	[sflag:s0] =	ssyncset.done @!p0 $0x0  }
0x8a: {  	[sflag:s0] =	ssyncadd.s32 @!p0 s1  }
0x8b: {  	[bflag:$0x3] =	sbarrier.arrive $0xFFFF  }
0x8c: {  	_ =	shalt  }

// kernel: kernel.13.cloned.1.call-start
scs
__scs_entry_jumppad:
0x0: {  	(pc) =	sbr.rel $0x88, $3  }
0x1: {  	(tag) =	ssettag $0x0;
	lr =	simm.s32 $0x1  }
0x2: {  	[smem:$0x3F92] =	sst lr;
	_ =	strace $0xD0000000  }
0x3: {  	_ = 	snop  }
0x4: {  	_ = 	snop  }
0x5: {  	_ = 	snop  }
0x6: {  	_ = 	snop  }
0x7: {  	_ = 	snop  }
__scs_overlays_trampoline_lowered:
0x8: {  	[smem:$0x3FA1] =	sst s0  }
0x9: {  	[smem:$0x3FA2] =	sst s1  }
0xa: {  	[smem:$0x3FA3] =	sst s2  }
0xb: {  	[smem:$0x3FA4] =	sst s3  }
0xc: {  	[smem:$0x3FA5] =	sst s4  }
0xd: {  	[smem:$0x3FA6] =	sst s5  }
0xe: {  	[smem:$0x3FA7] =	sst s6  }
0xf: {  	[smem:$0x3FA8] =	sst s7  }
0x10: {  	[smem:$0x3FA9] =	sst s8  }
0x11: {  	[smem:$0x3FAA] =	sst s9;
	s0 =	simm.s32 @!p0 $0x0  }
0x12: {  	s1 =	sld [smem:$0x3F90];
	s0 =	simm.s32 @p0 $0x1  }
0x13: {  	[smem:$0x3FAB] =	sst s0;
	s0 =	simm.s32 @!p1 $0x0  }
0x14: {  	s2 =	sld [smem:$0x3F8F];
	s0 =	simm.s32 @p1 $0x1  }
0x15: {  	[smem:$0x3FAC] =	sst s0;
	s0 =	simm.s32 @!p2 $0x0  }
0x16: {  	s3 =	sld [smem:$0x3FDB];
	s0 =	simm.s32 @p2 $0x1  }
0x17: {  	s4 =	simm.s32 $0x1BF5;
	[smem:$0x3FAE] =	sst s0  }
0x18: {  	s0 =	sld [smem:$0x3F91];
	_ =	swait.ge [sflag:s4], $0x0  }
0x19: {  	s7 =	sld [smem:$0x3F92]  }
0x1a: {  	s8 =	sadd.s32 $0xFFFFE003, lr  }
0x1b: {  	s9 =	sadd.s32 $0xFFFFFEF7, lr;
	s5 =	simm.s32 $0xFFFFFFFF;
	p2 =	slt.u32 s8, $0xFFFFF086  }
0x1c: {  	p1 =	slt.u32 s9, $0xF7A;
	s5 =	simm.s32 @!p2 $0x0  }
0x1d: {  	s5 =	simm.s32 @p1 $0x1;
	p0 =	seq.s32 s7, s2  }
0x1e: {  	s7 =	smul.u32 @!p0 $0xF7A, s2;
	p2 =	seq.s32 @!p0 s5, $0x0  }
0x1f: {  	s9 =	smul.u32 $0xF7A, s1;
	s8 =	simm.s32 @!p0 $0x1BF5;
	p2 =	por !p2, p0  }
0x20: {  	[sflag:s8] =	ssyncset.s32 @!p0 $0xFFFFF086;
	s6 =	sadd.s32 @!p0 s3, s7;
	s7 =	simm.s32 @!p0 $0x108  }
0x21: {  	s3 =	sadd.s32 s3, s9;
	s6 =	sadd.s32 @!p0 $0x88, s6;
	s7 =	simm.s32 @p2 $0x1082  }
0x22: {  	[simem:s7], [sflag:s8] =	dma.local @!p0 [hbm:s6], $0xF7A  }
0x23: {  	s9 =	sor.u32 $0xD0000000, s2;
	s6 =	simm.s32 $0x108;
	_ =	swait.ge @!p0 [sflag:s8], $0x0  }
0x24: {  	s3 =	sadd.s32 $0x88, s3;
	s6 =	simm.s32 @!p1 $0x1082;
	[sflag:s4] =	ssyncset.s32 $0xFFFFF086  }
0x25: {  	[simem:s6], [sflag:s4] =	dma.local [hbm:s3], $0xF7A  }
0x26: {  	[smem:$0x3F92] =	sst s1;
	(tag) =	ssettag s2;
	_ =	strace s9  }
0x27: {  	s1 =	sld [smem:$0x3FA2]  }
0x28: {  	s2 =	sld [smem:$0x3FA3]  }
0x29: {  	s4 =	sld [smem:$0x3FA5]  }
0x2a: {  	p0 =	seq.s32 s5, $0x0;
	s5 =	sld [smem:$0x3FA6]  }
0x2b: {  	s6 =	sld [smem:$0x3FA7]  }
0x2c: {  	s7 =	sld [smem:$0x3FA8]  }
0x2d: {  	s3 =	simm.s32 $0x108;
	s8 =	sld [smem:$0x3FA9]  }
0x2e: {  	s3 =	simm.s32 @!p0 $0x1082;
	s9 =	sld [smem:$0x3FAA]  }
0x2f: {  	lr =	sadd.s32 s0, s3;
	s0 =	sld [smem:$0x3FA1]  }
0x30: {  	s3 =	sld [smem:$0x3FA4]  }
0x31: {  	[smem:$0x3FAD] =	sst s10  }
0x32: {  	s10 =	sld [smem:$0x3FAB];
	_ =	sdelay $0x3  }
0x33: {  	p0 =	seq.s32 s10, $0x1;
	s10 =	sld [smem:$0x3FAD];
	_ =	sdelay $0x3  }
0x34: {  	[smem:$0x3FAD] =	sst s10  }
0x35: {  	s10 =	sld [smem:$0x3FAC];
	_ =	sdelay $0x3  }
0x36: {  	p1 =	seq.s32 s10, $0x1;
	s10 =	sld [smem:$0x3FAD];
	_ =	sdelay $0x3  }
0x37: {  	[smem:$0x3FAD] =	sst s10  }
0x38: {  	s10 =	sld [smem:$0x3FAE]  }
0x39: {  	_ = 	snop;
	(pc) =	sbr.ind lr, $3  }
0x3a: {  	_ = 	snop  }
0x3b: {  	_ = 	snop  }
0x3c: {  	p2 =	seq.s32 s10, $0x1;
	s10 =	sld [smem:$0x3FAD]  }
0x3d: {  	_ =	shalt  }
0x3e: {  	_ =	shalt  }
0x3f: {  	_ =	shalt  }
0x40: {  	_ =	shalt  }
0x41: {  	_ =	shalt  }
0x42: {  	_ =	shalt  }
0x43: {  	_ =	shalt  }
0x44: {  	_ =	shalt  }
0x45: {  	_ =	shalt  }
0x46: {  	_ =	shalt  }
0x47: {  	_ =	shalt  }
0x48: {  	_ =	shalt  }
0x49: {  	_ =	shalt  }
0x4a: {  	_ =	shalt  }
0x4b: {  	_ =	shalt  }
0x4c: {  	_ =	shalt  }
0x4d: {  	_ =	shalt  }
0x4e: {  	_ =	shalt  }
0x4f: {  	_ =	shalt  }
0x50: {  	_ =	shalt  }
0x51: {  	_ =	shalt  }
0x52: {  	_ =	shalt  }
0x53: {  	_ =	shalt  }
0x54: {  	_ =	shalt  }
0x55: {  	_ =	shalt  }
0x56: {  	_ =	shalt  }
0x57: {  	_ =	shalt  }
0x58: {  	_ =	shalt  }
0x59: {  	_ =	shalt  }
0x5a: {  	_ =	shalt  }
0x5b: {  	_ =	shalt  }
0x5c: {  	_ =	shalt  }
0x5d: {  	_ =	shalt  }
0x5e: {  	_ =	shalt  }
0x5f: {  	_ =	shalt  }
0x60: {  	_ =	shalt  }
0x61: {  	_ =	shalt  }
0x62: {  	_ =	shalt  }
0x63: {  	_ =	shalt  }
0x64: {  	_ =	shalt  }
0x65: {  	_ =	shalt  }
0x66: {  	_ =	shalt  }
0x67: {  	_ =	shalt  }
0x68: {  	_ =	shalt  }
0x69: {  	_ =	shalt  }
0x6a: {  	_ =	shalt  }
0x6b: {  	_ =	shalt  }
0x6c: {  	_ =	shalt  }
0x6d: {  	_ =	shalt  }
0x6e: {  	_ =	shalt  }
0x6f: {  	_ =	shalt  }
0x70: {  	_ =	shalt  }
0x71: {  	_ =	shalt  }
0x72: {  	_ =	shalt  }
0x73: {  	_ =	shalt  }
0x74: {  	_ =	shalt  }
0x75: {  	_ =	shalt  }
0x76: {  	_ =	shalt  }
0x77: {  	_ =	shalt  }
0x78: {  	_ =	shalt  }
0x79: {  	_ =	shalt  }
0x7a: {  	_ =	shalt  }
0x7b: {  	_ =	shalt  }
0x7c: {  	_ =	shalt  }
0x7d: {  	_ =	shalt  }
0x7e: {  	_ =	shalt  }
0x7f: {  	_ =	shalt  }
0x80: {  	_ =	shalt  }
0x81: {  	_ =	shalt  }
0x82: {  	_ =	shalt  }
0x83: {  	_ =	shalt  }
0x84: {  	_ =	shalt  }
0x85: {  	_ =	shalt  }
0x86: {  	_ =	shalt  }
0x87: {  	_ =	shalt  }
.Lfunc_end0:
.L_simem_size_0:
called_computation.1_lowered:
.L_overlay_start_0:
0x88: {  	s2 =	sld [smem:$0x3FD9]  }
0x89: {  	s3 =	sld [smem:$0x3FFE];
	_ =	sdelay $0x1  }
0x8a: {  	s1 =	srdreg.scid  }
0x8b: {  	s0 =	sand.u32 $0x1, s1  }
0x8c: {  	s16 =	sshll.u32 s0, $0xA;
	s2 =	sadd.s32 s3, s2  }
0x8d: {  	s2 =	sadd.s32 s2, s16  }
0x8e: {  	[smem:$0x3FB9] =	sst s2  }
0x8f: {  	_ = 	snop  }
0x90: {  	(tm) =	ssettm $0x1  }
0x91: {  	s17 =	sld [smem:$0x3FFB];
	_ =	sdelay $0x3  }
0x92: {  	_ =	strace s17  }
0x93: {  	s2 =	sld [smem:$0x3FFC];
	_ =	sdelay $0x3  }
0x94: {  	_ =	strace s2  }
0x95: {  	s2 =	sld [smem:$0x3FFD];
	_ =	sdelay $0x3  }
0x96: {  	_ =	strace s2  }
0x97: {  	_ =	strace $0x8FFFFFFF  }
0x98: {  	s18 =	sld [smem:$0x3FDB];
	_ =	sdelay $0x1  }
0x99: {  	s19 =	simm.s32 $_scs_section_size  }
0x9a: {  	s4 =	simm.s32 $_size__tile_overlayer_lowered;
	s5 =	simm.s32 $_tile_overlayer_lowered  }
0x9b: {  	s22 =	simm.s32 $0x1BFF;
	s21 =	sshll.u32 s5, $0x1;
	s2 =	sadd.s32 s19, s18  }
0x9c: {  	s6 =	simm.s32 $0x0;
	s20 =	sshll.u32 s4, $0x1;
	s4 =	sadd.s32 s21, s2  }
0x9d: {  	[timem:s6], [sflag:s22] =	dma.local [hbm:s4], s20  }
0x9e: {  	_ =	swait.ge [sflag:s22], s20  }
0x9f: {  	s3 =	ssub.s32 $0x0, s20;
	[sflag:s22] =	ssyncset.done $0x0  }
0xa0: {  	[sflag:s22] =	ssyncadd.s32 s3;
	_ =	sdelay $0x1  }
0xa1: {  	s23 =	simm.s32 $0x1B8B  }
0xa2: {  	_ =	swait.ge [sflag:s23], $0x1  }
0xa3: {  	[sflag:s23] =	ssyncset.done $0x0  }
0xa4: {  	s25 =	simm.s32 $0x1B8E;
	s24 =	sld [smem:$0x3FFE];
	[sflag:s23] =	ssyncadd.s32 $0xFFFFFFFF  }
0xa5: {  	s26 =	simm.s32 $execute0_lowered;
	[smem:$0x3FD2] =	sst s25  }
0xa6: {  	s4 =	sshll.u32 s26, $0x1;
	_ =	strace $0x80000049;
	[dreg:$0x1] =	wrdreg $0xFFFFFFFF  }
0xa7: {  	s28 =	simm.s32 $_size_execute0_lowered;
	s2 =	sadd.s32 s2, s4;
	[dreg:$0x0] =	wrdreg $0x0  }
0xa8: {  	s4 =	sshll.u32 s28, $0x1;
	[dreg:$0x2] =	wrdreg s2  }
0xa9: {  	[dreg:$0x3] =	wrdreg s4  }
0xaa: {  	[dreg:$0x4] =	wrdreg $0xC0  }
0xab: {  	_ =	task [dreg:s6], $0x5FFFF  }
0xac: {  	[dreg:$0x1] =	wrdreg $0xFFFFFFFF  }
0xad: {  	[dreg:$0x0] =	wrdreg $0x60  }
0xae: {  	[dreg:$0x2] =	wrdreg s24  }
0xaf: {  	[dreg:$0x3] =	wrdreg $0x9  }
0xb0: {  	_ =	task.clear_ibuf [dreg:s6], $0x4FFFF;
	_ =	strace $0x90000049  }
0xb1: {  	s29 =	simm.s32 $0x9;
	_ =	strace $0x8000004B  }
0xb2: {  	_ =	swait.ge [sflag:s29], $0x1  }
0xb3: {  	[sflag:s29] =	ssyncadd.s32 $0xFFFFFFFF  }
0xb4: {  	_ =	strace $0x9000004B  }
0xb5: {  	_ =	sfence  }
0xb6: {  	s30 =	sld [smem:$0x0];
	_ =	sdelay $0x2  }
0xb7: {  	s31 =	sshll.u32 s1, $0xD;
	s1 =	sshrl.u32 s1, $0x2  }
0xb8: {  	s3 =	sand.u32 $0x4000, s31;
	s1 =	sadd.s32 s1, s30  }
0xb9: {  	s0 =	sor.u32 s3, s0;
	s1 =	sshll.u32 s1, $0x11  }
0xba: {  	s0 =	sor.u32 s1, s0  }
0xbb: {  	s0 =	sadd.s32 $0x8F2B, s0  }
0xbc: {  	[sflag:s0] =	ssyncadd.remote.s32 $0x1  }
0xbd: {  	_ =	sfence.sel $0xFFFF  }
0xbe: {  	[dreg:$0x0] =	wrdreg $0xFFFFFFFF;
	(pc) =	sbr.abs _section_cstart, $3  }
0xbf: {  	[dreg:$0x1] =	wrdreg $0xFFFFFFFF  }
0xc0: {  	_ =	task.clear_ibuf [dreg:s6], $0x2FFFF;
	_ =	strace $0x9FFFFFFF  }
0xc1: {  	(tm) =	ssettm $0x7FFFFFFF  }
tec
execute0_lowered:
.L_overlay_start_1:
0x0: {  	(tag) =	ssettag $0x1  }
0x1: {  	s1 =	srdreg.scid;
	s0 =	stileid.u32  }
0x2: {  	s5 =	rddreg [dreg:$0x0];
	s2 =	simm.s32 $0x0;
	s10 =	simm.s32 $0x0  }
0x3: {  	s3 =	sand.u32 $0x1, s1;
	s4 =	sshll.u32 s0, $0x1;
	s1 =	rddreg [dreg:$0x1]  }
0x4: {  	[smem:$0x7FF] =	sst s2;
	s6 =	sor.u32 s3, s4;
	s8 =	ssub.s32 $0x2, s3  }
0x5: {  	_ =	strace $0x8000004A;
	s7 =	smul.u32 $0x2800, s6;
	s9 =	sshrl.u32 s8, $0x1  }
0x6: {  	s3 =	sadd.s32 $0xE800, s5;
	s4 =	sadd.s32 $0x66800, s5;
	s8 =	ssub.s32 s8, s9  }
0x7: {  	v2 =	vlaneseq.u32;
	s9 =	simm.s32 $0x1;
	s7 =	sadd.s32 s7, s5;
	s5 =	smul.u32 $0x2710, s6  }
0x8: {  	v0 =	vimm.f32 $0.0e+00;
	v1 =	vshrl.u32 v2, $0x3;
	v2 =	vand.u32 $0x7, v2;
	s6 =	sadd.s32 $0xB4A00, s7;
	s7 =	smax.u32 s8, $0x1;
	s8 =	simm.s32 $0x14000  }
.LBB2_1:
0x9: {  	s11 =	simm.s32 $0x40;
	s12 =	simm.s32 $0x0  }
.LBB2_2:
0xa: {  	p0 =	sne.s32 s11, $0x4FFC0;
	[tilespmem:s12+$0x0] =	vst v0;
	s12 =	smov.u32 s11;
	s11 =	sadd.s32 $0x40, s11  }
.Ltmp0:
0xb: {  	(pc) =	sbr.rel @p0 .LBB2_2-.Ltmp0, $2  }
0xc: {  	_ =	sdelay $0x2  }
0xd: {  	s12 =	sshra.s32 s12, $0x2  }
0xe: {  	[tilespmem:s12+$0x0] =	vst v0;
	s11 =	simm.s32 $0x0;
	s12 =	simm.s32 $0x0  }
.LBB2_4:
0xf: {  	s13 =	smul.u32 $0x7D0, s12;
	_ =	sdelay $0x1  }
0x10: {  	s13 =	sadd.s32 s5, s13  }
0x11: {  	s14 =	sshrl.u32 s13, $0x3  }
0x12: {  	s14 =	sadd.s32 s3, s14  }
0x13: {  	[tilespmem:s8], [sflag:$0x1] =	stream.linear.gather [hbm4b:s14+s11], $0x7D0, $0x38;
	[tilespmem:$0x18680] =	vst v63  }
0x14: {  	_ =	swait.ge [sflag:s9], $0x7D0  }
0x15: {  	[sflag:s9] =	ssyncset.done $0x0  }
0x16: {  	v3 =	vor.u32 s11, v1;
	s30 =	sadd.s32 s4, s13;
	s13 =	simm.s32 $0x14800;
	[sflag:s9] =	ssyncadd.s32 $0xFFFFF830  }
0x17: {  	[tilespmem:s13], [sflag:$0x1] =	stream.linear.gather [hbm4b:s30+s11], $0x3E80, $0x38;
	[tilespmem:$0x18680] =	vst v63  }
0x18: {  	_ =	swait.ge [sflag:s9], $0x3E80  }
0x19: {  	[sflag:s9] =	ssyncset.done $0x0  }
0x1a: {  	[sflag:s9] =	ssyncadd.s32 $0xFFFFC180  }
0x1b: {  	v3 =	vld.idx.msk [tilespmem:v3+s8+$0x0], $0xffff;
	_ =	sdelay $0x4  }
0x1c: {  	v4 =	vshll.u32 v3, $0x3  }
0x1d: {  	s31 =	simm.s32 $0x2;
	v3 =	vld [tilespmem:s13+$0x0];
	v4 =	vor.u32 v2, v4  }
0x1e: {  	v5 =	vor.u32 s31, v1;
	s14 =	simm.s32 $0x4  }
.LBB2_5:
0x1f: {  	p0 =	sne.s32 s14, $0x7CE;
	_ =	sdelay $0x2  }
0x20: {  	[tilespmem:v4+s2+$0x0] =	vst.idx.add.f32.msk $0xffff, v3  }
0x21: {  	v3 =	vld.idx.msk [tilespmem:v5+s8+$0x0], $0xffff;
	_ =	sdelay $0x3  }
.Ltmp1:
0x22: {  	(pc) =	sbr.rel @p0 .LBB2_5-.Ltmp1, $4  }
0x23: {  	_ = 	snop  }
0x24: {  	s13 =	sadd.s32 $0x10, s13;
	v4 =	vshll.u32 v3, $0x3  }
0x25: {  	v4 =	vor.u32 v2, v4;
	v3 =	vld [tilespmem:s13+$0x0]  }
0x26: {  	v5 =	vor.u32 s14, v1;
	s14 =	sadd.s32 $0x2, s14  }
0x27: {  	_ =	sdelay $0x3  }
0x28: {  	[tilespmem:v4+s2+$0x0] =	vst.idx.add.f32.msk $0xffff, v3  }
0x29: {  	v3 =	vld.idx.msk [tilespmem:v5+s8+$0x0], $0xffff;
	_ =	sdelay $0x4  }
0x2a: {  	s13 =	sadd.s32 $0x10, s13;
	s12 =	sadd.s32 $0x1, s12;
	v3 =	vshll.u32 v3, $0x3  }
0x2b: {  	p0 =	sne.s32 s12, $0x5;
	v4 =	vld [tilespmem:s13+$0x0];
	v3 =	vor.u32 v2, v3  }
.Ltmp2:
0x2c: {  	_ = 	snop;
	(pc) =	sbr.rel @p0 .LBB2_4-.Ltmp2, $2  }
0x2d: {  	_ =	sdelay $0x2  }
0x2e: {  	[tilespmem:v3+s2+$0x0] =	vst.idx.add.f32.msk $0xffff, v4  }
0x2f: {  	s10 =	sadd.s32 $0x1, s10  }
0x30: {  	p0 =	sne.s32 s10, s7  }
.Ltmp3:
0x31: {  	_ = 	snop;
	(pc) =	sbr.rel @p0 .LBB2_1-.Ltmp3, $4  }
0x32: {  	[hbm4b:s6+s2] =	stream.linear.scatter [tilespmem:s2], [sflag:$0x1], $0x14000, $0x38;
	[tilespmem:$0x18680] =	vst v63  }
0x33: {  	_ =	swait.ge [sflag:s9], $0x14000  }
0x34: {  	[sflag:s9] =	ssyncset.done $0x0  }
0x35: {  	[sflag:s9] =	ssyncadd.s32 $0xFFFEC000  }
0x36: {  	_ =	sfence.sel $0x180000  }
0x37: {  	[bflag:$0x0] =	sbarrier.arrive $0xFFFF  }
0x38: {  	p0 =	sne.s32 s0, $0x0;
	_ =	strace $0x9000004A  }
0x39: {  	s0 =	sadd.s32 @!p0 $0x100000, s1;
	[bflag:$0x2] =	sbarrier.arrive $0xFFFF  }
0x3a: {  	[sflag:s0] =	ssyncadd.tile.s32 @!p0 $0x1;
	_ =	shalt  }
.Lfunc_end2:
_tile_overlayer_lowered:
.L_overlay_start_2:
0x3b: {  	(tag) =	ssettag $0x2  }
0x3c: {  	s0 =	rddreg [dreg:$0x0];
	s2 =	stileid.u32  }
0x3d: {  	s1 =	rddreg [dreg:$0x1];
	p0 =	sne.s32 s2, $0x0  }
0x3e: {  	s3 =	rddreg [dreg:$0x2];
	[bflag:$0x3] =	sbarrier.arrive $0xFFFF;
	s2 =	simm.s32 @!p0 $0x1C01  }
0x3f: {  	[timem:s3], [sflag:s2] =	dma.local @!p0 [hbm:s0], s1  }
0x40: {  	s0 =	simm.s32 @!p0 $0x1  }
0x41: {  	_ =	swait.ge @!p0 [sflag:s0], s1  }
0x42: {  	s1 =	ssub.s32 @!p0 $0x0, s1;
	[sflag:s0] =	ssyncset.done @!p0 $0x0  }
0x43: {  	[sflag:s0] =	ssyncadd.s32 @!p0 s1  }
0x44: {  	[bflag:$0x3] =	sbarrier.arrive $0xFFFF  }
0x45: {  	_ =	shalt  }

// kernel: kernel.16.cloned.1.call-start
scs
__scs_entry_jumppad:
0x0: {  	(pc) =	sbr.rel $0x88, $3  }
0x1: {  	(tag) =	ssettag $0x0;
	lr =	simm.s32 $0x1  }
0x2: {  	[smem:$0x3F92] =	sst lr;
	_ =	strace $0xD0000000  }
0x3: {  	_ = 	snop  }
0x4: {  	_ = 	snop  }
0x5: {  	_ = 	snop  }
0x6: {  	_ = 	snop  }
0x7: {  	_ = 	snop  }
__scs_overlays_trampoline_lowered:
0x8: {  	[smem:$0x3FA1] =	sst s0  }
0x9: {  	[smem:$0x3FA2] =	sst s1  }
0xa: {  	[smem:$0x3FA3] =	sst s2  }
0xb: {  	[smem:$0x3FA4] =	sst s3  }
0xc: {  	[smem:$0x3FA5] =	sst s4  }
0xd: {  	[smem:$0x3FA6] =	sst s5  }
0xe: {  	[smem:$0x3FA7] =	sst s6  }
0xf: {  	[smem:$0x3FA8] =	sst s7  }
0x10: {  	[smem:$0x3FA9] =	sst s8  }
0x11: {  	[smem:$0x3FAA] =	sst s9;
	s0 =	simm.s32 @!p0 $0x0  }
0x12: {  	s1 =	sld [smem:$0x3F90];
	s0 =	simm.s32 @p0 $0x1  }
0x13: {  	[smem:$0x3FAB] =	sst s0;
	s0 =	simm.s32 @!p1 $0x0  }
0x14: {  	s2 =	sld [smem:$0x3F8F];
	s0 =	simm.s32 @p1 $0x1  }
0x15: {  	[smem:$0x3FAC] =	sst s0;
	s0 =	simm.s32 @!p2 $0x0  }
0x16: {  	s3 =	sld [smem:$0x3FDB];
	s0 =	simm.s32 @p2 $0x1  }
0x17: {  	s4 =	simm.s32 $0x1BF5;
	[smem:$0x3FAE] =	sst s0  }
0x18: {  	s0 =	sld [smem:$0x3F91];
	_ =	swait.ge [sflag:s4], $0x0  }
0x19: {  	s7 =	sld [smem:$0x3F92]  }
0x1a: {  	s8 =	sadd.s32 $0xFFFFE003, lr  }
0x1b: {  	s9 =	sadd.s32 $0xFFFFFEF7, lr;
	s5 =	simm.s32 $0xFFFFFFFF;
	p2 =	slt.u32 s8, $0xFFFFF086  }
0x1c: {  	p1 =	slt.u32 s9, $0xF7A;
	s5 =	simm.s32 @!p2 $0x0  }
0x1d: {  	s5 =	simm.s32 @p1 $0x1;
	p0 =	seq.s32 s7, s2  }
0x1e: {  	s7 =	smul.u32 @!p0 $0xF7A, s2;
	p2 =	seq.s32 @!p0 s5, $0x0  }
0x1f: {  	s9 =	smul.u32 $0xF7A, s1;
	s8 =	simm.s32 @!p0 $0x1BF5;
	p2 =	por !p2, p0  }
0x20: {  	[sflag:s8] =	ssyncset.s32 @!p0 $0xFFFFF086;
	s6 =	sadd.s32 @!p0 s3, s7;
	s7 =	simm.s32 @!p0 $0x108  }
0x21: {  	s3 =	sadd.s32 s3, s9;
	s6 =	sadd.s32 @!p0 $0x88, s6;
	s7 =	simm.s32 @p2 $0x1082  }
0x22: {  	[simem:s7], [sflag:s8] =	dma.local @!p0 [hbm:s6], $0xF7A  }
0x23: {  	s9 =	sor.u32 $0xD0000000, s2;
	s6 =	simm.s32 $0x108;
	_ =	swait.ge @!p0 [sflag:s8], $0x0  }
0x24: {  	s3 =	sadd.s32 $0x88, s3;
	s6 =	simm.s32 @!p1 $0x1082;
	[sflag:s4] =	ssyncset.s32 $0xFFFFF086  }
0x25: {  	[simem:s6], [sflag:s4] =	dma.local [hbm:s3], $0xF7A  }
0x26: {  	[smem:$0x3F92] =	sst s1;
	(tag) =	ssettag s2;
	_ =	strace s9  }
0x27: {  	s1 =	sld [smem:$0x3FA2]  }
0x28: {  	s2 =	sld [smem:$0x3FA3]  }
0x29: {  	s4 =	sld [smem:$0x3FA5]  }
0x2a: {  	p0 =	seq.s32 s5, $0x0;
	s5 =	sld [smem:$0x3FA6]  }
0x2b: {  	s6 =	sld [smem:$0x3FA7]  }
0x2c: {  	s7 =	sld [smem:$0x3FA8]  }
0x2d: {  	s3 =	simm.s32 $0x108;
	s8 =	sld [smem:$0x3FA9]  }
0x2e: {  	s3 =	simm.s32 @!p0 $0x1082;
	s9 =	sld [smem:$0x3FAA]  }
0x2f: {  	lr =	sadd.s32 s0, s3;
	s0 =	sld [smem:$0x3FA1]  }
0x30: {  	s3 =	sld [smem:$0x3FA4]  }
0x31: {  	[smem:$0x3FAD] =	sst s10  }
0x32: {  	s10 =	sld [smem:$0x3FAB];
	_ =	sdelay $0x3  }
0x33: {  	p0 =	seq.s32 s10, $0x1;
	s10 =	sld [smem:$0x3FAD];
	_ =	sdelay $0x3  }
0x34: {  	[smem:$0x3FAD] =	sst s10  }
0x35: {  	s10 =	sld [smem:$0x3FAC];
	_ =	sdelay $0x3  }
0x36: {  	p1 =	seq.s32 s10, $0x1;
	s10 =	sld [smem:$0x3FAD];
	_ =	sdelay $0x3  }
0x37: {  	[smem:$0x3FAD] =	sst s10  }
0x38: {  	s10 =	sld [smem:$0x3FAE]  }
0x39: {  	_ = 	snop;
	(pc) =	sbr.ind lr, $3  }
0x3a: {  	_ = 	snop  }
0x3b: {  	_ = 	snop  }
0x3c: {  	p2 =	seq.s32 s10, $0x1;
	s10 =	sld [smem:$0x3FAD]  }
0x3d: {  	_ =	shalt  }
0x3e: {  	_ =	shalt  }
0x3f: {  	_ =	shalt  }
0x40: {  	_ =	shalt  }
0x41: {  	_ =	shalt  }
0x42: {  	_ =	shalt  }
0x43: {  	_ =	shalt  }
0x44: {  	_ =	shalt  }
0x45: {  	_ =	shalt  }
0x46: {  	_ =	shalt  }
0x47: {  	_ =	shalt  }
0x48: {  	_ =	shalt  }
0x49: {  	_ =	shalt  }
0x4a: {  	_ =	shalt  }
0x4b: {  	_ =	shalt  }
0x4c: {  	_ =	shalt  }
0x4d: {  	_ =	shalt  }
0x4e: {  	_ =	shalt  }
0x4f: {  	_ =	shalt  }
0x50: {  	_ =	shalt  }
0x51: {  	_ =	shalt  }
0x52: {  	_ =	shalt  }
0x53: {  	_ =	shalt  }
0x54: {  	_ =	shalt  }
0x55: {  	_ =	shalt  }
0x56: {  	_ =	shalt  }
0x57: {  	_ =	shalt  }
0x58: {  	_ =	shalt  }
0x59: {  	_ =	shalt  }
0x5a: {  	_ =	shalt  }
0x5b: {  	_ =	shalt  }
0x5c: {  	_ =	shalt  }
0x5d: {  	_ =	shalt  }
0x5e: {  	_ =	shalt  }
0x5f: {  	_ =	shalt  }
0x60: {  	_ =	shalt  }
0x61: {  	_ =	shalt  }
0x62: {  	_ =	shalt  }
0x63: {  	_ =	shalt  }
0x64: {  	_ =	shalt  }
0x65: {  	_ =	shalt  }
0x66: {  	_ =	shalt  }
0x67: {  	_ =	shalt  }
0x68: {  	_ =	shalt  }
0x69: {  	_ =	shalt  }
0x6a: {  	_ =	shalt  }
0x6b: {  	_ =	shalt  }
0x6c: {  	_ =	shalt  }
0x6d: {  	_ =	shalt  }
0x6e: {  	_ =	shalt  }
0x6f: {  	_ =	shalt  }
0x70: {  	_ =	shalt  }
0x71: {  	_ =	shalt  }
0x72: {  	_ =	shalt  }
0x73: {  	_ =	shalt  }
0x74: {  	_ =	shalt  }
0x75: {  	_ =	shalt  }
0x76: {  	_ =	shalt  }
0x77: {  	_ =	shalt  }
0x78: {  	_ =	shalt  }
0x79: {  	_ =	shalt  }
0x7a: {  	_ =	shalt  }
0x7b: {  	_ =	shalt  }
0x7c: {  	_ =	shalt  }
0x7d: {  	_ =	shalt  }
0x7e: {  	_ =	shalt  }
0x7f: {  	_ =	shalt  }
0x80: {  	_ =	shalt  }
0x81: {  	_ =	shalt  }
0x82: {  	_ =	shalt  }
0x83: {  	_ =	shalt  }
0x84: {  	_ =	shalt  }
0x85: {  	_ =	shalt  }
0x86: {  	_ =	shalt  }
0x87: {  	_ =	shalt  }
.Lfunc_end0:
.L_simem_size_0:
called_computation.2_lowered:
.L_overlay_start_0:
0x88: {  	s2 =	sld [smem:$0x3FD9]  }
0x89: {  	s3 =	sld [smem:$0x3FFE];
	_ =	sdelay $0x1  }
0x8a: {  	s1 =	srdreg.scid  }
0x8b: {  	s0 =	sand.u32 $0x1, s1  }
0x8c: {  	s17 =	sshll.u32 s0, $0xA;
	s2 =	sadd.s32 s3, s2  }
0x8d: {  	s2 =	sadd.s32 s2, s17  }
0x8e: {  	[smem:$0x3FB9] =	sst s2  }
0x8f: {  	_ = 	snop  }
0x90: {  	s18 =	sld [smem:$0x3FD0];
	(tm) =	ssettm $0x1  }
0x91: {  	s19 =	sld [smem:$0x3FFB];
	_ =	sdelay $0x3  }
0x92: {  	_ =	strace s19  }
0x93: {  	s2 =	sld [smem:$0x3FFC];
	_ =	sdelay $0x3  }
0x94: {  	_ =	strace s2  }
0x95: {  	s2 =	sld [smem:$0x3FFD];
	_ =	sdelay $0x3  }
0x96: {  	_ =	strace s2  }
0x97: {  	_ =	strace $0x8FFFFFFF  }
0x98: {  	s20 =	sld [smem:$0x3FDB];
	_ =	sdelay $0x1  }
0x99: {  	s4 =	simm.s32 $_scs_section_size  }
0x9a: {  	s5 =	simm.s32 $_size__tile_overlayer_lowered;
	s6 =	simm.s32 $_tile_overlayer_lowered  }
0x9b: {  	s7 =	simm.s32 $0x1BFF;
	s21 =	sshll.u32 s6, $0x1;
	s4 =	sadd.s32 s4, s20  }
0x9c: {  	s22 =	simm.s32 $0x0;
	s5 =	sshll.u32 s5, $0x1;
	s6 =	sadd.s32 s21, s4  }
0x9d: {  	[timem:s22], [sflag:s7] =	dma.local [hbm:s6], s5  }
0x9e: {  	_ =	swait.ge [sflag:s7], s5  }
0x9f: {  	s5 =	ssub.s32 $0x0, s5;
	[sflag:s7] =	ssyncset.done $0x0  }
0xa0: {  	[sflag:s7] =	ssyncadd.s32 s5;
	_ =	sdelay $0x1  }
0xa1: {  	s23 =	simm.s32 $0x1B8B  }
0xa2: {  	_ =	swait.ge [sflag:s23], $0x1  }
0xa3: {  	[sflag:s23] =	ssyncset.done $0x0  }
0xa4: {  	[sflag:s23] =	ssyncadd.s32 $0xFFFFFFFF  }
0xa5: {  	s5 =	sld [smem:$0x0]  }
0xa6: {  	s6 =	sand.u32 $0xFFFFFFFE, s1  }
0xa7: {  	p0 =	sne.s32 s1, s6  }
0xa8: {  	s6 =	sshll.u32 @p0 s6, $0xE  }
0xa9: {  	s6 =	sadd.s32 @p0 $0x11B8D, s6;
	s7 =	sshll.u32 @p0 s5, $0x11  }
0xaa: {  	s6 =	sor.u32 @p0 s7, s6  }
0xab: {  	[sflag:s6] =	ssyncadd.remote.s32 @p0 $0x1;
	_ =	sdelay $0x1  }
0xac: {  	s6 =	simm.s32 @p0 $0x1B8D  }
0xad: {  	_ =	swait.eq @p0 [sflag:s6], $0x1  }
0xae: {  	[sflag:s6] =	ssyncadd.s32 @p0 $0xFFFFFFFF  }
0xaf: {  	s7 =	sshll.u32 @!p0 s1, $0xE  }
0xb0: {  	s7 =	sor.u32 @!p0 $0x4000, s7;
	s6 =	simm.s32 @!p0 $0x1B8D  }
0xb1: {  	s5 =	sshll.u32 @!p0 s5, $0x11;
	s7 =	sadd.s32 @!p0 $0x11B8D, s7;
	_ =	swait.eq @!p0 [sflag:s6], $0x1  }
0xb2: {  	s5 =	sor.u32 @!p0 s5, s7;
	[sflag:s6] =	ssyncadd.s32 @!p0 $0xFFFFFFFF  }
0xb3: {  	s25 =	simm.s32 $0x1B8E;
	s24 =	sld [smem:$0x3FFE];
	[sflag:s5] =	ssyncadd.remote.s32 @!p0 $0x1  }
0xb4: {  	s26 =	simm.s32 $execute0_lowered;
	[smem:$0x3FD2] =	sst s25  }
0xb5: {  	s6 =	sshll.u32 s26, $0x1;
	_ =	strace $0x8000004C;
	[dreg:$0x1] =	wrdreg $0xFFFFFFFF  }
0xb6: {  	s28 =	simm.s32 $_size_execute0_lowered;
	s4 =	sadd.s32 s4, s6;
	[dreg:$0x0] =	wrdreg $0x0  }
0xb7: {  	s6 =	sshll.u32 s28, $0x1;
	[dreg:$0x2] =	wrdreg s4  }
0xb8: {  	[dreg:$0x3] =	wrdreg s6  }
0xb9: {  	[dreg:$0x4] =	wrdreg $0xC0  }
0xba: {  	_ =	task [dreg:s22], $0x5FFFF  }
0xbb: {  	[dreg:$0x1] =	wrdreg $0xFFFFFFFF  }
0xbc: {  	[dreg:$0x0] =	wrdreg $0x60  }
0xbd: {  	[dreg:$0x2] =	wrdreg s24  }
0xbe: {  	[dreg:$0x3] =	wrdreg s18  }
0xbf: {  	[dreg:$0x4] =	wrdreg $0x70800  }
0xc0: {  	[dreg:$0x5] =	wrdreg $0xA  }
0xc1: {  	_ =	task.clear_ibuf [dreg:s22], $0x6FFFF;
	_ =	strace $0x9000004C  }
0xc2: {  	s29 =	simm.s32 $0xA;
	_ =	strace $0x8000004E  }
0xc3: {  	_ =	swait.ge [sflag:s29], $0x1  }
0xc4: {  	[sflag:s29] =	ssyncadd.s32 $0xFFFFFFFF  }
0xc5: {  	_ =	strace $0x9000004E  }
0xc6: {  	_ =	sfence  }
0xc7: {  	s30 =	sld [smem:$0x0];
	_ =	sdelay $0x2  }
0xc8: {  	s31 =	sshll.u32 s1, $0xD;
	s1 =	sshrl.u32 s1, $0x2  }
0xc9: {  	s4 =	sand.u32 $0x4000, s31;
	s1 =	sadd.s32 s1, s30  }
0xca: {  	s0 =	sor.u32 s4, s0;
	s1 =	sshll.u32 s1, $0x11  }
0xcb: {  	s0 =	sor.u32 s1, s0  }
0xcc: {  	s0 =	sadd.s32 $0x8F2B, s0  }
0xcd: {  	[sflag:s0] =	ssyncadd.remote.s32 $0x1  }
0xce: {  	_ =	sfence.sel $0xFFFF  }
0xcf: {  	[dreg:$0x0] =	wrdreg $0xFFFFFFFF;
	(pc) =	sbr.abs _section_cstart, $3  }
0xd0: {  	[dreg:$0x1] =	wrdreg $0xFFFFFFFF  }
0xd1: {  	_ =	task.clear_ibuf [dreg:s22], $0x2FFFF;
	_ =	strace $0x9FFFFFFF  }
0xd2: {  	(tm) =	ssettm $0x7FFFFFFF  }
0xd3: {  	_ =	shalt  }
tec
execute0_lowered:
.L_overlay_start_1:
0x0: {  	(tag) =	ssettag $0x1  }
0x1: {  	s0 =	rddreg [dreg:$0x0]  }
0x2: {  	s1 =	rddreg [dreg:$0x1]  }
0x3: {  	s2 =	rddreg [dreg:$0x2];
	s3 =	simm.s32 $0x0;
	s26 =	srdreg.scid  }
0x4: {  	s7 =	stileid.u32;
	[smem:$0x7FF] =	sst s3  }
0x5: {  	s3 =	sand.u32 $0x1, s26;
	s6 =	sshll.u32 s7, $0x1;
	s10 =	smul.u32 $0x50000, s7  }
0x6: {  	s8 =	smul.u32 $0x28000, s3;
	s9 =	ssub.s32 $0x2, s3;
	s3 =	sor.u32 s3, s6  }
0x7: {  	s4 =	sadd.s32 $0x4A00, s0;
	s3 =	smul.u32 $0x2710, s3;
	s31 =	sshrl.u32 s10, $0x2  }
0x8: {  	s5 =	sadd.s32 $0xE800, s0;
	s6 =	sadd.s32 $0x66800, s0;
	s13 =	sadd.s32 s31, s2  }
0x9: {  	_ =	strace $0x8000004D;
	s15 =	sadd.s32 s6, s3;
	[dreg:$0x4] =	wrdreg s13  }
0xa: {  	s11 =	sshrl.u32 s9, $0x1;
	s26 =	sadd.s32 $0xA0, s3;
	[dreg:$0x6] =	wrdreg s15  }
0xb: {  	s0 =	sadd.s32 s8, s0;
	s31 =	sadd.s32 $0xC8, s3;
	[dreg:$0x11] =	wrdreg s26  }
0xc: {  	s10 =	sshrl.u32 s3, $0x3;
	s0 =	sadd.s32 $0x104A00, s0;
	[dreg:$0x12] =	wrdreg s31  }
0xd: {  	s8 =	ssub.s32 s9, s11;
	s14 =	sadd.s32 s5, s10;
	[dreg:$0x16] =	wrdreg s0  }
0xe: {  	s12 =	sadd.s32 $0x28, s3;
	s9 =	sadd.s32 s4, s10;
	[dreg:$0x5] =	wrdreg s14  }
0xf: {  	s10 =	sadd.s32 s6, s12;
	[dreg:$0x7] =	wrdreg s9  }
0x10: {  	s15 =	sadd.s32 $0x3C00, s13;
	[dreg:$0x9] =	wrdreg s10  }
0x11: {  	s26 =	sadd.s32 $0x11800, s13;
	[dreg:$0x1a] =	wrdreg s15  }
0x12: {  	s16 =	sshrl.u32 s12, $0x3;
	s31 =	sadd.s32 $0x12C00, s13;
	[smem:$0x7FC] =	sst s26  }
0x13: {  	s18 =	sadd.s32 $0x50, s3;
	s17 =	sadd.s32 s5, s16;
	[smem:$0x7FD] =	sst s31  }
0x14: {  	s19 =	sshrl.u32 s18, $0x3;
	s11 =	sadd.s32 s4, s16;
	[dreg:$0x8] =	wrdreg s17  }
0x15: {  	s20 =	sadd.s32 s5, s19;
	[dreg:$0xa] =	wrdreg s11  }
0x16: {  	s9 =	sadd.s32 s6, s18;
	[dreg:$0xb] =	wrdreg s20  }
0x17: {  	s12 =	sadd.s32 $0x78, s3;
	s22 =	sadd.s32 s4, s19;
	[dreg:$0xc] =	wrdreg s9  }
0x18: {  	s24 =	sadd.s32 s6, s12;
	[dreg:$0xd] =	wrdreg s22  }
0x19: {  	s28 =	simm.s32 $0x4880;
	s10 =	sadd.s32 $0x118, s3;
	[dreg:$0xf] =	wrdreg s24  }
0x1a: {  	s21 =	sshrl.u32 s12, $0x3;
	s12 =	sadd.s32 $0x1400, s13;
	[dreg:$0x14] =	wrdreg s10  }
0x1b: {  	s29 =	simm.s32 $0x5C80;
	s14 =	sadd.s32 $0x2800, s13;
	[dreg:$0x18] =	wrdreg s12  }
0x1c: {  	s30 =	simm.s32 $0xB;
	s16 =	sadd.s32 $0x5000, s13;
	[dreg:$0x19] =	wrdreg s14  }
0x1d: {  	p0 =	sne.s32 s7, $0x0;
	s18 =	sadd.s32 $0x7800, s13;
	[dreg:$0x1b] =	wrdreg s16  }
0x1e: {  	s7 =	simm.s32 $0xA;
	s19 =	sadd.s32 $0x8C00, s13;
	[dreg:$0x1d] =	wrdreg s18  }
0x1f: {  	s0 =	simm.s32 $0x28;
	s23 =	sadd.s32 s5, s21;
	[dreg:$0x1e] =	wrdreg s19  }
0x20: {  	s26 =	simm.s32 $0x3480;
	s25 =	sadd.s32 s4, s21;
	[dreg:$0xe] =	wrdreg s23  }
0x21: {  	s15 =	simm.s32 $0x0;
	s9 =	sadd.s32 $0xF0, s3;
	[dreg:$0x10] =	wrdreg s25  }
0x22: {  	s3 =	sadd.s32 $0x140, s3;
	s11 =	smax.u32 s8, $0x1;
	[dreg:$0x13] =	wrdreg s9  }
0x23: {  	s17 =	sadd.s32 $0x6400, s13;
	s20 =	sadd.s32 $0xA000, s13;
	[dreg:$0x15] =	wrdreg s3  }
0x24: {  	s21 =	sadd.s32 $0xB400, s13;
	s22 =	sadd.s32 $0xC800, s13;
	[dreg:$0x17] =	wrdreg s11  }
0x25: {  	s24 =	sadd.s32 $0xF000, s13;
	s19 =	simm.s32 $0xC80;
	[dreg:$0x1c] =	wrdreg s17  }
0x26: {  	s10 =	simm.s32 $0x500;
	s12 =	simm.s32 $0x680;
	[dreg:$0x1f] =	wrdreg s20  }
0x27: {  	s14 =	simm.s32 $0x800;
	s16 =	simm.s32 $0x980;
	[smem:$0x7F7] =	sst s21  }
.Ltmp0:
0x28: {  	s18 =	simm.s32 $0x1;
	[smem:$0x7F8] =	sst s22;
	(pc) =	sbr.rel .LBB2_1-.Ltmp0, $4  }
0x29: {  	v0 =	vlaneseq.u32;
	s8 =	simm.s32 $0xB00;
	s23 =	sadd.s32 $0xDC00, s13;
	[smem:$0x7FA] =	sst s24  }
0x2a: {  	v1 =	vimm.f32 $0.0e+00;
	v2 =	vor.u32 $0x10, v0;
	s25 =	sadd.s32 $0x10400, s13;
	s21 =	simm.s32 $0x480;
	s11 =	simm.s32 $0x2  }
0x2b: {  	v3 =	vor.u32 $0x20, v0;
	v4 =	vor.u32 $0x30, v0;
	v5 =	vor.u32 $0x40, v0;
	s13 =	simm.s32 $0x3;
	s24 =	simm.s32 $0x4;
	[smem:$0x7F9] =	sst s23  }
0x2c: {  	v6 =	vor.u32 $0x50, v0;
	v7 =	vor.u32 $0x60, v0;
	v8 =	vor.u32 $0x70, v0;
	s20 =	simm.s32 $0x5;
	[smem:$0x7FB] =	sst s25;
	s25 =	simm.s32 $0x2080  }
.LBB2_24:
0x2d: {  	s3 =	simm.s32 $0x6  }
0x2e: {  	_ =	swait.ge [sflag:s3], $0x1400  }
0x2f: {  	[sflag:s3] =	ssyncset.done $0x0  }
0x30: {  	s15 =	simm.s32 $0x7;
	[sflag:s3] =	ssyncadd.s32 $0xFFFFEC00  }
0x31: {  	_ =	swait.ge [sflag:s15], $0x1400  }
0x32: {  	[sflag:s15] =	ssyncset.done $0x0  }
0x33: {  	s17 =	simm.s32 $0x8;
	[sflag:s15] =	ssyncadd.s32 $0xFFFFEC00  }
0x34: {  	_ =	swait.ge [sflag:s17], $0x1400  }
0x35: {  	[sflag:s17] =	ssyncset.done $0x0  }
0x36: {  	s22 =	simm.s32 $0x9;
	[sflag:s17] =	ssyncadd.s32 $0xFFFFEC00  }
0x37: {  	_ =	swait.ge [sflag:s22], $0x1400  }
0x38: {  	[sflag:s22] =	ssyncset.done $0x0  }
0x39: {  	[sflag:s22] =	ssyncadd.s32 $0xFFFFEC00  }
0x3a: {  	_ =	swait.ge [sflag:s7], $0x1400  }
0x3b: {  	[sflag:s7] =	ssyncset.done $0x0  }
0x3c: {  	[sflag:s7] =	ssyncadd.s32 $0xFFFFEC00  }
0x3d: {  	[bflag:$0x0] =	sbarrier.arrive $0xFFFF  }
0x3e: {  	s9 =	simm.s32 @!p0 $0x1C0B;
	s3 =	sshrl.u32 @!p0 s2, $0x3;
	s15 =	rddreg [dreg:$0x16]  }
0x3f: {  	[hbm:s15], [sflag:s9] =	dma.local @!p0 [spmem:s3], $0x28000  }
0x40: {  	s3 =	simm.s32 @!p0 $0xB  }
0x41: {  	_ =	swait.ge @!p0 [sflag:s3], $0x28000  }
0x42: {  	s23 =	sld [smem:$0x7F6];
	_ =	sdelay $0x2  }
0x43: {  	s31 =	rddreg [dreg:$0x17];
	s15 =	sadd.s32 $0x1, s23  }
0x44: {  	p1 =	sne.s32 s15, s31  }
.Ltmp1:
0x45: {  	_ = 	snop;
	(pc) =	sbr.rel @!p1 .LBB2_25-.Ltmp1, $3  }
0x46: {  	_ =	sdelay $0x1  }
0x47: {  	[sflag:s3] =	ssyncset.done @!p0 $0x0  }
0x48: {  	[sflag:s3] =	ssyncadd.s32 @!p0 $0xFFFD8000  }
.LBB2_1:
0x49: {  	s3 =	simm.s32 $0x0;
	s9 =	simm.s32 $0x0  }
0x4a: {  	s9 =	sand.u32 $0x70, s9;
	s3 =	sand.u32 $0xFFFFFF80, s3  }
0x4b: {  	s9 =	sor.u32 s9, s3  }
0x4c: {  	v9 =	vor.u32 s9, v0;
	_ =	sdelay $0x1  }
0x4d: {  	[smem:$0x7F6] =	sst s15;
	s3 =	simm.s32 $0x1;
	s9 =	simm.s32 $0x10  }
.LBB2_2:
0x4e: {  	s15 =	sshll.u32 s3, $0x4;
	p1 =	sne.s32 s3, $0x13F;
	s3 =	sadd.s32 $0x1, s3  }
.Ltmp2:
0x4f: {  	s17 =	sand.u32 $0x70, s9;
	s15 =	sand.u32 $0xFFFFFF80, s15;
	(pc) =	sbr.rel @p1 .LBB2_2-.Ltmp2, $3  }
0x50: {  	s15 =	sor.u32 s17, s15;
	[tilespmem:v9+s19+$0x0] =	vst.idx.msk $0xffff, v1  }
0x51: {  	v9 =	vor.u32 s15, v0;
	_ =	sdelay $0x1  }
0x52: {  	s9 =	sadd.s32 $0x10, s9  }
0x53: {  	_ = 	snop  }
0x54: {  	s3 =	simm.s32 $0x0;
	s9 =	simm.s32 $0x0  }
0x55: {  	s3 =	sand.u32 $0x70, s3;
	s9 =	sand.u32 $0xFFFFFF80, s9  }
0x56: {  	s3 =	sor.u32 s3, s9  }
0x57: {  	[tilespmem:v9+s19+$0x0] =	vst.idx.msk $0xffff, v1;
	v9 =	vor.u32 s3, v0;
	_ =	sdelay $0x1  }
0x58: {  	s15 =	simm.s32 $0x10;
	s9 =	simm.s32 $0x1  }
.LBB2_4:
0x59: {  	s17 =	sshll.u32 s9, $0x4;
	p1 =	sne.s32 s9, $0x13F;
	s9 =	sadd.s32 $0x1, s9  }
.Ltmp3:
0x5a: {  	s22 =	sand.u32 $0x70, s15;
	s17 =	sand.u32 $0xFFFFFF80, s17;
	(pc) =	sbr.rel @p1 .LBB2_4-.Ltmp3, $3  }
0x5b: {  	s17 =	sor.u32 s22, s17;
	[tilespmem:v9+s25+$0x0] =	vst.idx.msk $0xffff, v1  }
0x5c: {  	v9 =	vor.u32 s17, v0;
	_ =	sdelay $0x1  }
0x5d: {  	s15 =	sadd.s32 $0x10, s15  }
0x5e: {  	_ =	sdelay $0x3  }
0x5f: {  	[tilespmem:v9+s25+$0x0] =	vst.idx.msk $0xffff, v1;
	v9 =	vor.u32 s3, v0;
	_ =	sdelay $0x1  }
0x60: {  	s9 =	simm.s32 $0x1;
	s3 =	simm.s32 $0x10  }
.LBB2_6:
0x61: {  	s15 =	sshll.u32 s9, $0x4;
	p1 =	sne.s32 s9, $0x13F;
	s9 =	sadd.s32 $0x1, s9  }
.Ltmp4:
0x62: {  	s17 =	sand.u32 $0x70, s3;
	s15 =	sand.u32 $0xFFFFFF80, s15;
	(pc) =	sbr.rel @p1 .LBB2_6-.Ltmp4, $3  }
0x63: {  	s15 =	sor.u32 s17, s15;
	[tilespmem:v9+s26+$0x0] =	vst.idx.msk $0xffff, v1  }
0x64: {  	v9 =	vor.u32 s15, v0;
	_ =	sdelay $0x1  }
0x65: {  	s3 =	sadd.s32 $0x10, s3  }
0x66: {  	_ = 	snop  }
0x67: {  	s3 =	simm.s32 $0x0;
	s9 =	simm.s32 $0x0  }
0x68: {  	s3 =	sand.u32 $0x70, s3;
	s9 =	sand.u32 $0xFFFFFF80, s9  }
0x69: {  	s3 =	sor.u32 s3, s9  }
0x6a: {  	[tilespmem:v9+s26+$0x0] =	vst.idx.msk $0xffff, v1;
	v9 =	vor.u32 s3, v0;
	_ =	sdelay $0x1  }
0x6b: {  	s15 =	simm.s32 $0x10;
	s9 =	simm.s32 $0x1  }
.LBB2_8:
0x6c: {  	s17 =	sshll.u32 s9, $0x4;
	p1 =	sne.s32 s9, $0x13F;
	s9 =	sadd.s32 $0x1, s9  }
.Ltmp5:
0x6d: {  	s22 =	sand.u32 $0x70, s15;
	s17 =	sand.u32 $0xFFFFFF80, s17;
	(pc) =	sbr.rel @p1 .LBB2_8-.Ltmp5, $3  }
0x6e: {  	s17 =	sor.u32 s22, s17;
	[tilespmem:v9+s28+$0x0] =	vst.idx.msk $0xffff, v1  }
0x6f: {  	v9 =	vor.u32 s17, v0;
	_ =	sdelay $0x1  }
0x70: {  	s15 =	sadd.s32 $0x10, s15  }
0x71: {  	_ =	sdelay $0x3  }
0x72: {  	[tilespmem:v9+s28+$0x0] =	vst.idx.msk $0xffff, v1;
	v9 =	vor.u32 s3, v0;
	_ =	sdelay $0x1  }
0x73: {  	s9 =	simm.s32 $0x1;
	s3 =	simm.s32 $0x10  }
.LBB2_10:
0x74: {  	s15 =	sshll.u32 s9, $0x4;
	p1 =	sne.s32 s9, $0x13F;
	s9 =	sadd.s32 $0x1, s9  }
.Ltmp6:
0x75: {  	s17 =	sand.u32 $0x70, s3;
	s15 =	sand.u32 $0xFFFFFF80, s15;
	(pc) =	sbr.rel @p1 .LBB2_10-.Ltmp6, $3  }
0x76: {  	s15 =	sor.u32 s17, s15;
	[tilespmem:v9+s29+$0x0] =	vst.idx.msk $0xffff, v1  }
0x77: {  	v9 =	vor.u32 s15, v0;
	_ =	sdelay $0x1  }
0x78: {  	s3 =	sadd.s32 $0x10, s3  }
0x79: {  	_ =	sdelay $0x3  }
0x7a: {  	[tilespmem:v9+s29+$0x0] =	vst.idx.msk $0xffff, v1;
	s3 =	rddreg [dreg:$0x4]  }
0x7b: {  	[spmem:s3] =	stream.linear.scatter [tilespmem:s19], [sflag:$0xB], $0x1400, $0x38;
	[tilespmem:$0x1B080] =	vst v63  }
0x7c: {  	_ =	swait.ge [sflag:s30], $0x1400  }
0x7d: {  	[sflag:s30] =	ssyncset.done $0x0  }
0x7e: {  	s31 =	rddreg [dreg:$0x18];
	[sflag:s30] =	ssyncadd.s32 $0xFFFFEC00  }
0x7f: {  	[spmem:s31] =	stream.linear.scatter [tilespmem:s25], [sflag:$0xB], $0x1400, $0x38;
	[tilespmem:$0x1B080] =	vst v63  }
0x80: {  	_ =	swait.ge [sflag:s30], $0x1400  }
0x81: {  	[sflag:s30] =	ssyncset.done $0x0  }
0x82: {  	s9 =	rddreg [dreg:$0x19];
	[sflag:s30] =	ssyncadd.s32 $0xFFFFEC00  }
0x83: {  	[spmem:s9] =	stream.linear.scatter [tilespmem:s26], [sflag:$0xB], $0x1400, $0x38;
	[tilespmem:$0x1B080] =	vst v63  }
0x84: {  	_ =	swait.ge [sflag:s30], $0x1400  }
0x85: {  	[sflag:s30] =	ssyncset.done $0x0  }
0x86: {  	s15 =	rddreg [dreg:$0x1a];
	[sflag:s30] =	ssyncadd.s32 $0xFFFFEC00  }
0x87: {  	[spmem:s15] =	stream.linear.scatter [tilespmem:s28], [sflag:$0xB], $0x1400, $0x38;
	[tilespmem:$0x1B080] =	vst v63  }
0x88: {  	_ =	swait.ge [sflag:s30], $0x1400  }
0x89: {  	[sflag:s30] =	ssyncset.done $0x0  }
0x8a: {  	s17 =	rddreg [dreg:$0x1b];
	[sflag:s30] =	ssyncadd.s32 $0xFFFFEC00  }
0x8b: {  	[spmem:s17] =	stream.linear.scatter [tilespmem:s29], [sflag:$0xB], $0x1400, $0x38;
	[tilespmem:$0x1B080] =	vst v63  }
0x8c: {  	_ =	swait.ge [sflag:s30], $0x1400  }
0x8d: {  	[sflag:s30] =	ssyncset.done $0x0  }
0x8e: {  	s22 =	rddreg [dreg:$0x1c];
	[sflag:s30] =	ssyncadd.s32 $0xFFFFEC00  }
0x8f: {  	[spmem:s22] =	stream.linear.scatter [tilespmem:s19], [sflag:$0xB], $0x1400, $0x38;
	[tilespmem:$0x1B080] =	vst v63  }
0x90: {  	_ =	swait.ge [sflag:s30], $0x1400  }
0x91: {  	[sflag:s30] =	ssyncset.done $0x0  }
0x92: {  	s23 =	rddreg [dreg:$0x1d];
	[sflag:s30] =	ssyncadd.s32 $0xFFFFEC00  }
0x93: {  	[spmem:s23] =	stream.linear.scatter [tilespmem:s25], [sflag:$0xB], $0x1400, $0x38;
	[tilespmem:$0x1B080] =	vst v63  }
0x94: {  	_ =	swait.ge [sflag:s30], $0x1400  }
0x95: {  	[sflag:s30] =	ssyncset.done $0x0  }
0x96: {  	s31 =	rddreg [dreg:$0x1e];
	[sflag:s30] =	ssyncadd.s32 $0xFFFFEC00  }
0x97: {  	[spmem:s31] =	stream.linear.scatter [tilespmem:s26], [sflag:$0xB], $0x1400, $0x38;
	[tilespmem:$0x1B080] =	vst v63  }
0x98: {  	_ =	swait.ge [sflag:s30], $0x1400  }
0x99: {  	[sflag:s30] =	ssyncset.done $0x0  }
0x9a: {  	s9 =	rddreg [dreg:$0x1f];
	[sflag:s30] =	ssyncadd.s32 $0xFFFFEC00  }
0x9b: {  	[spmem:s9] =	stream.linear.scatter [tilespmem:s28], [sflag:$0xB], $0x1400, $0x38;
	[tilespmem:$0x1B080] =	vst v63  }
0x9c: {  	_ =	swait.ge [sflag:s30], $0x1400  }
0x9d: {  	s15 =	sld [smem:$0x7F7]  }
0x9e: {  	[sflag:s30] =	ssyncset.done $0x0  }
0x9f: {  	[sflag:s30] =	ssyncadd.s32 $0xFFFFEC00  }
0xa0: {  	[spmem:s15] =	stream.linear.scatter [tilespmem:s29], [sflag:$0xB], $0x1400, $0x38;
	[tilespmem:$0x1B080] =	vst v63  }
0xa1: {  	_ =	swait.ge [sflag:s30], $0x1400  }
0xa2: {  	s17 =	sld [smem:$0x7F8]  }
0xa3: {  	[sflag:s30] =	ssyncset.done $0x0  }
0xa4: {  	[sflag:s30] =	ssyncadd.s32 $0xFFFFEC00  }
0xa5: {  	[spmem:s17] =	stream.linear.scatter [tilespmem:s19], [sflag:$0xB], $0x1400, $0x38;
	[tilespmem:$0x1B080] =	vst v63  }
0xa6: {  	_ =	swait.ge [sflag:s30], $0x1400  }
0xa7: {  	s22 =	sld [smem:$0x7F9]  }
0xa8: {  	[sflag:s30] =	ssyncset.done $0x0  }
0xa9: {  	[sflag:s30] =	ssyncadd.s32 $0xFFFFEC00  }
0xaa: {  	[spmem:s22] =	stream.linear.scatter [tilespmem:s25], [sflag:$0xB], $0x1400, $0x38;
	[tilespmem:$0x1B080] =	vst v63  }
0xab: {  	_ =	swait.ge [sflag:s30], $0x1400  }
0xac: {  	s23 =	sld [smem:$0x7FA]  }
0xad: {  	[sflag:s30] =	ssyncset.done $0x0  }
0xae: {  	[sflag:s30] =	ssyncadd.s32 $0xFFFFEC00  }
0xaf: {  	[spmem:s23] =	stream.linear.scatter [tilespmem:s26], [sflag:$0xB], $0x1400, $0x38;
	[tilespmem:$0x1B080] =	vst v63  }
0xb0: {  	_ =	swait.ge [sflag:s30], $0x1400  }
0xb1: {  	s31 =	sld [smem:$0x7FB]  }
0xb2: {  	[sflag:s30] =	ssyncset.done $0x0  }
0xb3: {  	[sflag:s30] =	ssyncadd.s32 $0xFFFFEC00  }
0xb4: {  	[spmem:s31] =	stream.linear.scatter [tilespmem:s28], [sflag:$0xB], $0x1400, $0x38;
	[tilespmem:$0x1B080] =	vst v63  }
0xb5: {  	_ =	swait.ge [sflag:s30], $0x1400  }
0xb6: {  	s9 =	sld [smem:$0x7FC]  }
0xb7: {  	[sflag:s30] =	ssyncset.done $0x0  }
0xb8: {  	[sflag:s30] =	ssyncadd.s32 $0xFFFFEC00  }
0xb9: {  	[spmem:s9] =	stream.linear.scatter [tilespmem:s29], [sflag:$0xB], $0x1400, $0x38;
	[tilespmem:$0x1B080] =	vst v63  }
0xba: {  	_ =	swait.ge [sflag:s30], $0x1400  }
0xbb: {  	s15 =	sld [smem:$0x7FD]  }
0xbc: {  	[sflag:s30] =	ssyncset.done $0x0  }
0xbd: {  	[sflag:s30] =	ssyncadd.s32 $0xFFFFEC00  }
0xbe: {  	[spmem:s15] =	stream.linear.scatter [tilespmem:s19], [sflag:$0xB], $0x1400, $0x38;
	[tilespmem:$0x1B080] =	vst v63  }
0xbf: {  	_ =	swait.ge [sflag:s30], $0x1400  }
0xc0: {  	[sflag:s30] =	ssyncset.done $0x0  }
0xc1: {  	[sflag:s30] =	ssyncadd.s32 $0xFFFFEC00  }
0xc2: {  	[bflag:$0x0] =	sbarrier.arrive $0xFFFF  }
0xc3: {  	s22 =	simm.s32 $0x0;
	s17 =	rddreg [dreg:$0x5]  }
0xc4: {  	[tilespmem:s21], [sflag:$0xB] =	stream.linear.gather [hbm4b:s17+s22], $0x28, $0x38;
	[tilespmem:$0x1B080] =	vst v63  }
0xc5: {  	_ =	swait.ge [sflag:s30], $0x28  }
0xc6: {  	[sflag:s30] =	ssyncset.done $0x0  }
0xc7: {  	[sflag:s30] =	ssyncadd.s32 $0xFFFFFFD8  }
0xc8: {  	[spmem:s2] =	stream.indirect.scatter.add.f32 [tilespmem:s29], [sflag:$0xA], $0x80, s21, s0, $0xb8;
	[tilespmem:$0x1B080] =	vst v63  }
0xc9: {  	s9 =	simm.s32 $0x280  }
0xca: {  	[tilespmem:s9], [sflag:$0x1] =	stream.linear.gather [hbm4b:s17+s22], $0x28, $0x38;
	[tilespmem:$0x1B080] =	vst v63  }
0xcb: {  	s23 =	rddreg [dreg:$0x6]  }
0xcc: {  	[tilespmem:s10], [sflag:$0x1] =	stream.linear.gather [hbm4b:s23+s22], $0x140, $0x38;
	[tilespmem:$0x1B080] =	vst v63  }
0xcd: {  	s31 =	rddreg [dreg:$0x7]  }
0xce: {  	[tilespmem:s22], [sflag:$0xB] =	stream.linear.gather [hbm4b:s31+s22], $0x28, $0x38;
	[tilespmem:$0x1B080] =	vst v63  }
0xcf: {  	_ =	swait.ge [sflag:s30], $0x28  }
0xd0: {  	[sflag:s30] =	ssyncset.done $0x0  }
0xd1: {  	[sflag:s30] =	ssyncadd.s32 $0xFFFFFFD8  }
0xd2: {  	[tilespmem:s19], [sflag:$0x1] =	stream.indirect.gather [hbm4b:s1+s0], $0x80, s22, s0, $0xb8;
	[tilespmem:$0x1B080] =	vst v63  }
0xd3: {  	s15 =	simm.s32 $0x300;
	s9 =	rddreg [dreg:$0x8]  }
0xd4: {  	[tilespmem:s15], [sflag:$0x2] =	stream.linear.gather [hbm4b:s9+s22], $0x28, $0x38;
	[tilespmem:$0x1B080] =	vst v63  }
0xd5: {  	s17 =	rddreg [dreg:$0x9]  }
0xd6: {  	[tilespmem:s12], [sflag:$0x2] =	stream.linear.gather [hbm4b:s17+s22], $0x140, $0x38;
	[tilespmem:$0x1B080] =	vst v63  }
0xd7: {  	s31 =	simm.s32 $0x80;
	s23 =	rddreg [dreg:$0xa]  }
0xd8: {  	[tilespmem:s31], [sflag:$0xB] =	stream.linear.gather [hbm4b:s23+s22], $0x28, $0x38;
	[tilespmem:$0x1B080] =	vst v63  }
0xd9: {  	_ =	swait.ge [sflag:s30], $0x28  }
0xda: {  	[sflag:s30] =	ssyncset.done $0x0  }
0xdb: {  	[sflag:s30] =	ssyncadd.s32 $0xFFFFFFD8  }
0xdc: {  	[tilespmem:s25], [sflag:$0x2] =	stream.indirect.gather [hbm4b:s1+s0], $0x80, s31, s0, $0xb8;
	[tilespmem:$0x1B080] =	vst v63  }
0xdd: {  	s15 =	simm.s32 $0x380;
	s9 =	rddreg [dreg:$0xb]  }
0xde: {  	[tilespmem:s15], [sflag:$0x3] =	stream.linear.gather [hbm4b:s9+s22], $0x28, $0x38;
	[tilespmem:$0x1B080] =	vst v63  }
0xdf: {  	s17 =	rddreg [dreg:$0xc]  }
0xe0: {  	[tilespmem:s14], [sflag:$0x3] =	stream.linear.gather [hbm4b:s17+s22], $0x140, $0x38;
	[tilespmem:$0x1B080] =	vst v63  }
0xe1: {  	s23 =	rddreg [dreg:$0xd];
	s31 =	simm.s32 $0x100  }
0xe2: {  	[tilespmem:s31], [sflag:$0xB] =	stream.linear.gather [hbm4b:s23+s22], $0x28, $0x38;
	[tilespmem:$0x1B080] =	vst v63  }
0xe3: {  	_ =	swait.ge [sflag:s30], $0x28  }
0xe4: {  	[sflag:s30] =	ssyncset.done $0x0  }
0xe5: {  	[sflag:s30] =	ssyncadd.s32 $0xFFFFFFD8  }
0xe6: {  	[tilespmem:s26], [sflag:$0x3] =	stream.indirect.gather [hbm4b:s1+s0], $0x80, s31, s0, $0xb8;
	[tilespmem:$0x1B080] =	vst v63  }
0xe7: {  	s15 =	simm.s32 $0x400;
	s9 =	rddreg [dreg:$0xe]  }
0xe8: {  	[tilespmem:s15], [sflag:$0x4] =	stream.linear.gather [hbm4b:s9+s22], $0x28, $0x38;
	[tilespmem:$0x1B080] =	vst v63  }
0xe9: {  	s17 =	rddreg [dreg:$0xf]  }
0xea: {  	[tilespmem:s16], [sflag:$0x4] =	stream.linear.gather [hbm4b:s17+s22], $0x140, $0x38;
	[tilespmem:$0x1B080] =	vst v63  }
0xeb: {  	s23 =	rddreg [dreg:$0x10];
	s31 =	simm.s32 $0x180  }
0xec: {  	[tilespmem:s31], [sflag:$0xB] =	stream.linear.gather [hbm4b:s23+s22], $0x28, $0x38;
	[tilespmem:$0x1B080] =	vst v63  }
0xed: {  	_ =	swait.ge [sflag:s30], $0x28  }
0xee: {  	[sflag:s30] =	ssyncset.done $0x0  }
0xef: {  	[sflag:s30] =	ssyncadd.s32 $0xFFFFFFD8  }
0xf0: {  	[tilespmem:s28], [sflag:$0x4] =	stream.indirect.gather [hbm4b:s1+s0], $0x80, s31, s0, $0xb8;
	[tilespmem:$0x1B080] =	vst v63  }
.LBB2_12:
0xf1: {  	_ =	swait.ge [sflag:s18], $0x28  }
0xf2: {  	s3 =	simm.s32 $0x0;
	[sflag:s18] =	ssyncset.done $0x0  }
0xf3: {  	v9 =	vmov s3;
	[sflag:s18] =	ssyncadd.s32 $0xFFFFFFD8  }
0xf4: {  	s3 =	simm.s32 $0x0;
	v9 =	vand.u32 $0xFFFFFFF8, v9;
	_ =	swait.ge [sflag:s18], $0x140  }
0xf5: {  	v10 =	vor.u32 s3, v0;
	v9 =	vbroadcast v9, $0x0;
	[sflag:s18] =	ssyncset.done $0x0  }
0xf6: {  	[sflag:s18] =	ssyncadd.s32 $0xFFFFFEC0  }
0xf7: {  	_ =	swait.ge [sflag:s18], $0x1400  }
0xf8: {  	[sflag:s18] =	ssyncset.done $0x0  }
0xf9: {  	[sflag:s18] =	ssyncadd.s32 $0xFFFFEC00  }
0xfa: {  	s9 =	simm.s32 $0x1;
	v11 =	vld.idx.msk [tilespmem:v10+s19+$0x0], $0xffff  }
0xfb: {  	v12 =	vmov s9;
	v9 =	vld.idx.msk [tilespmem:v9+s10+$0x0], $0xffff  }
0xfc: {  	v12 =	vand.u32 $0xFFFFFFF9, v12  }
0xfd: {  	v12 =	vbroadcast v12, $0x0;
	_ =	sdelay $0x1  }
0xfe: {  	v13 =	vor.u32 s3, v2  }
0xff: {  	v9 =	vmul.f32 v11, v9;
	_ =	sdelay $0x1  }
0x100: {  	[tilespmem:v10+s19+$0x0] =	vst.idx.msk $0xffff, v9  }
0x101: {  	s23 =	simm.s32 $0x2;
	v9 =	vld.idx.msk [tilespmem:v12+s10+$0x0], $0xffff  }
0x102: {  	v11 =	vmov s23;
	v10 =	vld.idx.msk [tilespmem:v13+s19+$0x0], $0xffff  }
0x103: {  	v11 =	vand.u32 $0xFFFFFFFA, v11  }
0x104: {  	v11 =	vbroadcast v11, $0x0;
	_ =	sdelay $0x1  }
0x105: {  	v58 =	vor.u32 s3, v3  }
0x106: {  	v9 =	vmul.f32 v10, v9;
	_ =	sdelay $0x1  }
0x107: {  	[tilespmem:v13+s19+$0x0] =	vst.idx.msk $0xffff, v9  }
0x108: {  	s31 =	simm.s32 $0x3;
	v9 =	vld.idx.msk [tilespmem:v11+s10+$0x0], $0xffff  }
0x109: {  	v10 =	vld.idx.msk [tilespmem:v58+s19+$0x0], $0xffff;
	v11 =	vmov s31  }
0x10a: {  	v11 =	vand.u32 $0xFFFFFFFB, v11  }
0x10b: {  	v11 =	vbroadcast v11, $0x0;
	_ =	sdelay $0x1  }
0x10c: {  	v59 =	vor.u32 s3, v4  }
0x10d: {  	v9 =	vmul.f32 v10, v9;
	_ =	sdelay $0x1  }
0x10e: {  	[tilespmem:v58+s19+$0x0] =	vst.idx.msk $0xffff, v9  }
0x10f: {  	s15 =	simm.s32 $0x4;
	v9 =	vld.idx.msk [tilespmem:v11+s10+$0x0], $0xffff  }
0x110: {  	v10 =	vld.idx.msk [tilespmem:v59+s19+$0x0], $0xffff;
	v11 =	vmov s15  }
0x111: {  	v11 =	vand.u32 $0xFFFFFFFC, v11  }
0x112: {  	v11 =	vbroadcast v11, $0x0;
	_ =	sdelay $0x1  }
0x113: {  	v60 =	vor.u32 s3, v5  }
0x114: {  	v9 =	vmul.f32 v10, v9;
	_ =	sdelay $0x1  }
0x115: {  	[tilespmem:v59+s19+$0x0] =	vst.idx.msk $0xffff, v9  }
0x116: {  	s17 =	simm.s32 $0x5;
	v9 =	vld.idx.msk [tilespmem:v11+s10+$0x0], $0xffff  }
0x117: {  	v10 =	vld.idx.msk [tilespmem:v60+s19+$0x0], $0xffff;
	v11 =	vmov s17  }
0x118: {  	v11 =	vand.u32 $0xFFFFFFFD, v11  }
0x119: {  	v11 =	vbroadcast v11, $0x0;
	_ =	sdelay $0x1  }
0x11a: {  	v61 =	vor.u32 s3, v6  }
0x11b: {  	v9 =	vmul.f32 v10, v9;
	_ =	sdelay $0x1  }
0x11c: {  	[tilespmem:v60+s19+$0x0] =	vst.idx.msk $0xffff, v9  }
0x11d: {  	s23 =	simm.s32 $0x6;
	v9 =	vld.idx.msk [tilespmem:v11+s10+$0x0], $0xffff  }
0x11e: {  	v10 =	vld.idx.msk [tilespmem:v61+s19+$0x0], $0xffff;
	v11 =	vmov s23  }
0x11f: {  	v11 =	vand.u32 $0xFFFFFFFE, v11  }
0x120: {  	v11 =	vbroadcast v11, $0x0;
	_ =	sdelay $0x1  }
0x121: {  	v62 =	vor.u32 s3, v7  }
0x122: {  	v9 =	vmul.f32 v10, v9;
	_ =	sdelay $0x1  }
0x123: {  	[tilespmem:v61+s19+$0x0] =	vst.idx.msk $0xffff, v9  }
0x124: {  	v10 =	vld.idx.msk [tilespmem:v11+s10+$0x0], $0xffff  }
0x125: {  	v11 =	vld.idx.msk [tilespmem:v62+s19+$0x0], $0xffff;
	_ =	sdelay $0x1  }
0x126: {  	s31 =	simm.s32 $0x7  }
0x127: {  	v63 =	vmov s31  }
0x128: {  	v9 =	vor.u32 s3, v8  }
0x129: {  	v10 =	vmul.f32 v11, v10;
	_ =	sdelay $0x1  }
0x12a: {  	[tilespmem:v62+s19+$0x0] =	vst.idx.msk $0xffff, v10  }
0x12b: {  	v10 =	vld.idx.msk [tilespmem:v63+s10+$0x0], $0xffff  }
0x12c: {  	s15 =	simm.s32 $0xF;
	s17 =	simm.s32 $0x0;
	s3 =	simm.s32 $0x17;
	v11 =	vld.idx.msk [tilespmem:v9+s19+$0x0], $0xffff  }
.LBB2_13:
0x12d: {  	s31 =	sadd.s32 $0xFFFFFFF9, s15  }
0x12e: {  	s17 =	sadd.s32 $0x1, s17;
	s9 =	smov.u32 s3;
	s23 =	sadd.s32 $0x8, s3  }
0x12f: {  	p1 =	sne.s32 s3, $0x13F;
	v12 =	vmov s31  }
0x130: {  	s31 =	sshll.u32 s17, $0x7;
	v12 =	vand.u32 $0xFFFFFFF8, v12  }
0x131: {  	v13 =	vor.u32 s31, v0;
	v12 =	vbroadcast v12, $0x0;
	_ =	sdelay $0x1  }
0x132: {  	v10 =	vmul.f32 v11, v10;
	_ =	sdelay $0x1  }
0x133: {  	[tilespmem:v9+s19+$0x0] =	vst.idx.msk $0xffff, v10  }
0x134: {  	v9 =	vld.idx.msk [tilespmem:v13+s19+$0x0], $0xffff  }
0x135: {  	s3 =	sadd.s32 $0xFFFFFFFA, s15;
	v10 =	vld.idx.msk [tilespmem:v12+s10+$0x0], $0xffff  }
0x136: {  	v11 =	vmov s3  }
0x137: {  	v11 =	vand.u32 $0xFFFFFFF9, v11  }
0x138: {  	v11 =	vbroadcast v11, $0x0  }
0x139: {  	v12 =	vor.u32 s31, v2;
	_ =	sdelay $0x1  }
0x13a: {  	v9 =	vmul.f32 v9, v10;
	_ =	sdelay $0x1  }
0x13b: {  	[tilespmem:v13+s19+$0x0] =	vst.idx.msk $0xffff, v9  }
0x13c: {  	v9 =	vld.idx.msk [tilespmem:v11+s10+$0x0], $0xffff  }
0x13d: {  	s3 =	sadd.s32 $0xFFFFFFFB, s15;
	v10 =	vld.idx.msk [tilespmem:v12+s19+$0x0], $0xffff  }
0x13e: {  	v11 =	vmov s3  }
0x13f: {  	v11 =	vand.u32 $0xFFFFFFFA, v11  }
0x140: {  	v11 =	vbroadcast v11, $0x0  }
0x141: {  	v13 =	vor.u32 s31, v3;
	_ =	sdelay $0x1  }
0x142: {  	v9 =	vmul.f32 v10, v9;
	_ =	sdelay $0x1  }
0x143: {  	[tilespmem:v12+s19+$0x0] =	vst.idx.msk $0xffff, v9  }
0x144: {  	v9 =	vld.idx.msk [tilespmem:v11+s10+$0x0], $0xffff  }
0x145: {  	s3 =	sadd.s32 $0xFFFFFFFC, s15;
	v10 =	vld.idx.msk [tilespmem:v13+s19+$0x0], $0xffff  }
0x146: {  	v11 =	vmov s3  }
0x147: {  	v11 =	vand.u32 $0xFFFFFFFB, v11  }
0x148: {  	v11 =	vbroadcast v11, $0x0  }
0x149: {  	v12 =	vor.u32 s31, v4;
	_ =	sdelay $0x1  }
0x14a: {  	v9 =	vmul.f32 v10, v9;
	_ =	sdelay $0x1  }
0x14b: {  	[tilespmem:v13+s19+$0x0] =	vst.idx.msk $0xffff, v9  }
0x14c: {  	v9 =	vld.idx.msk [tilespmem:v11+s10+$0x0], $0xffff  }
0x14d: {  	s3 =	sadd.s32 $0xFFFFFFFD, s15;
	v10 =	vld.idx.msk [tilespmem:v12+s19+$0x0], $0xffff  }
0x14e: {  	v11 =	vmov s3  }
0x14f: {  	v11 =	vand.u32 $0xFFFFFFFC, v11  }
0x150: {  	v11 =	vbroadcast v11, $0x0  }
0x151: {  	v13 =	vor.u32 s31, v5;
	_ =	sdelay $0x1  }
0x152: {  	v9 =	vmul.f32 v10, v9;
	_ =	sdelay $0x1  }
0x153: {  	[tilespmem:v12+s19+$0x0] =	vst.idx.msk $0xffff, v9  }
0x154: {  	v9 =	vld.idx.msk [tilespmem:v11+s10+$0x0], $0xffff  }
0x155: {  	s3 =	sadd.s32 $0xFFFFFFFE, s15;
	v10 =	vld.idx.msk [tilespmem:v13+s19+$0x0], $0xffff  }
0x156: {  	v11 =	vmov s3  }
0x157: {  	v11 =	vand.u32 $0xFFFFFFFD, v11  }
0x158: {  	v11 =	vbroadcast v11, $0x0  }
0x159: {  	v12 =	vor.u32 s31, v6;
	_ =	sdelay $0x1  }
0x15a: {  	v9 =	vmul.f32 v10, v9;
	_ =	sdelay $0x1  }
0x15b: {  	[tilespmem:v13+s19+$0x0] =	vst.idx.msk $0xffff, v9  }
0x15c: {  	v9 =	vld.idx.msk [tilespmem:v11+s10+$0x0], $0xffff  }
0x15d: {  	s3 =	sadd.s32 $0xFFFFFFFF, s15;
	v10 =	vld.idx.msk [tilespmem:v12+s19+$0x0], $0xffff  }
0x15e: {  	v11 =	vmov s3  }
0x15f: {  	v11 =	vand.u32 $0xFFFFFFFE, v11  }
0x160: {  	v11 =	vbroadcast v11, $0x0  }
0x161: {  	v13 =	vor.u32 s31, v7;
	_ =	sdelay $0x1  }
0x162: {  	v9 =	vmul.f32 v10, v9;
	_ =	sdelay $0x1  }
0x163: {  	[tilespmem:v12+s19+$0x0] =	vst.idx.msk $0xffff, v9  }
0x164: {  	v10 =	vld.idx.msk [tilespmem:v11+s10+$0x0], $0xffff  }
0x165: {  	v11 =	vld.idx.msk [tilespmem:v13+s19+$0x0], $0xffff;
	_ =	sdelay $0x3  }
0x166: {  	v12 =	vmov s15;
	v9 =	vor.u32 s31, v8;
	s15 =	smov.u32 s9;
	_ =	sdelay $0x1  }
.Ltmp7:
0x167: {  	v10 =	vmul.f32 v11, v10;
	(pc) =	sbr.rel @p1 .LBB2_13-.Ltmp7, $4  }
0x168: {  	_ = 	snop  }
0x169: {  	[tilespmem:v13+s19+$0x0] =	vst.idx.msk $0xffff, v10  }
0x16a: {  	v10 =	vld.idx.msk [tilespmem:v12+s10+$0x0], $0xffff  }
0x16b: {  	s3 =	smov.u32 s23;
	v11 =	vld.idx.msk [tilespmem:v9+s19+$0x0], $0xffff  }
0x16c: {  	s3 =	sadd.s32 $0xFFFFFFF9, s15  }
0x16d: {  	s9 =	sadd.s32 $0x1, s17;
	v12 =	vmov s3  }
0x16e: {  	s3 =	sshll.u32 s9, $0x7;
	v12 =	vand.u32 $0xFFFFFFF8, v12  }
0x16f: {  	v13 =	vor.u32 s3, v0;
	v12 =	vbroadcast v12, $0x0;
	_ =	sdelay $0x1  }
0x170: {  	v10 =	vmul.f32 v11, v10;
	_ =	sdelay $0x1  }
0x171: {  	[tilespmem:v9+s19+$0x0] =	vst.idx.msk $0xffff, v10  }
0x172: {  	s17 =	sadd.s32 $0xFFFFFFFA, s15;
	v9 =	vld.idx.msk [tilespmem:v13+s19+$0x0], $0xffff  }
0x173: {  	v11 =	vmov s17;
	v10 =	vld.idx.msk [tilespmem:v12+s10+$0x0], $0xffff  }
0x174: {  	v11 =	vand.u32 $0xFFFFFFF9, v11  }
0x175: {  	v11 =	vbroadcast v11, $0x0;
	_ =	sdelay $0x1  }
0x176: {  	v49 =	vor.u32 s3, v2  }
0x177: {  	v9 =	vmul.f32 v9, v10;
	_ =	sdelay $0x1  }
0x178: {  	[tilespmem:v13+s19+$0x0] =	vst.idx.msk $0xffff, v9  }
0x179: {  	s23 =	sadd.s32 $0xFFFFFFFB, s15;
	v9 =	vld.idx.msk [tilespmem:v11+s10+$0x0], $0xffff  }
0x17a: {  	v10 =	vld.idx.msk [tilespmem:v49+s19+$0x0], $0xffff;
	v11 =	vmov s23  }
0x17b: {  	v11 =	vand.u32 $0xFFFFFFFA, v11  }
0x17c: {  	v11 =	vbroadcast v11, $0x0;
	_ =	sdelay $0x1  }
0x17d: {  	v50 =	vor.u32 s3, v3  }
0x17e: {  	v9 =	vmul.f32 v10, v9;
	_ =	sdelay $0x1  }
0x17f: {  	[tilespmem:v49+s19+$0x0] =	vst.idx.msk $0xffff, v9  }
0x180: {  	s31 =	sadd.s32 $0xFFFFFFFC, s15;
	v9 =	vld.idx.msk [tilespmem:v11+s10+$0x0], $0xffff  }
0x181: {  	v10 =	vld.idx.msk [tilespmem:v50+s19+$0x0], $0xffff;
	v11 =	vmov s31  }
0x182: {  	v11 =	vand.u32 $0xFFFFFFFB, v11  }
0x183: {  	v11 =	vbroadcast v11, $0x0;
	_ =	sdelay $0x1  }
0x184: {  	v51 =	vor.u32 s3, v4  }
0x185: {  	v9 =	vmul.f32 v10, v9;
	_ =	sdelay $0x1  }
0x186: {  	[tilespmem:v50+s19+$0x0] =	vst.idx.msk $0xffff, v9  }
0x187: {  	s17 =	sadd.s32 $0xFFFFFFFD, s15;
	v9 =	vld.idx.msk [tilespmem:v11+s10+$0x0], $0xffff  }
0x188: {  	v10 =	vld.idx.msk [tilespmem:v51+s19+$0x0], $0xffff;
	v11 =	vmov s17  }
0x189: {  	v11 =	vand.u32 $0xFFFFFFFC, v11  }
0x18a: {  	v11 =	vbroadcast v11, $0x0;
	_ =	sdelay $0x1  }
0x18b: {  	v52 =	vor.u32 s3, v5  }
0x18c: {  	v9 =	vmul.f32 v10, v9;
	_ =	sdelay $0x1  }
0x18d: {  	[tilespmem:v51+s19+$0x0] =	vst.idx.msk $0xffff, v9  }
0x18e: {  	s23 =	sadd.s32 $0xFFFFFFFE, s15;
	v9 =	vld.idx.msk [tilespmem:v11+s10+$0x0], $0xffff  }
0x18f: {  	v10 =	vld.idx.msk [tilespmem:v52+s19+$0x0], $0xffff;
	v11 =	vmov s23  }
0x190: {  	v11 =	vand.u32 $0xFFFFFFFD, v11  }
0x191: {  	v11 =	vbroadcast v11, $0x0;
	_ =	sdelay $0x1  }
0x192: {  	v53 =	vor.u32 s3, v6  }
0x193: {  	v9 =	vmul.f32 v10, v9;
	_ =	sdelay $0x1  }
0x194: {  	[tilespmem:v52+s19+$0x0] =	vst.idx.msk $0xffff, v9  }
0x195: {  	s31 =	sadd.s32 $0xFFFFFFFF, s15;
	v9 =	vld.idx.msk [tilespmem:v11+s10+$0x0], $0xffff  }
0x196: {  	v10 =	vld.idx.msk [tilespmem:v53+s19+$0x0], $0xffff;
	v11 =	vmov s31  }
0x197: {  	v11 =	vand.u32 $0xFFFFFFFE, v11  }
0x198: {  	v11 =	vbroadcast v11, $0x0;
	_ =	sdelay $0x1  }
0x199: {  	v54 =	vor.u32 s3, v7  }
0x19a: {  	v9 =	vmul.f32 v10, v9;
	_ =	sdelay $0x1  }
0x19b: {  	[tilespmem:v53+s19+$0x0] =	vst.idx.msk $0xffff, v9  }
0x19c: {  	v9 =	vld.idx.msk [tilespmem:v11+s10+$0x0], $0xffff  }
0x19d: {  	v10 =	vld.idx.msk [tilespmem:v54+s19+$0x0], $0xffff;
	_ =	sdelay $0x2  }
0x19e: {  	v11 =	vmov s15  }
0x19f: {  	v55 =	vor.u32 s3, v8  }
0x1a0: {  	v9 =	vmul.f32 v10, v9;
	_ =	sdelay $0x1  }
0x1a1: {  	[tilespmem:v54+s19+$0x0] =	vst.idx.msk $0xffff, v9  }
0x1a2: {  	v9 =	vld.idx.msk [tilespmem:v11+s10+$0x0], $0xffff  }
0x1a3: {  	v10 =	vld.idx.msk [tilespmem:v55+s19+$0x0], $0xffff;
	_ =	sdelay $0x4  }
0x1a4: {  	v9 =	vmul.f32 v10, v9;
	_ =	sdelay $0x1  }
0x1a5: {  	s15 =	simm.s32 $0x280;
	[tilespmem:v55+s19+$0x0] =	vst.idx.msk $0xffff, v9  }
0x1a6: {  	[spmem:s2] =	stream.indirect.scatter.add.f32 [tilespmem:s19], [sflag:$0x6], $0x80, s15, s0, $0xb8;
	[tilespmem:$0x1B080] =	vst v63  }
0x1a7: {  	s23 =	smul.u32 $0xC8, s22;
	_ =	swait.ge [sflag:s7], $0x1400  }
0x1a8: {  	s17 =	rddreg [dreg:$0x11]  }
0x1a9: {  	s3 =	sadd.s32 s23, s17  }
0x1aa: {  	[sflag:s7] =	ssyncset.done $0x0;
	s9 =	sshrl.u32 s3, $0x3  }
0x1ab: {  	s15 =	simm.s32 $0x0;
	[sflag:s7] =	ssyncadd.s32 $0xFFFFEC00;
	s31 =	sadd.s32 s5, s9  }
0x1ac: {  	[tilespmem:s21], [sflag:$0x5] =	stream.linear.gather [hbm4b:s31+s15], $0x28, $0x38;
	[tilespmem:$0x1B080] =	vst v63  }
0x1ad: {  	s3 =	sadd.s32 s6, s3  }
0x1ae: {  	[tilespmem:s8], [sflag:$0x5] =	stream.linear.gather [hbm4b:s3+s15], $0x140, $0x38;
	[tilespmem:$0x1B080] =	vst v63  }
0x1af: {  	s17 =	simm.s32 $0x200;
	s9 =	sadd.s32 s4, s9  }
0x1b0: {  	[tilespmem:s17], [sflag:$0xB] =	stream.linear.gather [hbm4b:s9+s15], $0x28, $0x38;
	[tilespmem:$0x1B080] =	vst v63  }
0x1b1: {  	_ =	swait.ge [sflag:s30], $0x28  }
0x1b2: {  	[sflag:s30] =	ssyncset.done $0x0  }
0x1b3: {  	[sflag:s30] =	ssyncadd.s32 $0xFFFFFFD8  }
0x1b4: {  	[tilespmem:s29], [sflag:$0x5] =	stream.indirect.gather [hbm4b:s1+s0], $0x80, s17, s0, $0xb8;
	[tilespmem:$0x1B080] =	vst v63  }
0x1b5: {  	_ =	swait.ge [sflag:s11], $0x28  }
0x1b6: {  	s21 =	simm.s32 $0x0;
	[sflag:s11] =	ssyncset.done $0x0  }
0x1b7: {  	v9 =	vmov s21;
	[sflag:s11] =	ssyncadd.s32 $0xFFFFFFD8  }
0x1b8: {  	v9 =	vand.u32 $0xFFFFFFF8, v9;
	s3 =	simm.s32 $0x0;
	_ =	swait.ge [sflag:s11], $0x140  }
0x1b9: {  	v9 =	vbroadcast v9, $0x0;
	v10 =	vor.u32 s3, v0;
	[sflag:s11] =	ssyncset.done $0x0  }
0x1ba: {  	[sflag:s11] =	ssyncadd.s32 $0xFFFFFEC0  }
0x1bb: {  	_ =	swait.ge [sflag:s11], $0x1400  }
0x1bc: {  	[sflag:s11] =	ssyncset.done $0x0  }
0x1bd: {  	[sflag:s11] =	ssyncadd.s32 $0xFFFFEC00  }
0x1be: {  	s31 =	simm.s32 $0x1;
	v11 =	vld.idx.msk [tilespmem:v10+s25+$0x0], $0xffff  }
0x1bf: {  	v56 =	vmov s31;
	v9 =	vld.idx.msk [tilespmem:v9+s12+$0x0], $0xffff  }
0x1c0: {  	v12 =	vand.u32 $0xFFFFFFF9, v56  }
0x1c1: {  	v12 =	vbroadcast v12, $0x0;
	_ =	sdelay $0x1  }
0x1c2: {  	v57 =	vor.u32 s3, v2  }
0x1c3: {  	v9 =	vmul.f32 v11, v9;
	_ =	sdelay $0x1  }
0x1c4: {  	[tilespmem:v10+s25+$0x0] =	vst.idx.msk $0xffff, v9  }
0x1c5: {  	s17 =	simm.s32 $0x2;
	v9 =	vld.idx.msk [tilespmem:v12+s12+$0x0], $0xffff  }
0x1c6: {  	v11 =	vmov s17;
	v10 =	vld.idx.msk [tilespmem:v57+s25+$0x0], $0xffff  }
0x1c7: {  	v11 =	vand.u32 $0xFFFFFFFA, v11  }
0x1c8: {  	v11 =	vbroadcast v11, $0x0;
	_ =	sdelay $0x1  }
0x1c9: {  	v58 =	vor.u32 s3, v3  }
0x1ca: {  	v9 =	vmul.f32 v10, v9;
	_ =	sdelay $0x1  }
0x1cb: {  	[tilespmem:v57+s25+$0x0] =	vst.idx.msk $0xffff, v9  }
0x1cc: {  	s21 =	simm.s32 $0x3;
	v9 =	vld.idx.msk [tilespmem:v11+s12+$0x0], $0xffff  }
0x1cd: {  	v10 =	vld.idx.msk [tilespmem:v58+s25+$0x0], $0xffff;
	v11 =	vmov s21  }
0x1ce: {  	v11 =	vand.u32 $0xFFFFFFFB, v11  }
0x1cf: {  	v11 =	vbroadcast v11, $0x0;
	_ =	sdelay $0x1  }
0x1d0: {  	v59 =	vor.u32 s3, v4  }
0x1d1: {  	v9 =	vmul.f32 v10, v9;
	_ =	sdelay $0x1  }
0x1d2: {  	[tilespmem:v58+s25+$0x0] =	vst.idx.msk $0xffff, v9  }
0x1d3: {  	s31 =	simm.s32 $0x4;
	v9 =	vld.idx.msk [tilespmem:v11+s12+$0x0], $0xffff  }
0x1d4: {  	v10 =	vld.idx.msk [tilespmem:v59+s25+$0x0], $0xffff;
	v11 =	vmov s31  }
0x1d5: {  	v11 =	vand.u32 $0xFFFFFFFC, v11  }
0x1d6: {  	v11 =	vbroadcast v11, $0x0;
	_ =	sdelay $0x1  }
0x1d7: {  	v60 =	vor.u32 s3, v5  }
0x1d8: {  	v9 =	vmul.f32 v10, v9;
	_ =	sdelay $0x1  }
0x1d9: {  	[tilespmem:v59+s25+$0x0] =	vst.idx.msk $0xffff, v9  }
0x1da: {  	s17 =	simm.s32 $0x5;
	v9 =	vld.idx.msk [tilespmem:v11+s12+$0x0], $0xffff  }
0x1db: {  	v10 =	vld.idx.msk [tilespmem:v60+s25+$0x0], $0xffff;
	v11 =	vmov s17  }
0x1dc: {  	v11 =	vand.u32 $0xFFFFFFFD, v11  }
0x1dd: {  	v11 =	vbroadcast v11, $0x0;
	_ =	sdelay $0x1  }
0x1de: {  	v61 =	vor.u32 s3, v6  }
0x1df: {  	v9 =	vmul.f32 v10, v9;
	_ =	sdelay $0x1  }
0x1e0: {  	[tilespmem:v60+s25+$0x0] =	vst.idx.msk $0xffff, v9  }
0x1e1: {  	s21 =	simm.s32 $0x6;
	v9 =	vld.idx.msk [tilespmem:v11+s12+$0x0], $0xffff  }
0x1e2: {  	v10 =	vld.idx.msk [tilespmem:v61+s25+$0x0], $0xffff;
	v11 =	vmov s21  }
0x1e3: {  	v11 =	vand.u32 $0xFFFFFFFE, v11  }
0x1e4: {  	v11 =	vbroadcast v11, $0x0;
	_ =	sdelay $0x1  }
0x1e5: {  	v62 =	vor.u32 s3, v7  }
0x1e6: {  	v9 =	vmul.f32 v10, v9;
	_ =	sdelay $0x1  }
0x1e7: {  	[tilespmem:v61+s25+$0x0] =	vst.idx.msk $0xffff, v9  }
0x1e8: {  	v10 =	vld.idx.msk [tilespmem:v11+s12+$0x0], $0xffff  }
0x1e9: {  	v11 =	vld.idx.msk [tilespmem:v62+s25+$0x0], $0xffff;
	_ =	sdelay $0x1  }
0x1ea: {  	s31 =	simm.s32 $0x7  }
0x1eb: {  	v63 =	vmov s31  }
0x1ec: {  	v9 =	vor.u32 s3, v8  }
0x1ed: {  	v10 =	vmul.f32 v11, v10;
	_ =	sdelay $0x1  }
0x1ee: {  	[tilespmem:v62+s25+$0x0] =	vst.idx.msk $0xffff, v10  }
0x1ef: {  	v10 =	vld.idx.msk [tilespmem:v63+s12+$0x0], $0xffff  }
0x1f0: {  	s17 =	simm.s32 $0xF;
	s3 =	simm.s32 $0x17;
	v11 =	vld.idx.msk [tilespmem:v9+s25+$0x0], $0xffff  }
.LBB2_15:
0x1f1: {  	s21 =	sadd.s32 $0xFFFFFFF9, s17  }
0x1f2: {  	s15 =	sadd.s32 $0x1, s15;
	s31 =	smov.u32 s3;
	s9 =	sadd.s32 $0x8, s3  }
0x1f3: {  	p1 =	sne.s32 s3, $0x13F;
	v12 =	vmov s21  }
0x1f4: {  	s3 =	sshll.u32 s15, $0x7;
	v12 =	vand.u32 $0xFFFFFFF8, v12  }
0x1f5: {  	v13 =	vor.u32 s3, v0;
	v12 =	vbroadcast v12, $0x0;
	_ =	sdelay $0x1  }
0x1f6: {  	v10 =	vmul.f32 v11, v10;
	_ =	sdelay $0x1  }
0x1f7: {  	[tilespmem:v9+s25+$0x0] =	vst.idx.msk $0xffff, v10  }
0x1f8: {  	v9 =	vld.idx.msk [tilespmem:v13+s25+$0x0], $0xffff  }
0x1f9: {  	s21 =	sadd.s32 $0xFFFFFFFA, s17;
	v10 =	vld.idx.msk [tilespmem:v12+s12+$0x0], $0xffff  }
0x1fa: {  	v11 =	vmov s21  }
0x1fb: {  	v11 =	vand.u32 $0xFFFFFFF9, v11  }
0x1fc: {  	v11 =	vbroadcast v11, $0x0  }
0x1fd: {  	v12 =	vor.u32 s3, v2;
	_ =	sdelay $0x1  }
0x1fe: {  	v9 =	vmul.f32 v9, v10;
	_ =	sdelay $0x1  }
0x1ff: {  	[tilespmem:v13+s25+$0x0] =	vst.idx.msk $0xffff, v9  }
0x200: {  	v9 =	vld.idx.msk [tilespmem:v11+s12+$0x0], $0xffff  }
0x201: {  	s21 =	sadd.s32 $0xFFFFFFFB, s17;
	v10 =	vld.idx.msk [tilespmem:v12+s25+$0x0], $0xffff  }
0x202: {  	v11 =	vmov s21  }
0x203: {  	v11 =	vand.u32 $0xFFFFFFFA, v11  }
0x204: {  	v11 =	vbroadcast v11, $0x0  }
0x205: {  	v13 =	vor.u32 s3, v3;
	_ =	sdelay $0x1  }
0x206: {  	v9 =	vmul.f32 v10, v9;
	_ =	sdelay $0x1  }
0x207: {  	[tilespmem:v12+s25+$0x0] =	vst.idx.msk $0xffff, v9  }
0x208: {  	v9 =	vld.idx.msk [tilespmem:v11+s12+$0x0], $0xffff  }
0x209: {  	s21 =	sadd.s32 $0xFFFFFFFC, s17;
	v10 =	vld.idx.msk [tilespmem:v13+s25+$0x0], $0xffff  }
0x20a: {  	v11 =	vmov s21  }
0x20b: {  	v11 =	vand.u32 $0xFFFFFFFB, v11  }
0x20c: {  	v11 =	vbroadcast v11, $0x0  }
0x20d: {  	v12 =	vor.u32 s3, v4;
	_ =	sdelay $0x1  }
0x20e: {  	v9 =	vmul.f32 v10, v9;
	_ =	sdelay $0x1  }
0x20f: {  	[tilespmem:v13+s25+$0x0] =	vst.idx.msk $0xffff, v9  }
0x210: {  	v9 =	vld.idx.msk [tilespmem:v11+s12+$0x0], $0xffff  }
0x211: {  	s21 =	sadd.s32 $0xFFFFFFFD, s17;
	v10 =	vld.idx.msk [tilespmem:v12+s25+$0x0], $0xffff  }
0x212: {  	v11 =	vmov s21  }
0x213: {  	v11 =	vand.u32 $0xFFFFFFFC, v11  }
0x214: {  	v11 =	vbroadcast v11, $0x0  }
0x215: {  	v13 =	vor.u32 s3, v5;
	_ =	sdelay $0x1  }
0x216: {  	v9 =	vmul.f32 v10, v9;
	_ =	sdelay $0x1  }
0x217: {  	[tilespmem:v12+s25+$0x0] =	vst.idx.msk $0xffff, v9  }
0x218: {  	v9 =	vld.idx.msk [tilespmem:v11+s12+$0x0], $0xffff  }
0x219: {  	s21 =	sadd.s32 $0xFFFFFFFE, s17;
	v10 =	vld.idx.msk [tilespmem:v13+s25+$0x0], $0xffff  }
0x21a: {  	v11 =	vmov s21  }
0x21b: {  	v11 =	vand.u32 $0xFFFFFFFD, v11  }
0x21c: {  	v11 =	vbroadcast v11, $0x0  }
0x21d: {  	v12 =	vor.u32 s3, v6;
	_ =	sdelay $0x1  }
0x21e: {  	v9 =	vmul.f32 v10, v9;
	_ =	sdelay $0x1  }
0x21f: {  	[tilespmem:v13+s25+$0x0] =	vst.idx.msk $0xffff, v9  }
0x220: {  	v9 =	vld.idx.msk [tilespmem:v11+s12+$0x0], $0xffff  }
0x221: {  	s21 =	sadd.s32 $0xFFFFFFFF, s17;
	v10 =	vld.idx.msk [tilespmem:v12+s25+$0x0], $0xffff  }
0x222: {  	v11 =	vmov s21  }
0x223: {  	v11 =	vand.u32 $0xFFFFFFFE, v11  }
0x224: {  	v11 =	vbroadcast v11, $0x0  }
0x225: {  	v13 =	vor.u32 s3, v7;
	_ =	sdelay $0x1  }
0x226: {  	v9 =	vmul.f32 v10, v9;
	_ =	sdelay $0x1  }
0x227: {  	[tilespmem:v12+s25+$0x0] =	vst.idx.msk $0xffff, v9  }
0x228: {  	v10 =	vld.idx.msk [tilespmem:v11+s12+$0x0], $0xffff  }
0x229: {  	v11 =	vld.idx.msk [tilespmem:v13+s25+$0x0], $0xffff;
	_ =	sdelay $0x3  }
0x22a: {  	v12 =	vmov s17;
	v9 =	vor.u32 s3, v8;
	s17 =	smov.u32 s31;
	_ =	sdelay $0x1  }
.Ltmp8:
0x22b: {  	v10 =	vmul.f32 v11, v10;
	(pc) =	sbr.rel @p1 .LBB2_15-.Ltmp8, $4  }
0x22c: {  	_ = 	snop  }
0x22d: {  	[tilespmem:v13+s25+$0x0] =	vst.idx.msk $0xffff, v10  }
0x22e: {  	v10 =	vld.idx.msk [tilespmem:v12+s12+$0x0], $0xffff  }
0x22f: {  	s3 =	smov.u32 s9;
	v11 =	vld.idx.msk [tilespmem:v9+s25+$0x0], $0xffff  }
0x230: {  	s3 =	sadd.s32 $0xFFFFFFF9, s17  }
0x231: {  	s9 =	sadd.s32 $0x1, s15;
	v12 =	vmov s3  }
0x232: {  	s3 =	sshll.u32 s9, $0x7;
	v12 =	vand.u32 $0xFFFFFFF8, v12  }
0x233: {  	v13 =	vor.u32 s3, v0;
	v12 =	vbroadcast v12, $0x0;
	_ =	sdelay $0x1  }
0x234: {  	v10 =	vmul.f32 v11, v10;
	_ =	sdelay $0x1  }
0x235: {  	[tilespmem:v9+s25+$0x0] =	vst.idx.msk $0xffff, v10  }
0x236: {  	s15 =	sadd.s32 $0xFFFFFFFA, s17;
	v9 =	vld.idx.msk [tilespmem:v13+s25+$0x0], $0xffff  }
0x237: {  	v11 =	vmov s15;
	v10 =	vld.idx.msk [tilespmem:v12+s12+$0x0], $0xffff  }
0x238: {  	v11 =	vand.u32 $0xFFFFFFF9, v11  }
0x239: {  	v11 =	vbroadcast v11, $0x0;
	_ =	sdelay $0x1  }
0x23a: {  	v49 =	vor.u32 s3, v2  }
0x23b: {  	v9 =	vmul.f32 v9, v10;
	_ =	sdelay $0x1  }
0x23c: {  	[tilespmem:v13+s25+$0x0] =	vst.idx.msk $0xffff, v9  }
0x23d: {  	s21 =	sadd.s32 $0xFFFFFFFB, s17;
	v9 =	vld.idx.msk [tilespmem:v11+s12+$0x0], $0xffff  }
0x23e: {  	v10 =	vld.idx.msk [tilespmem:v49+s25+$0x0], $0xffff;
	v11 =	vmov s21  }
0x23f: {  	v11 =	vand.u32 $0xFFFFFFFA, v11  }
0x240: {  	v11 =	vbroadcast v11, $0x0;
	_ =	sdelay $0x1  }
0x241: {  	v50 =	vor.u32 s3, v3  }
0x242: {  	v9 =	vmul.f32 v10, v9;
	_ =	sdelay $0x1  }
0x243: {  	[tilespmem:v49+s25+$0x0] =	vst.idx.msk $0xffff, v9  }
0x244: {  	s31 =	sadd.s32 $0xFFFFFFFC, s17;
	v9 =	vld.idx.msk [tilespmem:v11+s12+$0x0], $0xffff  }
0x245: {  	v10 =	vld.idx.msk [tilespmem:v50+s25+$0x0], $0xffff;
	v11 =	vmov s31  }
0x246: {  	v11 =	vand.u32 $0xFFFFFFFB, v11  }
0x247: {  	v11 =	vbroadcast v11, $0x0;
	_ =	sdelay $0x1  }
0x248: {  	v51 =	vor.u32 s3, v4  }
0x249: {  	v9 =	vmul.f32 v10, v9;
	_ =	sdelay $0x1  }
0x24a: {  	[tilespmem:v50+s25+$0x0] =	vst.idx.msk $0xffff, v9  }
0x24b: {  	s15 =	sadd.s32 $0xFFFFFFFD, s17;
	v9 =	vld.idx.msk [tilespmem:v11+s12+$0x0], $0xffff  }
0x24c: {  	v10 =	vld.idx.msk [tilespmem:v51+s25+$0x0], $0xffff;
	v11 =	vmov s15  }
0x24d: {  	v11 =	vand.u32 $0xFFFFFFFC, v11  }
0x24e: {  	v11 =	vbroadcast v11, $0x0;
	_ =	sdelay $0x1  }
0x24f: {  	v52 =	vor.u32 s3, v5  }
0x250: {  	v9 =	vmul.f32 v10, v9;
	_ =	sdelay $0x1  }
0x251: {  	[tilespmem:v51+s25+$0x0] =	vst.idx.msk $0xffff, v9  }
0x252: {  	s21 =	sadd.s32 $0xFFFFFFFE, s17;
	v9 =	vld.idx.msk [tilespmem:v11+s12+$0x0], $0xffff  }
0x253: {  	v10 =	vld.idx.msk [tilespmem:v52+s25+$0x0], $0xffff;
	v11 =	vmov s21  }
0x254: {  	v11 =	vand.u32 $0xFFFFFFFD, v11  }
0x255: {  	v11 =	vbroadcast v11, $0x0;
	_ =	sdelay $0x1  }
0x256: {  	v53 =	vor.u32 s3, v6  }
0x257: {  	v9 =	vmul.f32 v10, v9;
	_ =	sdelay $0x1  }
0x258: {  	[tilespmem:v52+s25+$0x0] =	vst.idx.msk $0xffff, v9  }
0x259: {  	s31 =	sadd.s32 $0xFFFFFFFF, s17;
	v9 =	vld.idx.msk [tilespmem:v11+s12+$0x0], $0xffff  }
0x25a: {  	v10 =	vld.idx.msk [tilespmem:v53+s25+$0x0], $0xffff;
	v11 =	vmov s31  }
0x25b: {  	v11 =	vand.u32 $0xFFFFFFFE, v11  }
0x25c: {  	v11 =	vbroadcast v11, $0x0;
	_ =	sdelay $0x1  }
0x25d: {  	v54 =	vor.u32 s3, v7  }
0x25e: {  	v9 =	vmul.f32 v10, v9;
	_ =	sdelay $0x1  }
0x25f: {  	[tilespmem:v53+s25+$0x0] =	vst.idx.msk $0xffff, v9  }
0x260: {  	v9 =	vld.idx.msk [tilespmem:v11+s12+$0x0], $0xffff  }
0x261: {  	v10 =	vld.idx.msk [tilespmem:v54+s25+$0x0], $0xffff;
	_ =	sdelay $0x2  }
0x262: {  	v11 =	vmov s17  }
0x263: {  	v55 =	vor.u32 s3, v8  }
0x264: {  	v9 =	vmul.f32 v10, v9;
	_ =	sdelay $0x1  }
0x265: {  	[tilespmem:v54+s25+$0x0] =	vst.idx.msk $0xffff, v9  }
0x266: {  	v9 =	vld.idx.msk [tilespmem:v11+s12+$0x0], $0xffff  }
0x267: {  	v10 =	vld.idx.msk [tilespmem:v55+s25+$0x0], $0xffff;
	_ =	sdelay $0x4  }
0x268: {  	v9 =	vmul.f32 v10, v9  }
0x269: {  	p1 =	seq.s32 s22, $0x31  }
0x26a: {  	s9 =	simm.s32 $0x300;
	s3 =	simm.s32 @!p1 $0x6;
	[tilespmem:v55+s25+$0x0] =	vst.idx.msk $0xffff, v9  }
0x26b: {  	[spmem:s2] =	stream.indirect.scatter.add.f32 [tilespmem:s25], [sflag:$0x7], $0x80, s9, s0, $0xb8;
	[tilespmem:$0x1B080] =	vst v63  }
0x26c: {  	_ =	swait.ge @!p1 [sflag:s3], $0x1400  }
0x26d: {  	s9 =	rddreg [dreg:$0x12]  }
0x26e: {  	[sflag:s3] =	ssyncset.done @!p1 $0x0;
	s9 =	sadd.s32 @!p1 s23, s9  }
0x26f: {  	[sflag:s3] =	ssyncadd.s32 @!p1 $0xFFFFEC00;
	s3 =	sshrl.u32 @!p1 s9, $0x3  }
0x270: {  	s21 =	simm.s32 @!p1 $0x280;
	s17 =	simm.s32 @!p1 $0x0;
	s15 =	sadd.s32 @!p1 s5, s3  }
0x271: {  	[tilespmem:s21], [sflag:$0x1] =	stream.linear.gather @!p1 [hbm4b:s15+s17], $0x28, $0x38;
	[tilespmem:$0x1B080] =	vst v63  }
0x272: {  	s9 =	sadd.s32 @!p1 s6, s9;
	s15 =	simm.s32 @!p1 $0x500  }
0x273: {  	[tilespmem:s15], [sflag:$0x1] =	stream.linear.gather @!p1 [hbm4b:s9+s17], $0x140, $0x38;
	[tilespmem:$0x1B080] =	vst v63  }
0x274: {  	s3 =	sadd.s32 @!p1 s4, s3  }
0x275: {  	[tilespmem:s17], [sflag:$0xB] =	stream.linear.gather @!p1 [hbm4b:s3+s17], $0x28, $0x38;
	[tilespmem:$0x1B080] =	vst v63  }
0x276: {  	s3 =	simm.s32 @!p1 $0xB  }
0x277: {  	_ =	swait.ge @!p1 [sflag:s3], $0x28  }
0x278: {  	[sflag:s3] =	ssyncset.done @!p1 $0x0  }
0x279: {  	s9 =	simm.s32 @!p1 $0xC80;
	[sflag:s3] =	ssyncadd.s32 @!p1 $0xFFFFFFD8;
	s3 =	simm.s32 @!p1 $0x28  }
0x27a: {  	[tilespmem:s9], [sflag:$0x1] =	stream.indirect.gather @!p1 [hbm4b:s1+s3], $0x80, s17, s3, $0xb8;
	[tilespmem:$0x1B080] =	vst v63  }
0x27b: {  	_ =	swait.ge [sflag:s13], $0x28  }
0x27c: {  	s15 =	simm.s32 $0x0;
	[sflag:s13] =	ssyncset.done $0x0  }
0x27d: {  	v9 =	vmov s15;
	[sflag:s13] =	ssyncadd.s32 $0xFFFFFFD8  }
0x27e: {  	v9 =	vand.u32 $0xFFFFFFF8, v9;
	s3 =	simm.s32 $0x0;
	_ =	swait.ge [sflag:s13], $0x140  }
0x27f: {  	v9 =	vbroadcast v9, $0x0;
	v10 =	vor.u32 s3, v0;
	[sflag:s13] =	ssyncset.done $0x0  }
0x280: {  	[sflag:s13] =	ssyncadd.s32 $0xFFFFFEC0  }
0x281: {  	_ =	swait.ge [sflag:s13], $0x1400  }
0x282: {  	[sflag:s13] =	ssyncset.done $0x0  }
0x283: {  	[sflag:s13] =	ssyncadd.s32 $0xFFFFEC00  }
0x284: {  	s17 =	simm.s32 $0x1;
	v11 =	vld.idx.msk [tilespmem:v10+s26+$0x0], $0xffff  }
0x285: {  	v56 =	vmov s17;
	v9 =	vld.idx.msk [tilespmem:v9+s14+$0x0], $0xffff  }
0x286: {  	v12 =	vand.u32 $0xFFFFFFF9, v56  }
0x287: {  	v12 =	vbroadcast v12, $0x0;
	_ =	sdelay $0x1  }
0x288: {  	v57 =	vor.u32 s3, v2  }
0x289: {  	v9 =	vmul.f32 v11, v9;
	_ =	sdelay $0x1  }
0x28a: {  	[tilespmem:v10+s26+$0x0] =	vst.idx.msk $0xffff, v9  }
0x28b: {  	s21 =	simm.s32 $0x2;
	v9 =	vld.idx.msk [tilespmem:v12+s14+$0x0], $0xffff  }
0x28c: {  	v11 =	vmov s21;
	v10 =	vld.idx.msk [tilespmem:v57+s26+$0x0], $0xffff  }
0x28d: {  	v11 =	vand.u32 $0xFFFFFFFA, v11  }
0x28e: {  	v11 =	vbroadcast v11, $0x0;
	_ =	sdelay $0x1  }
0x28f: {  	v58 =	vor.u32 s3, v3  }
0x290: {  	v9 =	vmul.f32 v10, v9;
	_ =	sdelay $0x1  }
0x291: {  	[tilespmem:v57+s26+$0x0] =	vst.idx.msk $0xffff, v9  }
0x292: {  	s31 =	simm.s32 $0x3;
	v9 =	vld.idx.msk [tilespmem:v11+s14+$0x0], $0xffff  }
0x293: {  	v10 =	vld.idx.msk [tilespmem:v58+s26+$0x0], $0xffff;
	v11 =	vmov s31  }
0x294: {  	v11 =	vand.u32 $0xFFFFFFFB, v11  }
0x295: {  	v11 =	vbroadcast v11, $0x0;
	_ =	sdelay $0x1  }
0x296: {  	v59 =	vor.u32 s3, v4  }
0x297: {  	v9 =	vmul.f32 v10, v9;
	_ =	sdelay $0x1  }
0x298: {  	[tilespmem:v58+s26+$0x0] =	vst.idx.msk $0xffff, v9  }
0x299: {  	s15 =	simm.s32 $0x4;
	v9 =	vld.idx.msk [tilespmem:v11+s14+$0x0], $0xffff  }
0x29a: {  	v10 =	vld.idx.msk [tilespmem:v59+s26+$0x0], $0xffff;
	v11 =	vmov s15  }
0x29b: {  	v11 =	vand.u32 $0xFFFFFFFC, v11  }
0x29c: {  	v11 =	vbroadcast v11, $0x0;
	_ =	sdelay $0x1  }
0x29d: {  	v60 =	vor.u32 s3, v5  }
0x29e: {  	v9 =	vmul.f32 v10, v9;
	_ =	sdelay $0x1  }
0x29f: {  	[tilespmem:v59+s26+$0x0] =	vst.idx.msk $0xffff, v9  }
0x2a0: {  	s17 =	simm.s32 $0x5;
	v9 =	vld.idx.msk [tilespmem:v11+s14+$0x0], $0xffff  }
0x2a1: {  	v10 =	vld.idx.msk [tilespmem:v60+s26+$0x0], $0xffff;
	v11 =	vmov s17  }
0x2a2: {  	v11 =	vand.u32 $0xFFFFFFFD, v11  }
0x2a3: {  	v11 =	vbroadcast v11, $0x0;
	_ =	sdelay $0x1  }
0x2a4: {  	v61 =	vor.u32 s3, v6  }
0x2a5: {  	v9 =	vmul.f32 v10, v9;
	_ =	sdelay $0x1  }
0x2a6: {  	[tilespmem:v60+s26+$0x0] =	vst.idx.msk $0xffff, v9  }
0x2a7: {  	s21 =	simm.s32 $0x6;
	v9 =	vld.idx.msk [tilespmem:v11+s14+$0x0], $0xffff  }
0x2a8: {  	v10 =	vld.idx.msk [tilespmem:v61+s26+$0x0], $0xffff;
	v11 =	vmov s21  }
0x2a9: {  	v11 =	vand.u32 $0xFFFFFFFE, v11  }
0x2aa: {  	v11 =	vbroadcast v11, $0x0;
	_ =	sdelay $0x1  }
0x2ab: {  	v62 =	vor.u32 s3, v7  }
0x2ac: {  	v9 =	vmul.f32 v10, v9;
	_ =	sdelay $0x1  }
0x2ad: {  	[tilespmem:v61+s26+$0x0] =	vst.idx.msk $0xffff, v9  }
0x2ae: {  	v10 =	vld.idx.msk [tilespmem:v11+s14+$0x0], $0xffff  }
0x2af: {  	v11 =	vld.idx.msk [tilespmem:v62+s26+$0x0], $0xffff;
	_ =	sdelay $0x1  }
0x2b0: {  	s31 =	simm.s32 $0x7  }
0x2b1: {  	v63 =	vmov s31  }
0x2b2: {  	v9 =	vor.u32 s3, v8  }
0x2b3: {  	v10 =	vmul.f32 v11, v10;
	_ =	sdelay $0x1  }
0x2b4: {  	[tilespmem:v62+s26+$0x0] =	vst.idx.msk $0xffff, v10  }
0x2b5: {  	v10 =	vld.idx.msk [tilespmem:v63+s14+$0x0], $0xffff  }
0x2b6: {  	s15 =	simm.s32 $0xF;
	s17 =	simm.s32 $0x0;
	s3 =	simm.s32 $0x17;
	v11 =	vld.idx.msk [tilespmem:v9+s26+$0x0], $0xffff  }
.LBB2_17:
0x2b7: {  	s21 =	sadd.s32 $0xFFFFFFF9, s15  }
0x2b8: {  	s17 =	sadd.s32 $0x1, s17;
	s31 =	smov.u32 s3;
	s9 =	sadd.s32 $0x8, s3  }
0x2b9: {  	p2 =	sne.s32 s3, $0x13F;
	v12 =	vmov s21  }
0x2ba: {  	s3 =	sshll.u32 s17, $0x7;
	v12 =	vand.u32 $0xFFFFFFF8, v12  }
0x2bb: {  	v13 =	vor.u32 s3, v0;
	v12 =	vbroadcast v12, $0x0;
	_ =	sdelay $0x1  }
0x2bc: {  	v10 =	vmul.f32 v11, v10;
	_ =	sdelay $0x1  }
0x2bd: {  	[tilespmem:v9+s26+$0x0] =	vst.idx.msk $0xffff, v10  }
0x2be: {  	v9 =	vld.idx.msk [tilespmem:v13+s26+$0x0], $0xffff  }
0x2bf: {  	s21 =	sadd.s32 $0xFFFFFFFA, s15;
	v10 =	vld.idx.msk [tilespmem:v12+s14+$0x0], $0xffff  }
0x2c0: {  	v11 =	vmov s21  }
0x2c1: {  	v11 =	vand.u32 $0xFFFFFFF9, v11  }
0x2c2: {  	v11 =	vbroadcast v11, $0x0  }
0x2c3: {  	v12 =	vor.u32 s3, v2;
	_ =	sdelay $0x1  }
0x2c4: {  	v9 =	vmul.f32 v9, v10;
	_ =	sdelay $0x1  }
0x2c5: {  	[tilespmem:v13+s26+$0x0] =	vst.idx.msk $0xffff, v9  }
0x2c6: {  	v9 =	vld.idx.msk [tilespmem:v11+s14+$0x0], $0xffff  }
0x2c7: {  	s21 =	sadd.s32 $0xFFFFFFFB, s15;
	v10 =	vld.idx.msk [tilespmem:v12+s26+$0x0], $0xffff  }
0x2c8: {  	v11 =	vmov s21  }
0x2c9: {  	v11 =	vand.u32 $0xFFFFFFFA, v11  }
0x2ca: {  	v11 =	vbroadcast v11, $0x0  }
0x2cb: {  	v13 =	vor.u32 s3, v3;
	_ =	sdelay $0x1  }
0x2cc: {  	v9 =	vmul.f32 v10, v9;
	_ =	sdelay $0x1  }
0x2cd: {  	[tilespmem:v12+s26+$0x0] =	vst.idx.msk $0xffff, v9  }
0x2ce: {  	v9 =	vld.idx.msk [tilespmem:v11+s14+$0x0], $0xffff  }
0x2cf: {  	s21 =	sadd.s32 $0xFFFFFFFC, s15;
	v10 =	vld.idx.msk [tilespmem:v13+s26+$0x0], $0xffff  }
0x2d0: {  	v11 =	vmov s21  }
0x2d1: {  	v11 =	vand.u32 $0xFFFFFFFB, v11  }
0x2d2: {  	v11 =	vbroadcast v11, $0x0  }
0x2d3: {  	v12 =	vor.u32 s3, v4;
	_ =	sdelay $0x1  }
0x2d4: {  	v9 =	vmul.f32 v10, v9;
	_ =	sdelay $0x1  }
0x2d5: {  	[tilespmem:v13+s26+$0x0] =	vst.idx.msk $0xffff, v9  }
0x2d6: {  	v9 =	vld.idx.msk [tilespmem:v11+s14+$0x0], $0xffff  }
0x2d7: {  	s21 =	sadd.s32 $0xFFFFFFFD, s15;
	v10 =	vld.idx.msk [tilespmem:v12+s26+$0x0], $0xffff  }
0x2d8: {  	v11 =	vmov s21  }
0x2d9: {  	v11 =	vand.u32 $0xFFFFFFFC, v11  }
0x2da: {  	v11 =	vbroadcast v11, $0x0  }
0x2db: {  	v13 =	vor.u32 s3, v5;
	_ =	sdelay $0x1  }
0x2dc: {  	v9 =	vmul.f32 v10, v9;
	_ =	sdelay $0x1  }
0x2dd: {  	[tilespmem:v12+s26+$0x0] =	vst.idx.msk $0xffff, v9  }
0x2de: {  	v9 =	vld.idx.msk [tilespmem:v11+s14+$0x0], $0xffff  }
0x2df: {  	s21 =	sadd.s32 $0xFFFFFFFE, s15;
	v10 =	vld.idx.msk [tilespmem:v13+s26+$0x0], $0xffff  }
0x2e0: {  	v11 =	vmov s21  }
0x2e1: {  	v11 =	vand.u32 $0xFFFFFFFD, v11  }
0x2e2: {  	v11 =	vbroadcast v11, $0x0  }
0x2e3: {  	v12 =	vor.u32 s3, v6;
	_ =	sdelay $0x1  }
0x2e4: {  	v9 =	vmul.f32 v10, v9;
	_ =	sdelay $0x1  }
0x2e5: {  	[tilespmem:v13+s26+$0x0] =	vst.idx.msk $0xffff, v9  }
0x2e6: {  	v9 =	vld.idx.msk [tilespmem:v11+s14+$0x0], $0xffff  }
0x2e7: {  	s21 =	sadd.s32 $0xFFFFFFFF, s15;
	v10 =	vld.idx.msk [tilespmem:v12+s26+$0x0], $0xffff  }
0x2e8: {  	v11 =	vmov s21  }
0x2e9: {  	v11 =	vand.u32 $0xFFFFFFFE, v11  }
0x2ea: {  	v11 =	vbroadcast v11, $0x0  }
0x2eb: {  	v13 =	vor.u32 s3, v7;
	_ =	sdelay $0x1  }
0x2ec: {  	v9 =	vmul.f32 v10, v9;
	_ =	sdelay $0x1  }
0x2ed: {  	[tilespmem:v12+s26+$0x0] =	vst.idx.msk $0xffff, v9  }
0x2ee: {  	v10 =	vld.idx.msk [tilespmem:v11+s14+$0x0], $0xffff  }
0x2ef: {  	v11 =	vld.idx.msk [tilespmem:v13+s26+$0x0], $0xffff;
	_ =	sdelay $0x3  }
0x2f0: {  	v12 =	vmov s15;
	v9 =	vor.u32 s3, v8;
	s15 =	smov.u32 s31;
	_ =	sdelay $0x1  }
.Ltmp9:
0x2f1: {  	v10 =	vmul.f32 v11, v10;
	(pc) =	sbr.rel @p2 .LBB2_17-.Ltmp9, $4  }
0x2f2: {  	_ = 	snop  }
0x2f3: {  	[tilespmem:v13+s26+$0x0] =	vst.idx.msk $0xffff, v10  }
0x2f4: {  	v10 =	vld.idx.msk [tilespmem:v12+s14+$0x0], $0xffff  }
0x2f5: {  	s3 =	smov.u32 s9;
	v11 =	vld.idx.msk [tilespmem:v9+s26+$0x0], $0xffff  }
0x2f6: {  	s3 =	sadd.s32 $0xFFFFFFF9, s15  }
0x2f7: {  	s9 =	sadd.s32 $0x1, s17;
	v12 =	vmov s3  }
0x2f8: {  	s3 =	sshll.u32 s9, $0x7;
	v12 =	vand.u32 $0xFFFFFFF8, v12  }
0x2f9: {  	v13 =	vor.u32 s3, v0;
	v12 =	vbroadcast v12, $0x0;
	_ =	sdelay $0x1  }
0x2fa: {  	v10 =	vmul.f32 v11, v10;
	_ =	sdelay $0x1  }
0x2fb: {  	[tilespmem:v9+s26+$0x0] =	vst.idx.msk $0xffff, v10  }
0x2fc: {  	s17 =	sadd.s32 $0xFFFFFFFA, s15;
	v9 =	vld.idx.msk [tilespmem:v13+s26+$0x0], $0xffff  }
0x2fd: {  	v11 =	vmov s17;
	v10 =	vld.idx.msk [tilespmem:v12+s14+$0x0], $0xffff  }
0x2fe: {  	v11 =	vand.u32 $0xFFFFFFF9, v11  }
0x2ff: {  	v11 =	vbroadcast v11, $0x0;
	_ =	sdelay $0x1  }
0x300: {  	v49 =	vor.u32 s3, v2  }
0x301: {  	v9 =	vmul.f32 v9, v10;
	_ =	sdelay $0x1  }
0x302: {  	[tilespmem:v13+s26+$0x0] =	vst.idx.msk $0xffff, v9  }
0x303: {  	s21 =	sadd.s32 $0xFFFFFFFB, s15;
	v9 =	vld.idx.msk [tilespmem:v11+s14+$0x0], $0xffff  }
0x304: {  	v10 =	vld.idx.msk [tilespmem:v49+s26+$0x0], $0xffff;
	v11 =	vmov s21  }
0x305: {  	v11 =	vand.u32 $0xFFFFFFFA, v11  }
0x306: {  	v11 =	vbroadcast v11, $0x0;
	_ =	sdelay $0x1  }
0x307: {  	v50 =	vor.u32 s3, v3  }
0x308: {  	v9 =	vmul.f32 v10, v9;
	_ =	sdelay $0x1  }
0x309: {  	[tilespmem:v49+s26+$0x0] =	vst.idx.msk $0xffff, v9  }
0x30a: {  	s31 =	sadd.s32 $0xFFFFFFFC, s15;
	v9 =	vld.idx.msk [tilespmem:v11+s14+$0x0], $0xffff  }
0x30b: {  	v10 =	vld.idx.msk [tilespmem:v50+s26+$0x0], $0xffff;
	v11 =	vmov s31  }
0x30c: {  	v11 =	vand.u32 $0xFFFFFFFB, v11  }
0x30d: {  	v11 =	vbroadcast v11, $0x0;
	_ =	sdelay $0x1  }
0x30e: {  	v51 =	vor.u32 s3, v4  }
0x30f: {  	v9 =	vmul.f32 v10, v9;
	_ =	sdelay $0x1  }
0x310: {  	[tilespmem:v50+s26+$0x0] =	vst.idx.msk $0xffff, v9  }
0x311: {  	s17 =	sadd.s32 $0xFFFFFFFD, s15;
	v9 =	vld.idx.msk [tilespmem:v11+s14+$0x0], $0xffff  }
0x312: {  	v10 =	vld.idx.msk [tilespmem:v51+s26+$0x0], $0xffff;
	v11 =	vmov s17  }
0x313: {  	v11 =	vand.u32 $0xFFFFFFFC, v11  }
0x314: {  	v11 =	vbroadcast v11, $0x0;
	_ =	sdelay $0x1  }
0x315: {  	v52 =	vor.u32 s3, v5  }
0x316: {  	v9 =	vmul.f32 v10, v9;
	_ =	sdelay $0x1  }
0x317: {  	[tilespmem:v51+s26+$0x0] =	vst.idx.msk $0xffff, v9  }
0x318: {  	s21 =	sadd.s32 $0xFFFFFFFE, s15;
	v9 =	vld.idx.msk [tilespmem:v11+s14+$0x0], $0xffff  }
0x319: {  	v10 =	vld.idx.msk [tilespmem:v52+s26+$0x0], $0xffff;
	v11 =	vmov s21  }
0x31a: {  	v11 =	vand.u32 $0xFFFFFFFD, v11  }
0x31b: {  	v11 =	vbroadcast v11, $0x0;
	_ =	sdelay $0x1  }
0x31c: {  	v53 =	vor.u32 s3, v6  }
0x31d: {  	v9 =	vmul.f32 v10, v9;
	_ =	sdelay $0x1  }
0x31e: {  	[tilespmem:v52+s26+$0x0] =	vst.idx.msk $0xffff, v9  }
0x31f: {  	s31 =	sadd.s32 $0xFFFFFFFF, s15;
	v9 =	vld.idx.msk [tilespmem:v11+s14+$0x0], $0xffff  }
0x320: {  	v10 =	vld.idx.msk [tilespmem:v53+s26+$0x0], $0xffff;
	v11 =	vmov s31  }
0x321: {  	v11 =	vand.u32 $0xFFFFFFFE, v11  }
0x322: {  	v11 =	vbroadcast v11, $0x0;
	_ =	sdelay $0x1  }
0x323: {  	v54 =	vor.u32 s3, v7  }
0x324: {  	v9 =	vmul.f32 v10, v9;
	_ =	sdelay $0x1  }
0x325: {  	[tilespmem:v53+s26+$0x0] =	vst.idx.msk $0xffff, v9  }
0x326: {  	v9 =	vld.idx.msk [tilespmem:v11+s14+$0x0], $0xffff  }
0x327: {  	v10 =	vld.idx.msk [tilespmem:v54+s26+$0x0], $0xffff;
	_ =	sdelay $0x2  }
0x328: {  	v11 =	vmov s15  }
0x329: {  	v55 =	vor.u32 s3, v8  }
0x32a: {  	v9 =	vmul.f32 v10, v9;
	_ =	sdelay $0x1  }
0x32b: {  	[tilespmem:v54+s26+$0x0] =	vst.idx.msk $0xffff, v9  }
0x32c: {  	v9 =	vld.idx.msk [tilespmem:v11+s14+$0x0], $0xffff  }
0x32d: {  	v10 =	vld.idx.msk [tilespmem:v55+s26+$0x0], $0xffff;
	_ =	sdelay $0x4  }
0x32e: {  	v9 =	vmul.f32 v10, v9;
	_ =	sdelay $0x1  }
0x32f: {  	s9 =	simm.s32 $0x380;
	s3 =	simm.s32 @!p1 $0x7;
	[tilespmem:v55+s26+$0x0] =	vst.idx.msk $0xffff, v9  }
0x330: {  	[spmem:s2] =	stream.indirect.scatter.add.f32 [tilespmem:s26], [sflag:$0x8], $0x80, s9, s0, $0xb8;
	[tilespmem:$0x1B080] =	vst v63  }
0x331: {  	_ =	swait.ge @!p1 [sflag:s3], $0x1400  }
0x332: {  	s9 =	rddreg [dreg:$0x13]  }
0x333: {  	[sflag:s3] =	ssyncset.done @!p1 $0x0;
	s9 =	sadd.s32 @!p1 s23, s9  }
0x334: {  	[sflag:s3] =	ssyncadd.s32 @!p1 $0xFFFFEC00;
	s3 =	sshrl.u32 @!p1 s9, $0x3  }
0x335: {  	s17 =	simm.s32 @!p1 $0x0;
	s21 =	simm.s32 @!p1 $0x300;
	s15 =	sadd.s32 @!p1 s5, s3  }
0x336: {  	[tilespmem:s21], [sflag:$0x2] =	stream.linear.gather @!p1 [hbm4b:s15+s17], $0x28, $0x38;
	[tilespmem:$0x1B080] =	vst v63  }
0x337: {  	s9 =	sadd.s32 @!p1 s6, s9;
	s15 =	simm.s32 @!p1 $0x680  }
0x338: {  	[tilespmem:s15], [sflag:$0x2] =	stream.linear.gather @!p1 [hbm4b:s9+s17], $0x140, $0x38;
	[tilespmem:$0x1B080] =	vst v63  }
0x339: {  	s3 =	sadd.s32 @!p1 s4, s3;
	s9 =	simm.s32 @!p1 $0x80  }
0x33a: {  	[tilespmem:s9], [sflag:$0xB] =	stream.linear.gather @!p1 [hbm4b:s3+s17], $0x28, $0x38;
	[tilespmem:$0x1B080] =	vst v63  }
0x33b: {  	s3 =	simm.s32 @!p1 $0xB  }
0x33c: {  	_ =	swait.ge @!p1 [sflag:s3], $0x28  }
0x33d: {  	[sflag:s3] =	ssyncset.done @!p1 $0x0  }
0x33e: {  	s15 =	simm.s32 @!p1 $0x2080;
	[sflag:s3] =	ssyncadd.s32 @!p1 $0xFFFFFFD8;
	s3 =	simm.s32 @!p1 $0x28  }
0x33f: {  	[tilespmem:s15], [sflag:$0x2] =	stream.indirect.gather @!p1 [hbm4b:s1+s3], $0x80, s9, s3, $0xb8;
	[tilespmem:$0x1B080] =	vst v63  }
0x340: {  	_ =	swait.ge [sflag:s24], $0x28  }
0x341: {  	s15 =	simm.s32 $0x0;
	[sflag:s24] =	ssyncset.done $0x0  }
0x342: {  	v9 =	vmov s15;
	[sflag:s24] =	ssyncadd.s32 $0xFFFFFFD8  }
0x343: {  	s3 =	simm.s32 $0x0;
	v9 =	vand.u32 $0xFFFFFFF8, v9;
	_ =	swait.ge [sflag:s24], $0x140  }
0x344: {  	v10 =	vor.u32 s3, v0;
	v9 =	vbroadcast v9, $0x0;
	[sflag:s24] =	ssyncset.done $0x0  }
0x345: {  	[sflag:s24] =	ssyncadd.s32 $0xFFFFFEC0  }
0x346: {  	_ =	swait.ge [sflag:s24], $0x1400  }
0x347: {  	[sflag:s24] =	ssyncset.done $0x0  }
0x348: {  	[sflag:s24] =	ssyncadd.s32 $0xFFFFEC00  }
0x349: {  	s17 =	simm.s32 $0x1;
	v11 =	vld.idx.msk [tilespmem:v10+s28+$0x0], $0xffff  }
0x34a: {  	v56 =	vmov s17;
	v9 =	vld.idx.msk [tilespmem:v9+s16+$0x0], $0xffff  }
0x34b: {  	v12 =	vand.u32 $0xFFFFFFF9, v56  }
0x34c: {  	v12 =	vbroadcast v12, $0x0;
	_ =	sdelay $0x1  }
0x34d: {  	v57 =	vor.u32 s3, v2  }
0x34e: {  	v9 =	vmul.f32 v11, v9;
	_ =	sdelay $0x1  }
0x34f: {  	[tilespmem:v10+s28+$0x0] =	vst.idx.msk $0xffff, v9  }
0x350: {  	s21 =	simm.s32 $0x2;
	v9 =	vld.idx.msk [tilespmem:v12+s16+$0x0], $0xffff  }
0x351: {  	v11 =	vmov s21;
	v10 =	vld.idx.msk [tilespmem:v57+s28+$0x0], $0xffff  }
0x352: {  	v11 =	vand.u32 $0xFFFFFFFA, v11  }
0x353: {  	v11 =	vbroadcast v11, $0x0;
	_ =	sdelay $0x1  }
0x354: {  	v58 =	vor.u32 s3, v3  }
0x355: {  	v9 =	vmul.f32 v10, v9;
	_ =	sdelay $0x1  }
0x356: {  	[tilespmem:v57+s28+$0x0] =	vst.idx.msk $0xffff, v9  }
0x357: {  	s31 =	simm.s32 $0x3;
	v9 =	vld.idx.msk [tilespmem:v11+s16+$0x0], $0xffff  }
0x358: {  	v10 =	vld.idx.msk [tilespmem:v58+s28+$0x0], $0xffff;
	v11 =	vmov s31  }
0x359: {  	v11 =	vand.u32 $0xFFFFFFFB, v11  }
0x35a: {  	v11 =	vbroadcast v11, $0x0;
	_ =	sdelay $0x1  }
0x35b: {  	v59 =	vor.u32 s3, v4  }
0x35c: {  	v9 =	vmul.f32 v10, v9;
	_ =	sdelay $0x1  }
0x35d: {  	[tilespmem:v58+s28+$0x0] =	vst.idx.msk $0xffff, v9  }
0x35e: {  	s15 =	simm.s32 $0x4;
	v9 =	vld.idx.msk [tilespmem:v11+s16+$0x0], $0xffff  }
0x35f: {  	v10 =	vld.idx.msk [tilespmem:v59+s28+$0x0], $0xffff;
	v11 =	vmov s15  }
0x360: {  	v11 =	vand.u32 $0xFFFFFFFC, v11  }
0x361: {  	v11 =	vbroadcast v11, $0x0;
	_ =	sdelay $0x1  }
0x362: {  	v60 =	vor.u32 s3, v5  }
0x363: {  	v9 =	vmul.f32 v10, v9;
	_ =	sdelay $0x1  }
0x364: {  	[tilespmem:v59+s28+$0x0] =	vst.idx.msk $0xffff, v9  }
0x365: {  	s17 =	simm.s32 $0x5;
	v9 =	vld.idx.msk [tilespmem:v11+s16+$0x0], $0xffff  }
0x366: {  	v10 =	vld.idx.msk [tilespmem:v60+s28+$0x0], $0xffff;
	v11 =	vmov s17  }
0x367: {  	v11 =	vand.u32 $0xFFFFFFFD, v11  }
0x368: {  	v11 =	vbroadcast v11, $0x0;
	_ =	sdelay $0x1  }
0x369: {  	v61 =	vor.u32 s3, v6  }
0x36a: {  	v9 =	vmul.f32 v10, v9;
	_ =	sdelay $0x1  }
0x36b: {  	[tilespmem:v60+s28+$0x0] =	vst.idx.msk $0xffff, v9  }
0x36c: {  	s21 =	simm.s32 $0x6;
	v9 =	vld.idx.msk [tilespmem:v11+s16+$0x0], $0xffff  }
0x36d: {  	v10 =	vld.idx.msk [tilespmem:v61+s28+$0x0], $0xffff;
	v11 =	vmov s21  }
0x36e: {  	v11 =	vand.u32 $0xFFFFFFFE, v11  }
0x36f: {  	v11 =	vbroadcast v11, $0x0;
	_ =	sdelay $0x1  }
0x370: {  	v62 =	vor.u32 s3, v7  }
0x371: {  	v9 =	vmul.f32 v10, v9;
	_ =	sdelay $0x1  }
0x372: {  	[tilespmem:v61+s28+$0x0] =	vst.idx.msk $0xffff, v9  }
0x373: {  	v10 =	vld.idx.msk [tilespmem:v11+s16+$0x0], $0xffff  }
0x374: {  	v11 =	vld.idx.msk [tilespmem:v62+s28+$0x0], $0xffff;
	_ =	sdelay $0x1  }
0x375: {  	s31 =	simm.s32 $0x7  }
0x376: {  	v63 =	vmov s31  }
0x377: {  	v9 =	vor.u32 s3, v8  }
0x378: {  	v10 =	vmul.f32 v11, v10;
	_ =	sdelay $0x1  }
0x379: {  	[tilespmem:v62+s28+$0x0] =	vst.idx.msk $0xffff, v10  }
0x37a: {  	v10 =	vld.idx.msk [tilespmem:v63+s16+$0x0], $0xffff  }
0x37b: {  	s15 =	simm.s32 $0xF;
	s17 =	simm.s32 $0x0;
	s3 =	simm.s32 $0x17;
	v11 =	vld.idx.msk [tilespmem:v9+s28+$0x0], $0xffff  }
.LBB2_19:
0x37c: {  	s21 =	sadd.s32 $0xFFFFFFF9, s15  }
0x37d: {  	s17 =	sadd.s32 $0x1, s17;
	s31 =	smov.u32 s3;
	s9 =	sadd.s32 $0x8, s3  }
0x37e: {  	p2 =	sne.s32 s3, $0x13F;
	v12 =	vmov s21  }
0x37f: {  	s3 =	sshll.u32 s17, $0x7;
	v12 =	vand.u32 $0xFFFFFFF8, v12  }
0x380: {  	v13 =	vor.u32 s3, v0;
	v12 =	vbroadcast v12, $0x0;
	_ =	sdelay $0x1  }
0x381: {  	v10 =	vmul.f32 v11, v10;
	_ =	sdelay $0x1  }
0x382: {  	[tilespmem:v9+s28+$0x0] =	vst.idx.msk $0xffff, v10  }
0x383: {  	v9 =	vld.idx.msk [tilespmem:v13+s28+$0x0], $0xffff  }
0x384: {  	s21 =	sadd.s32 $0xFFFFFFFA, s15;
	v10 =	vld.idx.msk [tilespmem:v12+s16+$0x0], $0xffff  }
0x385: {  	v11 =	vmov s21  }
0x386: {  	v11 =	vand.u32 $0xFFFFFFF9, v11  }
0x387: {  	v11 =	vbroadcast v11, $0x0  }
0x388: {  	v12 =	vor.u32 s3, v2;
	_ =	sdelay $0x1  }
0x389: {  	v9 =	vmul.f32 v9, v10;
	_ =	sdelay $0x1  }
0x38a: {  	[tilespmem:v13+s28+$0x0] =	vst.idx.msk $0xffff, v9  }
0x38b: {  	v9 =	vld.idx.msk [tilespmem:v11+s16+$0x0], $0xffff  }
0x38c: {  	s21 =	sadd.s32 $0xFFFFFFFB, s15;
	v10 =	vld.idx.msk [tilespmem:v12+s28+$0x0], $0xffff  }
0x38d: {  	v11 =	vmov s21  }
0x38e: {  	v11 =	vand.u32 $0xFFFFFFFA, v11  }
0x38f: {  	v11 =	vbroadcast v11, $0x0  }
0x390: {  	v13 =	vor.u32 s3, v3;
	_ =	sdelay $0x1  }
0x391: {  	v9 =	vmul.f32 v10, v9;
	_ =	sdelay $0x1  }
0x392: {  	[tilespmem:v12+s28+$0x0] =	vst.idx.msk $0xffff, v9  }
0x393: {  	v9 =	vld.idx.msk [tilespmem:v11+s16+$0x0], $0xffff  }
0x394: {  	s21 =	sadd.s32 $0xFFFFFFFC, s15;
	v10 =	vld.idx.msk [tilespmem:v13+s28+$0x0], $0xffff  }
0x395: {  	v11 =	vmov s21  }
0x396: {  	v11 =	vand.u32 $0xFFFFFFFB, v11  }
0x397: {  	v11 =	vbroadcast v11, $0x0  }
0x398: {  	v12 =	vor.u32 s3, v4;
	_ =	sdelay $0x1  }
0x399: {  	v9 =	vmul.f32 v10, v9;
	_ =	sdelay $0x1  }
0x39a: {  	[tilespmem:v13+s28+$0x0] =	vst.idx.msk $0xffff, v9  }
0x39b: {  	v9 =	vld.idx.msk [tilespmem:v11+s16+$0x0], $0xffff  }
0x39c: {  	s21 =	sadd.s32 $0xFFFFFFFD, s15;
	v10 =	vld.idx.msk [tilespmem:v12+s28+$0x0], $0xffff  }
0x39d: {  	v11 =	vmov s21  }
0x39e: {  	v11 =	vand.u32 $0xFFFFFFFC, v11  }
0x39f: {  	v11 =	vbroadcast v11, $0x0  }
0x3a0: {  	v13 =	vor.u32 s3, v5;
	_ =	sdelay $0x1  }
0x3a1: {  	v9 =	vmul.f32 v10, v9;
	_ =	sdelay $0x1  }
0x3a2: {  	[tilespmem:v12+s28+$0x0] =	vst.idx.msk $0xffff, v9  }
0x3a3: {  	v9 =	vld.idx.msk [tilespmem:v11+s16+$0x0], $0xffff  }
0x3a4: {  	s21 =	sadd.s32 $0xFFFFFFFE, s15;
	v10 =	vld.idx.msk [tilespmem:v13+s28+$0x0], $0xffff  }
0x3a5: {  	v11 =	vmov s21  }
0x3a6: {  	v11 =	vand.u32 $0xFFFFFFFD, v11  }
0x3a7: {  	v11 =	vbroadcast v11, $0x0  }
0x3a8: {  	v12 =	vor.u32 s3, v6;
	_ =	sdelay $0x1  }
0x3a9: {  	v9 =	vmul.f32 v10, v9;
	_ =	sdelay $0x1  }
0x3aa: {  	[tilespmem:v13+s28+$0x0] =	vst.idx.msk $0xffff, v9  }
0x3ab: {  	v9 =	vld.idx.msk [tilespmem:v11+s16+$0x0], $0xffff  }
0x3ac: {  	s21 =	sadd.s32 $0xFFFFFFFF, s15;
	v10 =	vld.idx.msk [tilespmem:v12+s28+$0x0], $0xffff  }
0x3ad: {  	v11 =	vmov s21  }
0x3ae: {  	v11 =	vand.u32 $0xFFFFFFFE, v11  }
0x3af: {  	v11 =	vbroadcast v11, $0x0  }
0x3b0: {  	v13 =	vor.u32 s3, v7;
	_ =	sdelay $0x1  }
0x3b1: {  	v9 =	vmul.f32 v10, v9;
	_ =	sdelay $0x1  }
0x3b2: {  	[tilespmem:v12+s28+$0x0] =	vst.idx.msk $0xffff, v9  }
0x3b3: {  	v10 =	vld.idx.msk [tilespmem:v11+s16+$0x0], $0xffff  }
0x3b4: {  	v11 =	vld.idx.msk [tilespmem:v13+s28+$0x0], $0xffff;
	_ =	sdelay $0x3  }
0x3b5: {  	v12 =	vmov s15;
	v9 =	vor.u32 s3, v8;
	s15 =	smov.u32 s31;
	_ =	sdelay $0x1  }
.Ltmp10:
0x3b6: {  	v10 =	vmul.f32 v11, v10;
	(pc) =	sbr.rel @p2 .LBB2_19-.Ltmp10, $4  }
0x3b7: {  	_ = 	snop  }
0x3b8: {  	[tilespmem:v13+s28+$0x0] =	vst.idx.msk $0xffff, v10  }
0x3b9: {  	v10 =	vld.idx.msk [tilespmem:v12+s16+$0x0], $0xffff  }
0x3ba: {  	s3 =	smov.u32 s9;
	v11 =	vld.idx.msk [tilespmem:v9+s28+$0x0], $0xffff  }
0x3bb: {  	s3 =	sadd.s32 $0xFFFFFFF9, s15  }
0x3bc: {  	s9 =	sadd.s32 $0x1, s17;
	v12 =	vmov s3  }
0x3bd: {  	s3 =	sshll.u32 s9, $0x7;
	v12 =	vand.u32 $0xFFFFFFF8, v12  }
0x3be: {  	v13 =	vor.u32 s3, v0;
	v12 =	vbroadcast v12, $0x0;
	_ =	sdelay $0x1  }
0x3bf: {  	v10 =	vmul.f32 v11, v10;
	_ =	sdelay $0x1  }
0x3c0: {  	[tilespmem:v9+s28+$0x0] =	vst.idx.msk $0xffff, v10  }
0x3c1: {  	s17 =	sadd.s32 $0xFFFFFFFA, s15;
	v9 =	vld.idx.msk [tilespmem:v13+s28+$0x0], $0xffff  }
0x3c2: {  	v11 =	vmov s17;
	v10 =	vld.idx.msk [tilespmem:v12+s16+$0x0], $0xffff  }
0x3c3: {  	v11 =	vand.u32 $0xFFFFFFF9, v11  }
0x3c4: {  	v11 =	vbroadcast v11, $0x0;
	_ =	sdelay $0x1  }
0x3c5: {  	v49 =	vor.u32 s3, v2  }
0x3c6: {  	v9 =	vmul.f32 v9, v10;
	_ =	sdelay $0x1  }
0x3c7: {  	[tilespmem:v13+s28+$0x0] =	vst.idx.msk $0xffff, v9  }
0x3c8: {  	s21 =	sadd.s32 $0xFFFFFFFB, s15;
	v9 =	vld.idx.msk [tilespmem:v11+s16+$0x0], $0xffff  }
0x3c9: {  	v10 =	vld.idx.msk [tilespmem:v49+s28+$0x0], $0xffff;
	v11 =	vmov s21  }
0x3ca: {  	v11 =	vand.u32 $0xFFFFFFFA, v11  }
0x3cb: {  	v11 =	vbroadcast v11, $0x0;
	_ =	sdelay $0x1  }
0x3cc: {  	v50 =	vor.u32 s3, v3  }
0x3cd: {  	v9 =	vmul.f32 v10, v9;
	_ =	sdelay $0x1  }
0x3ce: {  	[tilespmem:v49+s28+$0x0] =	vst.idx.msk $0xffff, v9  }
0x3cf: {  	s31 =	sadd.s32 $0xFFFFFFFC, s15;
	v9 =	vld.idx.msk [tilespmem:v11+s16+$0x0], $0xffff  }
0x3d0: {  	v10 =	vld.idx.msk [tilespmem:v50+s28+$0x0], $0xffff;
	v11 =	vmov s31  }
0x3d1: {  	v11 =	vand.u32 $0xFFFFFFFB, v11  }
0x3d2: {  	v11 =	vbroadcast v11, $0x0;
	_ =	sdelay $0x1  }
0x3d3: {  	v51 =	vor.u32 s3, v4  }
0x3d4: {  	v9 =	vmul.f32 v10, v9;
	_ =	sdelay $0x1  }
0x3d5: {  	[tilespmem:v50+s28+$0x0] =	vst.idx.msk $0xffff, v9  }
0x3d6: {  	s17 =	sadd.s32 $0xFFFFFFFD, s15;
	v9 =	vld.idx.msk [tilespmem:v11+s16+$0x0], $0xffff  }
0x3d7: {  	v10 =	vld.idx.msk [tilespmem:v51+s28+$0x0], $0xffff;
	v11 =	vmov s17  }
0x3d8: {  	v11 =	vand.u32 $0xFFFFFFFC, v11  }
0x3d9: {  	v11 =	vbroadcast v11, $0x0;
	_ =	sdelay $0x1  }
0x3da: {  	v52 =	vor.u32 s3, v5  }
0x3db: {  	v9 =	vmul.f32 v10, v9;
	_ =	sdelay $0x1  }
0x3dc: {  	[tilespmem:v51+s28+$0x0] =	vst.idx.msk $0xffff, v9  }
0x3dd: {  	s21 =	sadd.s32 $0xFFFFFFFE, s15;
	v9 =	vld.idx.msk [tilespmem:v11+s16+$0x0], $0xffff  }
0x3de: {  	v10 =	vld.idx.msk [tilespmem:v52+s28+$0x0], $0xffff;
	v11 =	vmov s21  }
0x3df: {  	v11 =	vand.u32 $0xFFFFFFFD, v11  }
0x3e0: {  	v11 =	vbroadcast v11, $0x0;
	_ =	sdelay $0x1  }
0x3e1: {  	v53 =	vor.u32 s3, v6  }
0x3e2: {  	v9 =	vmul.f32 v10, v9;
	_ =	sdelay $0x1  }
0x3e3: {  	[tilespmem:v52+s28+$0x0] =	vst.idx.msk $0xffff, v9  }
0x3e4: {  	s31 =	sadd.s32 $0xFFFFFFFF, s15;
	v9 =	vld.idx.msk [tilespmem:v11+s16+$0x0], $0xffff  }
0x3e5: {  	v10 =	vld.idx.msk [tilespmem:v53+s28+$0x0], $0xffff;
	v11 =	vmov s31  }
0x3e6: {  	v11 =	vand.u32 $0xFFFFFFFE, v11  }
0x3e7: {  	v11 =	vbroadcast v11, $0x0;
	_ =	sdelay $0x1  }
0x3e8: {  	v54 =	vor.u32 s3, v7  }
0x3e9: {  	v9 =	vmul.f32 v10, v9;
	_ =	sdelay $0x1  }
0x3ea: {  	[tilespmem:v53+s28+$0x0] =	vst.idx.msk $0xffff, v9  }
0x3eb: {  	v9 =	vld.idx.msk [tilespmem:v11+s16+$0x0], $0xffff  }
0x3ec: {  	v10 =	vld.idx.msk [tilespmem:v54+s28+$0x0], $0xffff;
	_ =	sdelay $0x2  }
0x3ed: {  	v11 =	vmov s15  }
0x3ee: {  	v55 =	vor.u32 s3, v8  }
0x3ef: {  	v9 =	vmul.f32 v10, v9;
	_ =	sdelay $0x1  }
0x3f0: {  	[tilespmem:v54+s28+$0x0] =	vst.idx.msk $0xffff, v9  }
0x3f1: {  	v9 =	vld.idx.msk [tilespmem:v11+s16+$0x0], $0xffff  }
0x3f2: {  	v10 =	vld.idx.msk [tilespmem:v55+s28+$0x0], $0xffff;
	_ =	sdelay $0x4  }
0x3f3: {  	v9 =	vmul.f32 v10, v9;
	_ =	sdelay $0x1  }
0x3f4: {  	s9 =	simm.s32 $0x400;
	s3 =	simm.s32 @!p1 $0x8;
	[tilespmem:v55+s28+$0x0] =	vst.idx.msk $0xffff, v9  }
0x3f5: {  	[spmem:s2] =	stream.indirect.scatter.add.f32 [tilespmem:s28], [sflag:$0x9], $0x80, s9, s0, $0xb8;
	[tilespmem:$0x1B080] =	vst v63  }
0x3f6: {  	_ =	swait.ge @!p1 [sflag:s3], $0x1400  }
0x3f7: {  	s9 =	rddreg [dreg:$0x14]  }
0x3f8: {  	[sflag:s3] =	ssyncset.done @!p1 $0x0;
	s9 =	sadd.s32 @!p1 s23, s9  }
0x3f9: {  	[sflag:s3] =	ssyncadd.s32 @!p1 $0xFFFFEC00;
	s3 =	sshrl.u32 @!p1 s9, $0x3  }
0x3fa: {  	s17 =	simm.s32 @!p1 $0x0;
	s21 =	simm.s32 @!p1 $0x380;
	s15 =	sadd.s32 @!p1 s5, s3  }
0x3fb: {  	[tilespmem:s21], [sflag:$0x3] =	stream.linear.gather @!p1 [hbm4b:s15+s17], $0x28, $0x38;
	[tilespmem:$0x1B080] =	vst v63  }
0x3fc: {  	s9 =	sadd.s32 @!p1 s6, s9;
	s15 =	simm.s32 @!p1 $0x800  }
0x3fd: {  	[tilespmem:s15], [sflag:$0x3] =	stream.linear.gather @!p1 [hbm4b:s9+s17], $0x140, $0x38;
	[tilespmem:$0x1B080] =	vst v63  }
0x3fe: {  	s3 =	sadd.s32 @!p1 s4, s3;
	s9 =	simm.s32 @!p1 $0x100  }
0x3ff: {  	[tilespmem:s9], [sflag:$0xB] =	stream.linear.gather @!p1 [hbm4b:s3+s17], $0x28, $0x38;
	[tilespmem:$0x1B080] =	vst v63  }
0x400: {  	s3 =	simm.s32 @!p1 $0xB  }
0x401: {  	_ =	swait.ge @!p1 [sflag:s3], $0x28  }
0x402: {  	[sflag:s3] =	ssyncset.done @!p1 $0x0  }
0x403: {  	s15 =	simm.s32 @!p1 $0x3480;
	[sflag:s3] =	ssyncadd.s32 @!p1 $0xFFFFFFD8;
	s3 =	simm.s32 @!p1 $0x28  }
0x404: {  	[tilespmem:s15], [sflag:$0x3] =	stream.indirect.gather @!p1 [hbm4b:s1+s3], $0x80, s9, s3, $0xb8;
	[tilespmem:$0x1B080] =	vst v63  }
0x405: {  	_ =	swait.ge [sflag:s20], $0x28  }
0x406: {  	s15 =	simm.s32 $0x0;
	[sflag:s20] =	ssyncset.done $0x0  }
0x407: {  	v9 =	vmov s15;
	[sflag:s20] =	ssyncadd.s32 $0xFFFFFFD8  }
0x408: {  	s3 =	simm.s32 $0x0;
	v9 =	vand.u32 $0xFFFFFFF8, v9;
	_ =	swait.ge [sflag:s20], $0x140  }
0x409: {  	v10 =	vor.u32 s3, v0;
	v9 =	vbroadcast v9, $0x0;
	[sflag:s20] =	ssyncset.done $0x0  }
0x40a: {  	[sflag:s20] =	ssyncadd.s32 $0xFFFFFEC0  }
0x40b: {  	_ =	swait.ge [sflag:s20], $0x1400  }
0x40c: {  	[sflag:s20] =	ssyncset.done $0x0  }
0x40d: {  	[sflag:s20] =	ssyncadd.s32 $0xFFFFEC00  }
0x40e: {  	s17 =	simm.s32 $0x1;
	v11 =	vld.idx.msk [tilespmem:v10+s29+$0x0], $0xffff  }
0x40f: {  	v56 =	vmov s17;
	v9 =	vld.idx.msk [tilespmem:v9+s8+$0x0], $0xffff  }
0x410: {  	v12 =	vand.u32 $0xFFFFFFF9, v56  }
0x411: {  	v12 =	vbroadcast v12, $0x0;
	_ =	sdelay $0x1  }
0x412: {  	v57 =	vor.u32 s3, v2  }
0x413: {  	v9 =	vmul.f32 v11, v9;
	_ =	sdelay $0x1  }
0x414: {  	[tilespmem:v10+s29+$0x0] =	vst.idx.msk $0xffff, v9  }
0x415: {  	s21 =	simm.s32 $0x2;
	v9 =	vld.idx.msk [tilespmem:v12+s8+$0x0], $0xffff  }
0x416: {  	v11 =	vmov s21;
	v10 =	vld.idx.msk [tilespmem:v57+s29+$0x0], $0xffff  }
0x417: {  	v11 =	vand.u32 $0xFFFFFFFA, v11  }
0x418: {  	v11 =	vbroadcast v11, $0x0;
	_ =	sdelay $0x1  }
0x419: {  	v58 =	vor.u32 s3, v3  }
0x41a: {  	v9 =	vmul.f32 v10, v9;
	_ =	sdelay $0x1  }
0x41b: {  	[tilespmem:v57+s29+$0x0] =	vst.idx.msk $0xffff, v9  }
0x41c: {  	s31 =	simm.s32 $0x3;
	v9 =	vld.idx.msk [tilespmem:v11+s8+$0x0], $0xffff  }
0x41d: {  	v10 =	vld.idx.msk [tilespmem:v58+s29+$0x0], $0xffff;
	v11 =	vmov s31  }
0x41e: {  	v11 =	vand.u32 $0xFFFFFFFB, v11  }
0x41f: {  	v11 =	vbroadcast v11, $0x0;
	_ =	sdelay $0x1  }
0x420: {  	v59 =	vor.u32 s3, v4  }
0x421: {  	v9 =	vmul.f32 v10, v9;
	_ =	sdelay $0x1  }
0x422: {  	[tilespmem:v58+s29+$0x0] =	vst.idx.msk $0xffff, v9  }
0x423: {  	s15 =	simm.s32 $0x4;
	v9 =	vld.idx.msk [tilespmem:v11+s8+$0x0], $0xffff  }
0x424: {  	v10 =	vld.idx.msk [tilespmem:v59+s29+$0x0], $0xffff;
	v11 =	vmov s15  }
0x425: {  	v11 =	vand.u32 $0xFFFFFFFC, v11  }
0x426: {  	v11 =	vbroadcast v11, $0x0;
	_ =	sdelay $0x1  }
0x427: {  	v60 =	vor.u32 s3, v5  }
0x428: {  	v9 =	vmul.f32 v10, v9;
	_ =	sdelay $0x1  }
0x429: {  	[tilespmem:v59+s29+$0x0] =	vst.idx.msk $0xffff, v9  }
0x42a: {  	s17 =	simm.s32 $0x5;
	v9 =	vld.idx.msk [tilespmem:v11+s8+$0x0], $0xffff  }
0x42b: {  	v10 =	vld.idx.msk [tilespmem:v60+s29+$0x0], $0xffff;
	v11 =	vmov s17  }
0x42c: {  	v11 =	vand.u32 $0xFFFFFFFD, v11  }
0x42d: {  	v11 =	vbroadcast v11, $0x0;
	_ =	sdelay $0x1  }
0x42e: {  	v61 =	vor.u32 s3, v6  }
0x42f: {  	v9 =	vmul.f32 v10, v9;
	_ =	sdelay $0x1  }
0x430: {  	[tilespmem:v60+s29+$0x0] =	vst.idx.msk $0xffff, v9  }
0x431: {  	s21 =	simm.s32 $0x6;
	v9 =	vld.idx.msk [tilespmem:v11+s8+$0x0], $0xffff  }
0x432: {  	v10 =	vld.idx.msk [tilespmem:v61+s29+$0x0], $0xffff;
	v11 =	vmov s21  }
0x433: {  	v11 =	vand.u32 $0xFFFFFFFE, v11  }
0x434: {  	v11 =	vbroadcast v11, $0x0;
	_ =	sdelay $0x1  }
0x435: {  	v62 =	vor.u32 s3, v7  }
0x436: {  	v9 =	vmul.f32 v10, v9;
	_ =	sdelay $0x1  }
0x437: {  	[tilespmem:v61+s29+$0x0] =	vst.idx.msk $0xffff, v9  }
0x438: {  	v10 =	vld.idx.msk [tilespmem:v11+s8+$0x0], $0xffff  }
0x439: {  	v11 =	vld.idx.msk [tilespmem:v62+s29+$0x0], $0xffff;
	_ =	sdelay $0x1  }
0x43a: {  	s31 =	simm.s32 $0x7  }
0x43b: {  	v63 =	vmov s31  }
0x43c: {  	v9 =	vor.u32 s3, v8  }
0x43d: {  	v10 =	vmul.f32 v11, v10;
	_ =	sdelay $0x1  }
0x43e: {  	[tilespmem:v62+s29+$0x0] =	vst.idx.msk $0xffff, v10  }
0x43f: {  	v10 =	vld.idx.msk [tilespmem:v63+s8+$0x0], $0xffff  }
0x440: {  	s15 =	simm.s32 $0xF;
	s17 =	simm.s32 $0x0;
	s3 =	simm.s32 $0x17;
	v11 =	vld.idx.msk [tilespmem:v9+s29+$0x0], $0xffff  }
.LBB2_21:
0x441: {  	s21 =	sadd.s32 $0xFFFFFFF9, s15  }
0x442: {  	s17 =	sadd.s32 $0x1, s17;
	s31 =	smov.u32 s3;
	s9 =	sadd.s32 $0x8, s3  }
0x443: {  	p2 =	sne.s32 s3, $0x13F;
	v12 =	vmov s21  }
0x444: {  	s3 =	sshll.u32 s17, $0x7;
	v12 =	vand.u32 $0xFFFFFFF8, v12  }
0x445: {  	v13 =	vor.u32 s3, v0;
	v12 =	vbroadcast v12, $0x0;
	_ =	sdelay $0x1  }
0x446: {  	v10 =	vmul.f32 v11, v10;
	_ =	sdelay $0x1  }
0x447: {  	[tilespmem:v9+s29+$0x0] =	vst.idx.msk $0xffff, v10  }
0x448: {  	v9 =	vld.idx.msk [tilespmem:v13+s29+$0x0], $0xffff  }
0x449: {  	s21 =	sadd.s32 $0xFFFFFFFA, s15;
	v10 =	vld.idx.msk [tilespmem:v12+s8+$0x0], $0xffff  }
0x44a: {  	v11 =	vmov s21  }
0x44b: {  	v11 =	vand.u32 $0xFFFFFFF9, v11  }
0x44c: {  	v11 =	vbroadcast v11, $0x0  }
0x44d: {  	v12 =	vor.u32 s3, v2;
	_ =	sdelay $0x1  }
0x44e: {  	v9 =	vmul.f32 v9, v10;
	_ =	sdelay $0x1  }
0x44f: {  	[tilespmem:v13+s29+$0x0] =	vst.idx.msk $0xffff, v9  }
0x450: {  	v9 =	vld.idx.msk [tilespmem:v11+s8+$0x0], $0xffff  }
0x451: {  	s21 =	sadd.s32 $0xFFFFFFFB, s15;
	v10 =	vld.idx.msk [tilespmem:v12+s29+$0x0], $0xffff  }
0x452: {  	v11 =	vmov s21  }
0x453: {  	v11 =	vand.u32 $0xFFFFFFFA, v11  }
0x454: {  	v11 =	vbroadcast v11, $0x0  }
0x455: {  	v13 =	vor.u32 s3, v3;
	_ =	sdelay $0x1  }
0x456: {  	v9 =	vmul.f32 v10, v9;
	_ =	sdelay $0x1  }
0x457: {  	[tilespmem:v12+s29+$0x0] =	vst.idx.msk $0xffff, v9  }
0x458: {  	v9 =	vld.idx.msk [tilespmem:v11+s8+$0x0], $0xffff  }
0x459: {  	s21 =	sadd.s32 $0xFFFFFFFC, s15;
	v10 =	vld.idx.msk [tilespmem:v13+s29+$0x0], $0xffff  }
0x45a: {  	v11 =	vmov s21  }
0x45b: {  	v11 =	vand.u32 $0xFFFFFFFB, v11  }
0x45c: {  	v11 =	vbroadcast v11, $0x0  }
0x45d: {  	v12 =	vor.u32 s3, v4;
	_ =	sdelay $0x1  }
0x45e: {  	v9 =	vmul.f32 v10, v9;
	_ =	sdelay $0x1  }
0x45f: {  	[tilespmem:v13+s29+$0x0] =	vst.idx.msk $0xffff, v9  }
0x460: {  	v9 =	vld.idx.msk [tilespmem:v11+s8+$0x0], $0xffff  }
0x461: {  	s21 =	sadd.s32 $0xFFFFFFFD, s15;
	v10 =	vld.idx.msk [tilespmem:v12+s29+$0x0], $0xffff  }
0x462: {  	v11 =	vmov s21  }
0x463: {  	v11 =	vand.u32 $0xFFFFFFFC, v11  }
0x464: {  	v11 =	vbroadcast v11, $0x0  }
0x465: {  	v13 =	vor.u32 s3, v5;
	_ =	sdelay $0x1  }
0x466: {  	v9 =	vmul.f32 v10, v9;
	_ =	sdelay $0x1  }
0x467: {  	[tilespmem:v12+s29+$0x0] =	vst.idx.msk $0xffff, v9  }
0x468: {  	v9 =	vld.idx.msk [tilespmem:v11+s8+$0x0], $0xffff  }
0x469: {  	s21 =	sadd.s32 $0xFFFFFFFE, s15;
	v10 =	vld.idx.msk [tilespmem:v13+s29+$0x0], $0xffff  }
0x46a: {  	v11 =	vmov s21  }
0x46b: {  	v11 =	vand.u32 $0xFFFFFFFD, v11  }
0x46c: {  	v11 =	vbroadcast v11, $0x0  }
0x46d: {  	v12 =	vor.u32 s3, v6;
	_ =	sdelay $0x1  }
0x46e: {  	v9 =	vmul.f32 v10, v9;
	_ =	sdelay $0x1  }
0x46f: {  	[tilespmem:v13+s29+$0x0] =	vst.idx.msk $0xffff, v9  }
0x470: {  	v9 =	vld.idx.msk [tilespmem:v11+s8+$0x0], $0xffff  }
0x471: {  	s21 =	sadd.s32 $0xFFFFFFFF, s15;
	v10 =	vld.idx.msk [tilespmem:v12+s29+$0x0], $0xffff  }
0x472: {  	v11 =	vmov s21  }
0x473: {  	v11 =	vand.u32 $0xFFFFFFFE, v11  }
0x474: {  	v11 =	vbroadcast v11, $0x0  }
0x475: {  	v13 =	vor.u32 s3, v7;
	_ =	sdelay $0x1  }
0x476: {  	v9 =	vmul.f32 v10, v9;
	_ =	sdelay $0x1  }
0x477: {  	[tilespmem:v12+s29+$0x0] =	vst.idx.msk $0xffff, v9  }
0x478: {  	v10 =	vld.idx.msk [tilespmem:v11+s8+$0x0], $0xffff  }
0x479: {  	v11 =	vld.idx.msk [tilespmem:v13+s29+$0x0], $0xffff;
	_ =	sdelay $0x3  }
0x47a: {  	v12 =	vmov s15;
	v9 =	vor.u32 s3, v8;
	s15 =	smov.u32 s31;
	_ =	sdelay $0x1  }
.Ltmp11:
0x47b: {  	v10 =	vmul.f32 v11, v10;
	(pc) =	sbr.rel @p2 .LBB2_21-.Ltmp11, $4  }
0x47c: {  	_ = 	snop  }
0x47d: {  	[tilespmem:v13+s29+$0x0] =	vst.idx.msk $0xffff, v10  }
0x47e: {  	v10 =	vld.idx.msk [tilespmem:v12+s8+$0x0], $0xffff  }
0x47f: {  	s3 =	smov.u32 s9;
	v11 =	vld.idx.msk [tilespmem:v9+s29+$0x0], $0xffff  }
0x480: {  	s3 =	sadd.s32 $0xFFFFFFF9, s15  }
0x481: {  	s9 =	sadd.s32 $0x1, s17;
	v12 =	vmov s3  }
0x482: {  	s3 =	sshll.u32 s9, $0x7;
	v12 =	vand.u32 $0xFFFFFFF8, v12  }
0x483: {  	v13 =	vor.u32 s3, v0;
	v12 =	vbroadcast v12, $0x0;
	_ =	sdelay $0x1  }
0x484: {  	v10 =	vmul.f32 v11, v10;
	_ =	sdelay $0x1  }
0x485: {  	[tilespmem:v9+s29+$0x0] =	vst.idx.msk $0xffff, v10  }
0x486: {  	s17 =	sadd.s32 $0xFFFFFFFA, s15;
	v9 =	vld.idx.msk [tilespmem:v13+s29+$0x0], $0xffff  }
0x487: {  	v11 =	vmov s17;
	v10 =	vld.idx.msk [tilespmem:v12+s8+$0x0], $0xffff  }
0x488: {  	v11 =	vand.u32 $0xFFFFFFF9, v11  }
0x489: {  	v11 =	vbroadcast v11, $0x0;
	_ =	sdelay $0x1  }
0x48a: {  	v57 =	vor.u32 s3, v2  }
0x48b: {  	v9 =	vmul.f32 v9, v10;
	_ =	sdelay $0x1  }
0x48c: {  	[tilespmem:v13+s29+$0x0] =	vst.idx.msk $0xffff, v9  }
0x48d: {  	s21 =	sadd.s32 $0xFFFFFFFB, s15;
	v9 =	vld.idx.msk [tilespmem:v11+s8+$0x0], $0xffff  }
0x48e: {  	v10 =	vld.idx.msk [tilespmem:v57+s29+$0x0], $0xffff;
	v11 =	vmov s21  }
0x48f: {  	v11 =	vand.u32 $0xFFFFFFFA, v11  }
0x490: {  	v11 =	vbroadcast v11, $0x0;
	_ =	sdelay $0x1  }
0x491: {  	v58 =	vor.u32 s3, v3  }
0x492: {  	v9 =	vmul.f32 v10, v9;
	_ =	sdelay $0x1  }
0x493: {  	[tilespmem:v57+s29+$0x0] =	vst.idx.msk $0xffff, v9  }
0x494: {  	s31 =	sadd.s32 $0xFFFFFFFC, s15;
	v9 =	vld.idx.msk [tilespmem:v11+s8+$0x0], $0xffff  }
0x495: {  	v10 =	vld.idx.msk [tilespmem:v58+s29+$0x0], $0xffff;
	v11 =	vmov s31  }
0x496: {  	v11 =	vand.u32 $0xFFFFFFFB, v11  }
0x497: {  	v11 =	vbroadcast v11, $0x0;
	_ =	sdelay $0x1  }
0x498: {  	v59 =	vor.u32 s3, v4  }
0x499: {  	v9 =	vmul.f32 v10, v9;
	_ =	sdelay $0x1  }
0x49a: {  	[tilespmem:v58+s29+$0x0] =	vst.idx.msk $0xffff, v9  }
0x49b: {  	s17 =	sadd.s32 $0xFFFFFFFD, s15;
	v9 =	vld.idx.msk [tilespmem:v11+s8+$0x0], $0xffff  }
0x49c: {  	v10 =	vld.idx.msk [tilespmem:v59+s29+$0x0], $0xffff;
	v11 =	vmov s17  }
0x49d: {  	v11 =	vand.u32 $0xFFFFFFFC, v11  }
0x49e: {  	v11 =	vbroadcast v11, $0x0;
	_ =	sdelay $0x1  }
0x49f: {  	v60 =	vor.u32 s3, v5  }
0x4a0: {  	v9 =	vmul.f32 v10, v9;
	_ =	sdelay $0x1  }
0x4a1: {  	[tilespmem:v59+s29+$0x0] =	vst.idx.msk $0xffff, v9  }
0x4a2: {  	s21 =	sadd.s32 $0xFFFFFFFE, s15;
	v9 =	vld.idx.msk [tilespmem:v11+s8+$0x0], $0xffff  }
0x4a3: {  	v10 =	vld.idx.msk [tilespmem:v60+s29+$0x0], $0xffff;
	v11 =	vmov s21  }
0x4a4: {  	v11 =	vand.u32 $0xFFFFFFFD, v11  }
0x4a5: {  	v11 =	vbroadcast v11, $0x0;
	_ =	sdelay $0x1  }
0x4a6: {  	v61 =	vor.u32 s3, v6  }
0x4a7: {  	v9 =	vmul.f32 v10, v9;
	_ =	sdelay $0x1  }
0x4a8: {  	[tilespmem:v60+s29+$0x0] =	vst.idx.msk $0xffff, v9  }
0x4a9: {  	s31 =	sadd.s32 $0xFFFFFFFF, s15;
	v9 =	vld.idx.msk [tilespmem:v11+s8+$0x0], $0xffff  }
0x4aa: {  	v10 =	vld.idx.msk [tilespmem:v61+s29+$0x0], $0xffff;
	v11 =	vmov s31  }
0x4ab: {  	v11 =	vand.u32 $0xFFFFFFFE, v11  }
0x4ac: {  	v11 =	vbroadcast v11, $0x0;
	_ =	sdelay $0x1  }
0x4ad: {  	v62 =	vor.u32 s3, v7  }
0x4ae: {  	v9 =	vmul.f32 v10, v9;
	_ =	sdelay $0x1  }
0x4af: {  	[tilespmem:v61+s29+$0x0] =	vst.idx.msk $0xffff, v9  }
0x4b0: {  	v9 =	vld.idx.msk [tilespmem:v11+s8+$0x0], $0xffff  }
0x4b1: {  	v10 =	vld.idx.msk [tilespmem:v62+s29+$0x0], $0xffff;
	_ =	sdelay $0x2  }
0x4b2: {  	v11 =	vmov s15  }
0x4b3: {  	v63 =	vor.u32 s3, v8  }
0x4b4: {  	v9 =	vmul.f32 v10, v9;
	_ =	sdelay $0x1  }
0x4b5: {  	[tilespmem:v62+s29+$0x0] =	vst.idx.msk $0xffff, v9  }
0x4b6: {  	v9 =	vld.idx.msk [tilespmem:v11+s8+$0x0], $0xffff  }
0x4b7: {  	v10 =	vld.idx.msk [tilespmem:v63+s29+$0x0], $0xffff;
	_ =	sdelay $0x3  }
.Ltmp12:
0x4b8: {  	_ = 	snop;
	(pc) =	sbr.rel @p1 .LBB2_24-.Ltmp12, $3  }
0x4b9: {  	v9 =	vmul.f32 v10, v9;
	_ =	sdelay $0x1  }
0x4ba: {  	s21 =	simm.s32 $0x480;
	[tilespmem:v63+s29+$0x0] =	vst.idx.msk $0xffff, v9  }
0x4bb: {  	[spmem:s2] =	stream.indirect.scatter.add.f32 [tilespmem:s29], [sflag:$0xA], $0x80, s21, s0, $0xb8;
	[tilespmem:$0x1B080] =	vst v63  }
0x4bc: {  	s15 =	simm.s32 $0x9  }
0x4bd: {  	_ =	swait.ge [sflag:s15], $0x1400  }
0x4be: {  	s3 =	rddreg [dreg:$0x15]  }
0x4bf: {  	s3 =	sadd.s32 s23, s3  }
0x4c0: {  	s17 =	simm.s32 $0x0;
	[sflag:s15] =	ssyncset.done $0x0;
	s9 =	sshrl.u32 s3, $0x3  }
0x4c1: {  	s31 =	simm.s32 $0x400;
	[sflag:s15] =	ssyncadd.s32 $0xFFFFEC00;
	s23 =	sadd.s32 s5, s9  }
0x4c2: {  	[tilespmem:s31], [sflag:$0x4] =	stream.linear.gather [hbm4b:s23+s17], $0x28, $0x38;
	[tilespmem:$0x1B080] =	vst v63  }
0x4c3: {  	s3 =	sadd.s32 s6, s3  }
0x4c4: {  	[tilespmem:s16], [sflag:$0x4] =	stream.linear.gather [hbm4b:s3+s17], $0x140, $0x38;
	[tilespmem:$0x1B080] =	vst v63  }
0x4c5: {  	s23 =	sadd.s32 s4, s9;
	s31 =	simm.s32 $0x180  }
0x4c6: {  	[tilespmem:s31], [sflag:$0xB] =	stream.linear.gather [hbm4b:s23+s17], $0x28, $0x38;
	[tilespmem:$0x1B080] =	vst v63  }
.Ltmp13:
0x4c7: {  	_ = 	snop;
	(pc) =	sbr.rel .LBB2_12-.Ltmp13, $4  }
0x4c8: {  	_ =	swait.ge [sflag:s30], $0x28  }
0x4c9: {  	[sflag:s30] =	ssyncset.done $0x0  }
0x4ca: {  	s22 =	sadd.s32 $0x1, s22;
	[sflag:s30] =	ssyncadd.s32 $0xFFFFFFD8  }
0x4cb: {  	[tilespmem:s28], [sflag:$0x4] =	stream.indirect.gather [hbm4b:s1+s0], $0x80, s31, s0, $0xb8;
	[tilespmem:$0x1B080] =	vst v63  }
.LBB2_25:
0x4cc: {  	_ =	sfence.sel $0x180000  }
0x4cd: {  	[bflag:$0x0] =	sbarrier.arrive $0xFFFF  }
0x4ce: {  	_ =	strace $0x9000004D  }
0x4cf: {  	[bflag:$0x2] =	sbarrier.arrive $0xFFFF  }
0x4d0: {  	s0 =	rddreg [dreg:$0x3]  }
0x4d1: {  	s0 =	sadd.s32 @!p0 $0x100000, s0  }
0x4d2: {  	[sflag:s0] =	ssyncadd.tile.s32 @!p0 $0x1;
	_ =	shalt  }
.Lfunc_end2:
_tile_overlayer_lowered:
.L_overlay_start_2:
0x4d3: {  	(tag) =	ssettag $0x2  }
0x4d4: {  	s0 =	rddreg [dreg:$0x0];
	s2 =	stileid.u32  }
0x4d5: {  	s1 =	rddreg [dreg:$0x1];
	p0 =	sne.s32 s2, $0x0  }
0x4d6: {  	s3 =	rddreg [dreg:$0x2];
	[bflag:$0x3] =	sbarrier.arrive $0xFFFF;
	s2 =	simm.s32 @!p0 $0x1C0B  }
0x4d7: {  	[timem:s3], [sflag:s2] =	dma.local @!p0 [hbm:s0], s1  }
0x4d8: {  	s0 =	simm.s32 @!p0 $0xB  }
0x4d9: {  	_ =	swait.ge @!p0 [sflag:s0], s1  }
0x4da: {  	s1 =	ssub.s32 @!p0 $0x0, s1;
	[sflag:s0] =	ssyncset.done @!p0 $0x0  }
0x4db: {  	[sflag:s0] =	ssyncadd.s32 @!p0 s1  }
0x4dc: {  	[bflag:$0x3] =	sbarrier.arrive $0xFFFF  }
0x4dd: {  	_ =	shalt  }

</sc_bundles>
